<compile_context>
chip_gen: v7x
topology: tpu7x:2x2x1
jax: 0.10.2.dev20260603
libtpu: 0.0.44.dev20260713+nightly
codegen_flags: <defaults>
</compile_context>

<pallas_src>
import functools

import jax
import jax.numpy as jnp
import numpy as np
from jax import lax
from jax.experimental import pallas as pl
from jax.experimental.pallas import tpu as pltpu
from jax.experimental.pallas import tpu_sc as plsc

VOCAB = 1000000
EMBED = 64
MAX_LEN = 1024
B, L = 4096, 200
N = B * L

NC, NS = 2, 16
NW = NC * NS
ROWS_PER_W = N // NW
IDX_BLK = 100
CHUNK = 200
NSUB = CHUNK // IDX_BLK
NCH = ROWS_PER_W // CHUNK
NBUF = 4
LOOK = 2
NR = NCH // NBUF
LANES = 16
EJ = EMBED // LANES


def _positional_encoding():
    position = jnp.arange(MAX_LEN, dtype=jnp.float32)[:, None]
    div_term = jnp.exp(
        jnp.arange(0, EMBED, 2, dtype=jnp.float32) * (-(np.log(10000.0) / EMBED)))
    pe = jnp.zeros((MAX_LEN, EMBED), dtype=jnp.float32)
    pe = pe.at[:, 0::2].set(jnp.sin(position * div_term))
    pe = pe.at[:, 1::2].set(jnp.cos(position * div_term))
    return pe[:L]


_mesh = plsc.VectorSubcoreMesh(core_axis_name="c", subcore_axis_name="s")


@functools.partial(
    pl.kernel,
    out_type=jax.ShapeDtypeStruct((B, L, EMBED), jnp.float32),
    mesh=_mesh,
    scratch_types=[
        pltpu.VMEM((NBUF, NSUB, IDX_BLK), jnp.int32),
        pltpu.VMEM((NBUF, CHUNK, EMBED), jnp.float32),
        pltpu.VMEM((L, EMBED), jnp.float32),
    ] + [pltpu.SemaphoreType.DMA] * (2 * NBUF),
    compiler_params=pltpu.CompilerParams(use_tc_tiling_on_sc=False),
)
def _embed_sc(table_hbm, idx_hbm, pe_hbm, out_hbm, idx_v, rows_v, pe_v, *sems):
    gsem = sems[:NBUF]
    osem = sems[NBUF:]
    wid = lax.axis_index("s") * NC + lax.axis_index("c")
    base = wid * ROWS_PER_W

    pltpu.sync_copy(pe_hbm, pe_v)

    def fire_gather(c, b):
        pltpu.sync_copy(idx_hbm.at[wid * NCH + c], idx_v.at[b])
        for j in range(NSUB):
            pltpu.async_copy(
                table_hbm.at[idx_v.at[b, j]],
                rows_v.at[b, pl.ds(j * IDX_BLK, IDX_BLK)],
                gsem[b],
            )

    def wait_gather(b):
        for j in range(NSUB):
            pltpu.make_async_copy(
                table_hbm.at[idx_v.at[b, j]],
                rows_v.at[b, pl.ds(j * IDX_BLK, IDX_BLK)],
                gsem[b],
            ).wait()

    def add_pe(c, b):
        @plsc.parallel_loop(0, CHUNK, 1, unroll=4)
        def body(r):
            for j in range(EJ):
                v = pe_v[r, pl.ds(j * LANES, LANES)]
                plsc.addupdate(rows_v.at[b, r, pl.ds(j * LANES, LANES)], v)

    def fire_out(c, b):
        pltpu.async_copy(rows_v.at[b], out_hbm.at[wid * NCH + c], osem[b])

    def wait_out(b):
        pltpu.make_async_copy(rows_v.at[b], out_hbm.at[0], osem[b]).wait()

    def step(c, b, wait_o, prefetch):
        wait_gather(b)
        add_pe(c, b)
        fire_out(c, b)
        if prefetch:
            bf = (b + LOOK) % NBUF
            if wait_o:
                wait_out(bf)
            fire_gather(c + LOOK, bf)

    for c0 in range(LOOK):
        fire_gather(c0, c0)

    for b in range(NBUF):
        step(b, b, wait_o=(b + LOOK >= NBUF), prefetch=True)

    def round_body(g, _):
        for b in range(NBUF):
            step(g * NBUF + b, b, wait_o=True, prefetch=True)
        return 0

    lax.fori_loop(1, NR - 1, round_body, 0, unroll=False)

    for b in range(NBUF):
        c = (NR - 1) * NBUF + b
        step(c, b, wait_o=True, prefetch=(c + LOOK < NCH))

    for b in range(NBUF):
        wait_out(b)


def kernel(sequence, token_table):
    pe = _positional_encoding()
    idx = sequence.astype(jnp.int32).reshape(B, NSUB, IDX_BLK)
    return _embed_sc(token_table, idx, pe)

# --- scband reference (transcript-rebuilt; emitter-appended) ---
"""Pipeline reference for scband-embedding-22136261444292 (READ-ONLY COPY).

The authoritative reference and input builder live on the scoring server;
editing this copy changes nothing except your own understanding.
"""

import jax, jax.numpy as jnp
import numpy as np

VOCAB = 1000000
EMBED = 64
MAX_LEN = 1024
B, L = 4096, 200


def _make_pe(d_model=EMBED, max_len=MAX_LEN):
    position = jnp.arange(max_len, dtype=jnp.float32)[:, None]
    div_term = jnp.exp(jnp.arange(0, d_model, 2, dtype=jnp.float32) * (-(np.log(10000.0) / d_model)))
    pe = jnp.zeros((max_len, d_model), dtype=jnp.float32)
    pe = pe.at[:, 0::2].set(jnp.sin(position * div_term))
    pe = pe.at[:, 1::2].set(jnp.cos(position * div_term))
    return pe


def setup_inputs(seed: int = 0) -> dict:
    key = jax.random.key(seed)
    k1, k2 = jax.random.split(key)
    sequence = jax.random.randint(k1, (B, L), 0, VOCAB, dtype=jnp.int64 if jax.config.jax_enable_x64 else jnp.int32)
    token_table = jax.random.normal(k2, (VOCAB, EMBED), dtype=jnp.float32) * 0.02
    # padding_idx=0 -> row 0 zeroed
    token_table = token_table.at[0].set(0.0)
    return {"sequence": sequence, "token_table": token_table}


def reference(sequence, token_table):
    # TokenEmbedding lookup (padding_idx handled by zeroed row in table)
    tok = jnp.take(token_table, sequence, axis=0)  # [B, L, E]
    # PositionalEmbedding: pe[:, :x.size(-1)] with x = sequence -> first L positions
    pe = _make_pe()
    seq_len = sequence.shape[-1]
    pos = pe[None, :seq_len, :]  # [1, L, E]
    x = tok + pos
    # dropout is identity in eval mode (deterministic reference)
    return x

if __name__ == "__main__":
    import jax
    _d = setup_inputs()
    print(jax.jit(kernel)(*tuple(_d.values())))

</pallas_src>

<mosaic_0001>
#map = affine_map<(d0, d1) -> (0, 0)>
#map1 = affine_map<(d0, d1) -> (0, 0, 0)>
module attributes {stable_mosaic.version = 14 : i64} {
  func.func @_embed_sc(%arg0: i32, %arg1: i32, %arg2: memref<1000000x64xf32, #tpu.memory_space<hbm>>, %arg3: memref<4096x2x100xi32, #tpu.memory_space<hbm>>, %arg4: memref<200x64xf32, #tpu.memory_space<hbm>>, %arg5: memref<4096x200x64xf32, #tpu.memory_space<hbm>>, %arg6: memref<4x2x100xi32, #tpu.memory_space<vmem>>, %arg7: memref<4x200x64xf32, #tpu.memory_space<vmem>>, %arg8: memref<200x64xf32, #tpu.memory_space<vmem>>, %arg9: memref<!tpu.dma_semaphore, #tpu.memory_space<semaphore_mem>>, %arg10: memref<!tpu.dma_semaphore, #tpu.memory_space<semaphore_mem>>, %arg11: memref<!tpu.dma_semaphore, #tpu.memory_space<semaphore_mem>>, %arg12: memref<!tpu.dma_semaphore, #tpu.memory_space<semaphore_mem>>, %arg13: memref<!tpu.dma_semaphore, #tpu.memory_space<semaphore_mem>>, %arg14: memref<!tpu.dma_semaphore, #tpu.memory_space<semaphore_mem>>, %arg15: memref<!tpu.dma_semaphore, #tpu.memory_space<semaphore_mem>>, %arg16: memref<!tpu.dma_semaphore, #tpu.memory_space<semaphore_mem>>) attributes {dimension_semantics = [#tpu.dimension_semantics<core_parallel>, #tpu.dimension_semantics<subcore_parallel>], iteration_bounds = array<i64: 2, 16>, scalar_prefetch = 0 : i64, scratch_operands = 11 : i64, tpu.core_type = #tpu.core_type<sc_vector_subcore>, window_params = [{transform_indices = #map}, {transform_indices = #map1}, {transform_indices = #map}, {transform_indices = #map1}]} {
    %mul3A = arith.constant 2 : i32
    %mul3A_0 = arith.muli %arg1, %mul3A : i32
    %add3A = arith.addi %mul3A_0, %arg0 : i32
    %mul3A_1 = arith.constant 25600 : i32
    %mul3A_2 = arith.muli %add3A, %mul3A_1 : i32
    "tpu.region"() ({
      %run_scoped3A_797 = tpu.sem_alloc : memref<!tpu.dma_semaphore, #tpu.memory_space<semaphore_mem>>
      tpu.enqueue_dma source(%arg4 : memref<200x64xf32, #tpu.memory_space<hbm>>) target(%arg8 : memref<200x64xf32, #tpu.memory_space<vmem>>) target_semaphore(%run_scoped3A_797 : memref<!tpu.dma_semaphore, #tpu.memory_space<semaphore_mem>>)
      tpu.wait_dma2 semaphore(%run_scoped3A_797 : memref<!tpu.dma_semaphore, #tpu.memory_space<semaphore_mem>>) src(%arg4 : memref<200x64xf32, #tpu.memory_space<hbm>>) dst(%arg8 : memref<200x64xf32, #tpu.memory_space<vmem>>)
      tpu.yield
    }) : () -> ()
    %mul3A_3 = arith.constant 128 : i32
    %mul3A_4 = arith.muli %add3A, %mul3A_3 : i32
    %add3A_5 = arith.constant 0 : i32
    %add3A_6 = arith.addi %mul3A_4, %add3A_5 : i32
    %run_scoped3A = arith.constant 0 : i32
    "tpu.region"() ({
      %run_scoped3A_797 = tpu.sem_alloc : memref<!tpu.dma_semaphore, #tpu.memory_space<semaphore_mem>>
      %dma_start3A_798 = arith.constant 0 : i32
      %dma_start3A_799 = arith.constant 0 : i32
      %dma_start3A_800 = tpu.memref_slice %arg6[%run_scoped3A, %dma_start3A_798, %dma_start3A_799] : memref<4x2x100xi32, #tpu.memory_space<vmem>> -> memref<1x2x100xi32, #tpu.memory_space<vmem>>
      %dma_start3A_801 = tpu.memref_squeeze %dma_start3A_800 : memref<1x2x100xi32, #tpu.memory_space<vmem>> -> memref<2x100xi32, #tpu.memory_space<vmem>>
      %dma_start3A_802 = arith.constant 0 : i32
      %dma_start3A_803 = arith.constant 0 : i32
      %dma_start3A_804 = tpu.memref_slice %arg3[%add3A_6, %dma_start3A_802, %dma_start3A_803] : memref<4096x2x100xi32, #tpu.memory_space<hbm>> -> memref<1x2x100xi32, #tpu.memory_space<hbm>>
      %dma_start3A_805 = tpu.memref_squeeze %dma_start3A_804 : memref<1x2x100xi32, #tpu.memory_space<hbm>> -> memref<2x100xi32, #tpu.memory_space<hbm>>
      %dma_start3A_806 = arith.constant 0 : i32
      %dma_start3A_807 = arith.constant 0 : i32
      %dma_start3A_808 = tpu.memref_slice %arg6[%run_scoped3A, %dma_start3A_806, %dma_start3A_807] : memref<4x2x100xi32, #tpu.memory_space<vmem>> -> memref<1x2x100xi32, #tpu.memory_space<vmem>>
      %dma_start3A_809 = tpu.memref_squeeze %dma_start3A_808 : memref<1x2x100xi32, #tpu.memory_space<vmem>> -> memref<2x100xi32, #tpu.memory_space<vmem>>
      %dma_start3A_810 = arith.constant 0 : i32
      %dma_start3A_811 = arith.constant 0 : i32
      %dma_start3A_812 = tpu.memref_slice %arg3[%add3A_6, %dma_start3A_810, %dma_start3A_811] : memref<4096x2x100xi32, #tpu.memory_space<hbm>> -> memref<1x2x100xi32, #tpu.memory_space<hbm>>
      %dma_start3A_813 = tpu.memref_squeeze %dma_start3A_812 : memref<1x2x100xi32, #tpu.memory_space<hbm>> -> memref<2x100xi32, #tpu.memory_space<hbm>>
      tpu.enqueue_dma source(%dma_start3A_813 : memref<2x100xi32, #tpu.memory_space<hbm>>) target(%dma_start3A_809 : memref<2x100xi32, #tpu.memory_space<vmem>>) target_semaphore(%run_scoped3A_797 : memref<!tpu.dma_semaphore, #tpu.memory_space<semaphore_mem>>)
      %dma_wait3A_814 = arith.constant 0 : i32
      %dma_wait3A_815 = arith.constant 0 : i32
      %dma_wait3A_816 = tpu.memref_slice %arg6[%run_scoped3A, %dma_wait3A_814, %dma_wait3A_815] : memref<4x2x100xi32, #tpu.memory_space<vmem>> -> memref<1x2x100xi32, #tpu.memory_space<vmem>>
      %dma_wait3A_817 = tpu.memref_squeeze %dma_wait3A_816 : memref<1x2x100xi32, #tpu.memory_space<vmem>> -> memref<2x100xi32, #tpu.memory_space<vmem>>
      %dma_wait3A_818 = arith.constant 0 : i32
      %dma_wait3A_819 = arith.constant 0 : i32
      %dma_wait3A_820 = tpu.memref_slice %arg3[%add3A_6, %dma_wait3A_818, %dma_wait3A_819] : memref<4096x2x100xi32, #tpu.memory_space<hbm>> -> memref<1x2x100xi32, #tpu.memory_space<hbm>>
      %dma_wait3A_821 = tpu.memref_squeeze %dma_wait3A_820 : memref<1x2x100xi32, #tpu.memory_space<hbm>> -> memref<2x100xi32, #tpu.memory_space<hbm>>
      %dma_wait3A_822 = arith.constant 0 : i32
      %dma_wait3A_823 = arith.constant 0 : i32
      %dma_wait3A_824 = tpu.memref_slice %arg6[%run_scoped3A, %dma_wait3A_822, %dma_wait3A_823] : memref<4x2x100xi32, #tpu.memory_space<vmem>> -> memref<1x2x100xi32, #tpu.memory_space<vmem>>
      %dma_wait3A_825 = tpu.memref_squeeze %dma_wait3A_824 : memref<1x2x100xi32, #tpu.memory_space<vmem>> -> memref<2x100xi32, #tpu.memory_space<vmem>>
      %dma_wait3A_826 = arith.constant 0 : i32
      %dma_wait3A_827 = arith.constant 0 : i32
      %dma_wait3A_828 = tpu.memref_slice %arg3[%add3A_6, %dma_wait3A_826, %dma_wait3A_827] : memref<4096x2x100xi32, #tpu.memory_space<hbm>> -> memref<1x2x100xi32, #tpu.memory_space<hbm>>
      %dma_wait3A_829 = tpu.memref_squeeze %dma_wait3A_828 : memref<1x2x100xi32, #tpu.memory_space<hbm>> -> memref<2x100xi32, #tpu.memory_space<hbm>>
      tpu.wait_dma2 semaphore(%run_scoped3A_797 : memref<!tpu.dma_semaphore, #tpu.memory_space<semaphore_mem>>) src(%dma_wait3A_829 : memref<2x100xi32, #tpu.memory_space<hbm>>) dst(%dma_wait3A_825 : memref<2x100xi32, #tpu.memory_space<vmem>>)
      tpu.yield
    }) : () -> ()
    %dma_start3A = arith.constant 0 : i32
    %dma_start3A_7 = arith.constant 0 : i32
    %dma_start3A_8 = arith.constant 0 : i32
    %dma_start3A_9 = arith.constant 0 : i32
    %dma_start3A_10 = arith.constant 0 : i32
    %dma_start3A_11 = tpu.memref_slice %arg7[%dma_start3A_8, %dma_start3A_9, %dma_start3A_10] : memref<4x200x64xf32, #tpu.memory_space<vmem>> -> memref<1x100x64xf32, #tpu.memory_space<vmem>>
    %dma_start3A_12 = tpu.memref_squeeze %dma_start3A_11 : memref<1x100x64xf32, #tpu.memory_space<vmem>> -> memref<100x64xf32, #tpu.memory_space<vmem>>
    %dma_start3A_13 = arith.constant 0 : i32
    %dma_start3A_14 = tpu.memref_slice %arg6[%dma_start3A, %dma_start3A_7, %dma_start3A_13] : memref<4x2x100xi32, #tpu.memory_space<vmem>> -> memref<1x1x100xi32, #tpu.memory_space<vmem>>
    %dma_start3A_15 = tpu.memref_squeeze %dma_start3A_14 : memref<1x1x100xi32, #tpu.memory_space<vmem>> -> memref<100xi32, #tpu.memory_space<vmem>>
    %dma_start3A_16 = arith.constant 0 : i32
    %dma_start3A_17 = arith.constant 0 : i32
    %dma_start3A_18 = tpu.memref_slice %arg2[%dma_start3A_16, %dma_start3A_17] : memref<1000000x64xf32, #tpu.memory_space<hbm>> -> memref<1000000x64xf32, #tpu.memory_space<hbm>>
    tpu.enqueue_indirect_dma source(%dma_start3A_18 : memref<1000000x64xf32, #tpu.memory_space<hbm>>) target(%dma_start3A_12 : memref<100x64xf32, #tpu.memory_space<vmem>>) offsets(%dma_start3A_15 : memref<100xi32, #tpu.memory_space<vmem>>) semaphore(%arg9 : memref<!tpu.dma_semaphore, #tpu.memory_space<semaphore_mem>>)
    %dma_start3A_19 = arith.constant 0 : i32
    %dma_start3A_20 = arith.constant 1 : i32
    %dma_start3A_21 = arith.constant 0 : i32
    %dma_start3A_22 = arith.constant 100 : i32
    %dma_start3A_23 = arith.constant 0 : i32
    %dma_start3A_24 = tpu.memref_slice %arg7[%dma_start3A_21, %dma_start3A_22, %dma_start3A_23] : memref<4x200x64xf32, #tpu.memory_space<vmem>> -> memref<1x100x64xf32, #tpu.memory_space<vmem>>
    %dma_start3A_25 = tpu.memref_squeeze %dma_start3A_24 : memref<1x100x64xf32, #tpu.memory_space<vmem>> -> memref<100x64xf32, #tpu.memory_space<vmem>>
    %dma_start3A_26 = arith.constant 0 : i32
    %dma_start3A_27 = tpu.memref_slice %arg6[%dma_start3A_19, %dma_start3A_20, %dma_start3A_26] : memref<4x2x100xi32, #tpu.memory_space<vmem>> -> memref<1x1x100xi32, #tpu.memory_space<vmem>>
    %dma_start3A_28 = tpu.memref_squeeze %dma_start3A_27 : memref<1x1x100xi32, #tpu.memory_space<vmem>> -> memref<100xi32, #tpu.memory_space<vmem>>
    %dma_start3A_29 = arith.constant 0 : i32
    %dma_start3A_30 = arith.constant 0 : i32
    %dma_start3A_31 = tpu.memref_slice %arg2[%dma_start3A_29, %dma_start3A_30] : memref<1000000x64xf32, #tpu.memory_space<hbm>> -> memref<1000000x64xf32, #tpu.memory_space<hbm>>
    tpu.enqueue_indirect_dma source(%dma_start3A_31 : memref<1000000x64xf32, #tpu.memory_space<hbm>>) target(%dma_start3A_25 : memref<100x64xf32, #tpu.memory_space<vmem>>) offsets(%dma_start3A_28 : memref<100xi32, #tpu.memory_space<vmem>>) semaphore(%arg9 : memref<!tpu.dma_semaphore, #tpu.memory_space<semaphore_mem>>)
    %mul3A_32 = arith.constant 128 : i32
    %mul3A_33 = arith.muli %add3A, %mul3A_32 : i32
    %add3A_34 = arith.constant 1 : i32
    %add3A_35 = arith.addi %mul3A_33, %add3A_34 : i32
    %run_scoped3A_36 = arith.constant 1 : i32
    "tpu.region"() ({
      %run_scoped3A_797 = tpu.sem_alloc : memref<!tpu.dma_semaphore, #tpu.memory_space<semaphore_mem>>
      %dma_start3A_798 = arith.constant 0 : i32
      %dma_start3A_799 = arith.constant 0 : i32
      %dma_start3A_800 = tpu.memref_slice %arg6[%run_scoped3A_36, %dma_start3A_798, %dma_start3A_799] : memref<4x2x100xi32, #tpu.memory_space<vmem>> -> memref<1x2x100xi32, #tpu.memory_space<vmem>>
      %dma_start3A_801 = tpu.memref_squeeze %dma_start3A_800 : memref<1x2x100xi32, #tpu.memory_space<vmem>> -> memref<2x100xi32, #tpu.memory_space<vmem>>
      %dma_start3A_802 = arith.constant 0 : i32
      %dma_start3A_803 = arith.constant 0 : i32
      %dma_start3A_804 = tpu.memref_slice %arg3[%add3A_35, %dma_start3A_802, %dma_start3A_803] : memref<4096x2x100xi32, #tpu.memory_space<hbm>> -> memref<1x2x100xi32, #tpu.memory_space<hbm>>
      %dma_start3A_805 = tpu.memref_squeeze %dma_start3A_804 : memref<1x2x100xi32, #tpu.memory_space<hbm>> -> memref<2x100xi32, #tpu.memory_space<hbm>>
      %dma_start3A_806 = arith.constant 0 : i32
      %dma_start3A_807 = arith.constant 0 : i32
      %dma_start3A_808 = tpu.memref_slice %arg6[%run_scoped3A_36, %dma_start3A_806, %dma_start3A_807] : memref<4x2x100xi32, #tpu.memory_space<vmem>> -> memref<1x2x100xi32, #tpu.memory_space<vmem>>
      %dma_start3A_809 = tpu.memref_squeeze %dma_start3A_808 : memref<1x2x100xi32, #tpu.memory_space<vmem>> -> memref<2x100xi32, #tpu.memory_space<vmem>>
      %dma_start3A_810 = arith.constant 0 : i32
      %dma_start3A_811 = arith.constant 0 : i32
      %dma_start3A_812 = tpu.memref_slice %arg3[%add3A_35, %dma_start3A_810, %dma_start3A_811] : memref<4096x2x100xi32, #tpu.memory_space<hbm>> -> memref<1x2x100xi32, #tpu.memory_space<hbm>>
      %dma_start3A_813 = tpu.memref_squeeze %dma_start3A_812 : memref<1x2x100xi32, #tpu.memory_space<hbm>> -> memref<2x100xi32, #tpu.memory_space<hbm>>
      tpu.enqueue_dma source(%dma_start3A_813 : memref<2x100xi32, #tpu.memory_space<hbm>>) target(%dma_start3A_809 : memref<2x100xi32, #tpu.memory_space<vmem>>) target_semaphore(%run_scoped3A_797 : memref<!tpu.dma_semaphore, #tpu.memory_space<semaphore_mem>>)
      %dma_wait3A_814 = arith.constant 0 : i32
      %dma_wait3A_815 = arith.constant 0 : i32
      %dma_wait3A_816 = tpu.memref_slice %arg6[%run_scoped3A_36, %dma_wait3A_814, %dma_wait3A_815] : memref<4x2x100xi32, #tpu.memory_space<vmem>> -> memref<1x2x100xi32, #tpu.memory_space<vmem>>
      %dma_wait3A_817 = tpu.memref_squeeze %dma_wait3A_816 : memref<1x2x100xi32, #tpu.memory_space<vmem>> -> memref<2x100xi32, #tpu.memory_space<vmem>>
      %dma_wait3A_818 = arith.constant 0 : i32
      %dma_wait3A_819 = arith.constant 0 : i32
      %dma_wait3A_820 = tpu.memref_slice %arg3[%add3A_35, %dma_wait3A_818, %dma_wait3A_819] : memref<4096x2x100xi32, #tpu.memory_space<hbm>> -> memref<1x2x100xi32, #tpu.memory_space<hbm>>
      %dma_wait3A_821 = tpu.memref_squeeze %dma_wait3A_820 : memref<1x2x100xi32, #tpu.memory_space<hbm>> -> memref<2x100xi32, #tpu.memory_space<hbm>>
      %dma_wait3A_822 = arith.constant 0 : i32
      %dma_wait3A_823 = arith.constant 0 : i32
      %dma_wait3A_824 = tpu.memref_slice %arg6[%run_scoped3A_36, %dma_wait3A_822, %dma_wait3A_823] : memref<4x2x100xi32, #tpu.memory_space<vmem>> -> memref<1x2x100xi32, #tpu.memory_space<vmem>>
      %dma_wait3A_825 = tpu.memref_squeeze %dma_wait3A_824 : memref<1x2x100xi32, #tpu.memory_space<vmem>> -> memref<2x100xi32, #tpu.memory_space<vmem>>
      %dma_wait3A_826 = arith.constant 0 : i32
      %dma_wait3A_827 = arith.constant 0 : i32
      %dma_wait3A_828 = tpu.memref_slice %arg3[%add3A_35, %dma_wait3A_826, %dma_wait3A_827] : memref<4096x2x100xi32, #tpu.memory_space<hbm>> -> memref<1x2x100xi32, #tpu.memory_space<hbm>>
      %dma_wait3A_829 = tpu.memref_squeeze %dma_wait3A_828 : memref<1x2x100xi32, #tpu.memory_space<hbm>> -> memref<2x100xi32, #tpu.memory_space<hbm>>
      tpu.wait_dma2 semaphore(%run_scoped3A_797 : memref<!tpu.dma_semaphore, #tpu.memory_space<semaphore_mem>>) src(%dma_wait3A_829 : memref<2x100xi32, #tpu.memory_space<hbm>>) dst(%dma_wait3A_825 : memref<2x100xi32, #tpu.memory_space<vmem>>)
      tpu.yield
    }) : () -> ()
    %dma_start3A_37 = arith.constant 1 : i32
    %dma_start3A_38 = arith.constant 0 : i32
    %dma_start3A_39 = arith.constant 1 : i32
    %dma_start3A_40 = arith.constant 0 : i32
    %dma_start3A_41 = arith.constant 0 : i32
    %dma_start3A_42 = tpu.memref_slice %arg7[%dma_start3A_39, %dma_start3A_40, %dma_start3A_41] : memref<4x200x64xf32, #tpu.memory_space<vmem>> -> memref<1x100x64xf32, #tpu.memory_space<vmem>>
    %dma_start3A_43 = tpu.memref_squeeze %dma_start3A_42 : memref<1x100x64xf32, #tpu.memory_space<vmem>> -> memref<100x64xf32, #tpu.memory_space<vmem>>
    %dma_start3A_44 = arith.constant 0 : i32
    %dma_start3A_45 = tpu.memref_slice %arg6[%dma_start3A_37, %dma_start3A_38, %dma_start3A_44] : memref<4x2x100xi32, #tpu.memory_space<vmem>> -> memref<1x1x100xi32, #tpu.memory_space<vmem>>
    %dma_start3A_46 = tpu.memref_squeeze %dma_start3A_45 : memref<1x1x100xi32, #tpu.memory_space<vmem>> -> memref<100xi32, #tpu.memory_space<vmem>>
    %dma_start3A_47 = arith.constant 0 : i32
    %dma_start3A_48 = arith.constant 0 : i32
    %dma_start3A_49 = tpu.memref_slice %arg2[%dma_start3A_47, %dma_start3A_48] : memref<1000000x64xf32, #tpu.memory_space<hbm>> -> memref<1000000x64xf32, #tpu.memory_space<hbm>>
    tpu.enqueue_indirect_dma source(%dma_start3A_49 : memref<1000000x64xf32, #tpu.memory_space<hbm>>) target(%dma_start3A_43 : memref<100x64xf32, #tpu.memory_space<vmem>>) offsets(%dma_start3A_46 : memref<100xi32, #tpu.memory_space<vmem>>) semaphore(%arg10 : memref<!tpu.dma_semaphore, #tpu.memory_space<semaphore_mem>>)
    %dma_start3A_50 = arith.constant 1 : i32
    %dma_start3A_51 = arith.constant 1 : i32
    %dma_start3A_52 = arith.constant 1 : i32
    %dma_start3A_53 = arith.constant 100 : i32
    %dma_start3A_54 = arith.constant 0 : i32
    %dma_start3A_55 = tpu.memref_slice %arg7[%dma_start3A_52, %dma_start3A_53, %dma_start3A_54] : memref<4x200x64xf32, #tpu.memory_space<vmem>> -> memref<1x100x64xf32, #tpu.memory_space<vmem>>
    %dma_start3A_56 = tpu.memref_squeeze %dma_start3A_55 : memref<1x100x64xf32, #tpu.memory_space<vmem>> -> memref<100x64xf32, #tpu.memory_space<vmem>>
    %dma_start3A_57 = arith.constant 0 : i32
    %dma_start3A_58 = tpu.memref_slice %arg6[%dma_start3A_50, %dma_start3A_51, %dma_start3A_57] : memref<4x2x100xi32, #tpu.memory_space<vmem>> -> memref<1x1x100xi32, #tpu.memory_space<vmem>>
    %dma_start3A_59 = tpu.memref_squeeze %dma_start3A_58 : memref<1x1x100xi32, #tpu.memory_space<vmem>> -> memref<100xi32, #tpu.memory_space<vmem>>
    %dma_start3A_60 = arith.constant 0 : i32
    %dma_start3A_61 = arith.constant 0 : i32
    %dma_start3A_62 = tpu.memref_slice %arg2[%dma_start3A_60, %dma_start3A_61] : memref<1000000x64xf32, #tpu.memory_space<hbm>> -> memref<1000000x64xf32, #tpu.memory_space<hbm>>
    tpu.enqueue_indirect_dma source(%dma_start3A_62 : memref<1000000x64xf32, #tpu.memory_space<hbm>>) target(%dma_start3A_56 : memref<100x64xf32, #tpu.memory_space<vmem>>) offsets(%dma_start3A_59 : memref<100xi32, #tpu.memory_space<vmem>>) semaphore(%arg10 : memref<!tpu.dma_semaphore, #tpu.memory_space<semaphore_mem>>)
    %dma_wait3A = arith.constant 0 : i32
    %dma_wait3A_63 = arith.constant 0 : i32
    %dma_wait3A_64 = arith.constant 0 : i32
    %dma_wait3A_65 = arith.constant 0 : i32
    %dma_wait3A_66 = arith.constant 0 : i32
    %dma_wait3A_67 = tpu.memref_slice %arg7[%dma_wait3A_64, %dma_wait3A_65, %dma_wait3A_66] : memref<4x200x64xf32, #tpu.memory_space<vmem>> -> memref<1x100x64xf32, #tpu.memory_space<vmem>>
    %dma_wait3A_68 = tpu.memref_squeeze %dma_wait3A_67 : memref<1x100x64xf32, #tpu.memory_space<vmem>> -> memref<100x64xf32, #tpu.memory_space<vmem>>
    %dma_wait3A_69 = arith.constant 0 : i32
    %dma_wait3A_70 = tpu.memref_slice %arg6[%dma_wait3A, %dma_wait3A_63, %dma_wait3A_69] : memref<4x2x100xi32, #tpu.memory_space<vmem>> -> memref<1x1x100xi32, #tpu.memory_space<vmem>>
    %dma_wait3A_71 = tpu.memref_squeeze %dma_wait3A_70 : memref<1x1x100xi32, #tpu.memory_space<vmem>> -> memref<100xi32, #tpu.memory_space<vmem>>
    %dma_wait3A_72 = arith.constant 0 : i32
    %dma_wait3A_73 = arith.constant 0 : i32
    %dma_wait3A_74 = tpu.memref_slice %arg2[%dma_wait3A_72, %dma_wait3A_73] : memref<1000000x64xf32, #tpu.memory_space<hbm>> -> memref<1000000x64xf32, #tpu.memory_space<hbm>>
    tpu.wait_indirect_dma semaphore(%arg9 : memref<!tpu.dma_semaphore, #tpu.memory_space<semaphore_mem>>) src(%dma_wait3A_74 : memref<1000000x64xf32, #tpu.memory_space<hbm>>) dst(%dma_wait3A_68 : memref<100x64xf32, #tpu.memory_space<vmem>>)
    %dma_wait3A_75 = arith.constant 0 : i32
    %dma_wait3A_76 = arith.constant 1 : i32
    %dma_wait3A_77 = arith.constant 0 : i32
    %dma_wait3A_78 = arith.constant 100 : i32
    %dma_wait3A_79 = arith.constant 0 : i32
    %dma_wait3A_80 = tpu.memref_slice %arg7[%dma_wait3A_77, %dma_wait3A_78, %dma_wait3A_79] : memref<4x200x64xf32, #tpu.memory_space<vmem>> -> memref<1x100x64xf32, #tpu.memory_space<vmem>>
    %dma_wait3A_81 = tpu.memref_squeeze %dma_wait3A_80 : memref<1x100x64xf32, #tpu.memory_space<vmem>> -> memref<100x64xf32, #tpu.memory_space<vmem>>
    %dma_wait3A_82 = arith.constant 0 : i32
    %dma_wait3A_83 = tpu.memref_slice %arg6[%dma_wait3A_75, %dma_wait3A_76, %dma_wait3A_82] : memref<4x2x100xi32, #tpu.memory_space<vmem>> -> memref<1x1x100xi32, #tpu.memory_space<vmem>>
    %dma_wait3A_84 = tpu.memref_squeeze %dma_wait3A_83 : memref<1x1x100xi32, #tpu.memory_space<vmem>> -> memref<100xi32, #tpu.memory_space<vmem>>
    %dma_wait3A_85 = arith.constant 0 : i32
    %dma_wait3A_86 = arith.constant 0 : i32
    %dma_wait3A_87 = tpu.memref_slice %arg2[%dma_wait3A_85, %dma_wait3A_86] : memref<1000000x64xf32, #tpu.memory_space<hbm>> -> memref<1000000x64xf32, #tpu.memory_space<hbm>>
    tpu.wait_indirect_dma semaphore(%arg9 : memref<!tpu.dma_semaphore, #tpu.memory_space<semaphore_mem>>) src(%dma_wait3A_87 : memref<1000000x64xf32, #tpu.memory_space<hbm>>) dst(%dma_wait3A_81 : memref<100x64xf32, #tpu.memory_space<vmem>>)
    %parallel_loop3A = arith.constant 0 : i32
    %parallel_loop3A_88 = arith.constant 200 : i32
    %parallel_loop3A_89 = arith.constant 1 : i32
    scf.for %parallel_loop3A_797 = %parallel_loop3A to %parallel_loop3A_88 step %parallel_loop3A_89  : i32 {
      %parallel_loop3A_798 = arith.index_cast %parallel_loop3A_797 : i32 to index
      %parallel_loop3A_799 = arith.constant 0 : index
      %parallel_loop3A_800 = tpu.vector_load %arg8[%parallel_loop3A_798, %parallel_loop3A_799] {strides = array<i32>} : memref<200x64xf32, #tpu.memory_space<vmem>>, vector<1x16xf32>,
      %parallel_loop3A_801 = vector.shape_cast %parallel_loop3A_800 : vector<1x16xf32> to vector<16xf32>
      %parallel_loop3A_802 = arith.constant 0 : i32
      %parallel_loop3A_803 = arith.index_cast %parallel_loop3A_802 : i32 to index
      %parallel_loop3A_804 = arith.index_cast %parallel_loop3A_797 : i32 to index
      %parallel_loop3A_805 = arith.constant 0 : index
      %parallel_loop3A_806 = tpu.vector_load %arg7[%parallel_loop3A_803, %parallel_loop3A_804, %parallel_loop3A_805] {strides = array<i32>} : memref<4x200x64xf32, #tpu.memory_space<vmem>>, vector<1x1x16xf32>,
      %parallel_loop3A_807 = vector.shape_cast %parallel_loop3A_806 : vector<1x1x16xf32> to vector<16xf32>
      %parallel_loop3A_808 = vector.shape_cast %parallel_loop3A_801 : vector<16xf32> to vector<1x1x16xf32>
      tpu.vector_store %arg7[%parallel_loop3A_803, %parallel_loop3A_804, %parallel_loop3A_805], %parallel_loop3A_808 {add = true, strides = array<i32>} : memref<4x200x64xf32, #tpu.memory_space<vmem>>, vector<1x1x16xf32>,
      %parallel_loop3A_809 = arith.index_cast %parallel_loop3A_797 : i32 to index
      %parallel_loop3A_810 = arith.constant 16 : index
      %parallel_loop3A_811 = tpu.vector_load %arg8[%parallel_loop3A_809, %parallel_loop3A_810] {strides = array<i32>} : memref<200x64xf32, #tpu.memory_space<vmem>>, vector<1x16xf32>,
      %parallel_loop3A_812 = vector.shape_cast %parallel_loop3A_811 : vector<1x16xf32> to vector<16xf32>
      %parallel_loop3A_813 = arith.constant 0 : i32
      %parallel_loop3A_814 = arith.index_cast %parallel_loop3A_813 : i32 to index
      %parallel_loop3A_815 = arith.index_cast %parallel_loop3A_797 : i32 to index
      %parallel_loop3A_816 = arith.constant 16 : index
      %parallel_loop3A_817 = tpu.vector_load %arg7[%parallel_loop3A_814, %parallel_loop3A_815, %parallel_loop3A_816] {strides = array<i32>} : memref<4x200x64xf32, #tpu.memory_space<vmem>>, vector<1x1x16xf32>,
      %parallel_loop3A_818 = vector.shape_cast %parallel_loop3A_817 : vector<1x1x16xf32> to vector<16xf32>
      %parallel_loop3A_819 = vector.shape_cast %parallel_loop3A_812 : vector<16xf32> to vector<1x1x16xf32>
      tpu.vector_store %arg7[%parallel_loop3A_814, %parallel_loop3A_815, %parallel_loop3A_816], %parallel_loop3A_819 {add = true, strides = array<i32>} : memref<4x200x64xf32, #tpu.memory_space<vmem>>, vector<1x1x16xf32>,
      %parallel_loop3A_820 = arith.index_cast %parallel_loop3A_797 : i32 to index
      %parallel_loop3A_821 = arith.constant 32 : index
      %parallel_loop3A_822 = tpu.vector_load %arg8[%parallel_loop3A_820, %parallel_loop3A_821] {strides = array<i32>} : memref<200x64xf32, #tpu.memory_space<vmem>>, vector<1x16xf32>,
      %parallel_loop3A_823 = vector.shape_cast %parallel_loop3A_822 : vector<1x16xf32> to vector<16xf32>
      %parallel_loop3A_824 = arith.constant 0 : i32
      %parallel_loop3A_825 = arith.index_cast %parallel_loop3A_824 : i32 to index
      %parallel_loop3A_826 = arith.index_cast %parallel_loop3A_797 : i32 to index
      %parallel_loop3A_827 = arith.constant 32 : index
      %parallel_loop3A_828 = tpu.vector_load %arg7[%parallel_loop3A_825, %parallel_loop3A_826, %parallel_loop3A_827] {strides = array<i32>} : memref<4x200x64xf32, #tpu.memory_space<vmem>>, vector<1x1x16xf32>,
      %parallel_loop3A_829 = vector.shape_cast %parallel_loop3A_828 : vector<1x1x16xf32> to vector<16xf32>
      %parallel_loop3A_830 = vector.shape_cast %parallel_loop3A_823 : vector<16xf32> to vector<1x1x16xf32>
      tpu.vector_store %arg7[%parallel_loop3A_825, %parallel_loop3A_826, %parallel_loop3A_827], %parallel_loop3A_830 {add = true, strides = array<i32>} : memref<4x200x64xf32, #tpu.memory_space<vmem>>, vector<1x1x16xf32>,
      %parallel_loop3A_831 = arith.index_cast %parallel_loop3A_797 : i32 to index
      %parallel_loop3A_832 = arith.constant 48 : index
      %parallel_loop3A_833 = tpu.vector_load %arg8[%parallel_loop3A_831, %parallel_loop3A_832] {strides = array<i32>} : memref<200x64xf32, #tpu.memory_space<vmem>>, vector<1x16xf32>,
      %parallel_loop3A_834 = vector.shape_cast %parallel_loop3A_833 : vector<1x16xf32> to vector<16xf32>
      %parallel_loop3A_835 = arith.constant 0 : i32
      %parallel_loop3A_836 = arith.index_cast %parallel_loop3A_835 : i32 to index
      %parallel_loop3A_837 = arith.index_cast %parallel_loop3A_797 : i32 to index
      %parallel_loop3A_838 = arith.constant 48 : index
      %parallel_loop3A_839 = tpu.vector_load %arg7[%parallel_loop3A_836, %parallel_loop3A_837, %parallel_loop3A_838] {strides = array<i32>} : memref<4x200x64xf32, #tpu.memory_space<vmem>>, vector<1x1x16xf32>,
      %parallel_loop3A_840 = vector.shape_cast %parallel_loop3A_839 : vector<1x1x16xf32> to vector<16xf32>
      %parallel_loop3A_841 = vector.shape_cast %parallel_loop3A_834 : vector<16xf32> to vector<1x1x16xf32>
      tpu.vector_store %arg7[%parallel_loop3A_836, %parallel_loop3A_837, %parallel_loop3A_838], %parallel_loop3A_841 {add = true, strides = array<i32>} : memref<4x200x64xf32, #tpu.memory_space<vmem>>, vector<1x1x16xf32>,
    } {sc.loop_unroll_factor = 4 : i64, sc.parallel_access}
    %mul3A_90 = arith.constant 128 : i32
    %mul3A_91 = arith.muli %add3A, %mul3A_90 : i32
    %add3A_92 = arith.constant 0 : i32
    %add3A_93 = arith.addi %mul3A_91, %add3A_92 : i32
    %dma_start3A_94 = arith.constant 0 : i32
    %dma_start3A_95 = arith.constant 0 : i32
    %dma_start3A_96 = arith.constant 0 : i32
    %dma_start3A_97 = tpu.memref_slice %arg7[%dma_start3A_94, %dma_start3A_95, %dma_start3A_96] : memref<4x200x64xf32, #tpu.memory_space<vmem>> -> memref<1x200x64xf32, #tpu.memory_space<vmem>>
    %dma_start3A_98 = tpu.memref_squeeze %dma_start3A_97 : memref<1x200x64xf32, #tpu.memory_space<vmem>> -> memref<200x64xf32, #tpu.memory_space<vmem>>
    %dma_start3A_99 = arith.constant 0 : i32
    %dma_start3A_100 = arith.constant 0 : i32
    %dma_start3A_101 = tpu.memref_slice %arg5[%add3A_93, %dma_start3A_99, %dma_start3A_100] : memref<4096x200x64xf32, #tpu.memory_space<hbm>> -> memref<1x200x64xf32, #tpu.memory_space<hbm>>
    %dma_start3A_102 = tpu.memref_squeeze %dma_start3A_101 : memref<1x200x64xf32, #tpu.memory_space<hbm>> -> memref<200x64xf32, #tpu.memory_space<hbm>>
    %dma_start3A_103 = arith.constant 0 : i32
    %dma_start3A_104 = arith.constant 0 : i32
    %dma_start3A_105 = tpu.memref_slice %arg5[%add3A_93, %dma_start3A_103, %dma_start3A_104] : memref<4096x200x64xf32, #tpu.memory_space<hbm>> -> memref<1x200x64xf32, #tpu.memory_space<hbm>>
    %dma_start3A_106 = tpu.memref_squeeze %dma_start3A_105 : memref<1x200x64xf32, #tpu.memory_space<hbm>> -> memref<200x64xf32, #tpu.memory_space<hbm>>
    %dma_start3A_107 = arith.constant 0 : i32
    %dma_start3A_108 = arith.constant 0 : i32
    %dma_start3A_109 = tpu.memref_slice %arg7[%dma_start3A_94, %dma_start3A_107, %dma_start3A_108] : memref<4x200x64xf32, #tpu.memory_space<vmem>> -> memref<1x200x64xf32, #tpu.memory_space<vmem>>
    %dma_start3A_110 = tpu.memref_squeeze %dma_start3A_109 : memref<1x200x64xf32, #tpu.memory_space<vmem>> -> memref<200x64xf32, #tpu.memory_space<vmem>>
    tpu.enqueue_dma source(%dma_start3A_110 : memref<200x64xf32, #tpu.memory_space<vmem>>) target(%dma_start3A_106 : memref<200x64xf32, #tpu.memory_space<hbm>>) target_semaphore(%arg13 : memref<!tpu.dma_semaphore, #tpu.memory_space<semaphore_mem>>)
    %mul3A_111 = arith.constant 128 : i32
    %mul3A_112 = arith.muli %add3A, %mul3A_111 : i32
    %add3A_113 = arith.constant 2 : i32
    %add3A_114 = arith.addi %mul3A_112, %add3A_113 : i32
    %run_scoped3A_115 = arith.constant 2 : i32
    "tpu.region"() ({
      %run_scoped3A_797 = tpu.sem_alloc : memref<!tpu.dma_semaphore, #tpu.memory_space<semaphore_mem>>
      %dma_start3A_798 = arith.constant 0 : i32
      %dma_start3A_799 = arith.constant 0 : i32
      %dma_start3A_800 = tpu.memref_slice %arg6[%run_scoped3A_115, %dma_start3A_798, %dma_start3A_799] : memref<4x2x100xi32, #tpu.memory_space<vmem>> -> memref<1x2x100xi32, #tpu.memory_space<vmem>>
      %dma_start3A_801 = tpu.memref_squeeze %dma_start3A_800 : memref<1x2x100xi32, #tpu.memory_space<vmem>> -> memref<2x100xi32, #tpu.memory_space<vmem>>
      %dma_start3A_802 = arith.constant 0 : i32
      %dma_start3A_803 = arith.constant 0 : i32
      %dma_start3A_804 = tpu.memref_slice %arg3[%add3A_114, %dma_start3A_802, %dma_start3A_803] : memref<4096x2x100xi32, #tpu.memory_space<hbm>> -> memref<1x2x100xi32, #tpu.memory_space<hbm>>
      %dma_start3A_805 = tpu.memref_squeeze %dma_start3A_804 : memref<1x2x100xi32, #tpu.memory_space<hbm>> -> memref<2x100xi32, #tpu.memory_space<hbm>>
      %dma_start3A_806 = arith.constant 0 : i32
      %dma_start3A_807 = arith.constant 0 : i32
      %dma_start3A_808 = tpu.memref_slice %arg6[%run_scoped3A_115, %dma_start3A_806, %dma_start3A_807] : memref<4x2x100xi32, #tpu.memory_space<vmem>> -> memref<1x2x100xi32, #tpu.memory_space<vmem>>
      %dma_start3A_809 = tpu.memref_squeeze %dma_start3A_808 : memref<1x2x100xi32, #tpu.memory_space<vmem>> -> memref<2x100xi32, #tpu.memory_space<vmem>>
      %dma_start3A_810 = arith.constant 0 : i32
      %dma_start3A_811 = arith.constant 0 : i32
      %dma_start3A_812 = tpu.memref_slice %arg3[%add3A_114, %dma_start3A_810, %dma_start3A_811] : memref<4096x2x100xi32, #tpu.memory_space<hbm>> -> memref<1x2x100xi32, #tpu.memory_space<hbm>>
      %dma_start3A_813 = tpu.memref_squeeze %dma_start3A_812 : memref<1x2x100xi32, #tpu.memory_space<hbm>> -> memref<2x100xi32, #tpu.memory_space<hbm>>
      tpu.enqueue_dma source(%dma_start3A_813 : memref<2x100xi32, #tpu.memory_space<hbm>>) target(%dma_start3A_809 : memref<2x100xi32, #tpu.memory_space<vmem>>) target_semaphore(%run_scoped3A_797 : memref<!tpu.dma_semaphore, #tpu.memory_space<semaphore_mem>>)
      %dma_wait3A_814 = arith.constant 0 : i32
      %dma_wait3A_815 = arith.constant 0 : i32
      %dma_wait3A_816 = tpu.memref_slice %arg6[%run_scoped3A_115, %dma_wait3A_814, %dma_wait3A_815] : memref<4x2x100xi32, #tpu.memory_space<vmem>> -> memref<1x2x100xi32, #tpu.memory_space<vmem>>
      %dma_wait3A_817 = tpu.memref_squeeze %dma_wait3A_816 : memref<1x2x100xi32, #tpu.memory_space<vmem>> -> memref<2x100xi32, #tpu.memory_space<vmem>>
      %dma_wait3A_818 = arith.constant 0 : i32
      %dma_wait3A_819 = arith.constant 0 : i32
      %dma_wait3A_820 = tpu.memref_slice %arg3[%add3A_114, %dma_wait3A_818, %dma_wait3A_819] : memref<4096x2x100xi32, #tpu.memory_space<hbm>> -> memref<1x2x100xi32, #tpu.memory_space<hbm>>
      %dma_wait3A_821 = tpu.memref_squeeze %dma_wait3A_820 : memref<1x2x100xi32, #tpu.memory_space<hbm>> -> memref<2x100xi32, #tpu.memory_space<hbm>>
      %dma_wait3A_822 = arith.constant 0 : i32
      %dma_wait3A_823 = arith.constant 0 : i32
      %dma_wait3A_824 = tpu.memref_slice %arg6[%run_scoped3A_115, %dma_wait3A_822, %dma_wait3A_823] : memref<4x2x100xi32, #tpu.memory_space<vmem>> -> memref<1x2x100xi32, #tpu.memory_space<vmem>>
      %dma_wait3A_825 = tpu.memref_squeeze %dma_wait3A_824 : memref<1x2x100xi32, #tpu.memory_space<vmem>> -> memref<2x100xi32, #tpu.memory_space<vmem>>
      %dma_wait3A_826 = arith.constant 0 : i32
      %dma_wait3A_827 = arith.constant 0 : i32
      %dma_wait3A_828 = tpu.memref_slice %arg3[%add3A_114, %dma_wait3A_826, %dma_wait3A_827] : memref<4096x2x100xi32, #tpu.memory_space<hbm>> -> memref<1x2x100xi32, #tpu.memory_space<hbm>>
      %dma_wait3A_829 = tpu.memref_squeeze %dma_wait3A_828 : memref<1x2x100xi32, #tpu.memory_space<hbm>> -> memref<2x100xi32, #tpu.memory_space<hbm>>
      tpu.wait_dma2 semaphore(%run_scoped3A_797 : memref<!tpu.dma_semaphore, #tpu.memory_space<semaphore_mem>>) src(%dma_wait3A_829 : memref<2x100xi32, #tpu.memory_space<hbm>>) dst(%dma_wait3A_825 : memref<2x100xi32, #tpu.memory_space<vmem>>)
      tpu.yield
    }) : () -> ()
    %dma_start3A_116 = arith.constant 2 : i32
    %dma_start3A_117 = arith.constant 0 : i32
    %dma_start3A_118 = arith.constant 2 : i32
    %dma_start3A_119 = arith.constant 0 : i32
    %dma_start3A_120 = arith.constant 0 : i32
    %dma_start3A_121 = tpu.memref_slice %arg7[%dma_start3A_118, %dma_start3A_119, %dma_start3A_120] : memref<4x200x64xf32, #tpu.memory_space<vmem>> -> memref<1x100x64xf32, #tpu.memory_space<vmem>>
    %dma_start3A_122 = tpu.memref_squeeze %dma_start3A_121 : memref<1x100x64xf32, #tpu.memory_space<vmem>> -> memref<100x64xf32, #tpu.memory_space<vmem>>
    %dma_start3A_123 = arith.constant 0 : i32
    %dma_start3A_124 = tpu.memref_slice %arg6[%dma_start3A_116, %dma_start3A_117, %dma_start3A_123] : memref<4x2x100xi32, #tpu.memory_space<vmem>> -> memref<1x1x100xi32, #tpu.memory_space<vmem>>
    %dma_start3A_125 = tpu.memref_squeeze %dma_start3A_124 : memref<1x1x100xi32, #tpu.memory_space<vmem>> -> memref<100xi32, #tpu.memory_space<vmem>>
    %dma_start3A_126 = arith.constant 0 : i32
    %dma_start3A_127 = arith.constant 0 : i32
    %dma_start3A_128 = tpu.memref_slice %arg2[%dma_start3A_126, %dma_start3A_127] : memref<1000000x64xf32, #tpu.memory_space<hbm>> -> memref<1000000x64xf32, #tpu.memory_space<hbm>>
    tpu.enqueue_indirect_dma source(%dma_start3A_128 : memref<1000000x64xf32, #tpu.memory_space<hbm>>) target(%dma_start3A_122 : memref<100x64xf32, #tpu.memory_space<vmem>>) offsets(%dma_start3A_125 : memref<100xi32, #tpu.memory_space<vmem>>) semaphore(%arg11 : memref<!tpu.dma_semaphore, #tpu.memory_space<semaphore_mem>>)
    %dma_start3A_129 = arith.constant 2 : i32
    %dma_start3A_130 = arith.constant 1 : i32
    %dma_start3A_131 = arith.constant 2 : i32
    %dma_start3A_132 = arith.constant 100 : i32
    %dma_start3A_133 = arith.constant 0 : i32
    %dma_start3A_134 = tpu.memref_slice %arg7[%dma_start3A_131, %dma_start3A_132, %dma_start3A_133] : memref<4x200x64xf32, #tpu.memory_space<vmem>> -> memref<1x100x64xf32, #tpu.memory_space<vmem>>
    %dma_start3A_135 = tpu.memref_squeeze %dma_start3A_134 : memref<1x100x64xf32, #tpu.memory_space<vmem>> -> memref<100x64xf32, #tpu.memory_space<vmem>>
    %dma_start3A_136 = arith.constant 0 : i32
    %dma_start3A_137 = tpu.memref_slice %arg6[%dma_start3A_129, %dma_start3A_130, %dma_start3A_136] : memref<4x2x100xi32, #tpu.memory_space<vmem>> -> memref<1x1x100xi32, #tpu.memory_space<vmem>>
    %dma_start3A_138 = tpu.memref_squeeze %dma_start3A_137 : memref<1x1x100xi32, #tpu.memory_space<vmem>> -> memref<100xi32, #tpu.memory_space<vmem>>
    %dma_start3A_139 = arith.constant 0 : i32
    %dma_start3A_140 = arith.constant 0 : i32
    %dma_start3A_141 = tpu.memref_slice %arg2[%dma_start3A_139, %dma_start3A_140] : memref<1000000x64xf32, #tpu.memory_space<hbm>> -> memref<1000000x64xf32, #tpu.memory_space<hbm>>
    tpu.enqueue_indirect_dma source(%dma_start3A_141 : memref<1000000x64xf32, #tpu.memory_space<hbm>>) target(%dma_start3A_135 : memref<100x64xf32, #tpu.memory_space<vmem>>) offsets(%dma_start3A_138 : memref<100xi32, #tpu.memory_space<vmem>>) semaphore(%arg11 : memref<!tpu.dma_semaphore, #tpu.memory_space<semaphore_mem>>)
    %dma_wait3A_142 = arith.constant 1 : i32
    %dma_wait3A_143 = arith.constant 0 : i32
    %dma_wait3A_144 = arith.constant 1 : i32
    %dma_wait3A_145 = arith.constant 0 : i32
    %dma_wait3A_146 = arith.constant 0 : i32
    %dma_wait3A_147 = tpu.memref_slice %arg7[%dma_wait3A_144, %dma_wait3A_145, %dma_wait3A_146] : memref<4x200x64xf32, #tpu.memory_space<vmem>> -> memref<1x100x64xf32, #tpu.memory_space<vmem>>
    %dma_wait3A_148 = tpu.memref_squeeze %dma_wait3A_147 : memref<1x100x64xf32, #tpu.memory_space<vmem>> -> memref<100x64xf32, #tpu.memory_space<vmem>>
    %dma_wait3A_149 = arith.constant 0 : i32
    %dma_wait3A_150 = tpu.memref_slice %arg6[%dma_wait3A_142, %dma_wait3A_143, %dma_wait3A_149] : memref<4x2x100xi32, #tpu.memory_space<vmem>> -> memref<1x1x100xi32, #tpu.memory_space<vmem>>
    %dma_wait3A_151 = tpu.memref_squeeze %dma_wait3A_150 : memref<1x1x100xi32, #tpu.memory_space<vmem>> -> memref<100xi32, #tpu.memory_space<vmem>>
    %dma_wait3A_152 = arith.constant 0 : i32
    %dma_wait3A_153 = arith.constant 0 : i32
    %dma_wait3A_154 = tpu.memref_slice %arg2[%dma_wait3A_152, %dma_wait3A_153] : memref<1000000x64xf32, #tpu.memory_space<hbm>> -> memref<1000000x64xf32, #tpu.memory_space<hbm>>
    tpu.wait_indirect_dma semaphore(%arg10 : memref<!tpu.dma_semaphore, #tpu.memory_space<semaphore_mem>>) src(%dma_wait3A_154 : memref<1000000x64xf32, #tpu.memory_space<hbm>>) dst(%dma_wait3A_148 : memref<100x64xf32, #tpu.memory_space<vmem>>)
    %dma_wait3A_155 = arith.constant 1 : i32
    %dma_wait3A_156 = arith.constant 1 : i32
    %dma_wait3A_157 = arith.constant 1 : i32
    %dma_wait3A_158 = arith.constant 100 : i32
    %dma_wait3A_159 = arith.constant 0 : i32
    %dma_wait3A_160 = tpu.memref_slice %arg7[%dma_wait3A_157, %dma_wait3A_158, %dma_wait3A_159] : memref<4x200x64xf32, #tpu.memory_space<vmem>> -> memref<1x100x64xf32, #tpu.memory_space<vmem>>
    %dma_wait3A_161 = tpu.memref_squeeze %dma_wait3A_160 : memref<1x100x64xf32, #tpu.memory_space<vmem>> -> memref<100x64xf32, #tpu.memory_space<vmem>>
    %dma_wait3A_162 = arith.constant 0 : i32
    %dma_wait3A_163 = tpu.memref_slice %arg6[%dma_wait3A_155, %dma_wait3A_156, %dma_wait3A_162] : memref<4x2x100xi32, #tpu.memory_space<vmem>> -> memref<1x1x100xi32, #tpu.memory_space<vmem>>
    %dma_wait3A_164 = tpu.memref_squeeze %dma_wait3A_163 : memref<1x1x100xi32, #tpu.memory_space<vmem>> -> memref<100xi32, #tpu.memory_space<vmem>>
    %dma_wait3A_165 = arith.constant 0 : i32
    %dma_wait3A_166 = arith.constant 0 : i32
    %dma_wait3A_167 = tpu.memref_slice %arg2[%dma_wait3A_165, %dma_wait3A_166] : memref<1000000x64xf32, #tpu.memory_space<hbm>> -> memref<1000000x64xf32, #tpu.memory_space<hbm>>
    tpu.wait_indirect_dma semaphore(%arg10 : memref<!tpu.dma_semaphore, #tpu.memory_space<semaphore_mem>>) src(%dma_wait3A_167 : memref<1000000x64xf32, #tpu.memory_space<hbm>>) dst(%dma_wait3A_161 : memref<100x64xf32, #tpu.memory_space<vmem>>)
    %parallel_loop3A_168 = arith.constant 0 : i32
    %parallel_loop3A_169 = arith.constant 200 : i32
    %parallel_loop3A_170 = arith.constant 1 : i32
    scf.for %parallel_loop3A_797 = %parallel_loop3A_168 to %parallel_loop3A_169 step %parallel_loop3A_170  : i32 {
      %parallel_loop3A_798 = arith.index_cast %parallel_loop3A_797 : i32 to index
      %parallel_loop3A_799 = arith.constant 0 : index
      %parallel_loop3A_800 = tpu.vector_load %arg8[%parallel_loop3A_798, %parallel_loop3A_799] {strides = array<i32>} : memref<200x64xf32, #tpu.memory_space<vmem>>, vector<1x16xf32>,
      %parallel_loop3A_801 = vector.shape_cast %parallel_loop3A_800 : vector<1x16xf32> to vector<16xf32>
      %parallel_loop3A_802 = arith.constant 1 : i32
      %parallel_loop3A_803 = arith.index_cast %parallel_loop3A_802 : i32 to index
      %parallel_loop3A_804 = arith.index_cast %parallel_loop3A_797 : i32 to index
      %parallel_loop3A_805 = arith.constant 0 : index
      %parallel_loop3A_806 = tpu.vector_load %arg7[%parallel_loop3A_803, %parallel_loop3A_804, %parallel_loop3A_805] {strides = array<i32>} : memref<4x200x64xf32, #tpu.memory_space<vmem>>, vector<1x1x16xf32>,
      %parallel_loop3A_807 = vector.shape_cast %parallel_loop3A_806 : vector<1x1x16xf32> to vector<16xf32>
      %parallel_loop3A_808 = vector.shape_cast %parallel_loop3A_801 : vector<16xf32> to vector<1x1x16xf32>
      tpu.vector_store %arg7[%parallel_loop3A_803, %parallel_loop3A_804, %parallel_loop3A_805], %parallel_loop3A_808 {add = true, strides = array<i32>} : memref<4x200x64xf32, #tpu.memory_space<vmem>>, vector<1x1x16xf32>,
      %parallel_loop3A_809 = arith.index_cast %parallel_loop3A_797 : i32 to index
      %parallel_loop3A_810 = arith.constant 16 : index
      %parallel_loop3A_811 = tpu.vector_load %arg8[%parallel_loop3A_809, %parallel_loop3A_810] {strides = array<i32>} : memref<200x64xf32, #tpu.memory_space<vmem>>, vector<1x16xf32>,
      %parallel_loop3A_812 = vector.shape_cast %parallel_loop3A_811 : vector<1x16xf32> to vector<16xf32>
      %parallel_loop3A_813 = arith.constant 1 : i32
      %parallel_loop3A_814 = arith.index_cast %parallel_loop3A_813 : i32 to index
      %parallel_loop3A_815 = arith.index_cast %parallel_loop3A_797 : i32 to index
      %parallel_loop3A_816 = arith.constant 16 : index
      %parallel_loop3A_817 = tpu.vector_load %arg7[%parallel_loop3A_814, %parallel_loop3A_815, %parallel_loop3A_816] {strides = array<i32>} : memref<4x200x64xf32, #tpu.memory_space<vmem>>, vector<1x1x16xf32>,
      %parallel_loop3A_818 = vector.shape_cast %parallel_loop3A_817 : vector<1x1x16xf32> to vector<16xf32>
      %parallel_loop3A_819 = vector.shape_cast %parallel_loop3A_812 : vector<16xf32> to vector<1x1x16xf32>
      tpu.vector_store %arg7[%parallel_loop3A_814, %parallel_loop3A_815, %parallel_loop3A_816], %parallel_loop3A_819 {add = true, strides = array<i32>} : memref<4x200x64xf32, #tpu.memory_space<vmem>>, vector<1x1x16xf32>,
      %parallel_loop3A_820 = arith.index_cast %parallel_loop3A_797 : i32 to index
      %parallel_loop3A_821 = arith.constant 32 : index
      %parallel_loop3A_822 = tpu.vector_load %arg8[%parallel_loop3A_820, %parallel_loop3A_821] {strides = array<i32>} : memref<200x64xf32, #tpu.memory_space<vmem>>, vector<1x16xf32>,
      %parallel_loop3A_823 = vector.shape_cast %parallel_loop3A_822 : vector<1x16xf32> to vector<16xf32>
      %parallel_loop3A_824 = arith.constant 1 : i32
      %parallel_loop3A_825 = arith.index_cast %parallel_loop3A_824 : i32 to index
      %parallel_loop3A_826 = arith.index_cast %parallel_loop3A_797 : i32 to index
      %parallel_loop3A_827 = arith.constant 32 : index
      %parallel_loop3A_828 = tpu.vector_load %arg7[%parallel_loop3A_825, %parallel_loop3A_826, %parallel_loop3A_827] {strides = array<i32>} : memref<4x200x64xf32, #tpu.memory_space<vmem>>, vector<1x1x16xf32>,
      %parallel_loop3A_829 = vector.shape_cast %parallel_loop3A_828 : vector<1x1x16xf32> to vector<16xf32>
      %parallel_loop3A_830 = vector.shape_cast %parallel_loop3A_823 : vector<16xf32> to vector<1x1x16xf32>
      tpu.vector_store %arg7[%parallel_loop3A_825, %parallel_loop3A_826, %parallel_loop3A_827], %parallel_loop3A_830 {add = true, strides = array<i32>} : memref<4x200x64xf32, #tpu.memory_space<vmem>>, vector<1x1x16xf32>,
      %parallel_loop3A_831 = arith.index_cast %parallel_loop3A_797 : i32 to index
      %parallel_loop3A_832 = arith.constant 48 : index
      %parallel_loop3A_833 = tpu.vector_load %arg8[%parallel_loop3A_831, %parallel_loop3A_832] {strides = array<i32>} : memref<200x64xf32, #tpu.memory_space<vmem>>, vector<1x16xf32>,
      %parallel_loop3A_834 = vector.shape_cast %parallel_loop3A_833 : vector<1x16xf32> to vector<16xf32>
      %parallel_loop3A_835 = arith.constant 1 : i32
      %parallel_loop3A_836 = arith.index_cast %parallel_loop3A_835 : i32 to index
      %parallel_loop3A_837 = arith.index_cast %parallel_loop3A_797 : i32 to index
      %parallel_loop3A_838 = arith.constant 48 : index
      %parallel_loop3A_839 = tpu.vector_load %arg7[%parallel_loop3A_836, %parallel_loop3A_837, %parallel_loop3A_838] {strides = array<i32>} : memref<4x200x64xf32, #tpu.memory_space<vmem>>, vector<1x1x16xf32>,
      %parallel_loop3A_840 = vector.shape_cast %parallel_loop3A_839 : vector<1x1x16xf32> to vector<16xf32>
      %parallel_loop3A_841 = vector.shape_cast %parallel_loop3A_834 : vector<16xf32> to vector<1x1x16xf32>
      tpu.vector_store %arg7[%parallel_loop3A_836, %parallel_loop3A_837, %parallel_loop3A_838], %parallel_loop3A_841 {add = true, strides = array<i32>} : memref<4x200x64xf32, #tpu.memory_space<vmem>>, vector<1x1x16xf32>,
    } {sc.loop_unroll_factor = 4 : i64, sc.parallel_access}
    %mul3A_171 = arith.constant 128 : i32
    %mul3A_172 = arith.muli %add3A, %mul3A_171 : i32
    %add3A_173 = arith.constant 1 : i32
    %add3A_174 = arith.addi %mul3A_172, %add3A_173 : i32
    %dma_start3A_175 = arith.constant 1 : i32
    %dma_start3A_176 = arith.constant 0 : i32
    %dma_start3A_177 = arith.constant 0 : i32
    %dma_start3A_178 = tpu.memref_slice %arg7[%dma_start3A_175, %dma_start3A_176, %dma_start3A_177] : memref<4x200x64xf32, #tpu.memory_space<vmem>> -> memref<1x200x64xf32, #tpu.memory_space<vmem>>
    %dma_start3A_179 = tpu.memref_squeeze %dma_start3A_178 : memref<1x200x64xf32, #tpu.memory_space<vmem>> -> memref<200x64xf32, #tpu.memory_space<vmem>>
    %dma_start3A_180 = arith.constant 0 : i32
    %dma_start3A_181 = arith.constant 0 : i32
    %dma_start3A_182 = tpu.memref_slice %arg5[%add3A_174, %dma_start3A_180, %dma_start3A_181] : memref<4096x200x64xf32, #tpu.memory_space<hbm>> -> memref<1x200x64xf32, #tpu.memory_space<hbm>>
    %dma_start3A_183 = tpu.memref_squeeze %dma_start3A_182 : memref<1x200x64xf32, #tpu.memory_space<hbm>> -> memref<200x64xf32, #tpu.memory_space<hbm>>
    %dma_start3A_184 = arith.constant 0 : i32
    %dma_start3A_185 = arith.constant 0 : i32
    %dma_start3A_186 = tpu.memref_slice %arg5[%add3A_174, %dma_start3A_184, %dma_start3A_185] : memref<4096x200x64xf32, #tpu.memory_space<hbm>> -> memref<1x200x64xf32, #tpu.memory_space<hbm>>
    %dma_start3A_187 = tpu.memref_squeeze %dma_start3A_186 : memref<1x200x64xf32, #tpu.memory_space<hbm>> -> memref<200x64xf32, #tpu.memory_space<hbm>>
    %dma_start3A_188 = arith.constant 0 : i32
    %dma_start3A_189 = arith.constant 0 : i32
    %dma_start3A_190 = tpu.memref_slice %arg7[%dma_start3A_175, %dma_start3A_188, %dma_start3A_189] : memref<4x200x64xf32, #tpu.memory_space<vmem>> -> memref<1x200x64xf32, #tpu.memory_space<vmem>>
    %dma_start3A_191 = tpu.memref_squeeze %dma_start3A_190 : memref<1x200x64xf32, #tpu.memory_space<vmem>> -> memref<200x64xf32, #tpu.memory_space<vmem>>
    tpu.enqueue_dma source(%dma_start3A_191 : memref<200x64xf32, #tpu.memory_space<vmem>>) target(%dma_start3A_187 : memref<200x64xf32, #tpu.memory_space<hbm>>) target_semaphore(%arg14 : memref<!tpu.dma_semaphore, #tpu.memory_space<semaphore_mem>>)
    %mul3A_192 = arith.constant 128 : i32
    %mul3A_193 = arith.muli %add3A, %mul3A_192 : i32
    %add3A_194 = arith.constant 3 : i32
    %add3A_195 = arith.addi %mul3A_193, %add3A_194 : i32
    %run_scoped3A_196 = arith.constant 3 : i32
    "tpu.region"() ({
      %run_scoped3A_797 = tpu.sem_alloc : memref<!tpu.dma_semaphore, #tpu.memory_space<semaphore_mem>>
      %dma_start3A_798 = arith.constant 0 : i32
      %dma_start3A_799 = arith.constant 0 : i32
      %dma_start3A_800 = tpu.memref_slice %arg6[%run_scoped3A_196, %dma_start3A_798, %dma_start3A_799] : memref<4x2x100xi32, #tpu.memory_space<vmem>> -> memref<1x2x100xi32, #tpu.memory_space<vmem>>
      %dma_start3A_801 = tpu.memref_squeeze %dma_start3A_800 : memref<1x2x100xi32, #tpu.memory_space<vmem>> -> memref<2x100xi32, #tpu.memory_space<vmem>>
      %dma_start3A_802 = arith.constant 0 : i32
      %dma_start3A_803 = arith.constant 0 : i32
      %dma_start3A_804 = tpu.memref_slice %arg3[%add3A_195, %dma_start3A_802, %dma_start3A_803] : memref<4096x2x100xi32, #tpu.memory_space<hbm>> -> memref<1x2x100xi32, #tpu.memory_space<hbm>>
      %dma_start3A_805 = tpu.memref_squeeze %dma_start3A_804 : memref<1x2x100xi32, #tpu.memory_space<hbm>> -> memref<2x100xi32, #tpu.memory_space<hbm>>
      %dma_start3A_806 = arith.constant 0 : i32
      %dma_start3A_807 = arith.constant 0 : i32
      %dma_start3A_808 = tpu.memref_slice %arg6[%run_scoped3A_196, %dma_start3A_806, %dma_start3A_807] : memref<4x2x100xi32, #tpu.memory_space<vmem>> -> memref<1x2x100xi32, #tpu.memory_space<vmem>>
      %dma_start3A_809 = tpu.memref_squeeze %dma_start3A_808 : memref<1x2x100xi32, #tpu.memory_space<vmem>> -> memref<2x100xi32, #tpu.memory_space<vmem>>
      %dma_start3A_810 = arith.constant 0 : i32
      %dma_start3A_811 = arith.constant 0 : i32
      %dma_start3A_812 = tpu.memref_slice %arg3[%add3A_195, %dma_start3A_810, %dma_start3A_811] : memref<4096x2x100xi32, #tpu.memory_space<hbm>> -> memref<1x2x100xi32, #tpu.memory_space<hbm>>
      %dma_start3A_813 = tpu.memref_squeeze %dma_start3A_812 : memref<1x2x100xi32, #tpu.memory_space<hbm>> -> memref<2x100xi32, #tpu.memory_space<hbm>>
      tpu.enqueue_dma source(%dma_start3A_813 : memref<2x100xi32, #tpu.memory_space<hbm>>) target(%dma_start3A_809 : memref<2x100xi32, #tpu.memory_space<vmem>>) target_semaphore(%run_scoped3A_797 : memref<!tpu.dma_semaphore, #tpu.memory_space<semaphore_mem>>)
      %dma_wait3A_814 = arith.constant 0 : i32
      %dma_wait3A_815 = arith.constant 0 : i32
      %dma_wait3A_816 = tpu.memref_slice %arg6[%run_scoped3A_196, %dma_wait3A_814, %dma_wait3A_815] : memref<4x2x100xi32, #tpu.memory_space<vmem>> -> memref<1x2x100xi32, #tpu.memory_space<vmem>>
      %dma_wait3A_817 = tpu.memref_squeeze %dma_wait3A_816 : memref<1x2x100xi32, #tpu.memory_space<vmem>> -> memref<2x100xi32, #tpu.memory_space<vmem>>
      %dma_wait3A_818 = arith.constant 0 : i32
      %dma_wait3A_819 = arith.constant 0 : i32
      %dma_wait3A_820 = tpu.memref_slice %arg3[%add3A_195, %dma_wait3A_818, %dma_wait3A_819] : memref<4096x2x100xi32, #tpu.memory_space<hbm>> -> memref<1x2x100xi32, #tpu.memory_space<hbm>>
      %dma_wait3A_821 = tpu.memref_squeeze %dma_wait3A_820 : memref<1x2x100xi32, #tpu.memory_space<hbm>> -> memref<2x100xi32, #tpu.memory_space<hbm>>
      %dma_wait3A_822 = arith.constant 0 : i32
      %dma_wait3A_823 = arith.constant 0 : i32
      %dma_wait3A_824 = tpu.memref_slice %arg6[%run_scoped3A_196, %dma_wait3A_822, %dma_wait3A_823] : memref<4x2x100xi32, #tpu.memory_space<vmem>> -> memref<1x2x100xi32, #tpu.memory_space<vmem>>
      %dma_wait3A_825 = tpu.memref_squeeze %dma_wait3A_824 : memref<1x2x100xi32, #tpu.memory_space<vmem>> -> memref<2x100xi32, #tpu.memory_space<vmem>>
      %dma_wait3A_826 = arith.constant 0 : i32
      %dma_wait3A_827 = arith.constant 0 : i32
      %dma_wait3A_828 = tpu.memref_slice %arg3[%add3A_195, %dma_wait3A_826, %dma_wait3A_827] : memref<4096x2x100xi32, #tpu.memory_space<hbm>> -> memref<1x2x100xi32, #tpu.memory_space<hbm>>
      %dma_wait3A_829 = tpu.memref_squeeze %dma_wait3A_828 : memref<1x2x100xi32, #tpu.memory_space<hbm>> -> memref<2x100xi32, #tpu.memory_space<hbm>>
      tpu.wait_dma2 semaphore(%run_scoped3A_797 : memref<!tpu.dma_semaphore, #tpu.memory_space<semaphore_mem>>) src(%dma_wait3A_829 : memref<2x100xi32, #tpu.memory_space<hbm>>) dst(%dma_wait3A_825 : memref<2x100xi32, #tpu.memory_space<vmem>>)
      tpu.yield
    }) : () -> ()
    %dma_start3A_197 = arith.constant 3 : i32
    %dma_start3A_198 = arith.constant 0 : i32
    %dma_start3A_199 = arith.constant 3 : i32
    %dma_start3A_200 = arith.constant 0 : i32
    %dma_start3A_201 = arith.constant 0 : i32
    %dma_start3A_202 = tpu.memref_slice %arg7[%dma_start3A_199, %dma_start3A_200, %dma_start3A_201] : memref<4x200x64xf32, #tpu.memory_space<vmem>> -> memref<1x100x64xf32, #tpu.memory_space<vmem>>
    %dma_start3A_203 = tpu.memref_squeeze %dma_start3A_202 : memref<1x100x64xf32, #tpu.memory_space<vmem>> -> memref<100x64xf32, #tpu.memory_space<vmem>>
    %dma_start3A_204 = arith.constant 0 : i32
    %dma_start3A_205 = tpu.memref_slice %arg6[%dma_start3A_197, %dma_start3A_198, %dma_start3A_204] : memref<4x2x100xi32, #tpu.memory_space<vmem>> -> memref<1x1x100xi32, #tpu.memory_space<vmem>>
    %dma_start3A_206 = tpu.memref_squeeze %dma_start3A_205 : memref<1x1x100xi32, #tpu.memory_space<vmem>> -> memref<100xi32, #tpu.memory_space<vmem>>
    %dma_start3A_207 = arith.constant 0 : i32
    %dma_start3A_208 = arith.constant 0 : i32
    %dma_start3A_209 = tpu.memref_slice %arg2[%dma_start3A_207, %dma_start3A_208] : memref<1000000x64xf32, #tpu.memory_space<hbm>> -> memref<1000000x64xf32, #tpu.memory_space<hbm>>
    tpu.enqueue_indirect_dma source(%dma_start3A_209 : memref<1000000x64xf32, #tpu.memory_space<hbm>>) target(%dma_start3A_203 : memref<100x64xf32, #tpu.memory_space<vmem>>) offsets(%dma_start3A_206 : memref<100xi32, #tpu.memory_space<vmem>>) semaphore(%arg12 : memref<!tpu.dma_semaphore, #tpu.memory_space<semaphore_mem>>)
    %dma_start3A_210 = arith.constant 3 : i32
    %dma_start3A_211 = arith.constant 1 : i32
    %dma_start3A_212 = arith.constant 3 : i32
    %dma_start3A_213 = arith.constant 100 : i32
    %dma_start3A_214 = arith.constant 0 : i32
    %dma_start3A_215 = tpu.memref_slice %arg7[%dma_start3A_212, %dma_start3A_213, %dma_start3A_214] : memref<4x200x64xf32, #tpu.memory_space<vmem>> -> memref<1x100x64xf32, #tpu.memory_space<vmem>>
    %dma_start3A_216 = tpu.memref_squeeze %dma_start3A_215 : memref<1x100x64xf32, #tpu.memory_space<vmem>> -> memref<100x64xf32, #tpu.memory_space<vmem>>
    %dma_start3A_217 = arith.constant 0 : i32
    %dma_start3A_218 = tpu.memref_slice %arg6[%dma_start3A_210, %dma_start3A_211, %dma_start3A_217] : memref<4x2x100xi32, #tpu.memory_space<vmem>> -> memref<1x1x100xi32, #tpu.memory_space<vmem>>
    %dma_start3A_219 = tpu.memref_squeeze %dma_start3A_218 : memref<1x1x100xi32, #tpu.memory_space<vmem>> -> memref<100xi32, #tpu.memory_space<vmem>>
    %dma_start3A_220 = arith.constant 0 : i32
    %dma_start3A_221 = arith.constant 0 : i32
    %dma_start3A_222 = tpu.memref_slice %arg2[%dma_start3A_220, %dma_start3A_221] : memref<1000000x64xf32, #tpu.memory_space<hbm>> -> memref<1000000x64xf32, #tpu.memory_space<hbm>>
    tpu.enqueue_indirect_dma source(%dma_start3A_222 : memref<1000000x64xf32, #tpu.memory_space<hbm>>) target(%dma_start3A_216 : memref<100x64xf32, #tpu.memory_space<vmem>>) offsets(%dma_start3A_219 : memref<100xi32, #tpu.memory_space<vmem>>) semaphore(%arg12 : memref<!tpu.dma_semaphore, #tpu.memory_space<semaphore_mem>>)
    %dma_wait3A_223 = arith.constant 2 : i32
    %dma_wait3A_224 = arith.constant 0 : i32
    %dma_wait3A_225 = arith.constant 2 : i32
    %dma_wait3A_226 = arith.constant 0 : i32
    %dma_wait3A_227 = arith.constant 0 : i32
    %dma_wait3A_228 = tpu.memref_slice %arg7[%dma_wait3A_225, %dma_wait3A_226, %dma_wait3A_227] : memref<4x200x64xf32, #tpu.memory_space<vmem>> -> memref<1x100x64xf32, #tpu.memory_space<vmem>>
    %dma_wait3A_229 = tpu.memref_squeeze %dma_wait3A_228 : memref<1x100x64xf32, #tpu.memory_space<vmem>> -> memref<100x64xf32, #tpu.memory_space<vmem>>
    %dma_wait3A_230 = arith.constant 0 : i32
    %dma_wait3A_231 = tpu.memref_slice %arg6[%dma_wait3A_223, %dma_wait3A_224, %dma_wait3A_230] : memref<4x2x100xi32, #tpu.memory_space<vmem>> -> memref<1x1x100xi32, #tpu.memory_space<vmem>>
    %dma_wait3A_232 = tpu.memref_squeeze %dma_wait3A_231 : memref<1x1x100xi32, #tpu.memory_space<vmem>> -> memref<100xi32, #tpu.memory_space<vmem>>
    %dma_wait3A_233 = arith.constant 0 : i32
    %dma_wait3A_234 = arith.constant 0 : i32
    %dma_wait3A_235 = tpu.memref_slice %arg2[%dma_wait3A_233, %dma_wait3A_234] : memref<1000000x64xf32, #tpu.memory_space<hbm>> -> memref<1000000x64xf32, #tpu.memory_space<hbm>>
    tpu.wait_indirect_dma semaphore(%arg11 : memref<!tpu.dma_semaphore, #tpu.memory_space<semaphore_mem>>) src(%dma_wait3A_235 : memref<1000000x64xf32, #tpu.memory_space<hbm>>) dst(%dma_wait3A_229 : memref<100x64xf32, #tpu.memory_space<vmem>>)
    %dma_wait3A_236 = arith.constant 2 : i32
    %dma_wait3A_237 = arith.constant 1 : i32
    %dma_wait3A_238 = arith.constant 2 : i32
    %dma_wait3A_239 = arith.constant 100 : i32
    %dma_wait3A_240 = arith.constant 0 : i32
    %dma_wait3A_241 = tpu.memref_slice %arg7[%dma_wait3A_238, %dma_wait3A_239, %dma_wait3A_240] : memref<4x200x64xf32, #tpu.memory_space<vmem>> -> memref<1x100x64xf32, #tpu.memory_space<vmem>>
    %dma_wait3A_242 = tpu.memref_squeeze %dma_wait3A_241 : memref<1x100x64xf32, #tpu.memory_space<vmem>> -> memref<100x64xf32, #tpu.memory_space<vmem>>
    %dma_wait3A_243 = arith.constant 0 : i32
    %dma_wait3A_244 = tpu.memref_slice %arg6[%dma_wait3A_236, %dma_wait3A_237, %dma_wait3A_243] : memref<4x2x100xi32, #tpu.memory_space<vmem>> -> memref<1x1x100xi32, #tpu.memory_space<vmem>>
    %dma_wait3A_245 = tpu.memref_squeeze %dma_wait3A_244 : memref<1x1x100xi32, #tpu.memory_space<vmem>> -> memref<100xi32, #tpu.memory_space<vmem>>
    %dma_wait3A_246 = arith.constant 0 : i32
    %dma_wait3A_247 = arith.constant 0 : i32
    %dma_wait3A_248 = tpu.memref_slice %arg2[%dma_wait3A_246, %dma_wait3A_247] : memref<1000000x64xf32, #tpu.memory_space<hbm>> -> memref<1000000x64xf32, #tpu.memory_space<hbm>>
    tpu.wait_indirect_dma semaphore(%arg11 : memref<!tpu.dma_semaphore, #tpu.memory_space<semaphore_mem>>) src(%dma_wait3A_248 : memref<1000000x64xf32, #tpu.memory_space<hbm>>) dst(%dma_wait3A_242 : memref<100x64xf32, #tpu.memory_space<vmem>>)
    %parallel_loop3A_249 = arith.constant 0 : i32
    %parallel_loop3A_250 = arith.constant 200 : i32
    %parallel_loop3A_251 = arith.constant 1 : i32
    scf.for %parallel_loop3A_797 = %parallel_loop3A_249 to %parallel_loop3A_250 step %parallel_loop3A_251  : i32 {
      %parallel_loop3A_798 = arith.index_cast %parallel_loop3A_797 : i32 to index
      %parallel_loop3A_799 = arith.constant 0 : index
      %parallel_loop3A_800 = tpu.vector_load %arg8[%parallel_loop3A_798, %parallel_loop3A_799] {strides = array<i32>} : memref<200x64xf32, #tpu.memory_space<vmem>>, vector<1x16xf32>,
      %parallel_loop3A_801 = vector.shape_cast %parallel_loop3A_800 : vector<1x16xf32> to vector<16xf32>
      %parallel_loop3A_802 = arith.constant 2 : i32
      %parallel_loop3A_803 = arith.index_cast %parallel_loop3A_802 : i32 to index
      %parallel_loop3A_804 = arith.index_cast %parallel_loop3A_797 : i32 to index
      %parallel_loop3A_805 = arith.constant 0 : index
      %parallel_loop3A_806 = tpu.vector_load %arg7[%parallel_loop3A_803, %parallel_loop3A_804, %parallel_loop3A_805] {strides = array<i32>} : memref<4x200x64xf32, #tpu.memory_space<vmem>>, vector<1x1x16xf32>,
      %parallel_loop3A_807 = vector.shape_cast %parallel_loop3A_806 : vector<1x1x16xf32> to vector<16xf32>
      %parallel_loop3A_808 = vector.shape_cast %parallel_loop3A_801 : vector<16xf32> to vector<1x1x16xf32>
      tpu.vector_store %arg7[%parallel_loop3A_803, %parallel_loop3A_804, %parallel_loop3A_805], %parallel_loop3A_808 {add = true, strides = array<i32>} : memref<4x200x64xf32, #tpu.memory_space<vmem>>, vector<1x1x16xf32>,
      %parallel_loop3A_809 = arith.index_cast %parallel_loop3A_797 : i32 to index
      %parallel_loop3A_810 = arith.constant 16 : index
      %parallel_loop3A_811 = tpu.vector_load %arg8[%parallel_loop3A_809, %parallel_loop3A_810] {strides = array<i32>} : memref<200x64xf32, #tpu.memory_space<vmem>>, vector<1x16xf32>,
      %parallel_loop3A_812 = vector.shape_cast %parallel_loop3A_811 : vector<1x16xf32> to vector<16xf32>
      %parallel_loop3A_813 = arith.constant 2 : i32
      %parallel_loop3A_814 = arith.index_cast %parallel_loop3A_813 : i32 to index
      %parallel_loop3A_815 = arith.index_cast %parallel_loop3A_797 : i32 to index
      %parallel_loop3A_816 = arith.constant 16 : index
      %parallel_loop3A_817 = tpu.vector_load %arg7[%parallel_loop3A_814, %parallel_loop3A_815, %parallel_loop3A_816] {strides = array<i32>} : memref<4x200x64xf32, #tpu.memory_space<vmem>>, vector<1x1x16xf32>,
      %parallel_loop3A_818 = vector.shape_cast %parallel_loop3A_817 : vector<1x1x16xf32> to vector<16xf32>
      %parallel_loop3A_819 = vector.shape_cast %parallel_loop3A_812 : vector<16xf32> to vector<1x1x16xf32>
      tpu.vector_store %arg7[%parallel_loop3A_814, %parallel_loop3A_815, %parallel_loop3A_816], %parallel_loop3A_819 {add = true, strides = array<i32>} : memref<4x200x64xf32, #tpu.memory_space<vmem>>, vector<1x1x16xf32>,
      %parallel_loop3A_820 = arith.index_cast %parallel_loop3A_797 : i32 to index
      %parallel_loop3A_821 = arith.constant 32 : index
      %parallel_loop3A_822 = tpu.vector_load %arg8[%parallel_loop3A_820, %parallel_loop3A_821] {strides = array<i32>} : memref<200x64xf32, #tpu.memory_space<vmem>>, vector<1x16xf32>,
      %parallel_loop3A_823 = vector.shape_cast %parallel_loop3A_822 : vector<1x16xf32> to vector<16xf32>
      %parallel_loop3A_824 = arith.constant 2 : i32
      %parallel_loop3A_825 = arith.index_cast %parallel_loop3A_824 : i32 to index
      %parallel_loop3A_826 = arith.index_cast %parallel_loop3A_797 : i32 to index
      %parallel_loop3A_827 = arith.constant 32 : index
      %parallel_loop3A_828 = tpu.vector_load %arg7[%parallel_loop3A_825, %parallel_loop3A_826, %parallel_loop3A_827] {strides = array<i32>} : memref<4x200x64xf32, #tpu.memory_space<vmem>>, vector<1x1x16xf32>,
      %parallel_loop3A_829 = vector.shape_cast %parallel_loop3A_828 : vector<1x1x16xf32> to vector<16xf32>
      %parallel_loop3A_830 = vector.shape_cast %parallel_loop3A_823 : vector<16xf32> to vector<1x1x16xf32>
      tpu.vector_store %arg7[%parallel_loop3A_825, %parallel_loop3A_826, %parallel_loop3A_827], %parallel_loop3A_830 {add = true, strides = array<i32>} : memref<4x200x64xf32, #tpu.memory_space<vmem>>, vector<1x1x16xf32>,
      %parallel_loop3A_831 = arith.index_cast %parallel_loop3A_797 : i32 to index
      %parallel_loop3A_832 = arith.constant 48 : index
      %parallel_loop3A_833 = tpu.vector_load %arg8[%parallel_loop3A_831, %parallel_loop3A_832] {strides = array<i32>} : memref<200x64xf32, #tpu.memory_space<vmem>>, vector<1x16xf32>,
      %parallel_loop3A_834 = vector.shape_cast %parallel_loop3A_833 : vector<1x16xf32> to vector<16xf32>
      %parallel_loop3A_835 = arith.constant 2 : i32
      %parallel_loop3A_836 = arith.index_cast %parallel_loop3A_835 : i32 to index
      %parallel_loop3A_837 = arith.index_cast %parallel_loop3A_797 : i32 to index
      %parallel_loop3A_838 = arith.constant 48 : index
      %parallel_loop3A_839 = tpu.vector_load %arg7[%parallel_loop3A_836, %parallel_loop3A_837, %parallel_loop3A_838] {strides = array<i32>} : memref<4x200x64xf32, #tpu.memory_space<vmem>>, vector<1x1x16xf32>,
      %parallel_loop3A_840 = vector.shape_cast %parallel_loop3A_839 : vector<1x1x16xf32> to vector<16xf32>
      %parallel_loop3A_841 = vector.shape_cast %parallel_loop3A_834 : vector<16xf32> to vector<1x1x16xf32>
      tpu.vector_store %arg7[%parallel_loop3A_836, %parallel_loop3A_837, %parallel_loop3A_838], %parallel_loop3A_841 {add = true, strides = array<i32>} : memref<4x200x64xf32, #tpu.memory_space<vmem>>, vector<1x1x16xf32>,
    } {sc.loop_unroll_factor = 4 : i64, sc.parallel_access}
    %mul3A_252 = arith.constant 128 : i32
    %mul3A_253 = arith.muli %add3A, %mul3A_252 : i32
    %add3A_254 = arith.constant 2 : i32
    %add3A_255 = arith.addi %mul3A_253, %add3A_254 : i32
    %dma_start3A_256 = arith.constant 2 : i32
    %dma_start3A_257 = arith.constant 0 : i32
    %dma_start3A_258 = arith.constant 0 : i32
    %dma_start3A_259 = tpu.memref_slice %arg7[%dma_start3A_256, %dma_start3A_257, %dma_start3A_258] : memref<4x200x64xf32, #tpu.memory_space<vmem>> -> memref<1x200x64xf32, #tpu.memory_space<vmem>>
    %dma_start3A_260 = tpu.memref_squeeze %dma_start3A_259 : memref<1x200x64xf32, #tpu.memory_space<vmem>> -> memref<200x64xf32, #tpu.memory_space<vmem>>
    %dma_start3A_261 = arith.constant 0 : i32
    %dma_start3A_262 = arith.constant 0 : i32
    %dma_start3A_263 = tpu.memref_slice %arg5[%add3A_255, %dma_start3A_261, %dma_start3A_262] : memref<4096x200x64xf32, #tpu.memory_space<hbm>> -> memref<1x200x64xf32, #tpu.memory_space<hbm>>
    %dma_start3A_264 = tpu.memref_squeeze %dma_start3A_263 : memref<1x200x64xf32, #tpu.memory_space<hbm>> -> memref<200x64xf32, #tpu.memory_space<hbm>>
    %dma_start3A_265 = arith.constant 0 : i32
    %dma_start3A_266 = arith.constant 0 : i32
    %dma_start3A_267 = tpu.memref_slice %arg5[%add3A_255, %dma_start3A_265, %dma_start3A_266] : memref<4096x200x64xf32, #tpu.memory_space<hbm>> -> memref<1x200x64xf32, #tpu.memory_space<hbm>>
    %dma_start3A_268 = tpu.memref_squeeze %dma_start3A_267 : memref<1x200x64xf32, #tpu.memory_space<hbm>> -> memref<200x64xf32, #tpu.memory_space<hbm>>
    %dma_start3A_269 = arith.constant 0 : i32
    %dma_start3A_270 = arith.constant 0 : i32
    %dma_start3A_271 = tpu.memref_slice %arg7[%dma_start3A_256, %dma_start3A_269, %dma_start3A_270] : memref<4x200x64xf32, #tpu.memory_space<vmem>> -> memref<1x200x64xf32, #tpu.memory_space<vmem>>
    %dma_start3A_272 = tpu.memref_squeeze %dma_start3A_271 : memref<1x200x64xf32, #tpu.memory_space<vmem>> -> memref<200x64xf32, #tpu.memory_space<vmem>>
    tpu.enqueue_dma source(%dma_start3A_272 : memref<200x64xf32, #tpu.memory_space<vmem>>) target(%dma_start3A_268 : memref<200x64xf32, #tpu.memory_space<hbm>>) target_semaphore(%arg15 : memref<!tpu.dma_semaphore, #tpu.memory_space<semaphore_mem>>)
    %dma_wait3A_273 = arith.constant 0 : i32
    %dma_wait3A_274 = arith.constant 0 : i32
    %dma_wait3A_275 = arith.constant 0 : i32
    %dma_wait3A_276 = arith.constant 0 : i32
    %dma_wait3A_277 = tpu.memref_slice %arg7[%dma_wait3A_273, %dma_wait3A_275, %dma_wait3A_276] : memref<4x200x64xf32, #tpu.memory_space<vmem>> -> memref<1x200x64xf32, #tpu.memory_space<vmem>>
    %dma_wait3A_278 = tpu.memref_squeeze %dma_wait3A_277 : memref<1x200x64xf32, #tpu.memory_space<vmem>> -> memref<200x64xf32, #tpu.memory_space<vmem>>
    %dma_wait3A_279 = arith.constant 0 : i32
    %dma_wait3A_280 = arith.constant 0 : i32
    %dma_wait3A_281 = tpu.memref_slice %arg5[%dma_wait3A_274, %dma_wait3A_279, %dma_wait3A_280] : memref<4096x200x64xf32, #tpu.memory_space<hbm>> -> memref<1x200x64xf32, #tpu.memory_space<hbm>>
    %dma_wait3A_282 = tpu.memref_squeeze %dma_wait3A_281 : memref<1x200x64xf32, #tpu.memory_space<hbm>> -> memref<200x64xf32, #tpu.memory_space<hbm>>
    %dma_wait3A_283 = arith.constant 0 : i32
    %dma_wait3A_284 = arith.constant 0 : i32
    %dma_wait3A_285 = tpu.memref_slice %arg5[%dma_wait3A_274, %dma_wait3A_283, %dma_wait3A_284] : memref<4096x200x64xf32, #tpu.memory_space<hbm>> -> memref<1x200x64xf32, #tpu.memory_space<hbm>>
    %dma_wait3A_286 = tpu.memref_squeeze %dma_wait3A_285 : memref<1x200x64xf32, #tpu.memory_space<hbm>> -> memref<200x64xf32, #tpu.memory_space<hbm>>
    %dma_wait3A_287 = arith.constant 0 : i32
    %dma_wait3A_288 = arith.constant 0 : i32
    %dma_wait3A_289 = tpu.memref_slice %arg7[%dma_wait3A_273, %dma_wait3A_287, %dma_wait3A_288] : memref<4x200x64xf32, #tpu.memory_space<vmem>> -> memref<1x200x64xf32, #tpu.memory_space<vmem>>
    %dma_wait3A_290 = tpu.memref_squeeze %dma_wait3A_289 : memref<1x200x64xf32, #tpu.memory_space<vmem>> -> memref<200x64xf32, #tpu.memory_space<vmem>>
    tpu.wait_dma2 semaphore(%arg13 : memref<!tpu.dma_semaphore, #tpu.memory_space<semaphore_mem>>) src(%dma_wait3A_290 : memref<200x64xf32, #tpu.memory_space<vmem>>) dst(%dma_wait3A_286 : memref<200x64xf32, #tpu.memory_space<hbm>>)
    %mul3A_291 = arith.constant 128 : i32
    %mul3A_292 = arith.muli %add3A, %mul3A_291 : i32
    %add3A_293 = arith.constant 4 : i32
    %add3A_294 = arith.addi %mul3A_292, %add3A_293 : i32
    %run_scoped3A_295 = arith.constant 0 : i32
    "tpu.region"() ({
      %run_scoped3A_797 = tpu.sem_alloc : memref<!tpu.dma_semaphore, #tpu.memory_space<semaphore_mem>>
      %dma_start3A_798 = arith.constant 0 : i32
      %dma_start3A_799 = arith.constant 0 : i32
      %dma_start3A_800 = tpu.memref_slice %arg6[%run_scoped3A_295, %dma_start3A_798, %dma_start3A_799] : memref<4x2x100xi32, #tpu.memory_space<vmem>> -> memref<1x2x100xi32, #tpu.memory_space<vmem>>
      %dma_start3A_801 = tpu.memref_squeeze %dma_start3A_800 : memref<1x2x100xi32, #tpu.memory_space<vmem>> -> memref<2x100xi32, #tpu.memory_space<vmem>>
      %dma_start3A_802 = arith.constant 0 : i32
      %dma_start3A_803 = arith.constant 0 : i32
      %dma_start3A_804 = tpu.memref_slice %arg3[%add3A_294, %dma_start3A_802, %dma_start3A_803] : memref<4096x2x100xi32, #tpu.memory_space<hbm>> -> memref<1x2x100xi32, #tpu.memory_space<hbm>>
      %dma_start3A_805 = tpu.memref_squeeze %dma_start3A_804 : memref<1x2x100xi32, #tpu.memory_space<hbm>> -> memref<2x100xi32, #tpu.memory_space<hbm>>
      %dma_start3A_806 = arith.constant 0 : i32
      %dma_start3A_807 = arith.constant 0 : i32
      %dma_start3A_808 = tpu.memref_slice %arg6[%run_scoped3A_295, %dma_start3A_806, %dma_start3A_807] : memref<4x2x100xi32, #tpu.memory_space<vmem>> -> memref<1x2x100xi32, #tpu.memory_space<vmem>>
      %dma_start3A_809 = tpu.memref_squeeze %dma_start3A_808 : memref<1x2x100xi32, #tpu.memory_space<vmem>> -> memref<2x100xi32, #tpu.memory_space<vmem>>
      %dma_start3A_810 = arith.constant 0 : i32
      %dma_start3A_811 = arith.constant 0 : i32
      %dma_start3A_812 = tpu.memref_slice %arg3[%add3A_294, %dma_start3A_810, %dma_start3A_811] : memref<4096x2x100xi32, #tpu.memory_space<hbm>> -> memref<1x2x100xi32, #tpu.memory_space<hbm>>
      %dma_start3A_813 = tpu.memref_squeeze %dma_start3A_812 : memref<1x2x100xi32, #tpu.memory_space<hbm>> -> memref<2x100xi32, #tpu.memory_space<hbm>>
      tpu.enqueue_dma source(%dma_start3A_813 : memref<2x100xi32, #tpu.memory_space<hbm>>) target(%dma_start3A_809 : memref<2x100xi32, #tpu.memory_space<vmem>>) target_semaphore(%run_scoped3A_797 : memref<!tpu.dma_semaphore, #tpu.memory_space<semaphore_mem>>)
      %dma_wait3A_814 = arith.constant 0 : i32
      %dma_wait3A_815 = arith.constant 0 : i32
      %dma_wait3A_816 = tpu.memref_slice %arg6[%run_scoped3A_295, %dma_wait3A_814, %dma_wait3A_815] : memref<4x2x100xi32, #tpu.memory_space<vmem>> -> memref<1x2x100xi32, #tpu.memory_space<vmem>>
      %dma_wait3A_817 = tpu.memref_squeeze %dma_wait3A_816 : memref<1x2x100xi32, #tpu.memory_space<vmem>> -> memref<2x100xi32, #tpu.memory_space<vmem>>
      %dma_wait3A_818 = arith.constant 0 : i32
      %dma_wait3A_819 = arith.constant 0 : i32
      %dma_wait3A_820 = tpu.memref_slice %arg3[%add3A_294, %dma_wait3A_818, %dma_wait3A_819] : memref<4096x2x100xi32, #tpu.memory_space<hbm>> -> memref<1x2x100xi32, #tpu.memory_space<hbm>>
      %dma_wait3A_821 = tpu.memref_squeeze %dma_wait3A_820 : memref<1x2x100xi32, #tpu.memory_space<hbm>> -> memref<2x100xi32, #tpu.memory_space<hbm>>
      %dma_wait3A_822 = arith.constant 0 : i32
      %dma_wait3A_823 = arith.constant 0 : i32
      %dma_wait3A_824 = tpu.memref_slice %arg6[%run_scoped3A_295, %dma_wait3A_822, %dma_wait3A_823] : memref<4x2x100xi32, #tpu.memory_space<vmem>> -> memref<1x2x100xi32, #tpu.memory_space<vmem>>
      %dma_wait3A_825 = tpu.memref_squeeze %dma_wait3A_824 : memref<1x2x100xi32, #tpu.memory_space<vmem>> -> memref<2x100xi32, #tpu.memory_space<vmem>>
      %dma_wait3A_826 = arith.constant 0 : i32
      %dma_wait3A_827 = arith.constant 0 : i32
      %dma_wait3A_828 = tpu.memref_slice %arg3[%add3A_294, %dma_wait3A_826, %dma_wait3A_827] : memref<4096x2x100xi32, #tpu.memory_space<hbm>> -> memref<1x2x100xi32, #tpu.memory_space<hbm>>
      %dma_wait3A_829 = tpu.memref_squeeze %dma_wait3A_828 : memref<1x2x100xi32, #tpu.memory_space<hbm>> -> memref<2x100xi32, #tpu.memory_space<hbm>>
      tpu.wait_dma2 semaphore(%run_scoped3A_797 : memref<!tpu.dma_semaphore, #tpu.memory_space<semaphore_mem>>) src(%dma_wait3A_829 : memref<2x100xi32, #tpu.memory_space<hbm>>) dst(%dma_wait3A_825 : memref<2x100xi32, #tpu.memory_space<vmem>>)
      tpu.yield
    }) : () -> ()
    %dma_start3A_296 = arith.constant 0 : i32
    %dma_start3A_297 = arith.constant 0 : i32
    %dma_start3A_298 = arith.constant 0 : i32
    %dma_start3A_299 = arith.constant 0 : i32
    %dma_start3A_300 = arith.constant 0 : i32
    %dma_start3A_301 = tpu.memref_slice %arg7[%dma_start3A_298, %dma_start3A_299, %dma_start3A_300] : memref<4x200x64xf32, #tpu.memory_space<vmem>> -> memref<1x100x64xf32, #tpu.memory_space<vmem>>
    %dma_start3A_302 = tpu.memref_squeeze %dma_start3A_301 : memref<1x100x64xf32, #tpu.memory_space<vmem>> -> memref<100x64xf32, #tpu.memory_space<vmem>>
    %dma_start3A_303 = arith.constant 0 : i32
    %dma_start3A_304 = tpu.memref_slice %arg6[%dma_start3A_296, %dma_start3A_297, %dma_start3A_303] : memref<4x2x100xi32, #tpu.memory_space<vmem>> -> memref<1x1x100xi32, #tpu.memory_space<vmem>>
    %dma_start3A_305 = tpu.memref_squeeze %dma_start3A_304 : memref<1x1x100xi32, #tpu.memory_space<vmem>> -> memref<100xi32, #tpu.memory_space<vmem>>
    %dma_start3A_306 = arith.constant 0 : i32
    %dma_start3A_307 = arith.constant 0 : i32
    %dma_start3A_308 = tpu.memref_slice %arg2[%dma_start3A_306, %dma_start3A_307] : memref<1000000x64xf32, #tpu.memory_space<hbm>> -> memref<1000000x64xf32, #tpu.memory_space<hbm>>
    tpu.enqueue_indirect_dma source(%dma_start3A_308 : memref<1000000x64xf32, #tpu.memory_space<hbm>>) target(%dma_start3A_302 : memref<100x64xf32, #tpu.memory_space<vmem>>) offsets(%dma_start3A_305 : memref<100xi32, #tpu.memory_space<vmem>>) semaphore(%arg9 : memref<!tpu.dma_semaphore, #tpu.memory_space<semaphore_mem>>)
    %dma_start3A_309 = arith.constant 0 : i32
    %dma_start3A_310 = arith.constant 1 : i32
    %dma_start3A_311 = arith.constant 0 : i32
    %dma_start3A_312 = arith.constant 100 : i32
    %dma_start3A_313 = arith.constant 0 : i32
    %dma_start3A_314 = tpu.memref_slice %arg7[%dma_start3A_311, %dma_start3A_312, %dma_start3A_313] : memref<4x200x64xf32, #tpu.memory_space<vmem>> -> memref<1x100x64xf32, #tpu.memory_space<vmem>>
    %dma_start3A_315 = tpu.memref_squeeze %dma_start3A_314 : memref<1x100x64xf32, #tpu.memory_space<vmem>> -> memref<100x64xf32, #tpu.memory_space<vmem>>
    %dma_start3A_316 = arith.constant 0 : i32
    %dma_start3A_317 = tpu.memref_slice %arg6[%dma_start3A_309, %dma_start3A_310, %dma_start3A_316] : memref<4x2x100xi32, #tpu.memory_space<vmem>> -> memref<1x1x100xi32, #tpu.memory_space<vmem>>
    %dma_start3A_318 = tpu.memref_squeeze %dma_start3A_317 : memref<1x1x100xi32, #tpu.memory_space<vmem>> -> memref<100xi32, #tpu.memory_space<vmem>>
    %dma_start3A_319 = arith.constant 0 : i32
    %dma_start3A_320 = arith.constant 0 : i32
    %dma_start3A_321 = tpu.memref_slice %arg2[%dma_start3A_319, %dma_start3A_320] : memref<1000000x64xf32, #tpu.memory_space<hbm>> -> memref<1000000x64xf32, #tpu.memory_space<hbm>>
    tpu.enqueue_indirect_dma source(%dma_start3A_321 : memref<1000000x64xf32, #tpu.memory_space<hbm>>) target(%dma_start3A_315 : memref<100x64xf32, #tpu.memory_space<vmem>>) offsets(%dma_start3A_318 : memref<100xi32, #tpu.memory_space<vmem>>) semaphore(%arg9 : memref<!tpu.dma_semaphore, #tpu.memory_space<semaphore_mem>>)
    %dma_wait3A_322 = arith.constant 3 : i32
    %dma_wait3A_323 = arith.constant 0 : i32
    %dma_wait3A_324 = arith.constant 3 : i32
    %dma_wait3A_325 = arith.constant 0 : i32
    %dma_wait3A_326 = arith.constant 0 : i32
    %dma_wait3A_327 = tpu.memref_slice %arg7[%dma_wait3A_324, %dma_wait3A_325, %dma_wait3A_326] : memref<4x200x64xf32, #tpu.memory_space<vmem>> -> memref<1x100x64xf32, #tpu.memory_space<vmem>>
    %dma_wait3A_328 = tpu.memref_squeeze %dma_wait3A_327 : memref<1x100x64xf32, #tpu.memory_space<vmem>> -> memref<100x64xf32, #tpu.memory_space<vmem>>
    %dma_wait3A_329 = arith.constant 0 : i32
    %dma_wait3A_330 = tpu.memref_slice %arg6[%dma_wait3A_322, %dma_wait3A_323, %dma_wait3A_329] : memref<4x2x100xi32, #tpu.memory_space<vmem>> -> memref<1x1x100xi32, #tpu.memory_space<vmem>>
    %dma_wait3A_331 = tpu.memref_squeeze %dma_wait3A_330 : memref<1x1x100xi32, #tpu.memory_space<vmem>> -> memref<100xi32, #tpu.memory_space<vmem>>
    %dma_wait3A_332 = arith.constant 0 : i32
    %dma_wait3A_333 = arith.constant 0 : i32
    %dma_wait3A_334 = tpu.memref_slice %arg2[%dma_wait3A_332, %dma_wait3A_333] : memref<1000000x64xf32, #tpu.memory_space<hbm>> -> memref<1000000x64xf32, #tpu.memory_space<hbm>>
    tpu.wait_indirect_dma semaphore(%arg12 : memref<!tpu.dma_semaphore, #tpu.memory_space<semaphore_mem>>) src(%dma_wait3A_334 : memref<1000000x64xf32, #tpu.memory_space<hbm>>) dst(%dma_wait3A_328 : memref<100x64xf32, #tpu.memory_space<vmem>>)
    %dma_wait3A_335 = arith.constant 3 : i32
    %dma_wait3A_336 = arith.constant 1 : i32
    %dma_wait3A_337 = arith.constant 3 : i32
    %dma_wait3A_338 = arith.constant 100 : i32
    %dma_wait3A_339 = arith.constant 0 : i32
    %dma_wait3A_340 = tpu.memref_slice %arg7[%dma_wait3A_337, %dma_wait3A_338, %dma_wait3A_339] : memref<4x200x64xf32, #tpu.memory_space<vmem>> -> memref<1x100x64xf32, #tpu.memory_space<vmem>>
    %dma_wait3A_341 = tpu.memref_squeeze %dma_wait3A_340 : memref<1x100x64xf32, #tpu.memory_space<vmem>> -> memref<100x64xf32, #tpu.memory_space<vmem>>
    %dma_wait3A_342 = arith.constant 0 : i32
    %dma_wait3A_343 = tpu.memref_slice %arg6[%dma_wait3A_335, %dma_wait3A_336, %dma_wait3A_342] : memref<4x2x100xi32, #tpu.memory_space<vmem>> -> memref<1x1x100xi32, #tpu.memory_space<vmem>>
    %dma_wait3A_344 = tpu.memref_squeeze %dma_wait3A_343 : memref<1x1x100xi32, #tpu.memory_space<vmem>> -> memref<100xi32, #tpu.memory_space<vmem>>
    %dma_wait3A_345 = arith.constant 0 : i32
    %dma_wait3A_346 = arith.constant 0 : i32
    %dma_wait3A_347 = tpu.memref_slice %arg2[%dma_wait3A_345, %dma_wait3A_346] : memref<1000000x64xf32, #tpu.memory_space<hbm>> -> memref<1000000x64xf32, #tpu.memory_space<hbm>>
    tpu.wait_indirect_dma semaphore(%arg12 : memref<!tpu.dma_semaphore, #tpu.memory_space<semaphore_mem>>) src(%dma_wait3A_347 : memref<1000000x64xf32, #tpu.memory_space<hbm>>) dst(%dma_wait3A_341 : memref<100x64xf32, #tpu.memory_space<vmem>>)
    %parallel_loop3A_348 = arith.constant 0 : i32
    %parallel_loop3A_349 = arith.constant 200 : i32
    %parallel_loop3A_350 = arith.constant 1 : i32
    scf.for %parallel_loop3A_797 = %parallel_loop3A_348 to %parallel_loop3A_349 step %parallel_loop3A_350  : i32 {
      %parallel_loop3A_798 = arith.index_cast %parallel_loop3A_797 : i32 to index
      %parallel_loop3A_799 = arith.constant 0 : index
      %parallel_loop3A_800 = tpu.vector_load %arg8[%parallel_loop3A_798, %parallel_loop3A_799] {strides = array<i32>} : memref<200x64xf32, #tpu.memory_space<vmem>>, vector<1x16xf32>,
      %parallel_loop3A_801 = vector.shape_cast %parallel_loop3A_800 : vector<1x16xf32> to vector<16xf32>
      %parallel_loop3A_802 = arith.constant 3 : i32
      %parallel_loop3A_803 = arith.index_cast %parallel_loop3A_802 : i32 to index
      %parallel_loop3A_804 = arith.index_cast %parallel_loop3A_797 : i32 to index
      %parallel_loop3A_805 = arith.constant 0 : index
      %parallel_loop3A_806 = tpu.vector_load %arg7[%parallel_loop3A_803, %parallel_loop3A_804, %parallel_loop3A_805] {strides = array<i32>} : memref<4x200x64xf32, #tpu.memory_space<vmem>>, vector<1x1x16xf32>,
      %parallel_loop3A_807 = vector.shape_cast %parallel_loop3A_806 : vector<1x1x16xf32> to vector<16xf32>
      %parallel_loop3A_808 = vector.shape_cast %parallel_loop3A_801 : vector<16xf32> to vector<1x1x16xf32>
      tpu.vector_store %arg7[%parallel_loop3A_803, %parallel_loop3A_804, %parallel_loop3A_805], %parallel_loop3A_808 {add = true, strides = array<i32>} : memref<4x200x64xf32, #tpu.memory_space<vmem>>, vector<1x1x16xf32>,
      %parallel_loop3A_809 = arith.index_cast %parallel_loop3A_797 : i32 to index
      %parallel_loop3A_810 = arith.constant 16 : index
      %parallel_loop3A_811 = tpu.vector_load %arg8[%parallel_loop3A_809, %parallel_loop3A_810] {strides = array<i32>} : memref<200x64xf32, #tpu.memory_space<vmem>>, vector<1x16xf32>,
      %parallel_loop3A_812 = vector.shape_cast %parallel_loop3A_811 : vector<1x16xf32> to vector<16xf32>
      %parallel_loop3A_813 = arith.constant 3 : i32
      %parallel_loop3A_814 = arith.index_cast %parallel_loop3A_813 : i32 to index
      %parallel_loop3A_815 = arith.index_cast %parallel_loop3A_797 : i32 to index
      %parallel_loop3A_816 = arith.constant 16 : index
      %parallel_loop3A_817 = tpu.vector_load %arg7[%parallel_loop3A_814, %parallel_loop3A_815, %parallel_loop3A_816] {strides = array<i32>} : memref<4x200x64xf32, #tpu.memory_space<vmem>>, vector<1x1x16xf32>,
      %parallel_loop3A_818 = vector.shape_cast %parallel_loop3A_817 : vector<1x1x16xf32> to vector<16xf32>
      %parallel_loop3A_819 = vector.shape_cast %parallel_loop3A_812 : vector<16xf32> to vector<1x1x16xf32>
      tpu.vector_store %arg7[%parallel_loop3A_814, %parallel_loop3A_815, %parallel_loop3A_816], %parallel_loop3A_819 {add = true, strides = array<i32>} : memref<4x200x64xf32, #tpu.memory_space<vmem>>, vector<1x1x16xf32>,
      %parallel_loop3A_820 = arith.index_cast %parallel_loop3A_797 : i32 to index
      %parallel_loop3A_821 = arith.constant 32 : index
      %parallel_loop3A_822 = tpu.vector_load %arg8[%parallel_loop3A_820, %parallel_loop3A_821] {strides = array<i32>} : memref<200x64xf32, #tpu.memory_space<vmem>>, vector<1x16xf32>,
      %parallel_loop3A_823 = vector.shape_cast %parallel_loop3A_822 : vector<1x16xf32> to vector<16xf32>
      %parallel_loop3A_824 = arith.constant 3 : i32
      %parallel_loop3A_825 = arith.index_cast %parallel_loop3A_824 : i32 to index
      %parallel_loop3A_826 = arith.index_cast %parallel_loop3A_797 : i32 to index
      %parallel_loop3A_827 = arith.constant 32 : index
      %parallel_loop3A_828 = tpu.vector_load %arg7[%parallel_loop3A_825, %parallel_loop3A_826, %parallel_loop3A_827] {strides = array<i32>} : memref<4x200x64xf32, #tpu.memory_space<vmem>>, vector<1x1x16xf32>,
      %parallel_loop3A_829 = vector.shape_cast %parallel_loop3A_828 : vector<1x1x16xf32> to vector<16xf32>
      %parallel_loop3A_830 = vector.shape_cast %parallel_loop3A_823 : vector<16xf32> to vector<1x1x16xf32>
      tpu.vector_store %arg7[%parallel_loop3A_825, %parallel_loop3A_826, %parallel_loop3A_827], %parallel_loop3A_830 {add = true, strides = array<i32>} : memref<4x200x64xf32, #tpu.memory_space<vmem>>, vector<1x1x16xf32>,
      %parallel_loop3A_831 = arith.index_cast %parallel_loop3A_797 : i32 to index
      %parallel_loop3A_832 = arith.constant 48 : index
      %parallel_loop3A_833 = tpu.vector_load %arg8[%parallel_loop3A_831, %parallel_loop3A_832] {strides = array<i32>} : memref<200x64xf32, #tpu.memory_space<vmem>>, vector<1x16xf32>,
      %parallel_loop3A_834 = vector.shape_cast %parallel_loop3A_833 : vector<1x16xf32> to vector<16xf32>
      %parallel_loop3A_835 = arith.constant 3 : i32
      %parallel_loop3A_836 = arith.index_cast %parallel_loop3A_835 : i32 to index
      %parallel_loop3A_837 = arith.index_cast %parallel_loop3A_797 : i32 to index
      %parallel_loop3A_838 = arith.constant 48 : index
      %parallel_loop3A_839 = tpu.vector_load %arg7[%parallel_loop3A_836, %parallel_loop3A_837, %parallel_loop3A_838] {strides = array<i32>} : memref<4x200x64xf32, #tpu.memory_space<vmem>>, vector<1x1x16xf32>,
      %parallel_loop3A_840 = vector.shape_cast %parallel_loop3A_839 : vector<1x1x16xf32> to vector<16xf32>
      %parallel_loop3A_841 = vector.shape_cast %parallel_loop3A_834 : vector<16xf32> to vector<1x1x16xf32>
      tpu.vector_store %arg7[%parallel_loop3A_836, %parallel_loop3A_837, %parallel_loop3A_838], %parallel_loop3A_841 {add = true, strides = array<i32>} : memref<4x200x64xf32, #tpu.memory_space<vmem>>, vector<1x1x16xf32>,
    } {sc.loop_unroll_factor = 4 : i64, sc.parallel_access}
    %mul3A_351 = arith.constant 128 : i32
    %mul3A_352 = arith.muli %add3A, %mul3A_351 : i32
    %add3A_353 = arith.constant 3 : i32
    %add3A_354 = arith.addi %mul3A_352, %add3A_353 : i32
    %dma_start3A_355 = arith.constant 3 : i32
    %dma_start3A_356 = arith.constant 0 : i32
    %dma_start3A_357 = arith.constant 0 : i32
    %dma_start3A_358 = tpu.memref_slice %arg7[%dma_start3A_355, %dma_start3A_356, %dma_start3A_357] : memref<4x200x64xf32, #tpu.memory_space<vmem>> -> memref<1x200x64xf32, #tpu.memory_space<vmem>>
    %dma_start3A_359 = tpu.memref_squeeze %dma_start3A_358 : memref<1x200x64xf32, #tpu.memory_space<vmem>> -> memref<200x64xf32, #tpu.memory_space<vmem>>
    %dma_start3A_360 = arith.constant 0 : i32
    %dma_start3A_361 = arith.constant 0 : i32
    %dma_start3A_362 = tpu.memref_slice %arg5[%add3A_354, %dma_start3A_360, %dma_start3A_361] : memref<4096x200x64xf32, #tpu.memory_space<hbm>> -> memref<1x200x64xf32, #tpu.memory_space<hbm>>
    %dma_start3A_363 = tpu.memref_squeeze %dma_start3A_362 : memref<1x200x64xf32, #tpu.memory_space<hbm>> -> memref<200x64xf32, #tpu.memory_space<hbm>>
    %dma_start3A_364 = arith.constant 0 : i32
    %dma_start3A_365 = arith.constant 0 : i32
    %dma_start3A_366 = tpu.memref_slice %arg5[%add3A_354, %dma_start3A_364, %dma_start3A_365] : memref<4096x200x64xf32, #tpu.memory_space<hbm>> -> memref<1x200x64xf32, #tpu.memory_space<hbm>>
    %dma_start3A_367 = tpu.memref_squeeze %dma_start3A_366 : memref<1x200x64xf32, #tpu.memory_space<hbm>> -> memref<200x64xf32, #tpu.memory_space<hbm>>
    %dma_start3A_368 = arith.constant 0 : i32
    %dma_start3A_369 = arith.constant 0 : i32
    %dma_start3A_370 = tpu.memref_slice %arg7[%dma_start3A_355, %dma_start3A_368, %dma_start3A_369] : memref<4x200x64xf32, #tpu.memory_space<vmem>> -> memref<1x200x64xf32, #tpu.memory_space<vmem>>
    %dma_start3A_371 = tpu.memref_squeeze %dma_start3A_370 : memref<1x200x64xf32, #tpu.memory_space<vmem>> -> memref<200x64xf32, #tpu.memory_space<vmem>>
    tpu.enqueue_dma source(%dma_start3A_371 : memref<200x64xf32, #tpu.memory_space<vmem>>) target(%dma_start3A_367 : memref<200x64xf32, #tpu.memory_space<hbm>>) target_semaphore(%arg16 : memref<!tpu.dma_semaphore, #tpu.memory_space<semaphore_mem>>)
    %dma_wait3A_372 = arith.constant 1 : i32
    %dma_wait3A_373 = arith.constant 0 : i32
    %dma_wait3A_374 = arith.constant 0 : i32
    %dma_wait3A_375 = arith.constant 0 : i32
    %dma_wait3A_376 = tpu.memref_slice %arg7[%dma_wait3A_372, %dma_wait3A_374, %dma_wait3A_375] : memref<4x200x64xf32, #tpu.memory_space<vmem>> -> memref<1x200x64xf32, #tpu.memory_space<vmem>>
    %dma_wait3A_377 = tpu.memref_squeeze %dma_wait3A_376 : memref<1x200x64xf32, #tpu.memory_space<vmem>> -> memref<200x64xf32, #tpu.memory_space<vmem>>
    %dma_wait3A_378 = arith.constant 0 : i32
    %dma_wait3A_379 = arith.constant 0 : i32
    %dma_wait3A_380 = tpu.memref_slice %arg5[%dma_wait3A_373, %dma_wait3A_378, %dma_wait3A_379] : memref<4096x200x64xf32, #tpu.memory_space<hbm>> -> memref<1x200x64xf32, #tpu.memory_space<hbm>>
    %dma_wait3A_381 = tpu.memref_squeeze %dma_wait3A_380 : memref<1x200x64xf32, #tpu.memory_space<hbm>> -> memref<200x64xf32, #tpu.memory_space<hbm>>
    %dma_wait3A_382 = arith.constant 0 : i32
    %dma_wait3A_383 = arith.constant 0 : i32
    %dma_wait3A_384 = tpu.memref_slice %arg5[%dma_wait3A_373, %dma_wait3A_382, %dma_wait3A_383] : memref<4096x200x64xf32, #tpu.memory_space<hbm>> -> memref<1x200x64xf32, #tpu.memory_space<hbm>>
    %dma_wait3A_385 = tpu.memref_squeeze %dma_wait3A_384 : memref<1x200x64xf32, #tpu.memory_space<hbm>> -> memref<200x64xf32, #tpu.memory_space<hbm>>
    %dma_wait3A_386 = arith.constant 0 : i32
    %dma_wait3A_387 = arith.constant 0 : i32
    %dma_wait3A_388 = tpu.memref_slice %arg7[%dma_wait3A_372, %dma_wait3A_386, %dma_wait3A_387] : memref<4x200x64xf32, #tpu.memory_space<vmem>> -> memref<1x200x64xf32, #tpu.memory_space<vmem>>
    %dma_wait3A_389 = tpu.memref_squeeze %dma_wait3A_388 : memref<1x200x64xf32, #tpu.memory_space<vmem>> -> memref<200x64xf32, #tpu.memory_space<vmem>>
    tpu.wait_dma2 semaphore(%arg14 : memref<!tpu.dma_semaphore, #tpu.memory_space<semaphore_mem>>) src(%dma_wait3A_389 : memref<200x64xf32, #tpu.memory_space<vmem>>) dst(%dma_wait3A_385 : memref<200x64xf32, #tpu.memory_space<hbm>>)
    %mul3A_390 = arith.constant 128 : i32
    %mul3A_391 = arith.muli %add3A, %mul3A_390 : i32
    %add3A_392 = arith.constant 5 : i32
    %add3A_393 = arith.addi %mul3A_391, %add3A_392 : i32
    %run_scoped3A_394 = arith.constant 1 : i32
    "tpu.region"() ({
      %run_scoped3A_797 = tpu.sem_alloc : memref<!tpu.dma_semaphore, #tpu.memory_space<semaphore_mem>>
      %dma_start3A_798 = arith.constant 0 : i32
      %dma_start3A_799 = arith.constant 0 : i32
      %dma_start3A_800 = tpu.memref_slice %arg6[%run_scoped3A_394, %dma_start3A_798, %dma_start3A_799] : memref<4x2x100xi32, #tpu.memory_space<vmem>> -> memref<1x2x100xi32, #tpu.memory_space<vmem>>
      %dma_start3A_801 = tpu.memref_squeeze %dma_start3A_800 : memref<1x2x100xi32, #tpu.memory_space<vmem>> -> memref<2x100xi32, #tpu.memory_space<vmem>>
      %dma_start3A_802 = arith.constant 0 : i32
      %dma_start3A_803 = arith.constant 0 : i32
      %dma_start3A_804 = tpu.memref_slice %arg3[%add3A_393, %dma_start3A_802, %dma_start3A_803] : memref<4096x2x100xi32, #tpu.memory_space<hbm>> -> memref<1x2x100xi32, #tpu.memory_space<hbm>>
      %dma_start3A_805 = tpu.memref_squeeze %dma_start3A_804 : memref<1x2x100xi32, #tpu.memory_space<hbm>> -> memref<2x100xi32, #tpu.memory_space<hbm>>
      %dma_start3A_806 = arith.constant 0 : i32
      %dma_start3A_807 = arith.constant 0 : i32
      %dma_start3A_808 = tpu.memref_slice %arg6[%run_scoped3A_394, %dma_start3A_806, %dma_start3A_807] : memref<4x2x100xi32, #tpu.memory_space<vmem>> -> memref<1x2x100xi32, #tpu.memory_space<vmem>>
      %dma_start3A_809 = tpu.memref_squeeze %dma_start3A_808 : memref<1x2x100xi32, #tpu.memory_space<vmem>> -> memref<2x100xi32, #tpu.memory_space<vmem>>
      %dma_start3A_810 = arith.constant 0 : i32
      %dma_start3A_811 = arith.constant 0 : i32
      %dma_start3A_812 = tpu.memref_slice %arg3[%add3A_393, %dma_start3A_810, %dma_start3A_811] : memref<4096x2x100xi32, #tpu.memory_space<hbm>> -> memref<1x2x100xi32, #tpu.memory_space<hbm>>
      %dma_start3A_813 = tpu.memref_squeeze %dma_start3A_812 : memref<1x2x100xi32, #tpu.memory_space<hbm>> -> memref<2x100xi32, #tpu.memory_space<hbm>>
      tpu.enqueue_dma source(%dma_start3A_813 : memref<2x100xi32, #tpu.memory_space<hbm>>) target(%dma_start3A_809 : memref<2x100xi32, #tpu.memory_space<vmem>>) target_semaphore(%run_scoped3A_797 : memref<!tpu.dma_semaphore, #tpu.memory_space<semaphore_mem>>)
      %dma_wait3A_814 = arith.constant 0 : i32
      %dma_wait3A_815 = arith.constant 0 : i32
      %dma_wait3A_816 = tpu.memref_slice %arg6[%run_scoped3A_394, %dma_wait3A_814, %dma_wait3A_815] : memref<4x2x100xi32, #tpu.memory_space<vmem>> -> memref<1x2x100xi32, #tpu.memory_space<vmem>>
      %dma_wait3A_817 = tpu.memref_squeeze %dma_wait3A_816 : memref<1x2x100xi32, #tpu.memory_space<vmem>> -> memref<2x100xi32, #tpu.memory_space<vmem>>
      %dma_wait3A_818 = arith.constant 0 : i32
      %dma_wait3A_819 = arith.constant 0 : i32
      %dma_wait3A_820 = tpu.memref_slice %arg3[%add3A_393, %dma_wait3A_818, %dma_wait3A_819] : memref<4096x2x100xi32, #tpu.memory_space<hbm>> -> memref<1x2x100xi32, #tpu.memory_space<hbm>>
      %dma_wait3A_821 = tpu.memref_squeeze %dma_wait3A_820 : memref<1x2x100xi32, #tpu.memory_space<hbm>> -> memref<2x100xi32, #tpu.memory_space<hbm>>
      %dma_wait3A_822 = arith.constant 0 : i32
      %dma_wait3A_823 = arith.constant 0 : i32
      %dma_wait3A_824 = tpu.memref_slice %arg6[%run_scoped3A_394, %dma_wait3A_822, %dma_wait3A_823] : memref<4x2x100xi32, #tpu.memory_space<vmem>> -> memref<1x2x100xi32, #tpu.memory_space<vmem>>
      %dma_wait3A_825 = tpu.memref_squeeze %dma_wait3A_824 : memref<1x2x100xi32, #tpu.memory_space<vmem>> -> memref<2x100xi32, #tpu.memory_space<vmem>>
      %dma_wait3A_826 = arith.constant 0 : i32
      %dma_wait3A_827 = arith.constant 0 : i32
      %dma_wait3A_828 = tpu.memref_slice %arg3[%add3A_393, %dma_wait3A_826, %dma_wait3A_827] : memref<4096x2x100xi32, #tpu.memory_space<hbm>> -> memref<1x2x100xi32, #tpu.memory_space<hbm>>
      %dma_wait3A_829 = tpu.memref_squeeze %dma_wait3A_828 : memref<1x2x100xi32, #tpu.memory_space<hbm>> -> memref<2x100xi32, #tpu.memory_space<hbm>>
      tpu.wait_dma2 semaphore(%run_scoped3A_797 : memref<!tpu.dma_semaphore, #tpu.memory_space<semaphore_mem>>) src(%dma_wait3A_829 : memref<2x100xi32, #tpu.memory_space<hbm>>) dst(%dma_wait3A_825 : memref<2x100xi32, #tpu.memory_space<vmem>>)
      tpu.yield
    }) : () -> ()
    %dma_start3A_395 = arith.constant 1 : i32
    %dma_start3A_396 = arith.constant 0 : i32
    %dma_start3A_397 = arith.constant 1 : i32
    %dma_start3A_398 = arith.constant 0 : i32
    %dma_start3A_399 = arith.constant 0 : i32
    %dma_start3A_400 = tpu.memref_slice %arg7[%dma_start3A_397, %dma_start3A_398, %dma_start3A_399] : memref<4x200x64xf32, #tpu.memory_space<vmem>> -> memref<1x100x64xf32, #tpu.memory_space<vmem>>
    %dma_start3A_401 = tpu.memref_squeeze %dma_start3A_400 : memref<1x100x64xf32, #tpu.memory_space<vmem>> -> memref<100x64xf32, #tpu.memory_space<vmem>>
    %dma_start3A_402 = arith.constant 0 : i32
    %dma_start3A_403 = tpu.memref_slice %arg6[%dma_start3A_395, %dma_start3A_396, %dma_start3A_402] : memref<4x2x100xi32, #tpu.memory_space<vmem>> -> memref<1x1x100xi32, #tpu.memory_space<vmem>>
    %dma_start3A_404 = tpu.memref_squeeze %dma_start3A_403 : memref<1x1x100xi32, #tpu.memory_space<vmem>> -> memref<100xi32, #tpu.memory_space<vmem>>
    %dma_start3A_405 = arith.constant 0 : i32
    %dma_start3A_406 = arith.constant 0 : i32
    %dma_start3A_407 = tpu.memref_slice %arg2[%dma_start3A_405, %dma_start3A_406] : memref<1000000x64xf32, #tpu.memory_space<hbm>> -> memref<1000000x64xf32, #tpu.memory_space<hbm>>
    tpu.enqueue_indirect_dma source(%dma_start3A_407 : memref<1000000x64xf32, #tpu.memory_space<hbm>>) target(%dma_start3A_401 : memref<100x64xf32, #tpu.memory_space<vmem>>) offsets(%dma_start3A_404 : memref<100xi32, #tpu.memory_space<vmem>>) semaphore(%arg10 : memref<!tpu.dma_semaphore, #tpu.memory_space<semaphore_mem>>)
    %dma_start3A_408 = arith.constant 1 : i32
    %dma_start3A_409 = arith.constant 1 : i32
    %dma_start3A_410 = arith.constant 1 : i32
    %dma_start3A_411 = arith.constant 100 : i32
    %dma_start3A_412 = arith.constant 0 : i32
    %dma_start3A_413 = tpu.memref_slice %arg7[%dma_start3A_410, %dma_start3A_411, %dma_start3A_412] : memref<4x200x64xf32, #tpu.memory_space<vmem>> -> memref<1x100x64xf32, #tpu.memory_space<vmem>>
    %dma_start3A_414 = tpu.memref_squeeze %dma_start3A_413 : memref<1x100x64xf32, #tpu.memory_space<vmem>> -> memref<100x64xf32, #tpu.memory_space<vmem>>
    %dma_start3A_415 = arith.constant 0 : i32
    %dma_start3A_416 = tpu.memref_slice %arg6[%dma_start3A_408, %dma_start3A_409, %dma_start3A_415] : memref<4x2x100xi32, #tpu.memory_space<vmem>> -> memref<1x1x100xi32, #tpu.memory_space<vmem>>
    %dma_start3A_417 = tpu.memref_squeeze %dma_start3A_416 : memref<1x1x100xi32, #tpu.memory_space<vmem>> -> memref<100xi32, #tpu.memory_space<vmem>>
    %dma_start3A_418 = arith.constant 0 : i32
    %dma_start3A_419 = arith.constant 0 : i32
    %dma_start3A_420 = tpu.memref_slice %arg2[%dma_start3A_418, %dma_start3A_419] : memref<1000000x64xf32, #tpu.memory_space<hbm>> -> memref<1000000x64xf32, #tpu.memory_space<hbm>>
    tpu.enqueue_indirect_dma source(%dma_start3A_420 : memref<1000000x64xf32, #tpu.memory_space<hbm>>) target(%dma_start3A_414 : memref<100x64xf32, #tpu.memory_space<vmem>>) offsets(%dma_start3A_417 : memref<100xi32, #tpu.memory_space<vmem>>) semaphore(%arg10 : memref<!tpu.dma_semaphore, #tpu.memory_space<semaphore_mem>>)
    %scan3A = arith.constant 0 : i32
    %scan3A_421 = arith.constant 1 : i32
    %scan3A_422 = arith.constant 30 : i32
    %scan3A_423 = arith.addi %scan3A_421, %scan3A_422 : i32
    %scan3A_424 = arith.constant 1 : i32
    %scan3A_425 = scf.for %scan3A_797 = %scan3A_421 to %scan3A_423 step %scan3A_424 iter_args(%scan3A_798 = %scan3A) -> (i32)  : i32 {
      %mul3A_799 = arith.constant 4 : i32
      %mul3A_800 = arith.muli %scan3A_797, %mul3A_799 : i32
      %add3A_801 = arith.constant 0 : i32
      %add3A_802 = arith.addi %mul3A_800, %add3A_801 : i32
      %dma_wait3A_803 = arith.constant 0 : i32
      %dma_wait3A_804 = arith.constant 0 : i32
      %dma_wait3A_805 = arith.constant 0 : i32
      %dma_wait3A_806 = arith.constant 0 : i32
      %dma_wait3A_807 = arith.constant 0 : i32
      %dma_wait3A_808 = tpu.memref_slice %arg7[%dma_wait3A_805, %dma_wait3A_806, %dma_wait3A_807] : memref<4x200x64xf32, #tpu.memory_space<vmem>> -> memref<1x100x64xf32, #tpu.memory_space<vmem>>
      %dma_wait3A_809 = tpu.memref_squeeze %dma_wait3A_808 : memref<1x100x64xf32, #tpu.memory_space<vmem>> -> memref<100x64xf32, #tpu.memory_space<vmem>>
      %dma_wait3A_810 = arith.constant 0 : i32
      %dma_wait3A_811 = tpu.memref_slice %arg6[%dma_wait3A_803, %dma_wait3A_804, %dma_wait3A_810] : memref<4x2x100xi32, #tpu.memory_space<vmem>> -> memref<1x1x100xi32, #tpu.memory_space<vmem>>
      %dma_wait3A_812 = tpu.memref_squeeze %dma_wait3A_811 : memref<1x1x100xi32, #tpu.memory_space<vmem>> -> memref<100xi32, #tpu.memory_space<vmem>>
      %dma_wait3A_813 = arith.constant 0 : i32
      %dma_wait3A_814 = arith.constant 0 : i32
      %dma_wait3A_815 = tpu.memref_slice %arg2[%dma_wait3A_813, %dma_wait3A_814] : memref<1000000x64xf32, #tpu.memory_space<hbm>> -> memref<1000000x64xf32, #tpu.memory_space<hbm>>
      tpu.wait_indirect_dma semaphore(%arg9 : memref<!tpu.dma_semaphore, #tpu.memory_space<semaphore_mem>>) src(%dma_wait3A_815 : memref<1000000x64xf32, #tpu.memory_space<hbm>>) dst(%dma_wait3A_809 : memref<100x64xf32, #tpu.memory_space<vmem>>)
      %dma_wait3A_816 = arith.constant 0 : i32
      %dma_wait3A_817 = arith.constant 1 : i32
      %dma_wait3A_818 = arith.constant 0 : i32
      %dma_wait3A_819 = arith.constant 100 : i32
      %dma_wait3A_820 = arith.constant 0 : i32
      %dma_wait3A_821 = tpu.memref_slice %arg7[%dma_wait3A_818, %dma_wait3A_819, %dma_wait3A_820] : memref<4x200x64xf32, #tpu.memory_space<vmem>> -> memref<1x100x64xf32, #tpu.memory_space<vmem>>
      %dma_wait3A_822 = tpu.memref_squeeze %dma_wait3A_821 : memref<1x100x64xf32, #tpu.memory_space<vmem>> -> memref<100x64xf32, #tpu.memory_space<vmem>>
      %dma_wait3A_823 = arith.constant 0 : i32
      %dma_wait3A_824 = tpu.memref_slice %arg6[%dma_wait3A_816, %dma_wait3A_817, %dma_wait3A_823] : memref<4x2x100xi32, #tpu.memory_space<vmem>> -> memref<1x1x100xi32, #tpu.memory_space<vmem>>
      %dma_wait3A_825 = tpu.memref_squeeze %dma_wait3A_824 : memref<1x1x100xi32, #tpu.memory_space<vmem>> -> memref<100xi32, #tpu.memory_space<vmem>>
      %dma_wait3A_826 = arith.constant 0 : i32
      %dma_wait3A_827 = arith.constant 0 : i32
      %dma_wait3A_828 = tpu.memref_slice %arg2[%dma_wait3A_826, %dma_wait3A_827] : memref<1000000x64xf32, #tpu.memory_space<hbm>> -> memref<1000000x64xf32, #tpu.memory_space<hbm>>
      tpu.wait_indirect_dma semaphore(%arg9 : memref<!tpu.dma_semaphore, #tpu.memory_space<semaphore_mem>>) src(%dma_wait3A_828 : memref<1000000x64xf32, #tpu.memory_space<hbm>>) dst(%dma_wait3A_822 : memref<100x64xf32, #tpu.memory_space<vmem>>)
      %parallel_loop3A_829 = arith.constant 0 : i32
      %parallel_loop3A_830 = arith.constant 200 : i32
      %parallel_loop3A_831 = arith.constant 1 : i32
      scf.for %parallel_loop3A_1212 = %parallel_loop3A_829 to %parallel_loop3A_830 step %parallel_loop3A_831  : i32 {
        %parallel_loop3A_1213 = arith.index_cast %parallel_loop3A_1212 : i32 to index
        %parallel_loop3A_1214 = arith.constant 0 : index
        %parallel_loop3A_1215 = tpu.vector_load %arg8[%parallel_loop3A_1213, %parallel_loop3A_1214] {strides = array<i32>} : memref<200x64xf32, #tpu.memory_space<vmem>>, vector<1x16xf32>,
        %parallel_loop3A_1216 = vector.shape_cast %parallel_loop3A_1215 : vector<1x16xf32> to vector<16xf32>
        %parallel_loop3A_1217 = arith.constant 0 : i32
        %parallel_loop3A_1218 = arith.index_cast %parallel_loop3A_1217 : i32 to index
        %parallel_loop3A_1219 = arith.index_cast %parallel_loop3A_1212 : i32 to index
        %parallel_loop3A_1220 = arith.constant 0 : index
        %parallel_loop3A_1221 = tpu.vector_load %arg7[%parallel_loop3A_1218, %parallel_loop3A_1219, %parallel_loop3A_1220] {strides = array<i32>} : memref<4x200x64xf32, #tpu.memory_space<vmem>>, vector<1x1x16xf32>,
        %parallel_loop3A_1222 = vector.shape_cast %parallel_loop3A_1221 : vector<1x1x16xf32> to vector<16xf32>
        %parallel_loop3A_1223 = vector.shape_cast %parallel_loop3A_1216 : vector<16xf32> to vector<1x1x16xf32>
        tpu.vector_store %arg7[%parallel_loop3A_1218, %parallel_loop3A_1219, %parallel_loop3A_1220], %parallel_loop3A_1223 {add = true, strides = array<i32>} : memref<4x200x64xf32, #tpu.memory_space<vmem>>, vector<1x1x16xf32>,
        %parallel_loop3A_1224 = arith.index_cast %parallel_loop3A_1212 : i32 to index
        %parallel_loop3A_1225 = arith.constant 16 : index
        %parallel_loop3A_1226 = tpu.vector_load %arg8[%parallel_loop3A_1224, %parallel_loop3A_1225] {strides = array<i32>} : memref<200x64xf32, #tpu.memory_space<vmem>>, vector<1x16xf32>,
        %parallel_loop3A_1227 = vector.shape_cast %parallel_loop3A_1226 : vector<1x16xf32> to vector<16xf32>
        %parallel_loop3A_1228 = arith.constant 0 : i32
        %parallel_loop3A_1229 = arith.index_cast %parallel_loop3A_1228 : i32 to index
        %parallel_loop3A_1230 = arith.index_cast %parallel_loop3A_1212 : i32 to index
        %parallel_loop3A_1231 = arith.constant 16 : index
        %parallel_loop3A_1232 = tpu.vector_load %arg7[%parallel_loop3A_1229, %parallel_loop3A_1230, %parallel_loop3A_1231] {strides = array<i32>} : memref<4x200x64xf32, #tpu.memory_space<vmem>>, vector<1x1x16xf32>,
        %parallel_loop3A_1233 = vector.shape_cast %parallel_loop3A_1232 : vector<1x1x16xf32> to vector<16xf32>
        %parallel_loop3A_1234 = vector.shape_cast %parallel_loop3A_1227 : vector<16xf32> to vector<1x1x16xf32>
        tpu.vector_store %arg7[%parallel_loop3A_1229, %parallel_loop3A_1230, %parallel_loop3A_1231], %parallel_loop3A_1234 {add = true, strides = array<i32>} : memref<4x200x64xf32, #tpu.memory_space<vmem>>, vector<1x1x16xf32>,
        %parallel_loop3A_1235 = arith.index_cast %parallel_loop3A_1212 : i32 to index
        %parallel_loop3A_1236 = arith.constant 32 : index
        %parallel_loop3A_1237 = tpu.vector_load %arg8[%parallel_loop3A_1235, %parallel_loop3A_1236] {strides = array<i32>} : memref<200x64xf32, #tpu.memory_space<vmem>>, vector<1x16xf32>,
        %parallel_loop3A_1238 = vector.shape_cast %parallel_loop3A_1237 : vector<1x16xf32> to vector<16xf32>
        %parallel_loop3A_1239 = arith.constant 0 : i32
        %parallel_loop3A_1240 = arith.index_cast %parallel_loop3A_1239 : i32 to index
        %parallel_loop3A_1241 = arith.index_cast %parallel_loop3A_1212 : i32 to index
        %parallel_loop3A_1242 = arith.constant 32 : index
        %parallel_loop3A_1243 = tpu.vector_load %arg7[%parallel_loop3A_1240, %parallel_loop3A_1241, %parallel_loop3A_1242] {strides = array<i32>} : memref<4x200x64xf32, #tpu.memory_space<vmem>>, vector<1x1x16xf32>,
        %parallel_loop3A_1244 = vector.shape_cast %parallel_loop3A_1243 : vector<1x1x16xf32> to vector<16xf32>
        %parallel_loop3A_1245 = vector.shape_cast %parallel_loop3A_1238 : vector<16xf32> to vector<1x1x16xf32>
        tpu.vector_store %arg7[%parallel_loop3A_1240, %parallel_loop3A_1241, %parallel_loop3A_1242], %parallel_loop3A_1245 {add = true, strides = array<i32>} : memref<4x200x64xf32, #tpu.memory_space<vmem>>, vector<1x1x16xf32>,
        %parallel_loop3A_1246 = arith.index_cast %parallel_loop3A_1212 : i32 to index
        %parallel_loop3A_1247 = arith.constant 48 : index
        %parallel_loop3A_1248 = tpu.vector_load %arg8[%parallel_loop3A_1246, %parallel_loop3A_1247] {strides = array<i32>} : memref<200x64xf32, #tpu.memory_space<vmem>>, vector<1x16xf32>,
        %parallel_loop3A_1249 = vector.shape_cast %parallel_loop3A_1248 : vector<1x16xf32> to vector<16xf32>
        %parallel_loop3A_1250 = arith.constant 0 : i32
        %parallel_loop3A_1251 = arith.index_cast %parallel_loop3A_1250 : i32 to index
        %parallel_loop3A_1252 = arith.index_cast %parallel_loop3A_1212 : i32 to index
        %parallel_loop3A_1253 = arith.constant 48 : index
        %parallel_loop3A_1254 = tpu.vector_load %arg7[%parallel_loop3A_1251, %parallel_loop3A_1252, %parallel_loop3A_1253] {strides = array<i32>} : memref<4x200x64xf32, #tpu.memory_space<vmem>>, vector<1x1x16xf32>,
        %parallel_loop3A_1255 = vector.shape_cast %parallel_loop3A_1254 : vector<1x1x16xf32> to vector<16xf32>
        %parallel_loop3A_1256 = vector.shape_cast %parallel_loop3A_1249 : vector<16xf32> to vector<1x1x16xf32>
        tpu.vector_store %arg7[%parallel_loop3A_1251, %parallel_loop3A_1252, %parallel_loop3A_1253], %parallel_loop3A_1256 {add = true, strides = array<i32>} : memref<4x200x64xf32, #tpu.memory_space<vmem>>, vector<1x1x16xf32>,
      } {sc.loop_unroll_factor = 4 : i64, sc.parallel_access}
      %mul3A_832 = arith.constant 128 : i32
      %mul3A_833 = arith.muli %add3A, %mul3A_832 : i32
      %add3A_834 = arith.addi %mul3A_833, %add3A_802 : i32
      %dma_start3A_835 = arith.constant 0 : i32
      %dma_start3A_836 = arith.constant 0 : i32
      %dma_start3A_837 = arith.constant 0 : i32
      %dma_start3A_838 = tpu.memref_slice %arg7[%dma_start3A_835, %dma_start3A_836, %dma_start3A_837] : memref<4x200x64xf32, #tpu.memory_space<vmem>> -> memref<1x200x64xf32, #tpu.memory_space<vmem>>
      %dma_start3A_839 = tpu.memref_squeeze %dma_start3A_838 : memref<1x200x64xf32, #tpu.memory_space<vmem>> -> memref<200x64xf32, #tpu.memory_space<vmem>>
      %dma_start3A_840 = arith.constant 0 : i32
      %dma_start3A_841 = arith.constant 0 : i32
      %dma_start3A_842 = tpu.memref_slice %arg5[%add3A_834, %dma_start3A_840, %dma_start3A_841] : memref<4096x200x64xf32, #tpu.memory_space<hbm>> -> memref<1x200x64xf32, #tpu.memory_space<hbm>>
      %dma_start3A_843 = tpu.memref_squeeze %dma_start3A_842 : memref<1x200x64xf32, #tpu.memory_space<hbm>> -> memref<200x64xf32, #tpu.memory_space<hbm>>
      %dma_start3A_844 = arith.constant 0 : i32
      %dma_start3A_845 = arith.constant 0 : i32
      %dma_start3A_846 = tpu.memref_slice %arg5[%add3A_834, %dma_start3A_844, %dma_start3A_845] : memref<4096x200x64xf32, #tpu.memory_space<hbm>> -> memref<1x200x64xf32, #tpu.memory_space<hbm>>
      %dma_start3A_847 = tpu.memref_squeeze %dma_start3A_846 : memref<1x200x64xf32, #tpu.memory_space<hbm>> -> memref<200x64xf32, #tpu.memory_space<hbm>>
      %dma_start3A_848 = arith.constant 0 : i32
      %dma_start3A_849 = arith.constant 0 : i32
      %dma_start3A_850 = tpu.memref_slice %arg7[%dma_start3A_835, %dma_start3A_848, %dma_start3A_849] : memref<4x200x64xf32, #tpu.memory_space<vmem>> -> memref<1x200x64xf32, #tpu.memory_space<vmem>>
      %dma_start3A_851 = tpu.memref_squeeze %dma_start3A_850 : memref<1x200x64xf32, #tpu.memory_space<vmem>> -> memref<200x64xf32, #tpu.memory_space<vmem>>
      tpu.enqueue_dma source(%dma_start3A_851 : memref<200x64xf32, #tpu.memory_space<vmem>>) target(%dma_start3A_847 : memref<200x64xf32, #tpu.memory_space<hbm>>) target_semaphore(%arg13 : memref<!tpu.dma_semaphore, #tpu.memory_space<semaphore_mem>>)
      %dma_wait3A_852 = arith.constant 2 : i32
      %dma_wait3A_853 = arith.constant 0 : i32
      %dma_wait3A_854 = arith.constant 0 : i32
      %dma_wait3A_855 = arith.constant 0 : i32
      %dma_wait3A_856 = tpu.memref_slice %arg7[%dma_wait3A_852, %dma_wait3A_854, %dma_wait3A_855] : memref<4x200x64xf32, #tpu.memory_space<vmem>> -> memref<1x200x64xf32, #tpu.memory_space<vmem>>
      %dma_wait3A_857 = tpu.memref_squeeze %dma_wait3A_856 : memref<1x200x64xf32, #tpu.memory_space<vmem>> -> memref<200x64xf32, #tpu.memory_space<vmem>>
      %dma_wait3A_858 = arith.constant 0 : i32
      %dma_wait3A_859 = arith.constant 0 : i32
      %dma_wait3A_860 = tpu.memref_slice %arg5[%dma_wait3A_853, %dma_wait3A_858, %dma_wait3A_859] : memref<4096x200x64xf32, #tpu.memory_space<hbm>> -> memref<1x200x64xf32, #tpu.memory_space<hbm>>
      %dma_wait3A_861 = tpu.memref_squeeze %dma_wait3A_860 : memref<1x200x64xf32, #tpu.memory_space<hbm>> -> memref<200x64xf32, #tpu.memory_space<hbm>>
      %dma_wait3A_862 = arith.constant 0 : i32
      %dma_wait3A_863 = arith.constant 0 : i32
      %dma_wait3A_864 = tpu.memref_slice %arg5[%dma_wait3A_853, %dma_wait3A_862, %dma_wait3A_863] : memref<4096x200x64xf32, #tpu.memory_space<hbm>> -> memref<1x200x64xf32, #tpu.memory_space<hbm>>
      %dma_wait3A_865 = tpu.memref_squeeze %dma_wait3A_864 : memref<1x200x64xf32, #tpu.memory_space<hbm>> -> memref<200x64xf32, #tpu.memory_space<hbm>>
      %dma_wait3A_866 = arith.constant 0 : i32
      %dma_wait3A_867 = arith.constant 0 : i32
      %dma_wait3A_868 = tpu.memref_slice %arg7[%dma_wait3A_852, %dma_wait3A_866, %dma_wait3A_867] : memref<4x200x64xf32, #tpu.memory_space<vmem>> -> memref<1x200x64xf32, #tpu.memory_space<vmem>>
      %dma_wait3A_869 = tpu.memref_squeeze %dma_wait3A_868 : memref<1x200x64xf32, #tpu.memory_space<vmem>> -> memref<200x64xf32, #tpu.memory_space<vmem>>
      tpu.wait_dma2 semaphore(%arg15 : memref<!tpu.dma_semaphore, #tpu.memory_space<semaphore_mem>>) src(%dma_wait3A_869 : memref<200x64xf32, #tpu.memory_space<vmem>>) dst(%dma_wait3A_865 : memref<200x64xf32, #tpu.memory_space<hbm>>)
      %add3A_870 = arith.constant 2 : i32
      %add3A_871 = arith.addi %add3A_802, %add3A_870 : i32
      %mul3A_872 = arith.constant 128 : i32
      %mul3A_873 = arith.muli %add3A, %mul3A_872 : i32
      %add3A_874 = arith.addi %mul3A_873, %add3A_871 : i32
      %run_scoped3A_875 = arith.constant 2 : i32
      "tpu.region"() ({
        %run_scoped3A_1212 = tpu.sem_alloc : memref<!tpu.dma_semaphore, #tpu.memory_space<semaphore_mem>>
        %dma_start3A_1213 = arith.constant 0 : i32
        %dma_start3A_1214 = arith.constant 0 : i32
        %dma_start3A_1215 = tpu.memref_slice %arg6[%run_scoped3A_875, %dma_start3A_1213, %dma_start3A_1214] : memref<4x2x100xi32, #tpu.memory_space<vmem>> -> memref<1x2x100xi32, #tpu.memory_space<vmem>>
        %dma_start3A_1216 = tpu.memref_squeeze %dma_start3A_1215 : memref<1x2x100xi32, #tpu.memory_space<vmem>> -> memref<2x100xi32, #tpu.memory_space<vmem>>
        %dma_start3A_1217 = arith.constant 0 : i32
        %dma_start3A_1218 = arith.constant 0 : i32
        %dma_start3A_1219 = tpu.memref_slice %arg3[%add3A_874, %dma_start3A_1217, %dma_start3A_1218] : memref<4096x2x100xi32, #tpu.memory_space<hbm>> -> memref<1x2x100xi32, #tpu.memory_space<hbm>>
        %dma_start3A_1220 = tpu.memref_squeeze %dma_start3A_1219 : memref<1x2x100xi32, #tpu.memory_space<hbm>> -> memref<2x100xi32, #tpu.memory_space<hbm>>
        %dma_start3A_1221 = arith.constant 0 : i32
        %dma_start3A_1222 = arith.constant 0 : i32
        %dma_start3A_1223 = tpu.memref_slice %arg6[%run_scoped3A_875, %dma_start3A_1221, %dma_start3A_1222] : memref<4x2x100xi32, #tpu.memory_space<vmem>> -> memref<1x2x100xi32, #tpu.memory_space<vmem>>
        %dma_start3A_1224 = tpu.memref_squeeze %dma_start3A_1223 : memref<1x2x100xi32, #tpu.memory_space<vmem>> -> memref<2x100xi32, #tpu.memory_space<vmem>>
        %dma_start3A_1225 = arith.constant 0 : i32
        %dma_start3A_1226 = arith.constant 0 : i32
        %dma_start3A_1227 = tpu.memref_slice %arg3[%add3A_874, %dma_start3A_1225, %dma_start3A_1226] : memref<4096x2x100xi32, #tpu.memory_space<hbm>> -> memref<1x2x100xi32, #tpu.memory_space<hbm>>
        %dma_start3A_1228 = tpu.memref_squeeze %dma_start3A_1227 : memref<1x2x100xi32, #tpu.memory_space<hbm>> -> memref<2x100xi32, #tpu.memory_space<hbm>>
        tpu.enqueue_dma source(%dma_start3A_1228 : memref<2x100xi32, #tpu.memory_space<hbm>>) target(%dma_start3A_1224 : memref<2x100xi32, #tpu.memory_space<vmem>>) target_semaphore(%run_scoped3A_1212 : memref<!tpu.dma_semaphore, #tpu.memory_space<semaphore_mem>>)
        %dma_wait3A_1229 = arith.constant 0 : i32
        %dma_wait3A_1230 = arith.constant 0 : i32
        %dma_wait3A_1231 = tpu.memref_slice %arg6[%run_scoped3A_875, %dma_wait3A_1229, %dma_wait3A_1230] : memref<4x2x100xi32, #tpu.memory_space<vmem>> -> memref<1x2x100xi32, #tpu.memory_space<vmem>>
        %dma_wait3A_1232 = tpu.memref_squeeze %dma_wait3A_1231 : memref<1x2x100xi32, #tpu.memory_space<vmem>> -> memref<2x100xi32, #tpu.memory_space<vmem>>
        %dma_wait3A_1233 = arith.constant 0 : i32
        %dma_wait3A_1234 = arith.constant 0 : i32
        %dma_wait3A_1235 = tpu.memref_slice %arg3[%add3A_874, %dma_wait3A_1233, %dma_wait3A_1234] : memref<4096x2x100xi32, #tpu.memory_space<hbm>> -> memref<1x2x100xi32, #tpu.memory_space<hbm>>
        %dma_wait3A_1236 = tpu.memref_squeeze %dma_wait3A_1235 : memref<1x2x100xi32, #tpu.memory_space<hbm>> -> memref<2x100xi32, #tpu.memory_space<hbm>>
        %dma_wait3A_1237 = arith.constant 0 : i32
        %dma_wait3A_1238 = arith.constant 0 : i32
        %dma_wait3A_1239 = tpu.memref_slice %arg6[%run_scoped3A_875, %dma_wait3A_1237, %dma_wait3A_1238] : memref<4x2x100xi32, #tpu.memory_space<vmem>> -> memref<1x2x100xi32, #tpu.memory_space<vmem>>
        %dma_wait3A_1240 = tpu.memref_squeeze %dma_wait3A_1239 : memref<1x2x100xi32, #tpu.memory_space<vmem>> -> memref<2x100xi32, #tpu.memory_space<vmem>>
        %dma_wait3A_1241 = arith.constant 0 : i32
        %dma_wait3A_1242 = arith.constant 0 : i32
        %dma_wait3A_1243 = tpu.memref_slice %arg3[%add3A_874, %dma_wait3A_1241, %dma_wait3A_1242] : memref<4096x2x100xi32, #tpu.memory_space<hbm>> -> memref<1x2x100xi32, #tpu.memory_space<hbm>>
        %dma_wait3A_1244 = tpu.memref_squeeze %dma_wait3A_1243 : memref<1x2x100xi32, #tpu.memory_space<hbm>> -> memref<2x100xi32, #tpu.memory_space<hbm>>
        tpu.wait_dma2 semaphore(%run_scoped3A_1212 : memref<!tpu.dma_semaphore, #tpu.memory_space<semaphore_mem>>) src(%dma_wait3A_1244 : memref<2x100xi32, #tpu.memory_space<hbm>>) dst(%dma_wait3A_1240 : memref<2x100xi32, #tpu.memory_space<vmem>>)
        tpu.yield
      }) : () -> ()
      %dma_start3A_876 = arith.constant 2 : i32
      %dma_start3A_877 = arith.constant 0 : i32
      %dma_start3A_878 = arith.constant 2 : i32
      %dma_start3A_879 = arith.constant 0 : i32
      %dma_start3A_880 = arith.constant 0 : i32
      %dma_start3A_881 = tpu.memref_slice %arg7[%dma_start3A_878, %dma_start3A_879, %dma_start3A_880] : memref<4x200x64xf32, #tpu.memory_space<vmem>> -> memref<1x100x64xf32, #tpu.memory_space<vmem>>
      %dma_start3A_882 = tpu.memref_squeeze %dma_start3A_881 : memref<1x100x64xf32, #tpu.memory_space<vmem>> -> memref<100x64xf32, #tpu.memory_space<vmem>>
      %dma_start3A_883 = arith.constant 0 : i32
      %dma_start3A_884 = tpu.memref_slice %arg6[%dma_start3A_876, %dma_start3A_877, %dma_start3A_883] : memref<4x2x100xi32, #tpu.memory_space<vmem>> -> memref<1x1x100xi32, #tpu.memory_space<vmem>>
      %dma_start3A_885 = tpu.memref_squeeze %dma_start3A_884 : memref<1x1x100xi32, #tpu.memory_space<vmem>> -> memref<100xi32, #tpu.memory_space<vmem>>
      %dma_start3A_886 = arith.constant 0 : i32
      %dma_start3A_887 = arith.constant 0 : i32
      %dma_start3A_888 = tpu.memref_slice %arg2[%dma_start3A_886, %dma_start3A_887] : memref<1000000x64xf32, #tpu.memory_space<hbm>> -> memref<1000000x64xf32, #tpu.memory_space<hbm>>
      tpu.enqueue_indirect_dma source(%dma_start3A_888 : memref<1000000x64xf32, #tpu.memory_space<hbm>>) target(%dma_start3A_882 : memref<100x64xf32, #tpu.memory_space<vmem>>) offsets(%dma_start3A_885 : memref<100xi32, #tpu.memory_space<vmem>>) semaphore(%arg11 : memref<!tpu.dma_semaphore, #tpu.memory_space<semaphore_mem>>)
      %dma_start3A_889 = arith.constant 2 : i32
      %dma_start3A_890 = arith.constant 1 : i32
      %dma_start3A_891 = arith.constant 2 : i32
      %dma_start3A_892 = arith.constant 100 : i32
      %dma_start3A_893 = arith.constant 0 : i32
      %dma_start3A_894 = tpu.memref_slice %arg7[%dma_start3A_891, %dma_start3A_892, %dma_start3A_893] : memref<4x200x64xf32, #tpu.memory_space<vmem>> -> memref<1x100x64xf32, #tpu.memory_space<vmem>>
      %dma_start3A_895 = tpu.memref_squeeze %dma_start3A_894 : memref<1x100x64xf32, #tpu.memory_space<vmem>> -> memref<100x64xf32, #tpu.memory_space<vmem>>
      %dma_start3A_896 = arith.constant 0 : i32
      %dma_start3A_897 = tpu.memref_slice %arg6[%dma_start3A_889, %dma_start3A_890, %dma_start3A_896] : memref<4x2x100xi32, #tpu.memory_space<vmem>> -> memref<1x1x100xi32, #tpu.memory_space<vmem>>
      %dma_start3A_898 = tpu.memref_squeeze %dma_start3A_897 : memref<1x1x100xi32, #tpu.memory_space<vmem>> -> memref<100xi32, #tpu.memory_space<vmem>>
      %dma_start3A_899 = arith.constant 0 : i32
      %dma_start3A_900 = arith.constant 0 : i32
      %dma_start3A_901 = tpu.memref_slice %arg2[%dma_start3A_899, %dma_start3A_900] : memref<1000000x64xf32, #tpu.memory_space<hbm>> -> memref<1000000x64xf32, #tpu.memory_space<hbm>>
      tpu.enqueue_indirect_dma source(%dma_start3A_901 : memref<1000000x64xf32, #tpu.memory_space<hbm>>) target(%dma_start3A_895 : memref<100x64xf32, #tpu.memory_space<vmem>>) offsets(%dma_start3A_898 : memref<100xi32, #tpu.memory_space<vmem>>) semaphore(%arg11 : memref<!tpu.dma_semaphore, #tpu.memory_space<semaphore_mem>>)
      %mul3A_902 = arith.constant 4 : i32
      %mul3A_903 = arith.muli %scan3A_797, %mul3A_902 : i32
      %add3A_904 = arith.constant 1 : i32
      %add3A_905 = arith.addi %mul3A_903, %add3A_904 : i32
      %dma_wait3A_906 = arith.constant 1 : i32
      %dma_wait3A_907 = arith.constant 0 : i32
      %dma_wait3A_908 = arith.constant 1 : i32
      %dma_wait3A_909 = arith.constant 0 : i32
      %dma_wait3A_910 = arith.constant 0 : i32
      %dma_wait3A_911 = tpu.memref_slice %arg7[%dma_wait3A_908, %dma_wait3A_909, %dma_wait3A_910] : memref<4x200x64xf32, #tpu.memory_space<vmem>> -> memref<1x100x64xf32, #tpu.memory_space<vmem>>
      %dma_wait3A_912 = tpu.memref_squeeze %dma_wait3A_911 : memref<1x100x64xf32, #tpu.memory_space<vmem>> -> memref<100x64xf32, #tpu.memory_space<vmem>>
      %dma_wait3A_913 = arith.constant 0 : i32
      %dma_wait3A_914 = tpu.memref_slice %arg6[%dma_wait3A_906, %dma_wait3A_907, %dma_wait3A_913] : memref<4x2x100xi32, #tpu.memory_space<vmem>> -> memref<1x1x100xi32, #tpu.memory_space<vmem>>
      %dma_wait3A_915 = tpu.memref_squeeze %dma_wait3A_914 : memref<1x1x100xi32, #tpu.memory_space<vmem>> -> memref<100xi32, #tpu.memory_space<vmem>>
      %dma_wait3A_916 = arith.constant 0 : i32
      %dma_wait3A_917 = arith.constant 0 : i32
      %dma_wait3A_918 = tpu.memref_slice %arg2[%dma_wait3A_916, %dma_wait3A_917] : memref<1000000x64xf32, #tpu.memory_space<hbm>> -> memref<1000000x64xf32, #tpu.memory_space<hbm>>
      tpu.wait_indirect_dma semaphore(%arg10 : memref<!tpu.dma_semaphore, #tpu.memory_space<semaphore_mem>>) src(%dma_wait3A_918 : memref<1000000x64xf32, #tpu.memory_space<hbm>>) dst(%dma_wait3A_912 : memref<100x64xf32, #tpu.memory_space<vmem>>)
      %dma_wait3A_919 = arith.constant 1 : i32
      %dma_wait3A_920 = arith.constant 1 : i32
      %dma_wait3A_921 = arith.constant 1 : i32
      %dma_wait3A_922 = arith.constant 100 : i32
      %dma_wait3A_923 = arith.constant 0 : i32
      %dma_wait3A_924 = tpu.memref_slice %arg7[%dma_wait3A_921, %dma_wait3A_922, %dma_wait3A_923] : memref<4x200x64xf32, #tpu.memory_space<vmem>> -> memref<1x100x64xf32, #tpu.memory_space<vmem>>
      %dma_wait3A_925 = tpu.memref_squeeze %dma_wait3A_924 : memref<1x100x64xf32, #tpu.memory_space<vmem>> -> memref<100x64xf32, #tpu.memory_space<vmem>>
      %dma_wait3A_926 = arith.constant 0 : i32
      %dma_wait3A_927 = tpu.memref_slice %arg6[%dma_wait3A_919, %dma_wait3A_920, %dma_wait3A_926] : memref<4x2x100xi32, #tpu.memory_space<vmem>> -> memref<1x1x100xi32, #tpu.memory_space<vmem>>
      %dma_wait3A_928 = tpu.memref_squeeze %dma_wait3A_927 : memref<1x1x100xi32, #tpu.memory_space<vmem>> -> memref<100xi32, #tpu.memory_space<vmem>>
      %dma_wait3A_929 = arith.constant 0 : i32
      %dma_wait3A_930 = arith.constant 0 : i32
      %dma_wait3A_931 = tpu.memref_slice %arg2[%dma_wait3A_929, %dma_wait3A_930] : memref<1000000x64xf32, #tpu.memory_space<hbm>> -> memref<1000000x64xf32, #tpu.memory_space<hbm>>
      tpu.wait_indirect_dma semaphore(%arg10 : memref<!tpu.dma_semaphore, #tpu.memory_space<semaphore_mem>>) src(%dma_wait3A_931 : memref<1000000x64xf32, #tpu.memory_space<hbm>>) dst(%dma_wait3A_925 : memref<100x64xf32, #tpu.memory_space<vmem>>)
      %parallel_loop3A_932 = arith.constant 0 : i32
      %parallel_loop3A_933 = arith.constant 200 : i32
      %parallel_loop3A_934 = arith.constant 1 : i32
      scf.for %parallel_loop3A_1212 = %parallel_loop3A_932 to %parallel_loop3A_933 step %parallel_loop3A_934  : i32 {
        %parallel_loop3A_1213 = arith.index_cast %parallel_loop3A_1212 : i32 to index
        %parallel_loop3A_1214 = arith.constant 0 : index
        %parallel_loop3A_1215 = tpu.vector_load %arg8[%parallel_loop3A_1213, %parallel_loop3A_1214] {strides = array<i32>} : memref<200x64xf32, #tpu.memory_space<vmem>>, vector<1x16xf32>,
        %parallel_loop3A_1216 = vector.shape_cast %parallel_loop3A_1215 : vector<1x16xf32> to vector<16xf32>
        %parallel_loop3A_1217 = arith.constant 1 : i32
        %parallel_loop3A_1218 = arith.index_cast %parallel_loop3A_1217 : i32 to index
        %parallel_loop3A_1219 = arith.index_cast %parallel_loop3A_1212 : i32 to index
        %parallel_loop3A_1220 = arith.constant 0 : index
        %parallel_loop3A_1221 = tpu.vector_load %arg7[%parallel_loop3A_1218, %parallel_loop3A_1219, %parallel_loop3A_1220] {strides = array<i32>} : memref<4x200x64xf32, #tpu.memory_space<vmem>>, vector<1x1x16xf32>,
        %parallel_loop3A_1222 = vector.shape_cast %parallel_loop3A_1221 : vector<1x1x16xf32> to vector<16xf32>
        %parallel_loop3A_1223 = vector.shape_cast %parallel_loop3A_1216 : vector<16xf32> to vector<1x1x16xf32>
        tpu.vector_store %arg7[%parallel_loop3A_1218, %parallel_loop3A_1219, %parallel_loop3A_1220], %parallel_loop3A_1223 {add = true, strides = array<i32>} : memref<4x200x64xf32, #tpu.memory_space<vmem>>, vector<1x1x16xf32>,
        %parallel_loop3A_1224 = arith.index_cast %parallel_loop3A_1212 : i32 to index
        %parallel_loop3A_1225 = arith.constant 16 : index
        %parallel_loop3A_1226 = tpu.vector_load %arg8[%parallel_loop3A_1224, %parallel_loop3A_1225] {strides = array<i32>} : memref<200x64xf32, #tpu.memory_space<vmem>>, vector<1x16xf32>,
        %parallel_loop3A_1227 = vector.shape_cast %parallel_loop3A_1226 : vector<1x16xf32> to vector<16xf32>
        %parallel_loop3A_1228 = arith.constant 1 : i32
        %parallel_loop3A_1229 = arith.index_cast %parallel_loop3A_1228 : i32 to index
        %parallel_loop3A_1230 = arith.index_cast %parallel_loop3A_1212 : i32 to index
        %parallel_loop3A_1231 = arith.constant 16 : index
        %parallel_loop3A_1232 = tpu.vector_load %arg7[%parallel_loop3A_1229, %parallel_loop3A_1230, %parallel_loop3A_1231] {strides = array<i32>} : memref<4x200x64xf32, #tpu.memory_space<vmem>>, vector<1x1x16xf32>,
        %parallel_loop3A_1233 = vector.shape_cast %parallel_loop3A_1232 : vector<1x1x16xf32> to vector<16xf32>
        %parallel_loop3A_1234 = vector.shape_cast %parallel_loop3A_1227 : vector<16xf32> to vector<1x1x16xf32>
        tpu.vector_store %arg7[%parallel_loop3A_1229, %parallel_loop3A_1230, %parallel_loop3A_1231], %parallel_loop3A_1234 {add = true, strides = array<i32>} : memref<4x200x64xf32, #tpu.memory_space<vmem>>, vector<1x1x16xf32>,
        %parallel_loop3A_1235 = arith.index_cast %parallel_loop3A_1212 : i32 to index
        %parallel_loop3A_1236 = arith.constant 32 : index
        %parallel_loop3A_1237 = tpu.vector_load %arg8[%parallel_loop3A_1235, %parallel_loop3A_1236] {strides = array<i32>} : memref<200x64xf32, #tpu.memory_space<vmem>>, vector<1x16xf32>,
        %parallel_loop3A_1238 = vector.shape_cast %parallel_loop3A_1237 : vector<1x16xf32> to vector<16xf32>
        %parallel_loop3A_1239 = arith.constant 1 : i32
        %parallel_loop3A_1240 = arith.index_cast %parallel_loop3A_1239 : i32 to index
        %parallel_loop3A_1241 = arith.index_cast %parallel_loop3A_1212 : i32 to index
        %parallel_loop3A_1242 = arith.constant 32 : index
        %parallel_loop3A_1243 = tpu.vector_load %arg7[%parallel_loop3A_1240, %parallel_loop3A_1241, %parallel_loop3A_1242] {strides = array<i32>} : memref<4x200x64xf32, #tpu.memory_space<vmem>>, vector<1x1x16xf32>,
        %parallel_loop3A_1244 = vector.shape_cast %parallel_loop3A_1243 : vector<1x1x16xf32> to vector<16xf32>
        %parallel_loop3A_1245 = vector.shape_cast %parallel_loop3A_1238 : vector<16xf32> to vector<1x1x16xf32>
        tpu.vector_store %arg7[%parallel_loop3A_1240, %parallel_loop3A_1241, %parallel_loop3A_1242], %parallel_loop3A_1245 {add = true, strides = array<i32>} : memref<4x200x64xf32, #tpu.memory_space<vmem>>, vector<1x1x16xf32>,
        %parallel_loop3A_1246 = arith.index_cast %parallel_loop3A_1212 : i32 to index
        %parallel_loop3A_1247 = arith.constant 48 : index
        %parallel_loop3A_1248 = tpu.vector_load %arg8[%parallel_loop3A_1246, %parallel_loop3A_1247] {strides = array<i32>} : memref<200x64xf32, #tpu.memory_space<vmem>>, vector<1x16xf32>,
        %parallel_loop3A_1249 = vector.shape_cast %parallel_loop3A_1248 : vector<1x16xf32> to vector<16xf32>
        %parallel_loop3A_1250 = arith.constant 1 : i32
        %parallel_loop3A_1251 = arith.index_cast %parallel_loop3A_1250 : i32 to index
        %parallel_loop3A_1252 = arith.index_cast %parallel_loop3A_1212 : i32 to index
        %parallel_loop3A_1253 = arith.constant 48 : index
        %parallel_loop3A_1254 = tpu.vector_load %arg7[%parallel_loop3A_1251, %parallel_loop3A_1252, %parallel_loop3A_1253] {strides = array<i32>} : memref<4x200x64xf32, #tpu.memory_space<vmem>>, vector<1x1x16xf32>,
        %parallel_loop3A_1255 = vector.shape_cast %parallel_loop3A_1254 : vector<1x1x16xf32> to vector<16xf32>
        %parallel_loop3A_1256 = vector.shape_cast %parallel_loop3A_1249 : vector<16xf32> to vector<1x1x16xf32>
        tpu.vector_store %arg7[%parallel_loop3A_1251, %parallel_loop3A_1252, %parallel_loop3A_1253], %parallel_loop3A_1256 {add = true, strides = array<i32>} : memref<4x200x64xf32, #tpu.memory_space<vmem>>, vector<1x1x16xf32>,
      } {sc.loop_unroll_factor = 4 : i64, sc.parallel_access}
      %mul3A_935 = arith.constant 128 : i32
      %mul3A_936 = arith.muli %add3A, %mul3A_935 : i32
      %add3A_937 = arith.addi %mul3A_936, %add3A_905 : i32
      %dma_start3A_938 = arith.constant 1 : i32
      %dma_start3A_939 = arith.constant 0 : i32
      %dma_start3A_940 = arith.constant 0 : i32
      %dma_start3A_941 = tpu.memref_slice %arg7[%dma_start3A_938, %dma_start3A_939, %dma_start3A_940] : memref<4x200x64xf32, #tpu.memory_space<vmem>> -> memref<1x200x64xf32, #tpu.memory_space<vmem>>
      %dma_start3A_942 = tpu.memref_squeeze %dma_start3A_941 : memref<1x200x64xf32, #tpu.memory_space<vmem>> -> memref<200x64xf32, #tpu.memory_space<vmem>>
      %dma_start3A_943 = arith.constant 0 : i32
      %dma_start3A_944 = arith.constant 0 : i32
      %dma_start3A_945 = tpu.memref_slice %arg5[%add3A_937, %dma_start3A_943, %dma_start3A_944] : memref<4096x200x64xf32, #tpu.memory_space<hbm>> -> memref<1x200x64xf32, #tpu.memory_space<hbm>>
      %dma_start3A_946 = tpu.memref_squeeze %dma_start3A_945 : memref<1x200x64xf32, #tpu.memory_space<hbm>> -> memref<200x64xf32, #tpu.memory_space<hbm>>
      %dma_start3A_947 = arith.constant 0 : i32
      %dma_start3A_948 = arith.constant 0 : i32
      %dma_start3A_949 = tpu.memref_slice %arg5[%add3A_937, %dma_start3A_947, %dma_start3A_948] : memref<4096x200x64xf32, #tpu.memory_space<hbm>> -> memref<1x200x64xf32, #tpu.memory_space<hbm>>
      %dma_start3A_950 = tpu.memref_squeeze %dma_start3A_949 : memref<1x200x64xf32, #tpu.memory_space<hbm>> -> memref<200x64xf32, #tpu.memory_space<hbm>>
      %dma_start3A_951 = arith.constant 0 : i32
      %dma_start3A_952 = arith.constant 0 : i32
      %dma_start3A_953 = tpu.memref_slice %arg7[%dma_start3A_938, %dma_start3A_951, %dma_start3A_952] : memref<4x200x64xf32, #tpu.memory_space<vmem>> -> memref<1x200x64xf32, #tpu.memory_space<vmem>>
      %dma_start3A_954 = tpu.memref_squeeze %dma_start3A_953 : memref<1x200x64xf32, #tpu.memory_space<vmem>> -> memref<200x64xf32, #tpu.memory_space<vmem>>
      tpu.enqueue_dma source(%dma_start3A_954 : memref<200x64xf32, #tpu.memory_space<vmem>>) target(%dma_start3A_950 : memref<200x64xf32, #tpu.memory_space<hbm>>) target_semaphore(%arg14 : memref<!tpu.dma_semaphore, #tpu.memory_space<semaphore_mem>>)
      %dma_wait3A_955 = arith.constant 3 : i32
      %dma_wait3A_956 = arith.constant 0 : i32
      %dma_wait3A_957 = arith.constant 0 : i32
      %dma_wait3A_958 = arith.constant 0 : i32
      %dma_wait3A_959 = tpu.memref_slice %arg7[%dma_wait3A_955, %dma_wait3A_957, %dma_wait3A_958] : memref<4x200x64xf32, #tpu.memory_space<vmem>> -> memref<1x200x64xf32, #tpu.memory_space<vmem>>
      %dma_wait3A_960 = tpu.memref_squeeze %dma_wait3A_959 : memref<1x200x64xf32, #tpu.memory_space<vmem>> -> memref<200x64xf32, #tpu.memory_space<vmem>>
      %dma_wait3A_961 = arith.constant 0 : i32
      %dma_wait3A_962 = arith.constant 0 : i32
      %dma_wait3A_963 = tpu.memref_slice %arg5[%dma_wait3A_956, %dma_wait3A_961, %dma_wait3A_962] : memref<4096x200x64xf32, #tpu.memory_space<hbm>> -> memref<1x200x64xf32, #tpu.memory_space<hbm>>
      %dma_wait3A_964 = tpu.memref_squeeze %dma_wait3A_963 : memref<1x200x64xf32, #tpu.memory_space<hbm>> -> memref<200x64xf32, #tpu.memory_space<hbm>>
      %dma_wait3A_965 = arith.constant 0 : i32
      %dma_wait3A_966 = arith.constant 0 : i32
      %dma_wait3A_967 = tpu.memref_slice %arg5[%dma_wait3A_956, %dma_wait3A_965, %dma_wait3A_966] : memref<4096x200x64xf32, #tpu.memory_space<hbm>> -> memref<1x200x64xf32, #tpu.memory_space<hbm>>
      %dma_wait3A_968 = tpu.memref_squeeze %dma_wait3A_967 : memref<1x200x64xf32, #tpu.memory_space<hbm>> -> memref<200x64xf32, #tpu.memory_space<hbm>>
      %dma_wait3A_969 = arith.constant 0 : i32
      %dma_wait3A_970 = arith.constant 0 : i32
      %dma_wait3A_971 = tpu.memref_slice %arg7[%dma_wait3A_955, %dma_wait3A_969, %dma_wait3A_970] : memref<4x200x64xf32, #tpu.memory_space<vmem>> -> memref<1x200x64xf32, #tpu.memory_space<vmem>>
      %dma_wait3A_972 = tpu.memref_squeeze %dma_wait3A_971 : memref<1x200x64xf32, #tpu.memory_space<vmem>> -> memref<200x64xf32, #tpu.memory_space<vmem>>
      tpu.wait_dma2 semaphore(%arg16 : memref<!tpu.dma_semaphore, #tpu.memory_space<semaphore_mem>>) src(%dma_wait3A_972 : memref<200x64xf32, #tpu.memory_space<vmem>>) dst(%dma_wait3A_968 : memref<200x64xf32, #tpu.memory_space<hbm>>)
      %add3A_973 = arith.constant 2 : i32
      %add3A_974 = arith.addi %add3A_905, %add3A_973 : i32
      %mul3A_975 = arith.constant 128 : i32
      %mul3A_976 = arith.muli %add3A, %mul3A_975 : i32
      %add3A_977 = arith.addi %mul3A_976, %add3A_974 : i32
      %run_scoped3A_978 = arith.constant 3 : i32
      "tpu.region"() ({
        %run_scoped3A_1212 = tpu.sem_alloc : memref<!tpu.dma_semaphore, #tpu.memory_space<semaphore_mem>>
        %dma_start3A_1213 = arith.constant 0 : i32
        %dma_start3A_1214 = arith.constant 0 : i32
        %dma_start3A_1215 = tpu.memref_slice %arg6[%run_scoped3A_978, %dma_start3A_1213, %dma_start3A_1214] : memref<4x2x100xi32, #tpu.memory_space<vmem>> -> memref<1x2x100xi32, #tpu.memory_space<vmem>>
        %dma_start3A_1216 = tpu.memref_squeeze %dma_start3A_1215 : memref<1x2x100xi32, #tpu.memory_space<vmem>> -> memref<2x100xi32, #tpu.memory_space<vmem>>
        %dma_start3A_1217 = arith.constant 0 : i32
        %dma_start3A_1218 = arith.constant 0 : i32
        %dma_start3A_1219 = tpu.memref_slice %arg3[%add3A_977, %dma_start3A_1217, %dma_start3A_1218] : memref<4096x2x100xi32, #tpu.memory_space<hbm>> -> memref<1x2x100xi32, #tpu.memory_space<hbm>>
        %dma_start3A_1220 = tpu.memref_squeeze %dma_start3A_1219 : memref<1x2x100xi32, #tpu.memory_space<hbm>> -> memref<2x100xi32, #tpu.memory_space<hbm>>
        %dma_start3A_1221 = arith.constant 0 : i32
        %dma_start3A_1222 = arith.constant 0 : i32
        %dma_start3A_1223 = tpu.memref_slice %arg6[%run_scoped3A_978, %dma_start3A_1221, %dma_start3A_1222] : memref<4x2x100xi32, #tpu.memory_space<vmem>> -> memref<1x2x100xi32, #tpu.memory_space<vmem>>
        %dma_start3A_1224 = tpu.memref_squeeze %dma_start3A_1223 : memref<1x2x100xi32, #tpu.memory_space<vmem>> -> memref<2x100xi32, #tpu.memory_space<vmem>>
        %dma_start3A_1225 = arith.constant 0 : i32
        %dma_start3A_1226 = arith.constant 0 : i32
        %dma_start3A_1227 = tpu.memref_slice %arg3[%add3A_977, %dma_start3A_1225, %dma_start3A_1226] : memref<4096x2x100xi32, #tpu.memory_space<hbm>> -> memref<1x2x100xi32, #tpu.memory_space<hbm>>
        %dma_start3A_1228 = tpu.memref_squeeze %dma_start3A_1227 : memref<1x2x100xi32, #tpu.memory_space<hbm>> -> memref<2x100xi32, #tpu.memory_space<hbm>>
        tpu.enqueue_dma source(%dma_start3A_1228 : memref<2x100xi32, #tpu.memory_space<hbm>>) target(%dma_start3A_1224 : memref<2x100xi32, #tpu.memory_space<vmem>>) target_semaphore(%run_scoped3A_1212 : memref<!tpu.dma_semaphore, #tpu.memory_space<semaphore_mem>>)
        %dma_wait3A_1229 = arith.constant 0 : i32
        %dma_wait3A_1230 = arith.constant 0 : i32
        %dma_wait3A_1231 = tpu.memref_slice %arg6[%run_scoped3A_978, %dma_wait3A_1229, %dma_wait3A_1230] : memref<4x2x100xi32, #tpu.memory_space<vmem>> -> memref<1x2x100xi32, #tpu.memory_space<vmem>>
        %dma_wait3A_1232 = tpu.memref_squeeze %dma_wait3A_1231 : memref<1x2x100xi32, #tpu.memory_space<vmem>> -> memref<2x100xi32, #tpu.memory_space<vmem>>
        %dma_wait3A_1233 = arith.constant 0 : i32
        %dma_wait3A_1234 = arith.constant 0 : i32
        %dma_wait3A_1235 = tpu.memref_slice %arg3[%add3A_977, %dma_wait3A_1233, %dma_wait3A_1234] : memref<4096x2x100xi32, #tpu.memory_space<hbm>> -> memref<1x2x100xi32, #tpu.memory_space<hbm>>
        %dma_wait3A_1236 = tpu.memref_squeeze %dma_wait3A_1235 : memref<1x2x100xi32, #tpu.memory_space<hbm>> -> memref<2x100xi32, #tpu.memory_space<hbm>>
        %dma_wait3A_1237 = arith.constant 0 : i32
        %dma_wait3A_1238 = arith.constant 0 : i32
        %dma_wait3A_1239 = tpu.memref_slice %arg6[%run_scoped3A_978, %dma_wait3A_1237, %dma_wait3A_1238] : memref<4x2x100xi32, #tpu.memory_space<vmem>> -> memref<1x2x100xi32, #tpu.memory_space<vmem>>
        %dma_wait3A_1240 = tpu.memref_squeeze %dma_wait3A_1239 : memref<1x2x100xi32, #tpu.memory_space<vmem>> -> memref<2x100xi32, #tpu.memory_space<vmem>>
        %dma_wait3A_1241 = arith.constant 0 : i32
        %dma_wait3A_1242 = arith.constant 0 : i32
        %dma_wait3A_1243 = tpu.memref_slice %arg3[%add3A_977, %dma_wait3A_1241, %dma_wait3A_1242] : memref<4096x2x100xi32, #tpu.memory_space<hbm>> -> memref<1x2x100xi32, #tpu.memory_space<hbm>>
        %dma_wait3A_1244 = tpu.memref_squeeze %dma_wait3A_1243 : memref<1x2x100xi32, #tpu.memory_space<hbm>> -> memref<2x100xi32, #tpu.memory_space<hbm>>
        tpu.wait_dma2 semaphore(%run_scoped3A_1212 : memref<!tpu.dma_semaphore, #tpu.memory_space<semaphore_mem>>) src(%dma_wait3A_1244 : memref<2x100xi32, #tpu.memory_space<hbm>>) dst(%dma_wait3A_1240 : memref<2x100xi32, #tpu.memory_space<vmem>>)
        tpu.yield
      }) : () -> ()
      %dma_start3A_979 = arith.constant 3 : i32
      %dma_start3A_980 = arith.constant 0 : i32
      %dma_start3A_981 = arith.constant 3 : i32
      %dma_start3A_982 = arith.constant 0 : i32
      %dma_start3A_983 = arith.constant 0 : i32
      %dma_start3A_984 = tpu.memref_slice %arg7[%dma_start3A_981, %dma_start3A_982, %dma_start3A_983] : memref<4x200x64xf32, #tpu.memory_space<vmem>> -> memref<1x100x64xf32, #tpu.memory_space<vmem>>
      %dma_start3A_985 = tpu.memref_squeeze %dma_start3A_984 : memref<1x100x64xf32, #tpu.memory_space<vmem>> -> memref<100x64xf32, #tpu.memory_space<vmem>>
      %dma_start3A_986 = arith.constant 0 : i32
      %dma_start3A_987 = tpu.memref_slice %arg6[%dma_start3A_979, %dma_start3A_980, %dma_start3A_986] : memref<4x2x100xi32, #tpu.memory_space<vmem>> -> memref<1x1x100xi32, #tpu.memory_space<vmem>>
      %dma_start3A_988 = tpu.memref_squeeze %dma_start3A_987 : memref<1x1x100xi32, #tpu.memory_space<vmem>> -> memref<100xi32, #tpu.memory_space<vmem>>
      %dma_start3A_989 = arith.constant 0 : i32
      %dma_start3A_990 = arith.constant 0 : i32
      %dma_start3A_991 = tpu.memref_slice %arg2[%dma_start3A_989, %dma_start3A_990] : memref<1000000x64xf32, #tpu.memory_space<hbm>> -> memref<1000000x64xf32, #tpu.memory_space<hbm>>
      tpu.enqueue_indirect_dma source(%dma_start3A_991 : memref<1000000x64xf32, #tpu.memory_space<hbm>>) target(%dma_start3A_985 : memref<100x64xf32, #tpu.memory_space<vmem>>) offsets(%dma_start3A_988 : memref<100xi32, #tpu.memory_space<vmem>>) semaphore(%arg12 : memref<!tpu.dma_semaphore, #tpu.memory_space<semaphore_mem>>)
      %dma_start3A_992 = arith.constant 3 : i32
      %dma_start3A_993 = arith.constant 1 : i32
      %dma_start3A_994 = arith.constant 3 : i32
      %dma_start3A_995 = arith.constant 100 : i32
      %dma_start3A_996 = arith.constant 0 : i32
      %dma_start3A_997 = tpu.memref_slice %arg7[%dma_start3A_994, %dma_start3A_995, %dma_start3A_996] : memref<4x200x64xf32, #tpu.memory_space<vmem>> -> memref<1x100x64xf32, #tpu.memory_space<vmem>>
      %dma_start3A_998 = tpu.memref_squeeze %dma_start3A_997 : memref<1x100x64xf32, #tpu.memory_space<vmem>> -> memref<100x64xf32, #tpu.memory_space<vmem>>
      %dma_start3A_999 = arith.constant 0 : i32
      %dma_start3A_1000 = tpu.memref_slice %arg6[%dma_start3A_992, %dma_start3A_993, %dma_start3A_999] : memref<4x2x100xi32, #tpu.memory_space<vmem>> -> memref<1x1x100xi32, #tpu.memory_space<vmem>>
      %dma_start3A_1001 = tpu.memref_squeeze %dma_start3A_1000 : memref<1x1x100xi32, #tpu.memory_space<vmem>> -> memref<100xi32, #tpu.memory_space<vmem>>
      %dma_start3A_1002 = arith.constant 0 : i32
      %dma_start3A_1003 = arith.constant 0 : i32
      %dma_start3A_1004 = tpu.memref_slice %arg2[%dma_start3A_1002, %dma_start3A_1003] : memref<1000000x64xf32, #tpu.memory_space<hbm>> -> memref<1000000x64xf32, #tpu.memory_space<hbm>>
      tpu.enqueue_indirect_dma source(%dma_start3A_1004 : memref<1000000x64xf32, #tpu.memory_space<hbm>>) target(%dma_start3A_998 : memref<100x64xf32, #tpu.memory_space<vmem>>) offsets(%dma_start3A_1001 : memref<100xi32, #tpu.memory_space<vmem>>) semaphore(%arg12 : memref<!tpu.dma_semaphore, #tpu.memory_space<semaphore_mem>>)
      %mul3A_1005 = arith.constant 4 : i32
      %mul3A_1006 = arith.muli %scan3A_797, %mul3A_1005 : i32
      %add3A_1007 = arith.constant 2 : i32
      %add3A_1008 = arith.addi %mul3A_1006, %add3A_1007 : i32
      %dma_wait3A_1009 = arith.constant 2 : i32
      %dma_wait3A_1010 = arith.constant 0 : i32
      %dma_wait3A_1011 = arith.constant 2 : i32
      %dma_wait3A_1012 = arith.constant 0 : i32
      %dma_wait3A_1013 = arith.constant 0 : i32
      %dma_wait3A_1014 = tpu.memref_slice %arg7[%dma_wait3A_1011, %dma_wait3A_1012, %dma_wait3A_1013] : memref<4x200x64xf32, #tpu.memory_space<vmem>> -> memref<1x100x64xf32, #tpu.memory_space<vmem>>
      %dma_wait3A_1015 = tpu.memref_squeeze %dma_wait3A_1014 : memref<1x100x64xf32, #tpu.memory_space<vmem>> -> memref<100x64xf32, #tpu.memory_space<vmem>>
      %dma_wait3A_1016 = arith.constant 0 : i32
      %dma_wait3A_1017 = tpu.memref_slice %arg6[%dma_wait3A_1009, %dma_wait3A_1010, %dma_wait3A_1016] : memref<4x2x100xi32, #tpu.memory_space<vmem>> -> memref<1x1x100xi32, #tpu.memory_space<vmem>>
      %dma_wait3A_1018 = tpu.memref_squeeze %dma_wait3A_1017 : memref<1x1x100xi32, #tpu.memory_space<vmem>> -> memref<100xi32, #tpu.memory_space<vmem>>
      %dma_wait3A_1019 = arith.constant 0 : i32
      %dma_wait3A_1020 = arith.constant 0 : i32
      %dma_wait3A_1021 = tpu.memref_slice %arg2[%dma_wait3A_1019, %dma_wait3A_1020] : memref<1000000x64xf32, #tpu.memory_space<hbm>> -> memref<1000000x64xf32, #tpu.memory_space<hbm>>
      tpu.wait_indirect_dma semaphore(%arg11 : memref<!tpu.dma_semaphore, #tpu.memory_space<semaphore_mem>>) src(%dma_wait3A_1021 : memref<1000000x64xf32, #tpu.memory_space<hbm>>) dst(%dma_wait3A_1015 : memref<100x64xf32, #tpu.memory_space<vmem>>)
      %dma_wait3A_1022 = arith.constant 2 : i32
      %dma_wait3A_1023 = arith.constant 1 : i32
      %dma_wait3A_1024 = arith.constant 2 : i32
      %dma_wait3A_1025 = arith.constant 100 : i32
      %dma_wait3A_1026 = arith.constant 0 : i32
      %dma_wait3A_1027 = tpu.memref_slice %arg7[%dma_wait3A_1024, %dma_wait3A_1025, %dma_wait3A_1026] : memref<4x200x64xf32, #tpu.memory_space<vmem>> -> memref<1x100x64xf32, #tpu.memory_space<vmem>>
      %dma_wait3A_1028 = tpu.memref_squeeze %dma_wait3A_1027 : memref<1x100x64xf32, #tpu.memory_space<vmem>> -> memref<100x64xf32, #tpu.memory_space<vmem>>
      %dma_wait3A_1029 = arith.constant 0 : i32
      %dma_wait3A_1030 = tpu.memref_slice %arg6[%dma_wait3A_1022, %dma_wait3A_1023, %dma_wait3A_1029] : memref<4x2x100xi32, #tpu.memory_space<vmem>> -> memref<1x1x100xi32, #tpu.memory_space<vmem>>
      %dma_wait3A_1031 = tpu.memref_squeeze %dma_wait3A_1030 : memref<1x1x100xi32, #tpu.memory_space<vmem>> -> memref<100xi32, #tpu.memory_space<vmem>>
      %dma_wait3A_1032 = arith.constant 0 : i32
      %dma_wait3A_1033 = arith.constant 0 : i32
      %dma_wait3A_1034 = tpu.memref_slice %arg2[%dma_wait3A_1032, %dma_wait3A_1033] : memref<1000000x64xf32, #tpu.memory_space<hbm>> -> memref<1000000x64xf32, #tpu.memory_space<hbm>>
      tpu.wait_indirect_dma semaphore(%arg11 : memref<!tpu.dma_semaphore, #tpu.memory_space<semaphore_mem>>) src(%dma_wait3A_1034 : memref<1000000x64xf32, #tpu.memory_space<hbm>>) dst(%dma_wait3A_1028 : memref<100x64xf32, #tpu.memory_space<vmem>>)
      %parallel_loop3A_1035 = arith.constant 0 : i32
      %parallel_loop3A_1036 = arith.constant 200 : i32
      %parallel_loop3A_1037 = arith.constant 1 : i32
      scf.for %parallel_loop3A_1212 = %parallel_loop3A_1035 to %parallel_loop3A_1036 step %parallel_loop3A_1037  : i32 {
        %parallel_loop3A_1213 = arith.index_cast %parallel_loop3A_1212 : i32 to index
        %parallel_loop3A_1214 = arith.constant 0 : index
        %parallel_loop3A_1215 = tpu.vector_load %arg8[%parallel_loop3A_1213, %parallel_loop3A_1214] {strides = array<i32>} : memref<200x64xf32, #tpu.memory_space<vmem>>, vector<1x16xf32>,
        %parallel_loop3A_1216 = vector.shape_cast %parallel_loop3A_1215 : vector<1x16xf32> to vector<16xf32>
        %parallel_loop3A_1217 = arith.constant 2 : i32
        %parallel_loop3A_1218 = arith.index_cast %parallel_loop3A_1217 : i32 to index
        %parallel_loop3A_1219 = arith.index_cast %parallel_loop3A_1212 : i32 to index
        %parallel_loop3A_1220 = arith.constant 0 : index
        %parallel_loop3A_1221 = tpu.vector_load %arg7[%parallel_loop3A_1218, %parallel_loop3A_1219, %parallel_loop3A_1220] {strides = array<i32>} : memref<4x200x64xf32, #tpu.memory_space<vmem>>, vector<1x1x16xf32>,
        %parallel_loop3A_1222 = vector.shape_cast %parallel_loop3A_1221 : vector<1x1x16xf32> to vector<16xf32>
        %parallel_loop3A_1223 = vector.shape_cast %parallel_loop3A_1216 : vector<16xf32> to vector<1x1x16xf32>
        tpu.vector_store %arg7[%parallel_loop3A_1218, %parallel_loop3A_1219, %parallel_loop3A_1220], %parallel_loop3A_1223 {add = true, strides = array<i32>} : memref<4x200x64xf32, #tpu.memory_space<vmem>>, vector<1x1x16xf32>,
        %parallel_loop3A_1224 = arith.index_cast %parallel_loop3A_1212 : i32 to index
        %parallel_loop3A_1225 = arith.constant 16 : index
        %parallel_loop3A_1226 = tpu.vector_load %arg8[%parallel_loop3A_1224, %parallel_loop3A_1225] {strides = array<i32>} : memref<200x64xf32, #tpu.memory_space<vmem>>, vector<1x16xf32>,
        %parallel_loop3A_1227 = vector.shape_cast %parallel_loop3A_1226 : vector<1x16xf32> to vector<16xf32>
        %parallel_loop3A_1228 = arith.constant 2 : i32
        %parallel_loop3A_1229 = arith.index_cast %parallel_loop3A_1228 : i32 to index
        %parallel_loop3A_1230 = arith.index_cast %parallel_loop3A_1212 : i32 to index
        %parallel_loop3A_1231 = arith.constant 16 : index
        %parallel_loop3A_1232 = tpu.vector_load %arg7[%parallel_loop3A_1229, %parallel_loop3A_1230, %parallel_loop3A_1231] {strides = array<i32>} : memref<4x200x64xf32, #tpu.memory_space<vmem>>, vector<1x1x16xf32>,
        %parallel_loop3A_1233 = vector.shape_cast %parallel_loop3A_1232 : vector<1x1x16xf32> to vector<16xf32>
        %parallel_loop3A_1234 = vector.shape_cast %parallel_loop3A_1227 : vector<16xf32> to vector<1x1x16xf32>
        tpu.vector_store %arg7[%parallel_loop3A_1229, %parallel_loop3A_1230, %parallel_loop3A_1231], %parallel_loop3A_1234 {add = true, strides = array<i32>} : memref<4x200x64xf32, #tpu.memory_space<vmem>>, vector<1x1x16xf32>,
        %parallel_loop3A_1235 = arith.index_cast %parallel_loop3A_1212 : i32 to index
        %parallel_loop3A_1236 = arith.constant 32 : index
        %parallel_loop3A_1237 = tpu.vector_load %arg8[%parallel_loop3A_1235, %parallel_loop3A_1236] {strides = array<i32>} : memref<200x64xf32, #tpu.memory_space<vmem>>, vector<1x16xf32>,
        %parallel_loop3A_1238 = vector.shape_cast %parallel_loop3A_1237 : vector<1x16xf32> to vector<16xf32>
        %parallel_loop3A_1239 = arith.constant 2 : i32
        %parallel_loop3A_1240 = arith.index_cast %parallel_loop3A_1239 : i32 to index
        %parallel_loop3A_1241 = arith.index_cast %parallel_loop3A_1212 : i32 to index
        %parallel_loop3A_1242 = arith.constant 32 : index
        %parallel_loop3A_1243 = tpu.vector_load %arg7[%parallel_loop3A_1240, %parallel_loop3A_1241, %parallel_loop3A_1242] {strides = array<i32>} : memref<4x200x64xf32, #tpu.memory_space<vmem>>, vector<1x1x16xf32>,
        %parallel_loop3A_1244 = vector.shape_cast %parallel_loop3A_1243 : vector<1x1x16xf32> to vector<16xf32>
        %parallel_loop3A_1245 = vector.shape_cast %parallel_loop3A_1238 : vector<16xf32> to vector<1x1x16xf32>
        tpu.vector_store %arg7[%parallel_loop3A_1240, %parallel_loop3A_1241, %parallel_loop3A_1242], %parallel_loop3A_1245 {add = true, strides = array<i32>} : memref<4x200x64xf32, #tpu.memory_space<vmem>>, vector<1x1x16xf32>,
        %parallel_loop3A_1246 = arith.index_cast %parallel_loop3A_1212 : i32 to index
        %parallel_loop3A_1247 = arith.constant 48 : index
        %parallel_loop3A_1248 = tpu.vector_load %arg8[%parallel_loop3A_1246, %parallel_loop3A_1247] {strides = array<i32>} : memref<200x64xf32, #tpu.memory_space<vmem>>, vector<1x16xf32>,
        %parallel_loop3A_1249 = vector.shape_cast %parallel_loop3A_1248 : vector<1x16xf32> to vector<16xf32>
        %parallel_loop3A_1250 = arith.constant 2 : i32
        %parallel_loop3A_1251 = arith.index_cast %parallel_loop3A_1250 : i32 to index
        %parallel_loop3A_1252 = arith.index_cast %parallel_loop3A_1212 : i32 to index
        %parallel_loop3A_1253 = arith.constant 48 : index
        %parallel_loop3A_1254 = tpu.vector_load %arg7[%parallel_loop3A_1251, %parallel_loop3A_1252, %parallel_loop3A_1253] {strides = array<i32>} : memref<4x200x64xf32, #tpu.memory_space<vmem>>, vector<1x1x16xf32>,
        %parallel_loop3A_1255 = vector.shape_cast %parallel_loop3A_1254 : vector<1x1x16xf32> to vector<16xf32>
        %parallel_loop3A_1256 = vector.shape_cast %parallel_loop3A_1249 : vector<16xf32> to vector<1x1x16xf32>
        tpu.vector_store %arg7[%parallel_loop3A_1251, %parallel_loop3A_1252, %parallel_loop3A_1253], %parallel_loop3A_1256 {add = true, strides = array<i32>} : memref<4x200x64xf32, #tpu.memory_space<vmem>>, vector<1x1x16xf32>,
      } {sc.loop_unroll_factor = 4 : i64, sc.parallel_access}
      %mul3A_1038 = arith.constant 128 : i32
      %mul3A_1039 = arith.muli %add3A, %mul3A_1038 : i32
      %add3A_1040 = arith.addi %mul3A_1039, %add3A_1008 : i32
      %dma_start3A_1041 = arith.constant 2 : i32
      %dma_start3A_1042 = arith.constant 0 : i32
      %dma_start3A_1043 = arith.constant 0 : i32
      %dma_start3A_1044 = tpu.memref_slice %arg7[%dma_start3A_1041, %dma_start3A_1042, %dma_start3A_1043] : memref<4x200x64xf32, #tpu.memory_space<vmem>> -> memref<1x200x64xf32, #tpu.memory_space<vmem>>
      %dma_start3A_1045 = tpu.memref_squeeze %dma_start3A_1044 : memref<1x200x64xf32, #tpu.memory_space<vmem>> -> memref<200x64xf32, #tpu.memory_space<vmem>>
      %dma_start3A_1046 = arith.constant 0 : i32
      %dma_start3A_1047 = arith.constant 0 : i32
      %dma_start3A_1048 = tpu.memref_slice %arg5[%add3A_1040, %dma_start3A_1046, %dma_start3A_1047] : memref<4096x200x64xf32, #tpu.memory_space<hbm>> -> memref<1x200x64xf32, #tpu.memory_space<hbm>>
      %dma_start3A_1049 = tpu.memref_squeeze %dma_start3A_1048 : memref<1x200x64xf32, #tpu.memory_space<hbm>> -> memref<200x64xf32, #tpu.memory_space<hbm>>
      %dma_start3A_1050 = arith.constant 0 : i32
      %dma_start3A_1051 = arith.constant 0 : i32
      %dma_start3A_1052 = tpu.memref_slice %arg5[%add3A_1040, %dma_start3A_1050, %dma_start3A_1051] : memref<4096x200x64xf32, #tpu.memory_space<hbm>> -> memref<1x200x64xf32, #tpu.memory_space<hbm>>
      %dma_start3A_1053 = tpu.memref_squeeze %dma_start3A_1052 : memref<1x200x64xf32, #tpu.memory_space<hbm>> -> memref<200x64xf32, #tpu.memory_space<hbm>>
      %dma_start3A_1054 = arith.constant 0 : i32
      %dma_start3A_1055 = arith.constant 0 : i32
      %dma_start3A_1056 = tpu.memref_slice %arg7[%dma_start3A_1041, %dma_start3A_1054, %dma_start3A_1055] : memref<4x200x64xf32, #tpu.memory_space<vmem>> -> memref<1x200x64xf32, #tpu.memory_space<vmem>>
      %dma_start3A_1057 = tpu.memref_squeeze %dma_start3A_1056 : memref<1x200x64xf32, #tpu.memory_space<vmem>> -> memref<200x64xf32, #tpu.memory_space<vmem>>
      tpu.enqueue_dma source(%dma_start3A_1057 : memref<200x64xf32, #tpu.memory_space<vmem>>) target(%dma_start3A_1053 : memref<200x64xf32, #tpu.memory_space<hbm>>) target_semaphore(%arg15 : memref<!tpu.dma_semaphore, #tpu.memory_space<semaphore_mem>>)
      %dma_wait3A_1058 = arith.constant 0 : i32
      %dma_wait3A_1059 = arith.constant 0 : i32
      %dma_wait3A_1060 = arith.constant 0 : i32
      %dma_wait3A_1061 = arith.constant 0 : i32
      %dma_wait3A_1062 = tpu.memref_slice %arg7[%dma_wait3A_1058, %dma_wait3A_1060, %dma_wait3A_1061] : memref<4x200x64xf32, #tpu.memory_space<vmem>> -> memref<1x200x64xf32, #tpu.memory_space<vmem>>
      %dma_wait3A_1063 = tpu.memref_squeeze %dma_wait3A_1062 : memref<1x200x64xf32, #tpu.memory_space<vmem>> -> memref<200x64xf32, #tpu.memory_space<vmem>>
      %dma_wait3A_1064 = arith.constant 0 : i32
      %dma_wait3A_1065 = arith.constant 0 : i32
      %dma_wait3A_1066 = tpu.memref_slice %arg5[%dma_wait3A_1059, %dma_wait3A_1064, %dma_wait3A_1065] : memref<4096x200x64xf32, #tpu.memory_space<hbm>> -> memref<1x200x64xf32, #tpu.memory_space<hbm>>
      %dma_wait3A_1067 = tpu.memref_squeeze %dma_wait3A_1066 : memref<1x200x64xf32, #tpu.memory_space<hbm>> -> memref<200x64xf32, #tpu.memory_space<hbm>>
      %dma_wait3A_1068 = arith.constant 0 : i32
      %dma_wait3A_1069 = arith.constant 0 : i32
      %dma_wait3A_1070 = tpu.memref_slice %arg5[%dma_wait3A_1059, %dma_wait3A_1068, %dma_wait3A_1069] : memref<4096x200x64xf32, #tpu.memory_space<hbm>> -> memref<1x200x64xf32, #tpu.memory_space<hbm>>
      %dma_wait3A_1071 = tpu.memref_squeeze %dma_wait3A_1070 : memref<1x200x64xf32, #tpu.memory_space<hbm>> -> memref<200x64xf32, #tpu.memory_space<hbm>>
      %dma_wait3A_1072 = arith.constant 0 : i32
      %dma_wait3A_1073 = arith.constant 0 : i32
      %dma_wait3A_1074 = tpu.memref_slice %arg7[%dma_wait3A_1058, %dma_wait3A_1072, %dma_wait3A_1073] : memref<4x200x64xf32, #tpu.memory_space<vmem>> -> memref<1x200x64xf32, #tpu.memory_space<vmem>>
      %dma_wait3A_1075 = tpu.memref_squeeze %dma_wait3A_1074 : memref<1x200x64xf32, #tpu.memory_space<vmem>> -> memref<200x64xf32, #tpu.memory_space<vmem>>
      tpu.wait_dma2 semaphore(%arg13 : memref<!tpu.dma_semaphore, #tpu.memory_space<semaphore_mem>>) src(%dma_wait3A_1075 : memref<200x64xf32, #tpu.memory_space<vmem>>) dst(%dma_wait3A_1071 : memref<200x64xf32, #tpu.memory_space<hbm>>)
      %add3A_1076 = arith.constant 2 : i32
      %add3A_1077 = arith.addi %add3A_1008, %add3A_1076 : i32
      %mul3A_1078 = arith.constant 128 : i32
      %mul3A_1079 = arith.muli %add3A, %mul3A_1078 : i32
      %add3A_1080 = arith.addi %mul3A_1079, %add3A_1077 : i32
      %run_scoped3A_1081 = arith.constant 0 : i32
      "tpu.region"() ({
        %run_scoped3A_1212 = tpu.sem_alloc : memref<!tpu.dma_semaphore, #tpu.memory_space<semaphore_mem>>
        %dma_start3A_1213 = arith.constant 0 : i32
        %dma_start3A_1214 = arith.constant 0 : i32
        %dma_start3A_1215 = tpu.memref_slice %arg6[%run_scoped3A_1081, %dma_start3A_1213, %dma_start3A_1214] : memref<4x2x100xi32, #tpu.memory_space<vmem>> -> memref<1x2x100xi32, #tpu.memory_space<vmem>>
        %dma_start3A_1216 = tpu.memref_squeeze %dma_start3A_1215 : memref<1x2x100xi32, #tpu.memory_space<vmem>> -> memref<2x100xi32, #tpu.memory_space<vmem>>
        %dma_start3A_1217 = arith.constant 0 : i32
        %dma_start3A_1218 = arith.constant 0 : i32
        %dma_start3A_1219 = tpu.memref_slice %arg3[%add3A_1080, %dma_start3A_1217, %dma_start3A_1218] : memref<4096x2x100xi32, #tpu.memory_space<hbm>> -> memref<1x2x100xi32, #tpu.memory_space<hbm>>
        %dma_start3A_1220 = tpu.memref_squeeze %dma_start3A_1219 : memref<1x2x100xi32, #tpu.memory_space<hbm>> -> memref<2x100xi32, #tpu.memory_space<hbm>>
        %dma_start3A_1221 = arith.constant 0 : i32
        %dma_start3A_1222 = arith.constant 0 : i32
        %dma_start3A_1223 = tpu.memref_slice %arg6[%run_scoped3A_1081, %dma_start3A_1221, %dma_start3A_1222] : memref<4x2x100xi32, #tpu.memory_space<vmem>> -> memref<1x2x100xi32, #tpu.memory_space<vmem>>
        %dma_start3A_1224 = tpu.memref_squeeze %dma_start3A_1223 : memref<1x2x100xi32, #tpu.memory_space<vmem>> -> memref<2x100xi32, #tpu.memory_space<vmem>>
        %dma_start3A_1225 = arith.constant 0 : i32
        %dma_start3A_1226 = arith.constant 0 : i32
        %dma_start3A_1227 = tpu.memref_slice %arg3[%add3A_1080, %dma_start3A_1225, %dma_start3A_1226] : memref<4096x2x100xi32, #tpu.memory_space<hbm>> -> memref<1x2x100xi32, #tpu.memory_space<hbm>>
        %dma_start3A_1228 = tpu.memref_squeeze %dma_start3A_1227 : memref<1x2x100xi32, #tpu.memory_space<hbm>> -> memref<2x100xi32, #tpu.memory_space<hbm>>
        tpu.enqueue_dma source(%dma_start3A_1228 : memref<2x100xi32, #tpu.memory_space<hbm>>) target(%dma_start3A_1224 : memref<2x100xi32, #tpu.memory_space<vmem>>) target_semaphore(%run_scoped3A_1212 : memref<!tpu.dma_semaphore, #tpu.memory_space<semaphore_mem>>)
        %dma_wait3A_1229 = arith.constant 0 : i32
        %dma_wait3A_1230 = arith.constant 0 : i32
        %dma_wait3A_1231 = tpu.memref_slice %arg6[%run_scoped3A_1081, %dma_wait3A_1229, %dma_wait3A_1230] : memref<4x2x100xi32, #tpu.memory_space<vmem>> -> memref<1x2x100xi32, #tpu.memory_space<vmem>>
        %dma_wait3A_1232 = tpu.memref_squeeze %dma_wait3A_1231 : memref<1x2x100xi32, #tpu.memory_space<vmem>> -> memref<2x100xi32, #tpu.memory_space<vmem>>
        %dma_wait3A_1233 = arith.constant 0 : i32
        %dma_wait3A_1234 = arith.constant 0 : i32
        %dma_wait3A_1235 = tpu.memref_slice %arg3[%add3A_1080, %dma_wait3A_1233, %dma_wait3A_1234] : memref<4096x2x100xi32, #tpu.memory_space<hbm>> -> memref<1x2x100xi32, #tpu.memory_space<hbm>>
        %dma_wait3A_1236 = tpu.memref_squeeze %dma_wait3A_1235 : memref<1x2x100xi32, #tpu.memory_space<hbm>> -> memref<2x100xi32, #tpu.memory_space<hbm>>
        %dma_wait3A_1237 = arith.constant 0 : i32
        %dma_wait3A_1238 = arith.constant 0 : i32
        %dma_wait3A_1239 = tpu.memref_slice %arg6[%run_scoped3A_1081, %dma_wait3A_1237, %dma_wait3A_1238] : memref<4x2x100xi32, #tpu.memory_space<vmem>> -> memref<1x2x100xi32, #tpu.memory_space<vmem>>
        %dma_wait3A_1240 = tpu.memref_squeeze %dma_wait3A_1239 : memref<1x2x100xi32, #tpu.memory_space<vmem>> -> memref<2x100xi32, #tpu.memory_space<vmem>>
        %dma_wait3A_1241 = arith.constant 0 : i32
        %dma_wait3A_1242 = arith.constant 0 : i32
        %dma_wait3A_1243 = tpu.memref_slice %arg3[%add3A_1080, %dma_wait3A_1241, %dma_wait3A_1242] : memref<4096x2x100xi32, #tpu.memory_space<hbm>> -> memref<1x2x100xi32, #tpu.memory_space<hbm>>
        %dma_wait3A_1244 = tpu.memref_squeeze %dma_wait3A_1243 : memref<1x2x100xi32, #tpu.memory_space<hbm>> -> memref<2x100xi32, #tpu.memory_space<hbm>>
        tpu.wait_dma2 semaphore(%run_scoped3A_1212 : memref<!tpu.dma_semaphore, #tpu.memory_space<semaphore_mem>>) src(%dma_wait3A_1244 : memref<2x100xi32, #tpu.memory_space<hbm>>) dst(%dma_wait3A_1240 : memref<2x100xi32, #tpu.memory_space<vmem>>)
        tpu.yield
      }) : () -> ()
      %dma_start3A_1082 = arith.constant 0 : i32
      %dma_start3A_1083 = arith.constant 0 : i32
      %dma_start3A_1084 = arith.constant 0 : i32
      %dma_start3A_1085 = arith.constant 0 : i32
      %dma_start3A_1086 = arith.constant 0 : i32
      %dma_start3A_1087 = tpu.memref_slice %arg7[%dma_start3A_1084, %dma_start3A_1085, %dma_start3A_1086] : memref<4x200x64xf32, #tpu.memory_space<vmem>> -> memref<1x100x64xf32, #tpu.memory_space<vmem>>
      %dma_start3A_1088 = tpu.memref_squeeze %dma_start3A_1087 : memref<1x100x64xf32, #tpu.memory_space<vmem>> -> memref<100x64xf32, #tpu.memory_space<vmem>>
      %dma_start3A_1089 = arith.constant 0 : i32
      %dma_start3A_1090 = tpu.memref_slice %arg6[%dma_start3A_1082, %dma_start3A_1083, %dma_start3A_1089] : memref<4x2x100xi32, #tpu.memory_space<vmem>> -> memref<1x1x100xi32, #tpu.memory_space<vmem>>
      %dma_start3A_1091 = tpu.memref_squeeze %dma_start3A_1090 : memref<1x1x100xi32, #tpu.memory_space<vmem>> -> memref<100xi32, #tpu.memory_space<vmem>>
      %dma_start3A_1092 = arith.constant 0 : i32
      %dma_start3A_1093 = arith.constant 0 : i32
      %dma_start3A_1094 = tpu.memref_slice %arg2[%dma_start3A_1092, %dma_start3A_1093] : memref<1000000x64xf32, #tpu.memory_space<hbm>> -> memref<1000000x64xf32, #tpu.memory_space<hbm>>
      tpu.enqueue_indirect_dma source(%dma_start3A_1094 : memref<1000000x64xf32, #tpu.memory_space<hbm>>) target(%dma_start3A_1088 : memref<100x64xf32, #tpu.memory_space<vmem>>) offsets(%dma_start3A_1091 : memref<100xi32, #tpu.memory_space<vmem>>) semaphore(%arg9 : memref<!tpu.dma_semaphore, #tpu.memory_space<semaphore_mem>>)
      %dma_start3A_1095 = arith.constant 0 : i32
      %dma_start3A_1096 = arith.constant 1 : i32
      %dma_start3A_1097 = arith.constant 0 : i32
      %dma_start3A_1098 = arith.constant 100 : i32
      %dma_start3A_1099 = arith.constant 0 : i32
      %dma_start3A_1100 = tpu.memref_slice %arg7[%dma_start3A_1097, %dma_start3A_1098, %dma_start3A_1099] : memref<4x200x64xf32, #tpu.memory_space<vmem>> -> memref<1x100x64xf32, #tpu.memory_space<vmem>>
      %dma_start3A_1101 = tpu.memref_squeeze %dma_start3A_1100 : memref<1x100x64xf32, #tpu.memory_space<vmem>> -> memref<100x64xf32, #tpu.memory_space<vmem>>
      %dma_start3A_1102 = arith.constant 0 : i32
      %dma_start3A_1103 = tpu.memref_slice %arg6[%dma_start3A_1095, %dma_start3A_1096, %dma_start3A_1102] : memref<4x2x100xi32, #tpu.memory_space<vmem>> -> memref<1x1x100xi32, #tpu.memory_space<vmem>>
      %dma_start3A_1104 = tpu.memref_squeeze %dma_start3A_1103 : memref<1x1x100xi32, #tpu.memory_space<vmem>> -> memref<100xi32, #tpu.memory_space<vmem>>
      %dma_start3A_1105 = arith.constant 0 : i32
      %dma_start3A_1106 = arith.constant 0 : i32
      %dma_start3A_1107 = tpu.memref_slice %arg2[%dma_start3A_1105, %dma_start3A_1106] : memref<1000000x64xf32, #tpu.memory_space<hbm>> -> memref<1000000x64xf32, #tpu.memory_space<hbm>>
      tpu.enqueue_indirect_dma source(%dma_start3A_1107 : memref<1000000x64xf32, #tpu.memory_space<hbm>>) target(%dma_start3A_1101 : memref<100x64xf32, #tpu.memory_space<vmem>>) offsets(%dma_start3A_1104 : memref<100xi32, #tpu.memory_space<vmem>>) semaphore(%arg9 : memref<!tpu.dma_semaphore, #tpu.memory_space<semaphore_mem>>)
      %mul3A_1108 = arith.constant 4 : i32
      %mul3A_1109 = arith.muli %scan3A_797, %mul3A_1108 : i32
      %add3A_1110 = arith.constant 3 : i32
      %add3A_1111 = arith.addi %mul3A_1109, %add3A_1110 : i32
      %dma_wait3A_1112 = arith.constant 3 : i32
      %dma_wait3A_1113 = arith.constant 0 : i32
      %dma_wait3A_1114 = arith.constant 3 : i32
      %dma_wait3A_1115 = arith.constant 0 : i32
      %dma_wait3A_1116 = arith.constant 0 : i32
      %dma_wait3A_1117 = tpu.memref_slice %arg7[%dma_wait3A_1114, %dma_wait3A_1115, %dma_wait3A_1116] : memref<4x200x64xf32, #tpu.memory_space<vmem>> -> memref<1x100x64xf32, #tpu.memory_space<vmem>>
      %dma_wait3A_1118 = tpu.memref_squeeze %dma_wait3A_1117 : memref<1x100x64xf32, #tpu.memory_space<vmem>> -> memref<100x64xf32, #tpu.memory_space<vmem>>
      %dma_wait3A_1119 = arith.constant 0 : i32
      %dma_wait3A_1120 = tpu.memref_slice %arg6[%dma_wait3A_1112, %dma_wait3A_1113, %dma_wait3A_1119] : memref<4x2x100xi32, #tpu.memory_space<vmem>> -> memref<1x1x100xi32, #tpu.memory_space<vmem>>
      %dma_wait3A_1121 = tpu.memref_squeeze %dma_wait3A_1120 : memref<1x1x100xi32, #tpu.memory_space<vmem>> -> memref<100xi32, #tpu.memory_space<vmem>>
      %dma_wait3A_1122 = arith.constant 0 : i32
      %dma_wait3A_1123 = arith.constant 0 : i32
      %dma_wait3A_1124 = tpu.memref_slice %arg2[%dma_wait3A_1122, %dma_wait3A_1123] : memref<1000000x64xf32, #tpu.memory_space<hbm>> -> memref<1000000x64xf32, #tpu.memory_space<hbm>>
      tpu.wait_indirect_dma semaphore(%arg12 : memref<!tpu.dma_semaphore, #tpu.memory_space<semaphore_mem>>) src(%dma_wait3A_1124 : memref<1000000x64xf32, #tpu.memory_space<hbm>>) dst(%dma_wait3A_1118 : memref<100x64xf32, #tpu.memory_space<vmem>>)
      %dma_wait3A_1125 = arith.constant 3 : i32
      %dma_wait3A_1126 = arith.constant 1 : i32
      %dma_wait3A_1127 = arith.constant 3 : i32
      %dma_wait3A_1128 = arith.constant 100 : i32
      %dma_wait3A_1129 = arith.constant 0 : i32
      %dma_wait3A_1130 = tpu.memref_slice %arg7[%dma_wait3A_1127, %dma_wait3A_1128, %dma_wait3A_1129] : memref<4x200x64xf32, #tpu.memory_space<vmem>> -> memref<1x100x64xf32, #tpu.memory_space<vmem>>
      %dma_wait3A_1131 = tpu.memref_squeeze %dma_wait3A_1130 : memref<1x100x64xf32, #tpu.memory_space<vmem>> -> memref<100x64xf32, #tpu.memory_space<vmem>>
      %dma_wait3A_1132 = arith.constant 0 : i32
      %dma_wait3A_1133 = tpu.memref_slice %arg6[%dma_wait3A_1125, %dma_wait3A_1126, %dma_wait3A_1132] : memref<4x2x100xi32, #tpu.memory_space<vmem>> -> memref<1x1x100xi32, #tpu.memory_space<vmem>>
      %dma_wait3A_1134 = tpu.memref_squeeze %dma_wait3A_1133 : memref<1x1x100xi32, #tpu.memory_space<vmem>> -> memref<100xi32, #tpu.memory_space<vmem>>
      %dma_wait3A_1135 = arith.constant 0 : i32
      %dma_wait3A_1136 = arith.constant 0 : i32
      %dma_wait3A_1137 = tpu.memref_slice %arg2[%dma_wait3A_1135, %dma_wait3A_1136] : memref<1000000x64xf32, #tpu.memory_space<hbm>> -> memref<1000000x64xf32, #tpu.memory_space<hbm>>
      tpu.wait_indirect_dma semaphore(%arg12 : memref<!tpu.dma_semaphore, #tpu.memory_space<semaphore_mem>>) src(%dma_wait3A_1137 : memref<1000000x64xf32, #tpu.memory_space<hbm>>) dst(%dma_wait3A_1131 : memref<100x64xf32, #tpu.memory_space<vmem>>)
      %parallel_loop3A_1138 = arith.constant 0 : i32
      %parallel_loop3A_1139 = arith.constant 200 : i32
      %parallel_loop3A_1140 = arith.constant 1 : i32
      scf.for %parallel_loop3A_1212 = %parallel_loop3A_1138 to %parallel_loop3A_1139 step %parallel_loop3A_1140  : i32 {
        %parallel_loop3A_1213 = arith.index_cast %parallel_loop3A_1212 : i32 to index
        %parallel_loop3A_1214 = arith.constant 0 : index
        %parallel_loop3A_1215 = tpu.vector_load %arg8[%parallel_loop3A_1213, %parallel_loop3A_1214] {strides = array<i32>} : memref<200x64xf32, #tpu.memory_space<vmem>>, vector<1x16xf32>,
        %parallel_loop3A_1216 = vector.shape_cast %parallel_loop3A_1215 : vector<1x16xf32> to vector<16xf32>
        %parallel_loop3A_1217 = arith.constant 3 : i32
        %parallel_loop3A_1218 = arith.index_cast %parallel_loop3A_1217 : i32 to index
        %parallel_loop3A_1219 = arith.index_cast %parallel_loop3A_1212 : i32 to index
        %parallel_loop3A_1220 = arith.constant 0 : index
        %parallel_loop3A_1221 = tpu.vector_load %arg7[%parallel_loop3A_1218, %parallel_loop3A_1219, %parallel_loop3A_1220] {strides = array<i32>} : memref<4x200x64xf32, #tpu.memory_space<vmem>>, vector<1x1x16xf32>,
        %parallel_loop3A_1222 = vector.shape_cast %parallel_loop3A_1221 : vector<1x1x16xf32> to vector<16xf32>
        %parallel_loop3A_1223 = vector.shape_cast %parallel_loop3A_1216 : vector<16xf32> to vector<1x1x16xf32>
        tpu.vector_store %arg7[%parallel_loop3A_1218, %parallel_loop3A_1219, %parallel_loop3A_1220], %parallel_loop3A_1223 {add = true, strides = array<i32>} : memref<4x200x64xf32, #tpu.memory_space<vmem>>, vector<1x1x16xf32>,
        %parallel_loop3A_1224 = arith.index_cast %parallel_loop3A_1212 : i32 to index
        %parallel_loop3A_1225 = arith.constant 16 : index
        %parallel_loop3A_1226 = tpu.vector_load %arg8[%parallel_loop3A_1224, %parallel_loop3A_1225] {strides = array<i32>} : memref<200x64xf32, #tpu.memory_space<vmem>>, vector<1x16xf32>,
        %parallel_loop3A_1227 = vector.shape_cast %parallel_loop3A_1226 : vector<1x16xf32> to vector<16xf32>
        %parallel_loop3A_1228 = arith.constant 3 : i32
        %parallel_loop3A_1229 = arith.index_cast %parallel_loop3A_1228 : i32 to index
        %parallel_loop3A_1230 = arith.index_cast %parallel_loop3A_1212 : i32 to index
        %parallel_loop3A_1231 = arith.constant 16 : index
        %parallel_loop3A_1232 = tpu.vector_load %arg7[%parallel_loop3A_1229, %parallel_loop3A_1230, %parallel_loop3A_1231] {strides = array<i32>} : memref<4x200x64xf32, #tpu.memory_space<vmem>>, vector<1x1x16xf32>,
        %parallel_loop3A_1233 = vector.shape_cast %parallel_loop3A_1232 : vector<1x1x16xf32> to vector<16xf32>
        %parallel_loop3A_1234 = vector.shape_cast %parallel_loop3A_1227 : vector<16xf32> to vector<1x1x16xf32>
        tpu.vector_store %arg7[%parallel_loop3A_1229, %parallel_loop3A_1230, %parallel_loop3A_1231], %parallel_loop3A_1234 {add = true, strides = array<i32>} : memref<4x200x64xf32, #tpu.memory_space<vmem>>, vector<1x1x16xf32>,
        %parallel_loop3A_1235 = arith.index_cast %parallel_loop3A_1212 : i32 to index
        %parallel_loop3A_1236 = arith.constant 32 : index
        %parallel_loop3A_1237 = tpu.vector_load %arg8[%parallel_loop3A_1235, %parallel_loop3A_1236] {strides = array<i32>} : memref<200x64xf32, #tpu.memory_space<vmem>>, vector<1x16xf32>,
        %parallel_loop3A_1238 = vector.shape_cast %parallel_loop3A_1237 : vector<1x16xf32> to vector<16xf32>
        %parallel_loop3A_1239 = arith.constant 3 : i32
        %parallel_loop3A_1240 = arith.index_cast %parallel_loop3A_1239 : i32 to index
        %parallel_loop3A_1241 = arith.index_cast %parallel_loop3A_1212 : i32 to index
        %parallel_loop3A_1242 = arith.constant 32 : index
        %parallel_loop3A_1243 = tpu.vector_load %arg7[%parallel_loop3A_1240, %parallel_loop3A_1241, %parallel_loop3A_1242] {strides = array<i32>} : memref<4x200x64xf32, #tpu.memory_space<vmem>>, vector<1x1x16xf32>,
        %parallel_loop3A_1244 = vector.shape_cast %parallel_loop3A_1243 : vector<1x1x16xf32> to vector<16xf32>
        %parallel_loop3A_1245 = vector.shape_cast %parallel_loop3A_1238 : vector<16xf32> to vector<1x1x16xf32>
        tpu.vector_store %arg7[%parallel_loop3A_1240, %parallel_loop3A_1241, %parallel_loop3A_1242], %parallel_loop3A_1245 {add = true, strides = array<i32>} : memref<4x200x64xf32, #tpu.memory_space<vmem>>, vector<1x1x16xf32>,
        %parallel_loop3A_1246 = arith.index_cast %parallel_loop3A_1212 : i32 to index
        %parallel_loop3A_1247 = arith.constant 48 : index
        %parallel_loop3A_1248 = tpu.vector_load %arg8[%parallel_loop3A_1246, %parallel_loop3A_1247] {strides = array<i32>} : memref<200x64xf32, #tpu.memory_space<vmem>>, vector<1x16xf32>,
        %parallel_loop3A_1249 = vector.shape_cast %parallel_loop3A_1248 : vector<1x16xf32> to vector<16xf32>
        %parallel_loop3A_1250 = arith.constant 3 : i32
        %parallel_loop3A_1251 = arith.index_cast %parallel_loop3A_1250 : i32 to index
        %parallel_loop3A_1252 = arith.index_cast %parallel_loop3A_1212 : i32 to index
        %parallel_loop3A_1253 = arith.constant 48 : index
        %parallel_loop3A_1254 = tpu.vector_load %arg7[%parallel_loop3A_1251, %parallel_loop3A_1252, %parallel_loop3A_1253] {strides = array<i32>} : memref<4x200x64xf32, #tpu.memory_space<vmem>>, vector<1x1x16xf32>,
        %parallel_loop3A_1255 = vector.shape_cast %parallel_loop3A_1254 : vector<1x1x16xf32> to vector<16xf32>
        %parallel_loop3A_1256 = vector.shape_cast %parallel_loop3A_1249 : vector<16xf32> to vector<1x1x16xf32>
        tpu.vector_store %arg7[%parallel_loop3A_1251, %parallel_loop3A_1252, %parallel_loop3A_1253], %parallel_loop3A_1256 {add = true, strides = array<i32>} : memref<4x200x64xf32, #tpu.memory_space<vmem>>, vector<1x1x16xf32>,
      } {sc.loop_unroll_factor = 4 : i64, sc.parallel_access}
      %mul3A_1141 = arith.constant 128 : i32
      %mul3A_1142 = arith.muli %add3A, %mul3A_1141 : i32
      %add3A_1143 = arith.addi %mul3A_1142, %add3A_1111 : i32
      %dma_start3A_1144 = arith.constant 3 : i32
      %dma_start3A_1145 = arith.constant 0 : i32
      %dma_start3A_1146 = arith.constant 0 : i32
      %dma_start3A_1147 = tpu.memref_slice %arg7[%dma_start3A_1144, %dma_start3A_1145, %dma_start3A_1146] : memref<4x200x64xf32, #tpu.memory_space<vmem>> -> memref<1x200x64xf32, #tpu.memory_space<vmem>>
      %dma_start3A_1148 = tpu.memref_squeeze %dma_start3A_1147 : memref<1x200x64xf32, #tpu.memory_space<vmem>> -> memref<200x64xf32, #tpu.memory_space<vmem>>
      %dma_start3A_1149 = arith.constant 0 : i32
      %dma_start3A_1150 = arith.constant 0 : i32
      %dma_start3A_1151 = tpu.memref_slice %arg5[%add3A_1143, %dma_start3A_1149, %dma_start3A_1150] : memref<4096x200x64xf32, #tpu.memory_space<hbm>> -> memref<1x200x64xf32, #tpu.memory_space<hbm>>
      %dma_start3A_1152 = tpu.memref_squeeze %dma_start3A_1151 : memref<1x200x64xf32, #tpu.memory_space<hbm>> -> memref<200x64xf32, #tpu.memory_space<hbm>>
      %dma_start3A_1153 = arith.constant 0 : i32
      %dma_start3A_1154 = arith.constant 0 : i32
      %dma_start3A_1155 = tpu.memref_slice %arg5[%add3A_1143, %dma_start3A_1153, %dma_start3A_1154] : memref<4096x200x64xf32, #tpu.memory_space<hbm>> -> memref<1x200x64xf32, #tpu.memory_space<hbm>>
      %dma_start3A_1156 = tpu.memref_squeeze %dma_start3A_1155 : memref<1x200x64xf32, #tpu.memory_space<hbm>> -> memref<200x64xf32, #tpu.memory_space<hbm>>
      %dma_start3A_1157 = arith.constant 0 : i32
      %dma_start3A_1158 = arith.constant 0 : i32
      %dma_start3A_1159 = tpu.memref_slice %arg7[%dma_start3A_1144, %dma_start3A_1157, %dma_start3A_1158] : memref<4x200x64xf32, #tpu.memory_space<vmem>> -> memref<1x200x64xf32, #tpu.memory_space<vmem>>
      %dma_start3A_1160 = tpu.memref_squeeze %dma_start3A_1159 : memref<1x200x64xf32, #tpu.memory_space<vmem>> -> memref<200x64xf32, #tpu.memory_space<vmem>>
      tpu.enqueue_dma source(%dma_start3A_1160 : memref<200x64xf32, #tpu.memory_space<vmem>>) target(%dma_start3A_1156 : memref<200x64xf32, #tpu.memory_space<hbm>>) target_semaphore(%arg16 : memref<!tpu.dma_semaphore, #tpu.memory_space<semaphore_mem>>)
      %dma_wait3A_1161 = arith.constant 1 : i32
      %dma_wait3A_1162 = arith.constant 0 : i32
      %dma_wait3A_1163 = arith.constant 0 : i32
      %dma_wait3A_1164 = arith.constant 0 : i32
      %dma_wait3A_1165 = tpu.memref_slice %arg7[%dma_wait3A_1161, %dma_wait3A_1163, %dma_wait3A_1164] : memref<4x200x64xf32, #tpu.memory_space<vmem>> -> memref<1x200x64xf32, #tpu.memory_space<vmem>>
      %dma_wait3A_1166 = tpu.memref_squeeze %dma_wait3A_1165 : memref<1x200x64xf32, #tpu.memory_space<vmem>> -> memref<200x64xf32, #tpu.memory_space<vmem>>
      %dma_wait3A_1167 = arith.constant 0 : i32
      %dma_wait3A_1168 = arith.constant 0 : i32
      %dma_wait3A_1169 = tpu.memref_slice %arg5[%dma_wait3A_1162, %dma_wait3A_1167, %dma_wait3A_1168] : memref<4096x200x64xf32, #tpu.memory_space<hbm>> -> memref<1x200x64xf32, #tpu.memory_space<hbm>>
      %dma_wait3A_1170 = tpu.memref_squeeze %dma_wait3A_1169 : memref<1x200x64xf32, #tpu.memory_space<hbm>> -> memref<200x64xf32, #tpu.memory_space<hbm>>
      %dma_wait3A_1171 = arith.constant 0 : i32
      %dma_wait3A_1172 = arith.constant 0 : i32
      %dma_wait3A_1173 = tpu.memref_slice %arg5[%dma_wait3A_1162, %dma_wait3A_1171, %dma_wait3A_1172] : memref<4096x200x64xf32, #tpu.memory_space<hbm>> -> memref<1x200x64xf32, #tpu.memory_space<hbm>>
      %dma_wait3A_1174 = tpu.memref_squeeze %dma_wait3A_1173 : memref<1x200x64xf32, #tpu.memory_space<hbm>> -> memref<200x64xf32, #tpu.memory_space<hbm>>
      %dma_wait3A_1175 = arith.constant 0 : i32
      %dma_wait3A_1176 = arith.constant 0 : i32
      %dma_wait3A_1177 = tpu.memref_slice %arg7[%dma_wait3A_1161, %dma_wait3A_1175, %dma_wait3A_1176] : memref<4x200x64xf32, #tpu.memory_space<vmem>> -> memref<1x200x64xf32, #tpu.memory_space<vmem>>
      %dma_wait3A_1178 = tpu.memref_squeeze %dma_wait3A_1177 : memref<1x200x64xf32, #tpu.memory_space<vmem>> -> memref<200x64xf32, #tpu.memory_space<vmem>>
      tpu.wait_dma2 semaphore(%arg14 : memref<!tpu.dma_semaphore, #tpu.memory_space<semaphore_mem>>) src(%dma_wait3A_1178 : memref<200x64xf32, #tpu.memory_space<vmem>>) dst(%dma_wait3A_1174 : memref<200x64xf32, #tpu.memory_space<hbm>>)
      %add3A_1179 = arith.constant 2 : i32
      %add3A_1180 = arith.addi %add3A_1111, %add3A_1179 : i32
      %mul3A_1181 = arith.constant 128 : i32
      %mul3A_1182 = arith.muli %add3A, %mul3A_1181 : i32
      %add3A_1183 = arith.addi %mul3A_1182, %add3A_1180 : i32
      %run_scoped3A_1184 = arith.constant 1 : i32
      "tpu.region"() ({
        %run_scoped3A_1212 = tpu.sem_alloc : memref<!tpu.dma_semaphore, #tpu.memory_space<semaphore_mem>>
        %dma_start3A_1213 = arith.constant 0 : i32
        %dma_start3A_1214 = arith.constant 0 : i32
        %dma_start3A_1215 = tpu.memref_slice %arg6[%run_scoped3A_1184, %dma_start3A_1213, %dma_start3A_1214] : memref<4x2x100xi32, #tpu.memory_space<vmem>> -> memref<1x2x100xi32, #tpu.memory_space<vmem>>
        %dma_start3A_1216 = tpu.memref_squeeze %dma_start3A_1215 : memref<1x2x100xi32, #tpu.memory_space<vmem>> -> memref<2x100xi32, #tpu.memory_space<vmem>>
        %dma_start3A_1217 = arith.constant 0 : i32
        %dma_start3A_1218 = arith.constant 0 : i32
        %dma_start3A_1219 = tpu.memref_slice %arg3[%add3A_1183, %dma_start3A_1217, %dma_start3A_1218] : memref<4096x2x100xi32, #tpu.memory_space<hbm>> -> memref<1x2x100xi32, #tpu.memory_space<hbm>>
        %dma_start3A_1220 = tpu.memref_squeeze %dma_start3A_1219 : memref<1x2x100xi32, #tpu.memory_space<hbm>> -> memref<2x100xi32, #tpu.memory_space<hbm>>
        %dma_start3A_1221 = arith.constant 0 : i32
        %dma_start3A_1222 = arith.constant 0 : i32
        %dma_start3A_1223 = tpu.memref_slice %arg6[%run_scoped3A_1184, %dma_start3A_1221, %dma_start3A_1222] : memref<4x2x100xi32, #tpu.memory_space<vmem>> -> memref<1x2x100xi32, #tpu.memory_space<vmem>>
        %dma_start3A_1224 = tpu.memref_squeeze %dma_start3A_1223 : memref<1x2x100xi32, #tpu.memory_space<vmem>> -> memref<2x100xi32, #tpu.memory_space<vmem>>
        %dma_start3A_1225 = arith.constant 0 : i32
        %dma_start3A_1226 = arith.constant 0 : i32
        %dma_start3A_1227 = tpu.memref_slice %arg3[%add3A_1183, %dma_start3A_1225, %dma_start3A_1226] : memref<4096x2x100xi32, #tpu.memory_space<hbm>> -> memref<1x2x100xi32, #tpu.memory_space<hbm>>
        %dma_start3A_1228 = tpu.memref_squeeze %dma_start3A_1227 : memref<1x2x100xi32, #tpu.memory_space<hbm>> -> memref<2x100xi32, #tpu.memory_space<hbm>>
        tpu.enqueue_dma source(%dma_start3A_1228 : memref<2x100xi32, #tpu.memory_space<hbm>>) target(%dma_start3A_1224 : memref<2x100xi32, #tpu.memory_space<vmem>>) target_semaphore(%run_scoped3A_1212 : memref<!tpu.dma_semaphore, #tpu.memory_space<semaphore_mem>>)
        %dma_wait3A_1229 = arith.constant 0 : i32
        %dma_wait3A_1230 = arith.constant 0 : i32
        %dma_wait3A_1231 = tpu.memref_slice %arg6[%run_scoped3A_1184, %dma_wait3A_1229, %dma_wait3A_1230] : memref<4x2x100xi32, #tpu.memory_space<vmem>> -> memref<1x2x100xi32, #tpu.memory_space<vmem>>
        %dma_wait3A_1232 = tpu.memref_squeeze %dma_wait3A_1231 : memref<1x2x100xi32, #tpu.memory_space<vmem>> -> memref<2x100xi32, #tpu.memory_space<vmem>>
        %dma_wait3A_1233 = arith.constant 0 : i32
        %dma_wait3A_1234 = arith.constant 0 : i32
        %dma_wait3A_1235 = tpu.memref_slice %arg3[%add3A_1183, %dma_wait3A_1233, %dma_wait3A_1234] : memref<4096x2x100xi32, #tpu.memory_space<hbm>> -> memref<1x2x100xi32, #tpu.memory_space<hbm>>
        %dma_wait3A_1236 = tpu.memref_squeeze %dma_wait3A_1235 : memref<1x2x100xi32, #tpu.memory_space<hbm>> -> memref<2x100xi32, #tpu.memory_space<hbm>>
        %dma_wait3A_1237 = arith.constant 0 : i32
        %dma_wait3A_1238 = arith.constant 0 : i32
        %dma_wait3A_1239 = tpu.memref_slice %arg6[%run_scoped3A_1184, %dma_wait3A_1237, %dma_wait3A_1238] : memref<4x2x100xi32, #tpu.memory_space<vmem>> -> memref<1x2x100xi32, #tpu.memory_space<vmem>>
        %dma_wait3A_1240 = tpu.memref_squeeze %dma_wait3A_1239 : memref<1x2x100xi32, #tpu.memory_space<vmem>> -> memref<2x100xi32, #tpu.memory_space<vmem>>
        %dma_wait3A_1241 = arith.constant 0 : i32
        %dma_wait3A_1242 = arith.constant 0 : i32
        %dma_wait3A_1243 = tpu.memref_slice %arg3[%add3A_1183, %dma_wait3A_1241, %dma_wait3A_1242] : memref<4096x2x100xi32, #tpu.memory_space<hbm>> -> memref<1x2x100xi32, #tpu.memory_space<hbm>>
        %dma_wait3A_1244 = tpu.memref_squeeze %dma_wait3A_1243 : memref<1x2x100xi32, #tpu.memory_space<hbm>> -> memref<2x100xi32, #tpu.memory_space<hbm>>
        tpu.wait_dma2 semaphore(%run_scoped3A_1212 : memref<!tpu.dma_semaphore, #tpu.memory_space<semaphore_mem>>) src(%dma_wait3A_1244 : memref<2x100xi32, #tpu.memory_space<hbm>>) dst(%dma_wait3A_1240 : memref<2x100xi32, #tpu.memory_space<vmem>>)
        tpu.yield
      }) : () -> ()
      %dma_start3A_1185 = arith.constant 1 : i32
      %dma_start3A_1186 = arith.constant 0 : i32
      %dma_start3A_1187 = arith.constant 1 : i32
      %dma_start3A_1188 = arith.constant 0 : i32
      %dma_start3A_1189 = arith.constant 0 : i32
      %dma_start3A_1190 = tpu.memref_slice %arg7[%dma_start3A_1187, %dma_start3A_1188, %dma_start3A_1189] : memref<4x200x64xf32, #tpu.memory_space<vmem>> -> memref<1x100x64xf32, #tpu.memory_space<vmem>>
      %dma_start3A_1191 = tpu.memref_squeeze %dma_start3A_1190 : memref<1x100x64xf32, #tpu.memory_space<vmem>> -> memref<100x64xf32, #tpu.memory_space<vmem>>
      %dma_start3A_1192 = arith.constant 0 : i32
      %dma_start3A_1193 = tpu.memref_slice %arg6[%dma_start3A_1185, %dma_start3A_1186, %dma_start3A_1192] : memref<4x2x100xi32, #tpu.memory_space<vmem>> -> memref<1x1x100xi32, #tpu.memory_space<vmem>>
      %dma_start3A_1194 = tpu.memref_squeeze %dma_start3A_1193 : memref<1x1x100xi32, #tpu.memory_space<vmem>> -> memref<100xi32, #tpu.memory_space<vmem>>
      %dma_start3A_1195 = arith.constant 0 : i32
      %dma_start3A_1196 = arith.constant 0 : i32
      %dma_start3A_1197 = tpu.memref_slice %arg2[%dma_start3A_1195, %dma_start3A_1196] : memref<1000000x64xf32, #tpu.memory_space<hbm>> -> memref<1000000x64xf32, #tpu.memory_space<hbm>>
      tpu.enqueue_indirect_dma source(%dma_start3A_1197 : memref<1000000x64xf32, #tpu.memory_space<hbm>>) target(%dma_start3A_1191 : memref<100x64xf32, #tpu.memory_space<vmem>>) offsets(%dma_start3A_1194 : memref<100xi32, #tpu.memory_space<vmem>>) semaphore(%arg10 : memref<!tpu.dma_semaphore, #tpu.memory_space<semaphore_mem>>)
      %dma_start3A_1198 = arith.constant 1 : i32
      %dma_start3A_1199 = arith.constant 1 : i32
      %dma_start3A_1200 = arith.constant 1 : i32
      %dma_start3A_1201 = arith.constant 100 : i32
      %dma_start3A_1202 = arith.constant 0 : i32
      %dma_start3A_1203 = tpu.memref_slice %arg7[%dma_start3A_1200, %dma_start3A_1201, %dma_start3A_1202] : memref<4x200x64xf32, #tpu.memory_space<vmem>> -> memref<1x100x64xf32, #tpu.memory_space<vmem>>
      %dma_start3A_1204 = tpu.memref_squeeze %dma_start3A_1203 : memref<1x100x64xf32, #tpu.memory_space<vmem>> -> memref<100x64xf32, #tpu.memory_space<vmem>>
      %dma_start3A_1205 = arith.constant 0 : i32
      %dma_start3A_1206 = tpu.memref_slice %arg6[%dma_start3A_1198, %dma_start3A_1199, %dma_start3A_1205] : memref<4x2x100xi32, #tpu.memory_space<vmem>> -> memref<1x1x100xi32, #tpu.memory_space<vmem>>
      %dma_start3A_1207 = tpu.memref_squeeze %dma_start3A_1206 : memref<1x1x100xi32, #tpu.memory_space<vmem>> -> memref<100xi32, #tpu.memory_space<vmem>>
      %dma_start3A_1208 = arith.constant 0 : i32
      %dma_start3A_1209 = arith.constant 0 : i32
      %dma_start3A_1210 = tpu.memref_slice %arg2[%dma_start3A_1208, %dma_start3A_1209] : memref<1000000x64xf32, #tpu.memory_space<hbm>> -> memref<1000000x64xf32, #tpu.memory_space<hbm>>
      tpu.enqueue_indirect_dma source(%dma_start3A_1210 : memref<1000000x64xf32, #tpu.memory_space<hbm>>) target(%dma_start3A_1204 : memref<100x64xf32, #tpu.memory_space<vmem>>) offsets(%dma_start3A_1207 : memref<100xi32, #tpu.memory_space<vmem>>) semaphore(%arg10 : memref<!tpu.dma_semaphore, #tpu.memory_space<semaphore_mem>>)
      %scan3A_1211 = arith.constant 0 : i32
      scf.yield %scan3A_1211 : i32
    }
    %scan3A_426 = arith.constant 30 : i32
    %dma_wait3A_427 = arith.constant 0 : i32
    %dma_wait3A_428 = arith.constant 0 : i32
    %dma_wait3A_429 = arith.constant 0 : i32
    %dma_wait3A_430 = arith.constant 0 : i32
    %dma_wait3A_431 = arith.constant 0 : i32
    %dma_wait3A_432 = tpu.memref_slice %arg7[%dma_wait3A_429, %dma_wait3A_430, %dma_wait3A_431] : memref<4x200x64xf32, #tpu.memory_space<vmem>> -> memref<1x100x64xf32, #tpu.memory_space<vmem>>
    %dma_wait3A_433 = tpu.memref_squeeze %dma_wait3A_432 : memref<1x100x64xf32, #tpu.memory_space<vmem>> -> memref<100x64xf32, #tpu.memory_space<vmem>>
    %dma_wait3A_434 = arith.constant 0 : i32
    %dma_wait3A_435 = tpu.memref_slice %arg6[%dma_wait3A_427, %dma_wait3A_428, %dma_wait3A_434] : memref<4x2x100xi32, #tpu.memory_space<vmem>> -> memref<1x1x100xi32, #tpu.memory_space<vmem>>
    %dma_wait3A_436 = tpu.memref_squeeze %dma_wait3A_435 : memref<1x1x100xi32, #tpu.memory_space<vmem>> -> memref<100xi32, #tpu.memory_space<vmem>>
    %dma_wait3A_437 = arith.constant 0 : i32
    %dma_wait3A_438 = arith.constant 0 : i32
    %dma_wait3A_439 = tpu.memref_slice %arg2[%dma_wait3A_437, %dma_wait3A_438] : memref<1000000x64xf32, #tpu.memory_space<hbm>> -> memref<1000000x64xf32, #tpu.memory_space<hbm>>
    tpu.wait_indirect_dma semaphore(%arg9 : memref<!tpu.dma_semaphore, #tpu.memory_space<semaphore_mem>>) src(%dma_wait3A_439 : memref<1000000x64xf32, #tpu.memory_space<hbm>>) dst(%dma_wait3A_433 : memref<100x64xf32, #tpu.memory_space<vmem>>)
    %dma_wait3A_440 = arith.constant 0 : i32
    %dma_wait3A_441 = arith.constant 1 : i32
    %dma_wait3A_442 = arith.constant 0 : i32
    %dma_wait3A_443 = arith.constant 100 : i32
    %dma_wait3A_444 = arith.constant 0 : i32
    %dma_wait3A_445 = tpu.memref_slice %arg7[%dma_wait3A_442, %dma_wait3A_443, %dma_wait3A_444] : memref<4x200x64xf32, #tpu.memory_space<vmem>> -> memref<1x100x64xf32, #tpu.memory_space<vmem>>
    %dma_wait3A_446 = tpu.memref_squeeze %dma_wait3A_445 : memref<1x100x64xf32, #tpu.memory_space<vmem>> -> memref<100x64xf32, #tpu.memory_space<vmem>>
    %dma_wait3A_447 = arith.constant 0 : i32
    %dma_wait3A_448 = tpu.memref_slice %arg6[%dma_wait3A_440, %dma_wait3A_441, %dma_wait3A_447] : memref<4x2x100xi32, #tpu.memory_space<vmem>> -> memref<1x1x100xi32, #tpu.memory_space<vmem>>
    %dma_wait3A_449 = tpu.memref_squeeze %dma_wait3A_448 : memref<1x1x100xi32, #tpu.memory_space<vmem>> -> memref<100xi32, #tpu.memory_space<vmem>>
    %dma_wait3A_450 = arith.constant 0 : i32
    %dma_wait3A_451 = arith.constant 0 : i32
    %dma_wait3A_452 = tpu.memref_slice %arg2[%dma_wait3A_450, %dma_wait3A_451] : memref<1000000x64xf32, #tpu.memory_space<hbm>> -> memref<1000000x64xf32, #tpu.memory_space<hbm>>
    tpu.wait_indirect_dma semaphore(%arg9 : memref<!tpu.dma_semaphore, #tpu.memory_space<semaphore_mem>>) src(%dma_wait3A_452 : memref<1000000x64xf32, #tpu.memory_space<hbm>>) dst(%dma_wait3A_446 : memref<100x64xf32, #tpu.memory_space<vmem>>)
    %parallel_loop3A_453 = arith.constant 0 : i32
    %parallel_loop3A_454 = arith.constant 200 : i32
    %parallel_loop3A_455 = arith.constant 1 : i32
    scf.for %parallel_loop3A_797 = %parallel_loop3A_453 to %parallel_loop3A_454 step %parallel_loop3A_455  : i32 {
      %parallel_loop3A_798 = arith.index_cast %parallel_loop3A_797 : i32 to index
      %parallel_loop3A_799 = arith.constant 0 : index
      %parallel_loop3A_800 = tpu.vector_load %arg8[%parallel_loop3A_798, %parallel_loop3A_799] {strides = array<i32>} : memref<200x64xf32, #tpu.memory_space<vmem>>, vector<1x16xf32>,
      %parallel_loop3A_801 = vector.shape_cast %parallel_loop3A_800 : vector<1x16xf32> to vector<16xf32>
      %parallel_loop3A_802 = arith.constant 0 : i32
      %parallel_loop3A_803 = arith.index_cast %parallel_loop3A_802 : i32 to index
      %parallel_loop3A_804 = arith.index_cast %parallel_loop3A_797 : i32 to index
      %parallel_loop3A_805 = arith.constant 0 : index
      %parallel_loop3A_806 = tpu.vector_load %arg7[%parallel_loop3A_803, %parallel_loop3A_804, %parallel_loop3A_805] {strides = array<i32>} : memref<4x200x64xf32, #tpu.memory_space<vmem>>, vector<1x1x16xf32>,
      %parallel_loop3A_807 = vector.shape_cast %parallel_loop3A_806 : vector<1x1x16xf32> to vector<16xf32>
      %parallel_loop3A_808 = vector.shape_cast %parallel_loop3A_801 : vector<16xf32> to vector<1x1x16xf32>
      tpu.vector_store %arg7[%parallel_loop3A_803, %parallel_loop3A_804, %parallel_loop3A_805], %parallel_loop3A_808 {add = true, strides = array<i32>} : memref<4x200x64xf32, #tpu.memory_space<vmem>>, vector<1x1x16xf32>,
      %parallel_loop3A_809 = arith.index_cast %parallel_loop3A_797 : i32 to index
      %parallel_loop3A_810 = arith.constant 16 : index
      %parallel_loop3A_811 = tpu.vector_load %arg8[%parallel_loop3A_809, %parallel_loop3A_810] {strides = array<i32>} : memref<200x64xf32, #tpu.memory_space<vmem>>, vector<1x16xf32>,
      %parallel_loop3A_812 = vector.shape_cast %parallel_loop3A_811 : vector<1x16xf32> to vector<16xf32>
      %parallel_loop3A_813 = arith.constant 0 : i32
      %parallel_loop3A_814 = arith.index_cast %parallel_loop3A_813 : i32 to index
      %parallel_loop3A_815 = arith.index_cast %parallel_loop3A_797 : i32 to index
      %parallel_loop3A_816 = arith.constant 16 : index
      %parallel_loop3A_817 = tpu.vector_load %arg7[%parallel_loop3A_814, %parallel_loop3A_815, %parallel_loop3A_816] {strides = array<i32>} : memref<4x200x64xf32, #tpu.memory_space<vmem>>, vector<1x1x16xf32>,
      %parallel_loop3A_818 = vector.shape_cast %parallel_loop3A_817 : vector<1x1x16xf32> to vector<16xf32>
      %parallel_loop3A_819 = vector.shape_cast %parallel_loop3A_812 : vector<16xf32> to vector<1x1x16xf32>
      tpu.vector_store %arg7[%parallel_loop3A_814, %parallel_loop3A_815, %parallel_loop3A_816], %parallel_loop3A_819 {add = true, strides = array<i32>} : memref<4x200x64xf32, #tpu.memory_space<vmem>>, vector<1x1x16xf32>,
      %parallel_loop3A_820 = arith.index_cast %parallel_loop3A_797 : i32 to index
      %parallel_loop3A_821 = arith.constant 32 : index
      %parallel_loop3A_822 = tpu.vector_load %arg8[%parallel_loop3A_820, %parallel_loop3A_821] {strides = array<i32>} : memref<200x64xf32, #tpu.memory_space<vmem>>, vector<1x16xf32>,
      %parallel_loop3A_823 = vector.shape_cast %parallel_loop3A_822 : vector<1x16xf32> to vector<16xf32>
      %parallel_loop3A_824 = arith.constant 0 : i32
      %parallel_loop3A_825 = arith.index_cast %parallel_loop3A_824 : i32 to index
      %parallel_loop3A_826 = arith.index_cast %parallel_loop3A_797 : i32 to index
      %parallel_loop3A_827 = arith.constant 32 : index
      %parallel_loop3A_828 = tpu.vector_load %arg7[%parallel_loop3A_825, %parallel_loop3A_826, %parallel_loop3A_827] {strides = array<i32>} : memref<4x200x64xf32, #tpu.memory_space<vmem>>, vector<1x1x16xf32>,
      %parallel_loop3A_829 = vector.shape_cast %parallel_loop3A_828 : vector<1x1x16xf32> to vector<16xf32>
      %parallel_loop3A_830 = vector.shape_cast %parallel_loop3A_823 : vector<16xf32> to vector<1x1x16xf32>
      tpu.vector_store %arg7[%parallel_loop3A_825, %parallel_loop3A_826, %parallel_loop3A_827], %parallel_loop3A_830 {add = true, strides = array<i32>} : memref<4x200x64xf32, #tpu.memory_space<vmem>>, vector<1x1x16xf32>,
      %parallel_loop3A_831 = arith.index_cast %parallel_loop3A_797 : i32 to index
      %parallel_loop3A_832 = arith.constant 48 : index
      %parallel_loop3A_833 = tpu.vector_load %arg8[%parallel_loop3A_831, %parallel_loop3A_832] {strides = array<i32>} : memref<200x64xf32, #tpu.memory_space<vmem>>, vector<1x16xf32>,
      %parallel_loop3A_834 = vector.shape_cast %parallel_loop3A_833 : vector<1x16xf32> to vector<16xf32>
      %parallel_loop3A_835 = arith.constant 0 : i32
      %parallel_loop3A_836 = arith.index_cast %parallel_loop3A_835 : i32 to index
      %parallel_loop3A_837 = arith.index_cast %parallel_loop3A_797 : i32 to index
      %parallel_loop3A_838 = arith.constant 48 : index
      %parallel_loop3A_839 = tpu.vector_load %arg7[%parallel_loop3A_836, %parallel_loop3A_837, %parallel_loop3A_838] {strides = array<i32>} : memref<4x200x64xf32, #tpu.memory_space<vmem>>, vector<1x1x16xf32>,
      %parallel_loop3A_840 = vector.shape_cast %parallel_loop3A_839 : vector<1x1x16xf32> to vector<16xf32>
      %parallel_loop3A_841 = vector.shape_cast %parallel_loop3A_834 : vector<16xf32> to vector<1x1x16xf32>
      tpu.vector_store %arg7[%parallel_loop3A_836, %parallel_loop3A_837, %parallel_loop3A_838], %parallel_loop3A_841 {add = true, strides = array<i32>} : memref<4x200x64xf32, #tpu.memory_space<vmem>>, vector<1x1x16xf32>,
    } {sc.loop_unroll_factor = 4 : i64, sc.parallel_access}
    %mul3A_456 = arith.constant 128 : i32
    %mul3A_457 = arith.muli %add3A, %mul3A_456 : i32
    %add3A_458 = arith.constant 124 : i32
    %add3A_459 = arith.addi %mul3A_457, %add3A_458 : i32
    %dma_start3A_460 = arith.constant 0 : i32
    %dma_start3A_461 = arith.constant 0 : i32
    %dma_start3A_462 = arith.constant 0 : i32
    %dma_start3A_463 = tpu.memref_slice %arg7[%dma_start3A_460, %dma_start3A_461, %dma_start3A_462] : memref<4x200x64xf32, #tpu.memory_space<vmem>> -> memref<1x200x64xf32, #tpu.memory_space<vmem>>
    %dma_start3A_464 = tpu.memref_squeeze %dma_start3A_463 : memref<1x200x64xf32, #tpu.memory_space<vmem>> -> memref<200x64xf32, #tpu.memory_space<vmem>>
    %dma_start3A_465 = arith.constant 0 : i32
    %dma_start3A_466 = arith.constant 0 : i32
    %dma_start3A_467 = tpu.memref_slice %arg5[%add3A_459, %dma_start3A_465, %dma_start3A_466] : memref<4096x200x64xf32, #tpu.memory_space<hbm>> -> memref<1x200x64xf32, #tpu.memory_space<hbm>>
    %dma_start3A_468 = tpu.memref_squeeze %dma_start3A_467 : memref<1x200x64xf32, #tpu.memory_space<hbm>> -> memref<200x64xf32, #tpu.memory_space<hbm>>
    %dma_start3A_469 = arith.constant 0 : i32
    %dma_start3A_470 = arith.constant 0 : i32
    %dma_start3A_471 = tpu.memref_slice %arg5[%add3A_459, %dma_start3A_469, %dma_start3A_470] : memref<4096x200x64xf32, #tpu.memory_space<hbm>> -> memref<1x200x64xf32, #tpu.memory_space<hbm>>
    %dma_start3A_472 = tpu.memref_squeeze %dma_start3A_471 : memref<1x200x64xf32, #tpu.memory_space<hbm>> -> memref<200x64xf32, #tpu.memory_space<hbm>>
    %dma_start3A_473 = arith.constant 0 : i32
    %dma_start3A_474 = arith.constant 0 : i32
    %dma_start3A_475 = tpu.memref_slice %arg7[%dma_start3A_460, %dma_start3A_473, %dma_start3A_474] : memref<4x200x64xf32, #tpu.memory_space<vmem>> -> memref<1x200x64xf32, #tpu.memory_space<vmem>>
    %dma_start3A_476 = tpu.memref_squeeze %dma_start3A_475 : memref<1x200x64xf32, #tpu.memory_space<vmem>> -> memref<200x64xf32, #tpu.memory_space<vmem>>
    tpu.enqueue_dma source(%dma_start3A_476 : memref<200x64xf32, #tpu.memory_space<vmem>>) target(%dma_start3A_472 : memref<200x64xf32, #tpu.memory_space<hbm>>) target_semaphore(%arg13 : memref<!tpu.dma_semaphore, #tpu.memory_space<semaphore_mem>>)
    %dma_wait3A_477 = arith.constant 2 : i32
    %dma_wait3A_478 = arith.constant 0 : i32
    %dma_wait3A_479 = arith.constant 0 : i32
    %dma_wait3A_480 = arith.constant 0 : i32
    %dma_wait3A_481 = tpu.memref_slice %arg7[%dma_wait3A_477, %dma_wait3A_479, %dma_wait3A_480] : memref<4x200x64xf32, #tpu.memory_space<vmem>> -> memref<1x200x64xf32, #tpu.memory_space<vmem>>
    %dma_wait3A_482 = tpu.memref_squeeze %dma_wait3A_481 : memref<1x200x64xf32, #tpu.memory_space<vmem>> -> memref<200x64xf32, #tpu.memory_space<vmem>>
    %dma_wait3A_483 = arith.constant 0 : i32
    %dma_wait3A_484 = arith.constant 0 : i32
    %dma_wait3A_485 = tpu.memref_slice %arg5[%dma_wait3A_478, %dma_wait3A_483, %dma_wait3A_484] : memref<4096x200x64xf32, #tpu.memory_space<hbm>> -> memref<1x200x64xf32, #tpu.memory_space<hbm>>
    %dma_wait3A_486 = tpu.memref_squeeze %dma_wait3A_485 : memref<1x200x64xf32, #tpu.memory_space<hbm>> -> memref<200x64xf32, #tpu.memory_space<hbm>>
    %dma_wait3A_487 = arith.constant 0 : i32
    %dma_wait3A_488 = arith.constant 0 : i32
    %dma_wait3A_489 = tpu.memref_slice %arg5[%dma_wait3A_478, %dma_wait3A_487, %dma_wait3A_488] : memref<4096x200x64xf32, #tpu.memory_space<hbm>> -> memref<1x200x64xf32, #tpu.memory_space<hbm>>
    %dma_wait3A_490 = tpu.memref_squeeze %dma_wait3A_489 : memref<1x200x64xf32, #tpu.memory_space<hbm>> -> memref<200x64xf32, #tpu.memory_space<hbm>>
    %dma_wait3A_491 = arith.constant 0 : i32
    %dma_wait3A_492 = arith.constant 0 : i32
    %dma_wait3A_493 = tpu.memref_slice %arg7[%dma_wait3A_477, %dma_wait3A_491, %dma_wait3A_492] : memref<4x200x64xf32, #tpu.memory_space<vmem>> -> memref<1x200x64xf32, #tpu.memory_space<vmem>>
    %dma_wait3A_494 = tpu.memref_squeeze %dma_wait3A_493 : memref<1x200x64xf32, #tpu.memory_space<vmem>> -> memref<200x64xf32, #tpu.memory_space<vmem>>
    tpu.wait_dma2 semaphore(%arg15 : memref<!tpu.dma_semaphore, #tpu.memory_space<semaphore_mem>>) src(%dma_wait3A_494 : memref<200x64xf32, #tpu.memory_space<vmem>>) dst(%dma_wait3A_490 : memref<200x64xf32, #tpu.memory_space<hbm>>)
    %mul3A_495 = arith.constant 128 : i32
    %mul3A_496 = arith.muli %add3A, %mul3A_495 : i32
    %add3A_497 = arith.constant 126 : i32
    %add3A_498 = arith.addi %mul3A_496, %add3A_497 : i32
    %run_scoped3A_499 = arith.constant 2 : i32
    "tpu.region"() ({
      %run_scoped3A_797 = tpu.sem_alloc : memref<!tpu.dma_semaphore, #tpu.memory_space<semaphore_mem>>
      %dma_start3A_798 = arith.constant 0 : i32
      %dma_start3A_799 = arith.constant 0 : i32
      %dma_start3A_800 = tpu.memref_slice %arg6[%run_scoped3A_499, %dma_start3A_798, %dma_start3A_799] : memref<4x2x100xi32, #tpu.memory_space<vmem>> -> memref<1x2x100xi32, #tpu.memory_space<vmem>>
      %dma_start3A_801 = tpu.memref_squeeze %dma_start3A_800 : memref<1x2x100xi32, #tpu.memory_space<vmem>> -> memref<2x100xi32, #tpu.memory_space<vmem>>
      %dma_start3A_802 = arith.constant 0 : i32
      %dma_start3A_803 = arith.constant 0 : i32
      %dma_start3A_804 = tpu.memref_slice %arg3[%add3A_498, %dma_start3A_802, %dma_start3A_803] : memref<4096x2x100xi32, #tpu.memory_space<hbm>> -> memref<1x2x100xi32, #tpu.memory_space<hbm>>
      %dma_start3A_805 = tpu.memref_squeeze %dma_start3A_804 : memref<1x2x100xi32, #tpu.memory_space<hbm>> -> memref<2x100xi32, #tpu.memory_space<hbm>>
      %dma_start3A_806 = arith.constant 0 : i32
      %dma_start3A_807 = arith.constant 0 : i32
      %dma_start3A_808 = tpu.memref_slice %arg6[%run_scoped3A_499, %dma_start3A_806, %dma_start3A_807] : memref<4x2x100xi32, #tpu.memory_space<vmem>> -> memref<1x2x100xi32, #tpu.memory_space<vmem>>
      %dma_start3A_809 = tpu.memref_squeeze %dma_start3A_808 : memref<1x2x100xi32, #tpu.memory_space<vmem>> -> memref<2x100xi32, #tpu.memory_space<vmem>>
      %dma_start3A_810 = arith.constant 0 : i32
      %dma_start3A_811 = arith.constant 0 : i32
      %dma_start3A_812 = tpu.memref_slice %arg3[%add3A_498, %dma_start3A_810, %dma_start3A_811] : memref<4096x2x100xi32, #tpu.memory_space<hbm>> -> memref<1x2x100xi32, #tpu.memory_space<hbm>>
      %dma_start3A_813 = tpu.memref_squeeze %dma_start3A_812 : memref<1x2x100xi32, #tpu.memory_space<hbm>> -> memref<2x100xi32, #tpu.memory_space<hbm>>
      tpu.enqueue_dma source(%dma_start3A_813 : memref<2x100xi32, #tpu.memory_space<hbm>>) target(%dma_start3A_809 : memref<2x100xi32, #tpu.memory_space<vmem>>) target_semaphore(%run_scoped3A_797 : memref<!tpu.dma_semaphore, #tpu.memory_space<semaphore_mem>>)
      %dma_wait3A_814 = arith.constant 0 : i32
      %dma_wait3A_815 = arith.constant 0 : i32
      %dma_wait3A_816 = tpu.memref_slice %arg6[%run_scoped3A_499, %dma_wait3A_814, %dma_wait3A_815] : memref<4x2x100xi32, #tpu.memory_space<vmem>> -> memref<1x2x100xi32, #tpu.memory_space<vmem>>
      %dma_wait3A_817 = tpu.memref_squeeze %dma_wait3A_816 : memref<1x2x100xi32, #tpu.memory_space<vmem>> -> memref<2x100xi32, #tpu.memory_space<vmem>>
      %dma_wait3A_818 = arith.constant 0 : i32
      %dma_wait3A_819 = arith.constant 0 : i32
      %dma_wait3A_820 = tpu.memref_slice %arg3[%add3A_498, %dma_wait3A_818, %dma_wait3A_819] : memref<4096x2x100xi32, #tpu.memory_space<hbm>> -> memref<1x2x100xi32, #tpu.memory_space<hbm>>
      %dma_wait3A_821 = tpu.memref_squeeze %dma_wait3A_820 : memref<1x2x100xi32, #tpu.memory_space<hbm>> -> memref<2x100xi32, #tpu.memory_space<hbm>>
      %dma_wait3A_822 = arith.constant 0 : i32
      %dma_wait3A_823 = arith.constant 0 : i32
      %dma_wait3A_824 = tpu.memref_slice %arg6[%run_scoped3A_499, %dma_wait3A_822, %dma_wait3A_823] : memref<4x2x100xi32, #tpu.memory_space<vmem>> -> memref<1x2x100xi32, #tpu.memory_space<vmem>>
      %dma_wait3A_825 = tpu.memref_squeeze %dma_wait3A_824 : memref<1x2x100xi32, #tpu.memory_space<vmem>> -> memref<2x100xi32, #tpu.memory_space<vmem>>
      %dma_wait3A_826 = arith.constant 0 : i32
      %dma_wait3A_827 = arith.constant 0 : i32
      %dma_wait3A_828 = tpu.memref_slice %arg3[%add3A_498, %dma_wait3A_826, %dma_wait3A_827] : memref<4096x2x100xi32, #tpu.memory_space<hbm>> -> memref<1x2x100xi32, #tpu.memory_space<hbm>>
      %dma_wait3A_829 = tpu.memref_squeeze %dma_wait3A_828 : memref<1x2x100xi32, #tpu.memory_space<hbm>> -> memref<2x100xi32, #tpu.memory_space<hbm>>
      tpu.wait_dma2 semaphore(%run_scoped3A_797 : memref<!tpu.dma_semaphore, #tpu.memory_space<semaphore_mem>>) src(%dma_wait3A_829 : memref<2x100xi32, #tpu.memory_space<hbm>>) dst(%dma_wait3A_825 : memref<2x100xi32, #tpu.memory_space<vmem>>)
      tpu.yield
    }) : () -> ()
    %dma_start3A_500 = arith.constant 2 : i32
    %dma_start3A_501 = arith.constant 0 : i32
    %dma_start3A_502 = arith.constant 2 : i32
    %dma_start3A_503 = arith.constant 0 : i32
    %dma_start3A_504 = arith.constant 0 : i32
    %dma_start3A_505 = tpu.memref_slice %arg7[%dma_start3A_502, %dma_start3A_503, %dma_start3A_504] : memref<4x200x64xf32, #tpu.memory_space<vmem>> -> memref<1x100x64xf32, #tpu.memory_space<vmem>>
    %dma_start3A_506 = tpu.memref_squeeze %dma_start3A_505 : memref<1x100x64xf32, #tpu.memory_space<vmem>> -> memref<100x64xf32, #tpu.memory_space<vmem>>
    %dma_start3A_507 = arith.constant 0 : i32
    %dma_start3A_508 = tpu.memref_slice %arg6[%dma_start3A_500, %dma_start3A_501, %dma_start3A_507] : memref<4x2x100xi32, #tpu.memory_space<vmem>> -> memref<1x1x100xi32, #tpu.memory_space<vmem>>
    %dma_start3A_509 = tpu.memref_squeeze %dma_start3A_508 : memref<1x1x100xi32, #tpu.memory_space<vmem>> -> memref<100xi32, #tpu.memory_space<vmem>>
    %dma_start3A_510 = arith.constant 0 : i32
    %dma_start3A_511 = arith.constant 0 : i32
    %dma_start3A_512 = tpu.memref_slice %arg2[%dma_start3A_510, %dma_start3A_511] : memref<1000000x64xf32, #tpu.memory_space<hbm>> -> memref<1000000x64xf32, #tpu.memory_space<hbm>>
    tpu.enqueue_indirect_dma source(%dma_start3A_512 : memref<1000000x64xf32, #tpu.memory_space<hbm>>) target(%dma_start3A_506 : memref<100x64xf32, #tpu.memory_space<vmem>>) offsets(%dma_start3A_509 : memref<100xi32, #tpu.memory_space<vmem>>) semaphore(%arg11 : memref<!tpu.dma_semaphore, #tpu.memory_space<semaphore_mem>>)
    %dma_start3A_513 = arith.constant 2 : i32
    %dma_start3A_514 = arith.constant 1 : i32
    %dma_start3A_515 = arith.constant 2 : i32
    %dma_start3A_516 = arith.constant 100 : i32
    %dma_start3A_517 = arith.constant 0 : i32
    %dma_start3A_518 = tpu.memref_slice %arg7[%dma_start3A_515, %dma_start3A_516, %dma_start3A_517] : memref<4x200x64xf32, #tpu.memory_space<vmem>> -> memref<1x100x64xf32, #tpu.memory_space<vmem>>
    %dma_start3A_519 = tpu.memref_squeeze %dma_start3A_518 : memref<1x100x64xf32, #tpu.memory_space<vmem>> -> memref<100x64xf32, #tpu.memory_space<vmem>>
    %dma_start3A_520 = arith.constant 0 : i32
    %dma_start3A_521 = tpu.memref_slice %arg6[%dma_start3A_513, %dma_start3A_514, %dma_start3A_520] : memref<4x2x100xi32, #tpu.memory_space<vmem>> -> memref<1x1x100xi32, #tpu.memory_space<vmem>>
    %dma_start3A_522 = tpu.memref_squeeze %dma_start3A_521 : memref<1x1x100xi32, #tpu.memory_space<vmem>> -> memref<100xi32, #tpu.memory_space<vmem>>
    %dma_start3A_523 = arith.constant 0 : i32
    %dma_start3A_524 = arith.constant 0 : i32
    %dma_start3A_525 = tpu.memref_slice %arg2[%dma_start3A_523, %dma_start3A_524] : memref<1000000x64xf32, #tpu.memory_space<hbm>> -> memref<1000000x64xf32, #tpu.memory_space<hbm>>
    tpu.enqueue_indirect_dma source(%dma_start3A_525 : memref<1000000x64xf32, #tpu.memory_space<hbm>>) target(%dma_start3A_519 : memref<100x64xf32, #tpu.memory_space<vmem>>) offsets(%dma_start3A_522 : memref<100xi32, #tpu.memory_space<vmem>>) semaphore(%arg11 : memref<!tpu.dma_semaphore, #tpu.memory_space<semaphore_mem>>)
    %dma_wait3A_526 = arith.constant 1 : i32
    %dma_wait3A_527 = arith.constant 0 : i32
    %dma_wait3A_528 = arith.constant 1 : i32
    %dma_wait3A_529 = arith.constant 0 : i32
    %dma_wait3A_530 = arith.constant 0 : i32
    %dma_wait3A_531 = tpu.memref_slice %arg7[%dma_wait3A_528, %dma_wait3A_529, %dma_wait3A_530] : memref<4x200x64xf32, #tpu.memory_space<vmem>> -> memref<1x100x64xf32, #tpu.memory_space<vmem>>
    %dma_wait3A_532 = tpu.memref_squeeze %dma_wait3A_531 : memref<1x100x64xf32, #tpu.memory_space<vmem>> -> memref<100x64xf32, #tpu.memory_space<vmem>>
    %dma_wait3A_533 = arith.constant 0 : i32
    %dma_wait3A_534 = tpu.memref_slice %arg6[%dma_wait3A_526, %dma_wait3A_527, %dma_wait3A_533] : memref<4x2x100xi32, #tpu.memory_space<vmem>> -> memref<1x1x100xi32, #tpu.memory_space<vmem>>
    %dma_wait3A_535 = tpu.memref_squeeze %dma_wait3A_534 : memref<1x1x100xi32, #tpu.memory_space<vmem>> -> memref<100xi32, #tpu.memory_space<vmem>>
    %dma_wait3A_536 = arith.constant 0 : i32
    %dma_wait3A_537 = arith.constant 0 : i32
    %dma_wait3A_538 = tpu.memref_slice %arg2[%dma_wait3A_536, %dma_wait3A_537] : memref<1000000x64xf32, #tpu.memory_space<hbm>> -> memref<1000000x64xf32, #tpu.memory_space<hbm>>
    tpu.wait_indirect_dma semaphore(%arg10 : memref<!tpu.dma_semaphore, #tpu.memory_space<semaphore_mem>>) src(%dma_wait3A_538 : memref<1000000x64xf32, #tpu.memory_space<hbm>>) dst(%dma_wait3A_532 : memref<100x64xf32, #tpu.memory_space<vmem>>)
    %dma_wait3A_539 = arith.constant 1 : i32
    %dma_wait3A_540 = arith.constant 1 : i32
    %dma_wait3A_541 = arith.constant 1 : i32
    %dma_wait3A_542 = arith.constant 100 : i32
    %dma_wait3A_543 = arith.constant 0 : i32
    %dma_wait3A_544 = tpu.memref_slice %arg7[%dma_wait3A_541, %dma_wait3A_542, %dma_wait3A_543] : memref<4x200x64xf32, #tpu.memory_space<vmem>> -> memref<1x100x64xf32, #tpu.memory_space<vmem>>
    %dma_wait3A_545 = tpu.memref_squeeze %dma_wait3A_544 : memref<1x100x64xf32, #tpu.memory_space<vmem>> -> memref<100x64xf32, #tpu.memory_space<vmem>>
    %dma_wait3A_546 = arith.constant 0 : i32
    %dma_wait3A_547 = tpu.memref_slice %arg6[%dma_wait3A_539, %dma_wait3A_540, %dma_wait3A_546] : memref<4x2x100xi32, #tpu.memory_space<vmem>> -> memref<1x1x100xi32, #tpu.memory_space<vmem>>
    %dma_wait3A_548 = tpu.memref_squeeze %dma_wait3A_547 : memref<1x1x100xi32, #tpu.memory_space<vmem>> -> memref<100xi32, #tpu.memory_space<vmem>>
    %dma_wait3A_549 = arith.constant 0 : i32
    %dma_wait3A_550 = arith.constant 0 : i32
    %dma_wait3A_551 = tpu.memref_slice %arg2[%dma_wait3A_549, %dma_wait3A_550] : memref<1000000x64xf32, #tpu.memory_space<hbm>> -> memref<1000000x64xf32, #tpu.memory_space<hbm>>
    tpu.wait_indirect_dma semaphore(%arg10 : memref<!tpu.dma_semaphore, #tpu.memory_space<semaphore_mem>>) src(%dma_wait3A_551 : memref<1000000x64xf32, #tpu.memory_space<hbm>>) dst(%dma_wait3A_545 : memref<100x64xf32, #tpu.memory_space<vmem>>)
    %parallel_loop3A_552 = arith.constant 0 : i32
    %parallel_loop3A_553 = arith.constant 200 : i32
    %parallel_loop3A_554 = arith.constant 1 : i32
    scf.for %parallel_loop3A_797 = %parallel_loop3A_552 to %parallel_loop3A_553 step %parallel_loop3A_554  : i32 {
      %parallel_loop3A_798 = arith.index_cast %parallel_loop3A_797 : i32 to index
      %parallel_loop3A_799 = arith.constant 0 : index
      %parallel_loop3A_800 = tpu.vector_load %arg8[%parallel_loop3A_798, %parallel_loop3A_799] {strides = array<i32>} : memref<200x64xf32, #tpu.memory_space<vmem>>, vector<1x16xf32>,
      %parallel_loop3A_801 = vector.shape_cast %parallel_loop3A_800 : vector<1x16xf32> to vector<16xf32>
      %parallel_loop3A_802 = arith.constant 1 : i32
      %parallel_loop3A_803 = arith.index_cast %parallel_loop3A_802 : i32 to index
      %parallel_loop3A_804 = arith.index_cast %parallel_loop3A_797 : i32 to index
      %parallel_loop3A_805 = arith.constant 0 : index
      %parallel_loop3A_806 = tpu.vector_load %arg7[%parallel_loop3A_803, %parallel_loop3A_804, %parallel_loop3A_805] {strides = array<i32>} : memref<4x200x64xf32, #tpu.memory_space<vmem>>, vector<1x1x16xf32>,
      %parallel_loop3A_807 = vector.shape_cast %parallel_loop3A_806 : vector<1x1x16xf32> to vector<16xf32>
      %parallel_loop3A_808 = vector.shape_cast %parallel_loop3A_801 : vector<16xf32> to vector<1x1x16xf32>
      tpu.vector_store %arg7[%parallel_loop3A_803, %parallel_loop3A_804, %parallel_loop3A_805], %parallel_loop3A_808 {add = true, strides = array<i32>} : memref<4x200x64xf32, #tpu.memory_space<vmem>>, vector<1x1x16xf32>,
      %parallel_loop3A_809 = arith.index_cast %parallel_loop3A_797 : i32 to index
      %parallel_loop3A_810 = arith.constant 16 : index
      %parallel_loop3A_811 = tpu.vector_load %arg8[%parallel_loop3A_809, %parallel_loop3A_810] {strides = array<i32>} : memref<200x64xf32, #tpu.memory_space<vmem>>, vector<1x16xf32>,
      %parallel_loop3A_812 = vector.shape_cast %parallel_loop3A_811 : vector<1x16xf32> to vector<16xf32>
      %parallel_loop3A_813 = arith.constant 1 : i32
      %parallel_loop3A_814 = arith.index_cast %parallel_loop3A_813 : i32 to index
      %parallel_loop3A_815 = arith.index_cast %parallel_loop3A_797 : i32 to index
      %parallel_loop3A_816 = arith.constant 16 : index
      %parallel_loop3A_817 = tpu.vector_load %arg7[%parallel_loop3A_814, %parallel_loop3A_815, %parallel_loop3A_816] {strides = array<i32>} : memref<4x200x64xf32, #tpu.memory_space<vmem>>, vector<1x1x16xf32>,
      %parallel_loop3A_818 = vector.shape_cast %parallel_loop3A_817 : vector<1x1x16xf32> to vector<16xf32>
      %parallel_loop3A_819 = vector.shape_cast %parallel_loop3A_812 : vector<16xf32> to vector<1x1x16xf32>
      tpu.vector_store %arg7[%parallel_loop3A_814, %parallel_loop3A_815, %parallel_loop3A_816], %parallel_loop3A_819 {add = true, strides = array<i32>} : memref<4x200x64xf32, #tpu.memory_space<vmem>>, vector<1x1x16xf32>,
      %parallel_loop3A_820 = arith.index_cast %parallel_loop3A_797 : i32 to index
      %parallel_loop3A_821 = arith.constant 32 : index
      %parallel_loop3A_822 = tpu.vector_load %arg8[%parallel_loop3A_820, %parallel_loop3A_821] {strides = array<i32>} : memref<200x64xf32, #tpu.memory_space<vmem>>, vector<1x16xf32>,
      %parallel_loop3A_823 = vector.shape_cast %parallel_loop3A_822 : vector<1x16xf32> to vector<16xf32>
      %parallel_loop3A_824 = arith.constant 1 : i32
      %parallel_loop3A_825 = arith.index_cast %parallel_loop3A_824 : i32 to index
      %parallel_loop3A_826 = arith.index_cast %parallel_loop3A_797 : i32 to index
      %parallel_loop3A_827 = arith.constant 32 : index
      %parallel_loop3A_828 = tpu.vector_load %arg7[%parallel_loop3A_825, %parallel_loop3A_826, %parallel_loop3A_827] {strides = array<i32>} : memref<4x200x64xf32, #tpu.memory_space<vmem>>, vector<1x1x16xf32>,
      %parallel_loop3A_829 = vector.shape_cast %parallel_loop3A_828 : vector<1x1x16xf32> to vector<16xf32>
      %parallel_loop3A_830 = vector.shape_cast %parallel_loop3A_823 : vector<16xf32> to vector<1x1x16xf32>
      tpu.vector_store %arg7[%parallel_loop3A_825, %parallel_loop3A_826, %parallel_loop3A_827], %parallel_loop3A_830 {add = true, strides = array<i32>} : memref<4x200x64xf32, #tpu.memory_space<vmem>>, vector<1x1x16xf32>,
      %parallel_loop3A_831 = arith.index_cast %parallel_loop3A_797 : i32 to index
      %parallel_loop3A_832 = arith.constant 48 : index
      %parallel_loop3A_833 = tpu.vector_load %arg8[%parallel_loop3A_831, %parallel_loop3A_832] {strides = array<i32>} : memref<200x64xf32, #tpu.memory_space<vmem>>, vector<1x16xf32>,
      %parallel_loop3A_834 = vector.shape_cast %parallel_loop3A_833 : vector<1x16xf32> to vector<16xf32>
      %parallel_loop3A_835 = arith.constant 1 : i32
      %parallel_loop3A_836 = arith.index_cast %parallel_loop3A_835 : i32 to index
      %parallel_loop3A_837 = arith.index_cast %parallel_loop3A_797 : i32 to index
      %parallel_loop3A_838 = arith.constant 48 : index
      %parallel_loop3A_839 = tpu.vector_load %arg7[%parallel_loop3A_836, %parallel_loop3A_837, %parallel_loop3A_838] {strides = array<i32>} : memref<4x200x64xf32, #tpu.memory_space<vmem>>, vector<1x1x16xf32>,
      %parallel_loop3A_840 = vector.shape_cast %parallel_loop3A_839 : vector<1x1x16xf32> to vector<16xf32>
      %parallel_loop3A_841 = vector.shape_cast %parallel_loop3A_834 : vector<16xf32> to vector<1x1x16xf32>
      tpu.vector_store %arg7[%parallel_loop3A_836, %parallel_loop3A_837, %parallel_loop3A_838], %parallel_loop3A_841 {add = true, strides = array<i32>} : memref<4x200x64xf32, #tpu.memory_space<vmem>>, vector<1x1x16xf32>,
    } {sc.loop_unroll_factor = 4 : i64, sc.parallel_access}
    %mul3A_555 = arith.constant 128 : i32
    %mul3A_556 = arith.muli %add3A, %mul3A_555 : i32
    %add3A_557 = arith.constant 125 : i32
    %add3A_558 = arith.addi %mul3A_556, %add3A_557 : i32
    %dma_start3A_559 = arith.constant 1 : i32
    %dma_start3A_560 = arith.constant 0 : i32
    %dma_start3A_561 = arith.constant 0 : i32
    %dma_start3A_562 = tpu.memref_slice %arg7[%dma_start3A_559, %dma_start3A_560, %dma_start3A_561] : memref<4x200x64xf32, #tpu.memory_space<vmem>> -> memref<1x200x64xf32, #tpu.memory_space<vmem>>
    %dma_start3A_563 = tpu.memref_squeeze %dma_start3A_562 : memref<1x200x64xf32, #tpu.memory_space<vmem>> -> memref<200x64xf32, #tpu.memory_space<vmem>>
    %dma_start3A_564 = arith.constant 0 : i32
    %dma_start3A_565 = arith.constant 0 : i32
    %dma_start3A_566 = tpu.memref_slice %arg5[%add3A_558, %dma_start3A_564, %dma_start3A_565] : memref<4096x200x64xf32, #tpu.memory_space<hbm>> -> memref<1x200x64xf32, #tpu.memory_space<hbm>>
    %dma_start3A_567 = tpu.memref_squeeze %dma_start3A_566 : memref<1x200x64xf32, #tpu.memory_space<hbm>> -> memref<200x64xf32, #tpu.memory_space<hbm>>
    %dma_start3A_568 = arith.constant 0 : i32
    %dma_start3A_569 = arith.constant 0 : i32
    %dma_start3A_570 = tpu.memref_slice %arg5[%add3A_558, %dma_start3A_568, %dma_start3A_569] : memref<4096x200x64xf32, #tpu.memory_space<hbm>> -> memref<1x200x64xf32, #tpu.memory_space<hbm>>
    %dma_start3A_571 = tpu.memref_squeeze %dma_start3A_570 : memref<1x200x64xf32, #tpu.memory_space<hbm>> -> memref<200x64xf32, #tpu.memory_space<hbm>>
    %dma_start3A_572 = arith.constant 0 : i32
    %dma_start3A_573 = arith.constant 0 : i32
    %dma_start3A_574 = tpu.memref_slice %arg7[%dma_start3A_559, %dma_start3A_572, %dma_start3A_573] : memref<4x200x64xf32, #tpu.memory_space<vmem>> -> memref<1x200x64xf32, #tpu.memory_space<vmem>>
    %dma_start3A_575 = tpu.memref_squeeze %dma_start3A_574 : memref<1x200x64xf32, #tpu.memory_space<vmem>> -> memref<200x64xf32, #tpu.memory_space<vmem>>
    tpu.enqueue_dma source(%dma_start3A_575 : memref<200x64xf32, #tpu.memory_space<vmem>>) target(%dma_start3A_571 : memref<200x64xf32, #tpu.memory_space<hbm>>) target_semaphore(%arg14 : memref<!tpu.dma_semaphore, #tpu.memory_space<semaphore_mem>>)
    %dma_wait3A_576 = arith.constant 3 : i32
    %dma_wait3A_577 = arith.constant 0 : i32
    %dma_wait3A_578 = arith.constant 0 : i32
    %dma_wait3A_579 = arith.constant 0 : i32
    %dma_wait3A_580 = tpu.memref_slice %arg7[%dma_wait3A_576, %dma_wait3A_578, %dma_wait3A_579] : memref<4x200x64xf32, #tpu.memory_space<vmem>> -> memref<1x200x64xf32, #tpu.memory_space<vmem>>
    %dma_wait3A_581 = tpu.memref_squeeze %dma_wait3A_580 : memref<1x200x64xf32, #tpu.memory_space<vmem>> -> memref<200x64xf32, #tpu.memory_space<vmem>>
    %dma_wait3A_582 = arith.constant 0 : i32
    %dma_wait3A_583 = arith.constant 0 : i32
    %dma_wait3A_584 = tpu.memref_slice %arg5[%dma_wait3A_577, %dma_wait3A_582, %dma_wait3A_583] : memref<4096x200x64xf32, #tpu.memory_space<hbm>> -> memref<1x200x64xf32, #tpu.memory_space<hbm>>
    %dma_wait3A_585 = tpu.memref_squeeze %dma_wait3A_584 : memref<1x200x64xf32, #tpu.memory_space<hbm>> -> memref<200x64xf32, #tpu.memory_space<hbm>>
    %dma_wait3A_586 = arith.constant 0 : i32
    %dma_wait3A_587 = arith.constant 0 : i32
    %dma_wait3A_588 = tpu.memref_slice %arg5[%dma_wait3A_577, %dma_wait3A_586, %dma_wait3A_587] : memref<4096x200x64xf32, #tpu.memory_space<hbm>> -> memref<1x200x64xf32, #tpu.memory_space<hbm>>
    %dma_wait3A_589 = tpu.memref_squeeze %dma_wait3A_588 : memref<1x200x64xf32, #tpu.memory_space<hbm>> -> memref<200x64xf32, #tpu.memory_space<hbm>>
    %dma_wait3A_590 = arith.constant 0 : i32
    %dma_wait3A_591 = arith.constant 0 : i32
    %dma_wait3A_592 = tpu.memref_slice %arg7[%dma_wait3A_576, %dma_wait3A_590, %dma_wait3A_591] : memref<4x200x64xf32, #tpu.memory_space<vmem>> -> memref<1x200x64xf32, #tpu.memory_space<vmem>>
    %dma_wait3A_593 = tpu.memref_squeeze %dma_wait3A_592 : memref<1x200x64xf32, #tpu.memory_space<vmem>> -> memref<200x64xf32, #tpu.memory_space<vmem>>
    tpu.wait_dma2 semaphore(%arg16 : memref<!tpu.dma_semaphore, #tpu.memory_space<semaphore_mem>>) src(%dma_wait3A_593 : memref<200x64xf32, #tpu.memory_space<vmem>>) dst(%dma_wait3A_589 : memref<200x64xf32, #tpu.memory_space<hbm>>)
    %mul3A_594 = arith.constant 128 : i32
    %mul3A_595 = arith.muli %add3A, %mul3A_594 : i32
    %add3A_596 = arith.constant 127 : i32
    %add3A_597 = arith.addi %mul3A_595, %add3A_596 : i32
    %run_scoped3A_598 = arith.constant 3 : i32
    "tpu.region"() ({
      %run_scoped3A_797 = tpu.sem_alloc : memref<!tpu.dma_semaphore, #tpu.memory_space<semaphore_mem>>
      %dma_start3A_798 = arith.constant 0 : i32
      %dma_start3A_799 = arith.constant 0 : i32
      %dma_start3A_800 = tpu.memref_slice %arg6[%run_scoped3A_598, %dma_start3A_798, %dma_start3A_799] : memref<4x2x100xi32, #tpu.memory_space<vmem>> -> memref<1x2x100xi32, #tpu.memory_space<vmem>>
      %dma_start3A_801 = tpu.memref_squeeze %dma_start3A_800 : memref<1x2x100xi32, #tpu.memory_space<vmem>> -> memref<2x100xi32, #tpu.memory_space<vmem>>
      %dma_start3A_802 = arith.constant 0 : i32
      %dma_start3A_803 = arith.constant 0 : i32
      %dma_start3A_804 = tpu.memref_slice %arg3[%add3A_597, %dma_start3A_802, %dma_start3A_803] : memref<4096x2x100xi32, #tpu.memory_space<hbm>> -> memref<1x2x100xi32, #tpu.memory_space<hbm>>
      %dma_start3A_805 = tpu.memref_squeeze %dma_start3A_804 : memref<1x2x100xi32, #tpu.memory_space<hbm>> -> memref<2x100xi32, #tpu.memory_space<hbm>>
      %dma_start3A_806 = arith.constant 0 : i32
      %dma_start3A_807 = arith.constant 0 : i32
      %dma_start3A_808 = tpu.memref_slice %arg6[%run_scoped3A_598, %dma_start3A_806, %dma_start3A_807] : memref<4x2x100xi32, #tpu.memory_space<vmem>> -> memref<1x2x100xi32, #tpu.memory_space<vmem>>
      %dma_start3A_809 = tpu.memref_squeeze %dma_start3A_808 : memref<1x2x100xi32, #tpu.memory_space<vmem>> -> memref<2x100xi32, #tpu.memory_space<vmem>>
      %dma_start3A_810 = arith.constant 0 : i32
      %dma_start3A_811 = arith.constant 0 : i32
      %dma_start3A_812 = tpu.memref_slice %arg3[%add3A_597, %dma_start3A_810, %dma_start3A_811] : memref<4096x2x100xi32, #tpu.memory_space<hbm>> -> memref<1x2x100xi32, #tpu.memory_space<hbm>>
      %dma_start3A_813 = tpu.memref_squeeze %dma_start3A_812 : memref<1x2x100xi32, #tpu.memory_space<hbm>> -> memref<2x100xi32, #tpu.memory_space<hbm>>
      tpu.enqueue_dma source(%dma_start3A_813 : memref<2x100xi32, #tpu.memory_space<hbm>>) target(%dma_start3A_809 : memref<2x100xi32, #tpu.memory_space<vmem>>) target_semaphore(%run_scoped3A_797 : memref<!tpu.dma_semaphore, #tpu.memory_space<semaphore_mem>>)
      %dma_wait3A_814 = arith.constant 0 : i32
      %dma_wait3A_815 = arith.constant 0 : i32
      %dma_wait3A_816 = tpu.memref_slice %arg6[%run_scoped3A_598, %dma_wait3A_814, %dma_wait3A_815] : memref<4x2x100xi32, #tpu.memory_space<vmem>> -> memref<1x2x100xi32, #tpu.memory_space<vmem>>
      %dma_wait3A_817 = tpu.memref_squeeze %dma_wait3A_816 : memref<1x2x100xi32, #tpu.memory_space<vmem>> -> memref<2x100xi32, #tpu.memory_space<vmem>>
      %dma_wait3A_818 = arith.constant 0 : i32
      %dma_wait3A_819 = arith.constant 0 : i32
      %dma_wait3A_820 = tpu.memref_slice %arg3[%add3A_597, %dma_wait3A_818, %dma_wait3A_819] : memref<4096x2x100xi32, #tpu.memory_space<hbm>> -> memref<1x2x100xi32, #tpu.memory_space<hbm>>
      %dma_wait3A_821 = tpu.memref_squeeze %dma_wait3A_820 : memref<1x2x100xi32, #tpu.memory_space<hbm>> -> memref<2x100xi32, #tpu.memory_space<hbm>>
      %dma_wait3A_822 = arith.constant 0 : i32
      %dma_wait3A_823 = arith.constant 0 : i32
      %dma_wait3A_824 = tpu.memref_slice %arg6[%run_scoped3A_598, %dma_wait3A_822, %dma_wait3A_823] : memref<4x2x100xi32, #tpu.memory_space<vmem>> -> memref<1x2x100xi32, #tpu.memory_space<vmem>>
      %dma_wait3A_825 = tpu.memref_squeeze %dma_wait3A_824 : memref<1x2x100xi32, #tpu.memory_space<vmem>> -> memref<2x100xi32, #tpu.memory_space<vmem>>
      %dma_wait3A_826 = arith.constant 0 : i32
      %dma_wait3A_827 = arith.constant 0 : i32
      %dma_wait3A_828 = tpu.memref_slice %arg3[%add3A_597, %dma_wait3A_826, %dma_wait3A_827] : memref<4096x2x100xi32, #tpu.memory_space<hbm>> -> memref<1x2x100xi32, #tpu.memory_space<hbm>>
      %dma_wait3A_829 = tpu.memref_squeeze %dma_wait3A_828 : memref<1x2x100xi32, #tpu.memory_space<hbm>> -> memref<2x100xi32, #tpu.memory_space<hbm>>
      tpu.wait_dma2 semaphore(%run_scoped3A_797 : memref<!tpu.dma_semaphore, #tpu.memory_space<semaphore_mem>>) src(%dma_wait3A_829 : memref<2x100xi32, #tpu.memory_space<hbm>>) dst(%dma_wait3A_825 : memref<2x100xi32, #tpu.memory_space<vmem>>)
      tpu.yield
    }) : () -> ()
    %dma_start3A_599 = arith.constant 3 : i32
    %dma_start3A_600 = arith.constant 0 : i32
    %dma_start3A_601 = arith.constant 3 : i32
    %dma_start3A_602 = arith.constant 0 : i32
    %dma_start3A_603 = arith.constant 0 : i32
    %dma_start3A_604 = tpu.memref_slice %arg7[%dma_start3A_601, %dma_start3A_602, %dma_start3A_603] : memref<4x200x64xf32, #tpu.memory_space<vmem>> -> memref<1x100x64xf32, #tpu.memory_space<vmem>>
    %dma_start3A_605 = tpu.memref_squeeze %dma_start3A_604 : memref<1x100x64xf32, #tpu.memory_space<vmem>> -> memref<100x64xf32, #tpu.memory_space<vmem>>
    %dma_start3A_606 = arith.constant 0 : i32
    %dma_start3A_607 = tpu.memref_slice %arg6[%dma_start3A_599, %dma_start3A_600, %dma_start3A_606] : memref<4x2x100xi32, #tpu.memory_space<vmem>> -> memref<1x1x100xi32, #tpu.memory_space<vmem>>
    %dma_start3A_608 = tpu.memref_squeeze %dma_start3A_607 : memref<1x1x100xi32, #tpu.memory_space<vmem>> -> memref<100xi32, #tpu.memory_space<vmem>>
    %dma_start3A_609 = arith.constant 0 : i32
    %dma_start3A_610 = arith.constant 0 : i32
    %dma_start3A_611 = tpu.memref_slice %arg2[%dma_start3A_609, %dma_start3A_610] : memref<1000000x64xf32, #tpu.memory_space<hbm>> -> memref<1000000x64xf32, #tpu.memory_space<hbm>>
    tpu.enqueue_indirect_dma source(%dma_start3A_611 : memref<1000000x64xf32, #tpu.memory_space<hbm>>) target(%dma_start3A_605 : memref<100x64xf32, #tpu.memory_space<vmem>>) offsets(%dma_start3A_608 : memref<100xi32, #tpu.memory_space<vmem>>) semaphore(%arg12 : memref<!tpu.dma_semaphore, #tpu.memory_space<semaphore_mem>>)
    %dma_start3A_612 = arith.constant 3 : i32
    %dma_start3A_613 = arith.constant 1 : i32
    %dma_start3A_614 = arith.constant 3 : i32
    %dma_start3A_615 = arith.constant 100 : i32
    %dma_start3A_616 = arith.constant 0 : i32
    %dma_start3A_617 = tpu.memref_slice %arg7[%dma_start3A_614, %dma_start3A_615, %dma_start3A_616] : memref<4x200x64xf32, #tpu.memory_space<vmem>> -> memref<1x100x64xf32, #tpu.memory_space<vmem>>
    %dma_start3A_618 = tpu.memref_squeeze %dma_start3A_617 : memref<1x100x64xf32, #tpu.memory_space<vmem>> -> memref<100x64xf32, #tpu.memory_space<vmem>>
    %dma_start3A_619 = arith.constant 0 : i32
    %dma_start3A_620 = tpu.memref_slice %arg6[%dma_start3A_612, %dma_start3A_613, %dma_start3A_619] : memref<4x2x100xi32, #tpu.memory_space<vmem>> -> memref<1x1x100xi32, #tpu.memory_space<vmem>>
    %dma_start3A_621 = tpu.memref_squeeze %dma_start3A_620 : memref<1x1x100xi32, #tpu.memory_space<vmem>> -> memref<100xi32, #tpu.memory_space<vmem>>
    %dma_start3A_622 = arith.constant 0 : i32
    %dma_start3A_623 = arith.constant 0 : i32
    %dma_start3A_624 = tpu.memref_slice %arg2[%dma_start3A_622, %dma_start3A_623] : memref<1000000x64xf32, #tpu.memory_space<hbm>> -> memref<1000000x64xf32, #tpu.memory_space<hbm>>
    tpu.enqueue_indirect_dma source(%dma_start3A_624 : memref<1000000x64xf32, #tpu.memory_space<hbm>>) target(%dma_start3A_618 : memref<100x64xf32, #tpu.memory_space<vmem>>) offsets(%dma_start3A_621 : memref<100xi32, #tpu.memory_space<vmem>>) semaphore(%arg12 : memref<!tpu.dma_semaphore, #tpu.memory_space<semaphore_mem>>)
    %dma_wait3A_625 = arith.constant 2 : i32
    %dma_wait3A_626 = arith.constant 0 : i32
    %dma_wait3A_627 = arith.constant 2 : i32
    %dma_wait3A_628 = arith.constant 0 : i32
    %dma_wait3A_629 = arith.constant 0 : i32
    %dma_wait3A_630 = tpu.memref_slice %arg7[%dma_wait3A_627, %dma_wait3A_628, %dma_wait3A_629] : memref<4x200x64xf32, #tpu.memory_space<vmem>> -> memref<1x100x64xf32, #tpu.memory_space<vmem>>
    %dma_wait3A_631 = tpu.memref_squeeze %dma_wait3A_630 : memref<1x100x64xf32, #tpu.memory_space<vmem>> -> memref<100x64xf32, #tpu.memory_space<vmem>>
    %dma_wait3A_632 = arith.constant 0 : i32
    %dma_wait3A_633 = tpu.memref_slice %arg6[%dma_wait3A_625, %dma_wait3A_626, %dma_wait3A_632] : memref<4x2x100xi32, #tpu.memory_space<vmem>> -> memref<1x1x100xi32, #tpu.memory_space<vmem>>
    %dma_wait3A_634 = tpu.memref_squeeze %dma_wait3A_633 : memref<1x1x100xi32, #tpu.memory_space<vmem>> -> memref<100xi32, #tpu.memory_space<vmem>>
    %dma_wait3A_635 = arith.constant 0 : i32
    %dma_wait3A_636 = arith.constant 0 : i32
    %dma_wait3A_637 = tpu.memref_slice %arg2[%dma_wait3A_635, %dma_wait3A_636] : memref<1000000x64xf32, #tpu.memory_space<hbm>> -> memref<1000000x64xf32, #tpu.memory_space<hbm>>
    tpu.wait_indirect_dma semaphore(%arg11 : memref<!tpu.dma_semaphore, #tpu.memory_space<semaphore_mem>>) src(%dma_wait3A_637 : memref<1000000x64xf32, #tpu.memory_space<hbm>>) dst(%dma_wait3A_631 : memref<100x64xf32, #tpu.memory_space<vmem>>)
    %dma_wait3A_638 = arith.constant 2 : i32
    %dma_wait3A_639 = arith.constant 1 : i32
    %dma_wait3A_640 = arith.constant 2 : i32
    %dma_wait3A_641 = arith.constant 100 : i32
    %dma_wait3A_642 = arith.constant 0 : i32
    %dma_wait3A_643 = tpu.memref_slice %arg7[%dma_wait3A_640, %dma_wait3A_641, %dma_wait3A_642] : memref<4x200x64xf32, #tpu.memory_space<vmem>> -> memref<1x100x64xf32, #tpu.memory_space<vmem>>
    %dma_wait3A_644 = tpu.memref_squeeze %dma_wait3A_643 : memref<1x100x64xf32, #tpu.memory_space<vmem>> -> memref<100x64xf32, #tpu.memory_space<vmem>>
    %dma_wait3A_645 = arith.constant 0 : i32
    %dma_wait3A_646 = tpu.memref_slice %arg6[%dma_wait3A_638, %dma_wait3A_639, %dma_wait3A_645] : memref<4x2x100xi32, #tpu.memory_space<vmem>> -> memref<1x1x100xi32, #tpu.memory_space<vmem>>
    %dma_wait3A_647 = tpu.memref_squeeze %dma_wait3A_646 : memref<1x1x100xi32, #tpu.memory_space<vmem>> -> memref<100xi32, #tpu.memory_space<vmem>>
    %dma_wait3A_648 = arith.constant 0 : i32
    %dma_wait3A_649 = arith.constant 0 : i32
    %dma_wait3A_650 = tpu.memref_slice %arg2[%dma_wait3A_648, %dma_wait3A_649] : memref<1000000x64xf32, #tpu.memory_space<hbm>> -> memref<1000000x64xf32, #tpu.memory_space<hbm>>
    tpu.wait_indirect_dma semaphore(%arg11 : memref<!tpu.dma_semaphore, #tpu.memory_space<semaphore_mem>>) src(%dma_wait3A_650 : memref<1000000x64xf32, #tpu.memory_space<hbm>>) dst(%dma_wait3A_644 : memref<100x64xf32, #tpu.memory_space<vmem>>)
    %parallel_loop3A_651 = arith.constant 0 : i32
    %parallel_loop3A_652 = arith.constant 200 : i32
    %parallel_loop3A_653 = arith.constant 1 : i32
    scf.for %parallel_loop3A_797 = %parallel_loop3A_651 to %parallel_loop3A_652 step %parallel_loop3A_653  : i32 {
      %parallel_loop3A_798 = arith.index_cast %parallel_loop3A_797 : i32 to index
      %parallel_loop3A_799 = arith.constant 0 : index
      %parallel_loop3A_800 = tpu.vector_load %arg8[%parallel_loop3A_798, %parallel_loop3A_799] {strides = array<i32>} : memref<200x64xf32, #tpu.memory_space<vmem>>, vector<1x16xf32>,
      %parallel_loop3A_801 = vector.shape_cast %parallel_loop3A_800 : vector<1x16xf32> to vector<16xf32>
      %parallel_loop3A_802 = arith.constant 2 : i32
      %parallel_loop3A_803 = arith.index_cast %parallel_loop3A_802 : i32 to index
      %parallel_loop3A_804 = arith.index_cast %parallel_loop3A_797 : i32 to index
      %parallel_loop3A_805 = arith.constant 0 : index
      %parallel_loop3A_806 = tpu.vector_load %arg7[%parallel_loop3A_803, %parallel_loop3A_804, %parallel_loop3A_805] {strides = array<i32>} : memref<4x200x64xf32, #tpu.memory_space<vmem>>, vector<1x1x16xf32>,
      %parallel_loop3A_807 = vector.shape_cast %parallel_loop3A_806 : vector<1x1x16xf32> to vector<16xf32>
      %parallel_loop3A_808 = vector.shape_cast %parallel_loop3A_801 : vector<16xf32> to vector<1x1x16xf32>
      tpu.vector_store %arg7[%parallel_loop3A_803, %parallel_loop3A_804, %parallel_loop3A_805], %parallel_loop3A_808 {add = true, strides = array<i32>} : memref<4x200x64xf32, #tpu.memory_space<vmem>>, vector<1x1x16xf32>,
      %parallel_loop3A_809 = arith.index_cast %parallel_loop3A_797 : i32 to index
      %parallel_loop3A_810 = arith.constant 16 : index
      %parallel_loop3A_811 = tpu.vector_load %arg8[%parallel_loop3A_809, %parallel_loop3A_810] {strides = array<i32>} : memref<200x64xf32, #tpu.memory_space<vmem>>, vector<1x16xf32>,
      %parallel_loop3A_812 = vector.shape_cast %parallel_loop3A_811 : vector<1x16xf32> to vector<16xf32>
      %parallel_loop3A_813 = arith.constant 2 : i32
      %parallel_loop3A_814 = arith.index_cast %parallel_loop3A_813 : i32 to index
      %parallel_loop3A_815 = arith.index_cast %parallel_loop3A_797 : i32 to index
      %parallel_loop3A_816 = arith.constant 16 : index
      %parallel_loop3A_817 = tpu.vector_load %arg7[%parallel_loop3A_814, %parallel_loop3A_815, %parallel_loop3A_816] {strides = array<i32>} : memref<4x200x64xf32, #tpu.memory_space<vmem>>, vector<1x1x16xf32>,
      %parallel_loop3A_818 = vector.shape_cast %parallel_loop3A_817 : vector<1x1x16xf32> to vector<16xf32>
      %parallel_loop3A_819 = vector.shape_cast %parallel_loop3A_812 : vector<16xf32> to vector<1x1x16xf32>
      tpu.vector_store %arg7[%parallel_loop3A_814, %parallel_loop3A_815, %parallel_loop3A_816], %parallel_loop3A_819 {add = true, strides = array<i32>} : memref<4x200x64xf32, #tpu.memory_space<vmem>>, vector<1x1x16xf32>,
      %parallel_loop3A_820 = arith.index_cast %parallel_loop3A_797 : i32 to index
      %parallel_loop3A_821 = arith.constant 32 : index
      %parallel_loop3A_822 = tpu.vector_load %arg8[%parallel_loop3A_820, %parallel_loop3A_821] {strides = array<i32>} : memref<200x64xf32, #tpu.memory_space<vmem>>, vector<1x16xf32>,
      %parallel_loop3A_823 = vector.shape_cast %parallel_loop3A_822 : vector<1x16xf32> to vector<16xf32>
      %parallel_loop3A_824 = arith.constant 2 : i32
      %parallel_loop3A_825 = arith.index_cast %parallel_loop3A_824 : i32 to index
      %parallel_loop3A_826 = arith.index_cast %parallel_loop3A_797 : i32 to index
      %parallel_loop3A_827 = arith.constant 32 : index
      %parallel_loop3A_828 = tpu.vector_load %arg7[%parallel_loop3A_825, %parallel_loop3A_826, %parallel_loop3A_827] {strides = array<i32>} : memref<4x200x64xf32, #tpu.memory_space<vmem>>, vector<1x1x16xf32>,
      %parallel_loop3A_829 = vector.shape_cast %parallel_loop3A_828 : vector<1x1x16xf32> to vector<16xf32>
      %parallel_loop3A_830 = vector.shape_cast %parallel_loop3A_823 : vector<16xf32> to vector<1x1x16xf32>
      tpu.vector_store %arg7[%parallel_loop3A_825, %parallel_loop3A_826, %parallel_loop3A_827], %parallel_loop3A_830 {add = true, strides = array<i32>} : memref<4x200x64xf32, #tpu.memory_space<vmem>>, vector<1x1x16xf32>,
      %parallel_loop3A_831 = arith.index_cast %parallel_loop3A_797 : i32 to index
      %parallel_loop3A_832 = arith.constant 48 : index
      %parallel_loop3A_833 = tpu.vector_load %arg8[%parallel_loop3A_831, %parallel_loop3A_832] {strides = array<i32>} : memref<200x64xf32, #tpu.memory_space<vmem>>, vector<1x16xf32>,
      %parallel_loop3A_834 = vector.shape_cast %parallel_loop3A_833 : vector<1x16xf32> to vector<16xf32>
      %parallel_loop3A_835 = arith.constant 2 : i32
      %parallel_loop3A_836 = arith.index_cast %parallel_loop3A_835 : i32 to index
      %parallel_loop3A_837 = arith.index_cast %parallel_loop3A_797 : i32 to index
      %parallel_loop3A_838 = arith.constant 48 : index
      %parallel_loop3A_839 = tpu.vector_load %arg7[%parallel_loop3A_836, %parallel_loop3A_837, %parallel_loop3A_838] {strides = array<i32>} : memref<4x200x64xf32, #tpu.memory_space<vmem>>, vector<1x1x16xf32>,
      %parallel_loop3A_840 = vector.shape_cast %parallel_loop3A_839 : vector<1x1x16xf32> to vector<16xf32>
      %parallel_loop3A_841 = vector.shape_cast %parallel_loop3A_834 : vector<16xf32> to vector<1x1x16xf32>
      tpu.vector_store %arg7[%parallel_loop3A_836, %parallel_loop3A_837, %parallel_loop3A_838], %parallel_loop3A_841 {add = true, strides = array<i32>} : memref<4x200x64xf32, #tpu.memory_space<vmem>>, vector<1x1x16xf32>,
    } {sc.loop_unroll_factor = 4 : i64, sc.parallel_access}
    %mul3A_654 = arith.constant 128 : i32
    %mul3A_655 = arith.muli %add3A, %mul3A_654 : i32
    %add3A_656 = arith.constant 126 : i32
    %add3A_657 = arith.addi %mul3A_655, %add3A_656 : i32
    %dma_start3A_658 = arith.constant 2 : i32
    %dma_start3A_659 = arith.constant 0 : i32
    %dma_start3A_660 = arith.constant 0 : i32
    %dma_start3A_661 = tpu.memref_slice %arg7[%dma_start3A_658, %dma_start3A_659, %dma_start3A_660] : memref<4x200x64xf32, #tpu.memory_space<vmem>> -> memref<1x200x64xf32, #tpu.memory_space<vmem>>
    %dma_start3A_662 = tpu.memref_squeeze %dma_start3A_661 : memref<1x200x64xf32, #tpu.memory_space<vmem>> -> memref<200x64xf32, #tpu.memory_space<vmem>>
    %dma_start3A_663 = arith.constant 0 : i32
    %dma_start3A_664 = arith.constant 0 : i32
    %dma_start3A_665 = tpu.memref_slice %arg5[%add3A_657, %dma_start3A_663, %dma_start3A_664] : memref<4096x200x64xf32, #tpu.memory_space<hbm>> -> memref<1x200x64xf32, #tpu.memory_space<hbm>>
    %dma_start3A_666 = tpu.memref_squeeze %dma_start3A_665 : memref<1x200x64xf32, #tpu.memory_space<hbm>> -> memref<200x64xf32, #tpu.memory_space<hbm>>
    %dma_start3A_667 = arith.constant 0 : i32
    %dma_start3A_668 = arith.constant 0 : i32
    %dma_start3A_669 = tpu.memref_slice %arg5[%add3A_657, %dma_start3A_667, %dma_start3A_668] : memref<4096x200x64xf32, #tpu.memory_space<hbm>> -> memref<1x200x64xf32, #tpu.memory_space<hbm>>
    %dma_start3A_670 = tpu.memref_squeeze %dma_start3A_669 : memref<1x200x64xf32, #tpu.memory_space<hbm>> -> memref<200x64xf32, #tpu.memory_space<hbm>>
    %dma_start3A_671 = arith.constant 0 : i32
    %dma_start3A_672 = arith.constant 0 : i32
    %dma_start3A_673 = tpu.memref_slice %arg7[%dma_start3A_658, %dma_start3A_671, %dma_start3A_672] : memref<4x200x64xf32, #tpu.memory_space<vmem>> -> memref<1x200x64xf32, #tpu.memory_space<vmem>>
    %dma_start3A_674 = tpu.memref_squeeze %dma_start3A_673 : memref<1x200x64xf32, #tpu.memory_space<vmem>> -> memref<200x64xf32, #tpu.memory_space<vmem>>
    tpu.enqueue_dma source(%dma_start3A_674 : memref<200x64xf32, #tpu.memory_space<vmem>>) target(%dma_start3A_670 : memref<200x64xf32, #tpu.memory_space<hbm>>) target_semaphore(%arg15 : memref<!tpu.dma_semaphore, #tpu.memory_space<semaphore_mem>>)
    %dma_wait3A_675 = arith.constant 3 : i32
    %dma_wait3A_676 = arith.constant 0 : i32
    %dma_wait3A_677 = arith.constant 3 : i32
    %dma_wait3A_678 = arith.constant 0 : i32
    %dma_wait3A_679 = arith.constant 0 : i32
    %dma_wait3A_680 = tpu.memref_slice %arg7[%dma_wait3A_677, %dma_wait3A_678, %dma_wait3A_679] : memref<4x200x64xf32, #tpu.memory_space<vmem>> -> memref<1x100x64xf32, #tpu.memory_space<vmem>>
    %dma_wait3A_681 = tpu.memref_squeeze %dma_wait3A_680 : memref<1x100x64xf32, #tpu.memory_space<vmem>> -> memref<100x64xf32, #tpu.memory_space<vmem>>
    %dma_wait3A_682 = arith.constant 0 : i32
    %dma_wait3A_683 = tpu.memref_slice %arg6[%dma_wait3A_675, %dma_wait3A_676, %dma_wait3A_682] : memref<4x2x100xi32, #tpu.memory_space<vmem>> -> memref<1x1x100xi32, #tpu.memory_space<vmem>>
    %dma_wait3A_684 = tpu.memref_squeeze %dma_wait3A_683 : memref<1x1x100xi32, #tpu.memory_space<vmem>> -> memref<100xi32, #tpu.memory_space<vmem>>
    %dma_wait3A_685 = arith.constant 0 : i32
    %dma_wait3A_686 = arith.constant 0 : i32
    %dma_wait3A_687 = tpu.memref_slice %arg2[%dma_wait3A_685, %dma_wait3A_686] : memref<1000000x64xf32, #tpu.memory_space<hbm>> -> memref<1000000x64xf32, #tpu.memory_space<hbm>>
    tpu.wait_indirect_dma semaphore(%arg12 : memref<!tpu.dma_semaphore, #tpu.memory_space<semaphore_mem>>) src(%dma_wait3A_687 : memref<1000000x64xf32, #tpu.memory_space<hbm>>) dst(%dma_wait3A_681 : memref<100x64xf32, #tpu.memory_space<vmem>>)
    %dma_wait3A_688 = arith.constant 3 : i32
    %dma_wait3A_689 = arith.constant 1 : i32
    %dma_wait3A_690 = arith.constant 3 : i32
    %dma_wait3A_691 = arith.constant 100 : i32
    %dma_wait3A_692 = arith.constant 0 : i32
    %dma_wait3A_693 = tpu.memref_slice %arg7[%dma_wait3A_690, %dma_wait3A_691, %dma_wait3A_692] : memref<4x200x64xf32, #tpu.memory_space<vmem>> -> memref<1x100x64xf32, #tpu.memory_space<vmem>>
    %dma_wait3A_694 = tpu.memref_squeeze %dma_wait3A_693 : memref<1x100x64xf32, #tpu.memory_space<vmem>> -> memref<100x64xf32, #tpu.memory_space<vmem>>
    %dma_wait3A_695 = arith.constant 0 : i32
    %dma_wait3A_696 = tpu.memref_slice %arg6[%dma_wait3A_688, %dma_wait3A_689, %dma_wait3A_695] : memref<4x2x100xi32, #tpu.memory_space<vmem>> -> memref<1x1x100xi32, #tpu.memory_space<vmem>>
    %dma_wait3A_697 = tpu.memref_squeeze %dma_wait3A_696 : memref<1x1x100xi32, #tpu.memory_space<vmem>> -> memref<100xi32, #tpu.memory_space<vmem>>
    %dma_wait3A_698 = arith.constant 0 : i32
    %dma_wait3A_699 = arith.constant 0 : i32
    %dma_wait3A_700 = tpu.memref_slice %arg2[%dma_wait3A_698, %dma_wait3A_699] : memref<1000000x64xf32, #tpu.memory_space<hbm>> -> memref<1000000x64xf32, #tpu.memory_space<hbm>>
    tpu.wait_indirect_dma semaphore(%arg12 : memref<!tpu.dma_semaphore, #tpu.memory_space<semaphore_mem>>) src(%dma_wait3A_700 : memref<1000000x64xf32, #tpu.memory_space<hbm>>) dst(%dma_wait3A_694 : memref<100x64xf32, #tpu.memory_space<vmem>>)
    %parallel_loop3A_701 = arith.constant 0 : i32
    %parallel_loop3A_702 = arith.constant 200 : i32
    %parallel_loop3A_703 = arith.constant 1 : i32
    scf.for %parallel_loop3A_797 = %parallel_loop3A_701 to %parallel_loop3A_702 step %parallel_loop3A_703  : i32 {
      %parallel_loop3A_798 = arith.index_cast %parallel_loop3A_797 : i32 to index
      %parallel_loop3A_799 = arith.constant 0 : index
      %parallel_loop3A_800 = tpu.vector_load %arg8[%parallel_loop3A_798, %parallel_loop3A_799] {strides = array<i32>} : memref<200x64xf32, #tpu.memory_space<vmem>>, vector<1x16xf32>,
      %parallel_loop3A_801 = vector.shape_cast %parallel_loop3A_800 : vector<1x16xf32> to vector<16xf32>
      %parallel_loop3A_802 = arith.constant 3 : i32
      %parallel_loop3A_803 = arith.index_cast %parallel_loop3A_802 : i32 to index
      %parallel_loop3A_804 = arith.index_cast %parallel_loop3A_797 : i32 to index
      %parallel_loop3A_805 = arith.constant 0 : index
      %parallel_loop3A_806 = tpu.vector_load %arg7[%parallel_loop3A_803, %parallel_loop3A_804, %parallel_loop3A_805] {strides = array<i32>} : memref<4x200x64xf32, #tpu.memory_space<vmem>>, vector<1x1x16xf32>,
      %parallel_loop3A_807 = vector.shape_cast %parallel_loop3A_806 : vector<1x1x16xf32> to vector<16xf32>
      %parallel_loop3A_808 = vector.shape_cast %parallel_loop3A_801 : vector<16xf32> to vector<1x1x16xf32>
      tpu.vector_store %arg7[%parallel_loop3A_803, %parallel_loop3A_804, %parallel_loop3A_805], %parallel_loop3A_808 {add = true, strides = array<i32>} : memref<4x200x64xf32, #tpu.memory_space<vmem>>, vector<1x1x16xf32>,
      %parallel_loop3A_809 = arith.index_cast %parallel_loop3A_797 : i32 to index
      %parallel_loop3A_810 = arith.constant 16 : index
      %parallel_loop3A_811 = tpu.vector_load %arg8[%parallel_loop3A_809, %parallel_loop3A_810] {strides = array<i32>} : memref<200x64xf32, #tpu.memory_space<vmem>>, vector<1x16xf32>,
      %parallel_loop3A_812 = vector.shape_cast %parallel_loop3A_811 : vector<1x16xf32> to vector<16xf32>
      %parallel_loop3A_813 = arith.constant 3 : i32
      %parallel_loop3A_814 = arith.index_cast %parallel_loop3A_813 : i32 to index
      %parallel_loop3A_815 = arith.index_cast %parallel_loop3A_797 : i32 to index
      %parallel_loop3A_816 = arith.constant 16 : index
      %parallel_loop3A_817 = tpu.vector_load %arg7[%parallel_loop3A_814, %parallel_loop3A_815, %parallel_loop3A_816] {strides = array<i32>} : memref<4x200x64xf32, #tpu.memory_space<vmem>>, vector<1x1x16xf32>,
      %parallel_loop3A_818 = vector.shape_cast %parallel_loop3A_817 : vector<1x1x16xf32> to vector<16xf32>
      %parallel_loop3A_819 = vector.shape_cast %parallel_loop3A_812 : vector<16xf32> to vector<1x1x16xf32>
      tpu.vector_store %arg7[%parallel_loop3A_814, %parallel_loop3A_815, %parallel_loop3A_816], %parallel_loop3A_819 {add = true, strides = array<i32>} : memref<4x200x64xf32, #tpu.memory_space<vmem>>, vector<1x1x16xf32>,
      %parallel_loop3A_820 = arith.index_cast %parallel_loop3A_797 : i32 to index
      %parallel_loop3A_821 = arith.constant 32 : index
      %parallel_loop3A_822 = tpu.vector_load %arg8[%parallel_loop3A_820, %parallel_loop3A_821] {strides = array<i32>} : memref<200x64xf32, #tpu.memory_space<vmem>>, vector<1x16xf32>,
      %parallel_loop3A_823 = vector.shape_cast %parallel_loop3A_822 : vector<1x16xf32> to vector<16xf32>
      %parallel_loop3A_824 = arith.constant 3 : i32
      %parallel_loop3A_825 = arith.index_cast %parallel_loop3A_824 : i32 to index
      %parallel_loop3A_826 = arith.index_cast %parallel_loop3A_797 : i32 to index
      %parallel_loop3A_827 = arith.constant 32 : index
      %parallel_loop3A_828 = tpu.vector_load %arg7[%parallel_loop3A_825, %parallel_loop3A_826, %parallel_loop3A_827] {strides = array<i32>} : memref<4x200x64xf32, #tpu.memory_space<vmem>>, vector<1x1x16xf32>,
      %parallel_loop3A_829 = vector.shape_cast %parallel_loop3A_828 : vector<1x1x16xf32> to vector<16xf32>
      %parallel_loop3A_830 = vector.shape_cast %parallel_loop3A_823 : vector<16xf32> to vector<1x1x16xf32>
      tpu.vector_store %arg7[%parallel_loop3A_825, %parallel_loop3A_826, %parallel_loop3A_827], %parallel_loop3A_830 {add = true, strides = array<i32>} : memref<4x200x64xf32, #tpu.memory_space<vmem>>, vector<1x1x16xf32>,
      %parallel_loop3A_831 = arith.index_cast %parallel_loop3A_797 : i32 to index
      %parallel_loop3A_832 = arith.constant 48 : index
      %parallel_loop3A_833 = tpu.vector_load %arg8[%parallel_loop3A_831, %parallel_loop3A_832] {strides = array<i32>} : memref<200x64xf32, #tpu.memory_space<vmem>>, vector<1x16xf32>,
      %parallel_loop3A_834 = vector.shape_cast %parallel_loop3A_833 : vector<1x16xf32> to vector<16xf32>
      %parallel_loop3A_835 = arith.constant 3 : i32
      %parallel_loop3A_836 = arith.index_cast %parallel_loop3A_835 : i32 to index
      %parallel_loop3A_837 = arith.index_cast %parallel_loop3A_797 : i32 to index
      %parallel_loop3A_838 = arith.constant 48 : index
      %parallel_loop3A_839 = tpu.vector_load %arg7[%parallel_loop3A_836, %parallel_loop3A_837, %parallel_loop3A_838] {strides = array<i32>} : memref<4x200x64xf32, #tpu.memory_space<vmem>>, vector<1x1x16xf32>,
      %parallel_loop3A_840 = vector.shape_cast %parallel_loop3A_839 : vector<1x1x16xf32> to vector<16xf32>
      %parallel_loop3A_841 = vector.shape_cast %parallel_loop3A_834 : vector<16xf32> to vector<1x1x16xf32>
      tpu.vector_store %arg7[%parallel_loop3A_836, %parallel_loop3A_837, %parallel_loop3A_838], %parallel_loop3A_841 {add = true, strides = array<i32>} : memref<4x200x64xf32, #tpu.memory_space<vmem>>, vector<1x1x16xf32>,
    } {sc.loop_unroll_factor = 4 : i64, sc.parallel_access}
    %mul3A_704 = arith.constant 128 : i32
    %mul3A_705 = arith.muli %add3A, %mul3A_704 : i32
    %add3A_706 = arith.constant 127 : i32
    %add3A_707 = arith.addi %mul3A_705, %add3A_706 : i32
    %dma_start3A_708 = arith.constant 3 : i32
    %dma_start3A_709 = arith.constant 0 : i32
    %dma_start3A_710 = arith.constant 0 : i32
    %dma_start3A_711 = tpu.memref_slice %arg7[%dma_start3A_708, %dma_start3A_709, %dma_start3A_710] : memref<4x200x64xf32, #tpu.memory_space<vmem>> -> memref<1x200x64xf32, #tpu.memory_space<vmem>>
    %dma_start3A_712 = tpu.memref_squeeze %dma_start3A_711 : memref<1x200x64xf32, #tpu.memory_space<vmem>> -> memref<200x64xf32, #tpu.memory_space<vmem>>
    %dma_start3A_713 = arith.constant 0 : i32
    %dma_start3A_714 = arith.constant 0 : i32
    %dma_start3A_715 = tpu.memref_slice %arg5[%add3A_707, %dma_start3A_713, %dma_start3A_714] : memref<4096x200x64xf32, #tpu.memory_space<hbm>> -> memref<1x200x64xf32, #tpu.memory_space<hbm>>
    %dma_start3A_716 = tpu.memref_squeeze %dma_start3A_715 : memref<1x200x64xf32, #tpu.memory_space<hbm>> -> memref<200x64xf32, #tpu.memory_space<hbm>>
    %dma_start3A_717 = arith.constant 0 : i32
    %dma_start3A_718 = arith.constant 0 : i32
    %dma_start3A_719 = tpu.memref_slice %arg5[%add3A_707, %dma_start3A_717, %dma_start3A_718] : memref<4096x200x64xf32, #tpu.memory_space<hbm>> -> memref<1x200x64xf32, #tpu.memory_space<hbm>>
    %dma_start3A_720 = tpu.memref_squeeze %dma_start3A_719 : memref<1x200x64xf32, #tpu.memory_space<hbm>> -> memref<200x64xf32, #tpu.memory_space<hbm>>
    %dma_start3A_721 = arith.constant 0 : i32
    %dma_start3A_722 = arith.constant 0 : i32
    %dma_start3A_723 = tpu.memref_slice %arg7[%dma_start3A_708, %dma_start3A_721, %dma_start3A_722] : memref<4x200x64xf32, #tpu.memory_space<vmem>> -> memref<1x200x64xf32, #tpu.memory_space<vmem>>
    %dma_start3A_724 = tpu.memref_squeeze %dma_start3A_723 : memref<1x200x64xf32, #tpu.memory_space<vmem>> -> memref<200x64xf32, #tpu.memory_space<vmem>>
    tpu.enqueue_dma source(%dma_start3A_724 : memref<200x64xf32, #tpu.memory_space<vmem>>) target(%dma_start3A_720 : memref<200x64xf32, #tpu.memory_space<hbm>>) target_semaphore(%arg16 : memref<!tpu.dma_semaphore, #tpu.memory_space<semaphore_mem>>)
    %dma_wait3A_725 = arith.constant 0 : i32
    %dma_wait3A_726 = arith.constant 0 : i32
    %dma_wait3A_727 = arith.constant 0 : i32
    %dma_wait3A_728 = arith.constant 0 : i32
    %dma_wait3A_729 = tpu.memref_slice %arg7[%dma_wait3A_725, %dma_wait3A_727, %dma_wait3A_728] : memref<4x200x64xf32, #tpu.memory_space<vmem>> -> memref<1x200x64xf32, #tpu.memory_space<vmem>>
    %dma_wait3A_730 = tpu.memref_squeeze %dma_wait3A_729 : memref<1x200x64xf32, #tpu.memory_space<vmem>> -> memref<200x64xf32, #tpu.memory_space<vmem>>
    %dma_wait3A_731 = arith.constant 0 : i32
    %dma_wait3A_732 = arith.constant 0 : i32
    %dma_wait3A_733 = tpu.memref_slice %arg5[%dma_wait3A_726, %dma_wait3A_731, %dma_wait3A_732] : memref<4096x200x64xf32, #tpu.memory_space<hbm>> -> memref<1x200x64xf32, #tpu.memory_space<hbm>>
    %dma_wait3A_734 = tpu.memref_squeeze %dma_wait3A_733 : memref<1x200x64xf32, #tpu.memory_space<hbm>> -> memref<200x64xf32, #tpu.memory_space<hbm>>
    %dma_wait3A_735 = arith.constant 0 : i32
    %dma_wait3A_736 = arith.constant 0 : i32
    %dma_wait3A_737 = tpu.memref_slice %arg5[%dma_wait3A_726, %dma_wait3A_735, %dma_wait3A_736] : memref<4096x200x64xf32, #tpu.memory_space<hbm>> -> memref<1x200x64xf32, #tpu.memory_space<hbm>>
    %dma_wait3A_738 = tpu.memref_squeeze %dma_wait3A_737 : memref<1x200x64xf32, #tpu.memory_space<hbm>> -> memref<200x64xf32, #tpu.memory_space<hbm>>
    %dma_wait3A_739 = arith.constant 0 : i32
    %dma_wait3A_740 = arith.constant 0 : i32
    %dma_wait3A_741 = tpu.memref_slice %arg7[%dma_wait3A_725, %dma_wait3A_739, %dma_wait3A_740] : memref<4x200x64xf32, #tpu.memory_space<vmem>> -> memref<1x200x64xf32, #tpu.memory_space<vmem>>
    %dma_wait3A_742 = tpu.memref_squeeze %dma_wait3A_741 : memref<1x200x64xf32, #tpu.memory_space<vmem>> -> memref<200x64xf32, #tpu.memory_space<vmem>>
    tpu.wait_dma2 semaphore(%arg13 : memref<!tpu.dma_semaphore, #tpu.memory_space<semaphore_mem>>) src(%dma_wait3A_742 : memref<200x64xf32, #tpu.memory_space<vmem>>) dst(%dma_wait3A_738 : memref<200x64xf32, #tpu.memory_space<hbm>>)
    %dma_wait3A_743 = arith.constant 1 : i32
    %dma_wait3A_744 = arith.constant 0 : i32
    %dma_wait3A_745 = arith.constant 0 : i32
    %dma_wait3A_746 = arith.constant 0 : i32
    %dma_wait3A_747 = tpu.memref_slice %arg7[%dma_wait3A_743, %dma_wait3A_745, %dma_wait3A_746] : memref<4x200x64xf32, #tpu.memory_space<vmem>> -> memref<1x200x64xf32, #tpu.memory_space<vmem>>
    %dma_wait3A_748 = tpu.memref_squeeze %dma_wait3A_747 : memref<1x200x64xf32, #tpu.memory_space<vmem>> -> memref<200x64xf32, #tpu.memory_space<vmem>>
    %dma_wait3A_749 = arith.constant 0 : i32
    %dma_wait3A_750 = arith.constant 0 : i32
    %dma_wait3A_751 = tpu.memref_slice %arg5[%dma_wait3A_744, %dma_wait3A_749, %dma_wait3A_750] : memref<4096x200x64xf32, #tpu.memory_space<hbm>> -> memref<1x200x64xf32, #tpu.memory_space<hbm>>
    %dma_wait3A_752 = tpu.memref_squeeze %dma_wait3A_751 : memref<1x200x64xf32, #tpu.memory_space<hbm>> -> memref<200x64xf32, #tpu.memory_space<hbm>>
    %dma_wait3A_753 = arith.constant 0 : i32
    %dma_wait3A_754 = arith.constant 0 : i32
    %dma_wait3A_755 = tpu.memref_slice %arg5[%dma_wait3A_744, %dma_wait3A_753, %dma_wait3A_754] : memref<4096x200x64xf32, #tpu.memory_space<hbm>> -> memref<1x200x64xf32, #tpu.memory_space<hbm>>
    %dma_wait3A_756 = tpu.memref_squeeze %dma_wait3A_755 : memref<1x200x64xf32, #tpu.memory_space<hbm>> -> memref<200x64xf32, #tpu.memory_space<hbm>>
    %dma_wait3A_757 = arith.constant 0 : i32
    %dma_wait3A_758 = arith.constant 0 : i32
    %dma_wait3A_759 = tpu.memref_slice %arg7[%dma_wait3A_743, %dma_wait3A_757, %dma_wait3A_758] : memref<4x200x64xf32, #tpu.memory_space<vmem>> -> memref<1x200x64xf32, #tpu.memory_space<vmem>>
    %dma_wait3A_760 = tpu.memref_squeeze %dma_wait3A_759 : memref<1x200x64xf32, #tpu.memory_space<vmem>> -> memref<200x64xf32, #tpu.memory_space<vmem>>
    tpu.wait_dma2 semaphore(%arg14 : memref<!tpu.dma_semaphore, #tpu.memory_space<semaphore_mem>>) src(%dma_wait3A_760 : memref<200x64xf32, #tpu.memory_space<vmem>>) dst(%dma_wait3A_756 : memref<200x64xf32, #tpu.memory_space<hbm>>)
    %dma_wait3A_761 = arith.constant 2 : i32
    %dma_wait3A_762 = arith.constant 0 : i32
    %dma_wait3A_763 = arith.constant 0 : i32
    %dma_wait3A_764 = arith.constant 0 : i32
    %dma_wait3A_765 = tpu.memref_slice %arg7[%dma_wait3A_761, %dma_wait3A_763, %dma_wait3A_764] : memref<4x200x64xf32, #tpu.memory_space<vmem>> -> memref<1x200x64xf32, #tpu.memory_space<vmem>>
    %dma_wait3A_766 = tpu.memref_squeeze %dma_wait3A_765 : memref<1x200x64xf32, #tpu.memory_space<vmem>> -> memref<200x64xf32, #tpu.memory_space<vmem>>
    %dma_wait3A_767 = arith.constant 0 : i32
    %dma_wait3A_768 = arith.constant 0 : i32
    %dma_wait3A_769 = tpu.memref_slice %arg5[%dma_wait3A_762, %dma_wait3A_767, %dma_wait3A_768] : memref<4096x200x64xf32, #tpu.memory_space<hbm>> -> memref<1x200x64xf32, #tpu.memory_space<hbm>>
    %dma_wait3A_770 = tpu.memref_squeeze %dma_wait3A_769 : memref<1x200x64xf32, #tpu.memory_space<hbm>> -> memref<200x64xf32, #tpu.memory_space<hbm>>
    %dma_wait3A_771 = arith.constant 0 : i32
    %dma_wait3A_772 = arith.constant 0 : i32
    %dma_wait3A_773 = tpu.memref_slice %arg5[%dma_wait3A_762, %dma_wait3A_771, %dma_wait3A_772] : memref<4096x200x64xf32, #tpu.memory_space<hbm>> -> memref<1x200x64xf32, #tpu.memory_space<hbm>>
    %dma_wait3A_774 = tpu.memref_squeeze %dma_wait3A_773 : memref<1x200x64xf32, #tpu.memory_space<hbm>> -> memref<200x64xf32, #tpu.memory_space<hbm>>
    %dma_wait3A_775 = arith.constant 0 : i32
    %dma_wait3A_776 = arith.constant 0 : i32
    %dma_wait3A_777 = tpu.memref_slice %arg7[%dma_wait3A_761, %dma_wait3A_775, %dma_wait3A_776] : memref<4x200x64xf32, #tpu.memory_space<vmem>> -> memref<1x200x64xf32, #tpu.memory_space<vmem>>
    %dma_wait3A_778 = tpu.memref_squeeze %dma_wait3A_777 : memref<1x200x64xf32, #tpu.memory_space<vmem>> -> memref<200x64xf32, #tpu.memory_space<vmem>>
    tpu.wait_dma2 semaphore(%arg15 : memref<!tpu.dma_semaphore, #tpu.memory_space<semaphore_mem>>) src(%dma_wait3A_778 : memref<200x64xf32, #tpu.memory_space<vmem>>) dst(%dma_wait3A_774 : memref<200x64xf32, #tpu.memory_space<hbm>>)
    %dma_wait3A_779 = arith.constant 3 : i32
    %dma_wait3A_780 = arith.constant 0 : i32
    %dma_wait3A_781 = arith.constant 0 : i32
    %dma_wait3A_782 = arith.constant 0 : i32
    %dma_wait3A_783 = tpu.memref_slice %arg7[%dma_wait3A_779, %dma_wait3A_781, %dma_wait3A_782] : memref<4x200x64xf32, #tpu.memory_space<vmem>> -> memref<1x200x64xf32, #tpu.memory_space<vmem>>
    %dma_wait3A_784 = tpu.memref_squeeze %dma_wait3A_783 : memref<1x200x64xf32, #tpu.memory_space<vmem>> -> memref<200x64xf32, #tpu.memory_space<vmem>>
    %dma_wait3A_785 = arith.constant 0 : i32
    %dma_wait3A_786 = arith.constant 0 : i32
    %dma_wait3A_787 = tpu.memref_slice %arg5[%dma_wait3A_780, %dma_wait3A_785, %dma_wait3A_786] : memref<4096x200x64xf32, #tpu.memory_space<hbm>> -> memref<1x200x64xf32, #tpu.memory_space<hbm>>
    %dma_wait3A_788 = tpu.memref_squeeze %dma_wait3A_787 : memref<1x200x64xf32, #tpu.memory_space<hbm>> -> memref<200x64xf32, #tpu.memory_space<hbm>>
    %dma_wait3A_789 = arith.constant 0 : i32
    %dma_wait3A_790 = arith.constant 0 : i32
    %dma_wait3A_791 = tpu.memref_slice %arg5[%dma_wait3A_780, %dma_wait3A_789, %dma_wait3A_790] : memref<4096x200x64xf32, #tpu.memory_space<hbm>> -> memref<1x200x64xf32, #tpu.memory_space<hbm>>
    %dma_wait3A_792 = tpu.memref_squeeze %dma_wait3A_791 : memref<1x200x64xf32, #tpu.memory_space<hbm>> -> memref<200x64xf32, #tpu.memory_space<hbm>>
    %dma_wait3A_793 = arith.constant 0 : i32
    %dma_wait3A_794 = arith.constant 0 : i32
    %dma_wait3A_795 = tpu.memref_slice %arg7[%dma_wait3A_779, %dma_wait3A_793, %dma_wait3A_794] : memref<4x200x64xf32, #tpu.memory_space<vmem>> -> memref<1x200x64xf32, #tpu.memory_space<vmem>>
    %dma_wait3A_796 = tpu.memref_squeeze %dma_wait3A_795 : memref<1x200x64xf32, #tpu.memory_space<vmem>> -> memref<200x64xf32, #tpu.memory_space<vmem>>
    tpu.wait_dma2 semaphore(%arg16 : memref<!tpu.dma_semaphore, #tpu.memory_space<semaphore_mem>>) src(%dma_wait3A_796 : memref<200x64xf32, #tpu.memory_space<vmem>>) dst(%dma_wait3A_792 : memref<200x64xf32, #tpu.memory_space<hbm>>)
    return
  }
}

</mosaic_0001>

<sc_bundles>
// kernel: kernel.3.cloned.1.call-start
scs
__scs_entry_jumppad:
0x0: {  	(pc) =	sbr.rel $0x88, $3  }
0x1: {  	(tag) =	ssettag $0x0;
	lr =	simm.s32 $0x1  }
0x2: {  	[smem:$0x3F9F] =	sst lr;
	_ =	strace $0xD0000000  }
0x3: {  	_ = 	snop  }
0x4: {  	_ = 	snop  }
0x5: {  	_ = 	snop  }
0x6: {  	_ = 	snop  }
0x7: {  	_ = 	snop  }
__scs_overlays_trampoline_lowered:
0x8: {  	[smem:$0x3FAE] =	sst s0  }
0x9: {  	[smem:$0x3FAF] =	sst s1  }
0xa: {  	[smem:$0x3FB0] =	sst s2  }
0xb: {  	[smem:$0x3FB1] =	sst s3  }
0xc: {  	[smem:$0x3FB2] =	sst s4  }
0xd: {  	[smem:$0x3FB3] =	sst s5  }
0xe: {  	[smem:$0x3FB4] =	sst s6  }
0xf: {  	[smem:$0x3FB5] =	sst s7  }
0x10: {  	[smem:$0x3FB6] =	sst s8  }
0x11: {  	[smem:$0x3FB7] =	sst s9;
	s0 =	simm.s32 @!p0 $0x0  }
0x12: {  	s1 =	sld [smem:$0x3F9D];
	s0 =	simm.s32 @p0 $0x1  }
0x13: {  	[smem:$0x3FB8] =	sst s0;
	s0 =	simm.s32 @!p1 $0x0  }
0x14: {  	s2 =	sld [smem:$0x3F9C];
	s0 =	simm.s32 @p1 $0x1  }
0x15: {  	[smem:$0x3FB9] =	sst s0;
	s0 =	simm.s32 @!p2 $0x0  }
0x16: {  	s3 =	sld [smem:$0x3FDB];
	s0 =	simm.s32 @p2 $0x1  }
0x17: {  	s4 =	simm.s32 $0x1BF5;
	[smem:$0x3FBB] =	sst s0  }
0x18: {  	s0 =	sld [smem:$0x3F9E];
	_ =	swait.ge [sflag:s4], $0x0  }
0x19: {  	s7 =	sld [smem:$0x3F9F]  }
0x1a: {  	s8 =	sadd.s32 $0xFFFFE003, lr  }
0x1b: {  	s9 =	sadd.s32 $0xFFFFFEF7, lr;
	s5 =	simm.s32 $0xFFFFFFFF;
	p2 =	slt.u32 s8, $0xFFFFF086  }
0x1c: {  	p1 =	slt.u32 s9, $0xF7A;
	s5 =	simm.s32 @!p2 $0x0  }
0x1d: {  	s5 =	simm.s32 @p1 $0x1;
	p0 =	seq.s32 s7, s2  }
0x1e: {  	s7 =	smul.u32 @!p0 $0xF7A, s2;
	p2 =	seq.s32 @!p0 s5, $0x0  }
0x1f: {  	s9 =	smul.u32 $0xF7A, s1;
	s8 =	simm.s32 @!p0 $0x1BF5;
	p2 =	por !p2, p0  }
0x20: {  	[sflag:s8] =	ssyncset.s32 @!p0 $0xFFFFF086;
	s6 =	sadd.s32 @!p0 s3, s7;
	s7 =	simm.s32 @!p0 $0x108  }
0x21: {  	s3 =	sadd.s32 s3, s9;
	s6 =	sadd.s32 @!p0 $0x88, s6;
	s7 =	simm.s32 @p2 $0x1082  }
0x22: {  	[simem:s7], [sflag:s8] =	dma.local @!p0 [hbm:s6], $0xF7A  }
0x23: {  	s9 =	sor.u32 $0xD0000000, s2;
	s6 =	simm.s32 $0x108;
	_ =	swait.ge @!p0 [sflag:s8], $0x0  }
0x24: {  	s3 =	sadd.s32 $0x88, s3;
	s6 =	simm.s32 @!p1 $0x1082;
	[sflag:s4] =	ssyncset.s32 $0xFFFFF086  }
0x25: {  	[simem:s6], [sflag:s4] =	dma.local [hbm:s3], $0xF7A  }
0x26: {  	[smem:$0x3F9F] =	sst s1;
	(tag) =	ssettag s2;
	_ =	strace s9  }
0x27: {  	s1 =	sld [smem:$0x3FAF]  }
0x28: {  	s2 =	sld [smem:$0x3FB0]  }
0x29: {  	s4 =	sld [smem:$0x3FB2]  }
0x2a: {  	p0 =	seq.s32 s5, $0x0;
	s5 =	sld [smem:$0x3FB3]  }
0x2b: {  	s6 =	sld [smem:$0x3FB4]  }
0x2c: {  	s7 =	sld [smem:$0x3FB5]  }
0x2d: {  	s3 =	simm.s32 $0x108;
	s8 =	sld [smem:$0x3FB6]  }
0x2e: {  	s3 =	simm.s32 @!p0 $0x1082;
	s9 =	sld [smem:$0x3FB7]  }
0x2f: {  	lr =	sadd.s32 s0, s3;
	s0 =	sld [smem:$0x3FAE]  }
0x30: {  	s3 =	sld [smem:$0x3FB1]  }
0x31: {  	[smem:$0x3FBA] =	sst s10  }
0x32: {  	s10 =	sld [smem:$0x3FB8];
	_ =	sdelay $0x3  }
0x33: {  	p0 =	seq.s32 s10, $0x1;
	s10 =	sld [smem:$0x3FBA];
	_ =	sdelay $0x3  }
0x34: {  	[smem:$0x3FBA] =	sst s10  }
0x35: {  	s10 =	sld [smem:$0x3FB9];
	_ =	sdelay $0x3  }
0x36: {  	p1 =	seq.s32 s10, $0x1;
	s10 =	sld [smem:$0x3FBA];
	_ =	sdelay $0x3  }
0x37: {  	[smem:$0x3FBA] =	sst s10  }
0x38: {  	s10 =	sld [smem:$0x3FBB]  }
0x39: {  	_ = 	snop;
	(pc) =	sbr.ind lr, $3  }
0x3a: {  	_ = 	snop  }
0x3b: {  	_ = 	snop  }
0x3c: {  	p2 =	seq.s32 s10, $0x1;
	s10 =	sld [smem:$0x3FBA]  }
0x3d: {  	_ =	shalt  }
0x3e: {  	_ =	shalt  }
0x3f: {  	_ =	shalt  }
0x40: {  	_ =	shalt  }
0x41: {  	_ =	shalt  }
0x42: {  	_ =	shalt  }
0x43: {  	_ =	shalt  }
0x44: {  	_ =	shalt  }
0x45: {  	_ =	shalt  }
0x46: {  	_ =	shalt  }
0x47: {  	_ =	shalt  }
0x48: {  	_ =	shalt  }
0x49: {  	_ =	shalt  }
0x4a: {  	_ =	shalt  }
0x4b: {  	_ =	shalt  }
0x4c: {  	_ =	shalt  }
0x4d: {  	_ =	shalt  }
0x4e: {  	_ =	shalt  }
0x4f: {  	_ =	shalt  }
0x50: {  	_ =	shalt  }
0x51: {  	_ =	shalt  }
0x52: {  	_ =	shalt  }
0x53: {  	_ =	shalt  }
0x54: {  	_ =	shalt  }
0x55: {  	_ =	shalt  }
0x56: {  	_ =	shalt  }
0x57: {  	_ =	shalt  }
0x58: {  	_ =	shalt  }
0x59: {  	_ =	shalt  }
0x5a: {  	_ =	shalt  }
0x5b: {  	_ =	shalt  }
0x5c: {  	_ =	shalt  }
0x5d: {  	_ =	shalt  }
0x5e: {  	_ =	shalt  }
0x5f: {  	_ =	shalt  }
0x60: {  	_ =	shalt  }
0x61: {  	_ =	shalt  }
0x62: {  	_ =	shalt  }
0x63: {  	_ =	shalt  }
0x64: {  	_ =	shalt  }
0x65: {  	_ =	shalt  }
0x66: {  	_ =	shalt  }
0x67: {  	_ =	shalt  }
0x68: {  	_ =	shalt  }
0x69: {  	_ =	shalt  }
0x6a: {  	_ =	shalt  }
0x6b: {  	_ =	shalt  }
0x6c: {  	_ =	shalt  }
0x6d: {  	_ =	shalt  }
0x6e: {  	_ =	shalt  }
0x6f: {  	_ =	shalt  }
0x70: {  	_ =	shalt  }
0x71: {  	_ =	shalt  }
0x72: {  	_ =	shalt  }
0x73: {  	_ =	shalt  }
0x74: {  	_ =	shalt  }
0x75: {  	_ =	shalt  }
0x76: {  	_ =	shalt  }
0x77: {  	_ =	shalt  }
0x78: {  	_ =	shalt  }
0x79: {  	_ =	shalt  }
0x7a: {  	_ =	shalt  }
0x7b: {  	_ =	shalt  }
0x7c: {  	_ =	shalt  }
0x7d: {  	_ =	shalt  }
0x7e: {  	_ =	shalt  }
0x7f: {  	_ =	shalt  }
0x80: {  	_ =	shalt  }
0x81: {  	_ =	shalt  }
0x82: {  	_ =	shalt  }
0x83: {  	_ =	shalt  }
0x84: {  	_ =	shalt  }
0x85: {  	_ =	shalt  }
0x86: {  	_ =	shalt  }
0x87: {  	_ =	shalt  }
.Lfunc_end0:
.L_simem_size_0:
called_computation.1_lowered:
.L_overlay_start_0:
0x88: {  	s2 =	sld [smem:$0x3FD9]  }
0x89: {  	s3 =	sld [smem:$0x3FFE];
	_ =	sdelay $0x1  }
0x8a: {  	s1 =	srdreg.scid  }
0x8b: {  	s0 =	sand.u32 $0x1, s1  }
0x8c: {  	s17 =	sshll.u32 s0, $0xA;
	s2 =	sadd.s32 s3, s2  }
0x8d: {  	s2 =	sadd.s32 s2, s17  }
0x8e: {  	[smem:$0x3FC6] =	sst s2  }
0x8f: {  	_ = 	snop  }
0x90: {  	s2 =	sld [smem:$0x3FD0];
	(tm) =	ssettm $0x1  }
0x91: {  	s18 =	sld [smem:$0x3FFB];
	_ =	sdelay $0x3  }
0x92: {  	_ =	strace s18  }
0x93: {  	s3 =	sld [smem:$0x3FFC];
	_ =	sdelay $0x3  }
0x94: {  	_ =	strace s3  }
0x95: {  	s3 =	sld [smem:$0x3FFD];
	_ =	sdelay $0x3  }
0x96: {  	_ =	strace s3  }
0x97: {  	_ =	strace $0x8FFFFFFF  }
0x98: {  	s19 =	sld [smem:$0x3FDB];
	_ =	sdelay $0x1  }
0x99: {  	s4 =	simm.s32 $_scs_section_size  }
0x9a: {  	s5 =	simm.s32 $_size__tile_overlayer_lowered;
	s6 =	simm.s32 $_tile_overlayer_lowered  }
0x9b: {  	s22 =	simm.s32 $0x1BFF;
	s21 =	sshll.u32 s6, $0x1;
	s3 =	sadd.s32 s4, s19  }
0x9c: {  	s7 =	simm.s32 $0x0;
	s20 =	sshll.u32 s5, $0x1;
	s5 =	sadd.s32 s21, s3  }
0x9d: {  	[timem:s7], [sflag:s22] =	dma.local [hbm:s5], s20  }
0x9e: {  	_ =	swait.ge [sflag:s22], s20  }
0x9f: {  	s4 =	ssub.s32 $0x0, s20;
	[sflag:s22] =	ssyncset.done $0x0  }
0xa0: {  	[sflag:s22] =	ssyncadd.s32 s4;
	_ =	sdelay $0x1  }
0xa1: {  	s23 =	simm.s32 $0x1B8B  }
0xa2: {  	_ =	swait.ge [sflag:s23], $0x1  }
0xa3: {  	[sflag:s23] =	ssyncset.done $0x0  }
0xa4: {  	s25 =	simm.s32 $0x1B8E;
	s24 =	sld [smem:$0x3FFE];
	[sflag:s23] =	ssyncadd.s32 $0xFFFFFFFF  }
0xa5: {  	s26 =	simm.s32 $execute0_lowered;
	[smem:$0x3FD2] =	sst s25  }
0xa6: {  	s5 =	sshll.u32 s26, $0x1;
	_ =	strace $0x80000046;
	[dreg:$0x1] =	wrdreg $0xFFFFFFFF  }
0xa7: {  	s28 =	simm.s32 $_size_execute0_lowered;
	s3 =	sadd.s32 s3, s5;
	[dreg:$0x0] =	wrdreg $0x0  }
0xa8: {  	s5 =	sshll.u32 s28, $0x1;
	[dreg:$0x2] =	wrdreg s3  }
0xa9: {  	[dreg:$0x3] =	wrdreg s5  }
0xaa: {  	[dreg:$0x4] =	wrdreg $0xC0  }
0xab: {  	_ =	task [dreg:s7], $0x5FFFF  }
0xac: {  	[dreg:$0x1] =	wrdreg $0xFFFFFFFF  }
0xad: {  	[dreg:$0x0] =	wrdreg $0x60  }
0xae: {  	[dreg:$0x2] =	wrdreg s24  }
0xaf: {  	[dreg:$0x3] =	wrdreg s2  }
0xb0: {  	[dreg:$0x4] =	wrdreg $0x9  }
0xb1: {  	_ =	task.clear_ibuf [dreg:s7], $0x5FFFF;
	_ =	strace $0x90000046  }
0xb2: {  	s29 =	simm.s32 $0x9;
	_ =	strace $0x80000048  }
0xb3: {  	_ =	swait.ge [sflag:s29], $0x1  }
0xb4: {  	[sflag:s29] =	ssyncadd.s32 $0xFFFFFFFF  }
0xb5: {  	_ =	strace $0x90000048  }
0xb6: {  	_ =	sfence  }
0xb7: {  	s30 =	sld [smem:$0x0];
	_ =	sdelay $0x2  }
0xb8: {  	s31 =	sshll.u32 s1, $0xD;
	s1 =	sshrl.u32 s1, $0x2  }
0xb9: {  	s3 =	sand.u32 $0x4000, s31;
	s1 =	sadd.s32 s1, s30  }
0xba: {  	s0 =	sor.u32 s3, s0;
	s1 =	sshll.u32 s1, $0x11  }
0xbb: {  	s0 =	sor.u32 s1, s0  }
0xbc: {  	s0 =	sadd.s32 $0x8F2B, s0  }
0xbd: {  	[sflag:s0] =	ssyncadd.remote.s32 $0x1  }
0xbe: {  	_ =	sfence.sel $0xFFFF  }
0xbf: {  	[dreg:$0x0] =	wrdreg $0xFFFFFFFF;
	(pc) =	sbr.abs _section_cstart, $3  }
0xc0: {  	[dreg:$0x1] =	wrdreg $0xFFFFFFFF  }
0xc1: {  	_ =	task.clear_ibuf [dreg:s7], $0x2FFFF;
	_ =	strace $0x9FFFFFFF  }
0xc2: {  	(tm) =	ssettm $0x7FFFFFFF  }
0xc3: {  	_ =	shalt  }
tec
execute0_lowered:
.L_overlay_start_1:
0x0: {  	(tag) =	ssettag $0x1  }
0x1: {  	s0 =	srdreg.scid;
	s1 =	rddreg [dreg:$0x0]  }
0x2: {  	s3 =	stileid.u32;
	s2 =	rddreg [dreg:$0x1];
	s29 =	simm.s32 $0x9  }
0x3: {  	s30 =	simm.s32 $0x64;
	s31 =	simm.s32 $0x340;
	s0 =	sand.u32 $0x1, s0  }
0x4: {  	s4 =	sshll.u32 s3, $0x8;
	s3 =	simm.s32 $0x0;
	s5 =	sshll.u32 s0, $0x7  }
0x5: {  	s28 =	simm.s32 $0xD0;
	[smem:$0x7FF] =	sst s3;
	s4 =	sor.u32 s5, s4  }
0x6: {  	s6 =	sadd.s32 $0xA00, s1;
	_ =	strace $0x80000047;
	s7 =	smul.u32 $0x1A, s4  }
0x7: {  	s0 =	ssub.s32 $0x2, s0;
	s5 =	sadd.s32 $0xF42E00, s1;
	s10 =	smul.u32 $0x640, s4  }
0x8: {  	s13 =	sshrl.u32 s0, $0x1;
	s8 =	sor.u32 $0x1, s4;
	s16 =	smul.u32 $0x3200, s4  }
0x9: {  	s1 =	sadd.s32 $0x1AA00, s1;
	s11 =	sor.u32 $0x2, s4;
	s9 =	smul.u32 $0x1A, s8  }
0xa: {  	s14 =	sor.u32 $0x3, s4;
	[dreg:$0x3] =	wrdreg s1;
	s12 =	smul.u32 $0x1A, s11  }
0xb: {  	s0 =	ssub.s32 s0, s13;
	s17 =	sor.u32 $0x7E, s4;
	s8 =	smul.u32 $0x640, s8  }
0xc: {  	s20 =	sor.u32 $0x7F, s4;
	s18 =	sor.u32 $0x4, s4;
	s23 =	smul.u32 $0x1A, s14  }
0xd: {  	s13 =	simm.s32 $0x6740;
	s26 =	smul.u32 $0x640, s11;
	s0 =	smax.u32 s0, $0x1  }
0xe: {  	s14 =	smul.u32 $0x640, s14;
	s10 =	sadd.s32 s2, s10;
	[dreg:$0x14] =	wrdreg s0  }
0xf: {  	s19 =	smul.u32 $0x1A, s17;
	s24 =	sadd.s32 s6, s7;
	[dreg:$0x6] =	wrdreg s10  }
0x10: {  	s22 =	smul.u32 $0x1A, s20;
	s25 =	sadd.s32 s6, s9;
	[dreg:$0x4] =	wrdreg s24  }
0x11: {  	s7 =	sshrl.u32 s16, $0x3;
	s11 =	sadd.s32 s6, s12;
	[dreg:$0x5] =	wrdreg s25  }
0x12: {  	s16 =	simm.s32 $0x2;
	s8 =	sadd.s32 s2, s8;
	[dreg:$0x7] =	wrdreg s11  }
0x13: {  	s1 =	sadd.s32 s6, s23;
	s12 =	sadd.s32 s2, s26;
	[dreg:$0x8] =	wrdreg s8  }
0x14: {  	s15 =	sadd.s32 $0x68, s24;
	s21 =	sadd.s32 $0x82, s24;
	[dreg:$0x9] =	wrdreg s1  }
0x15: {  	s7 =	sadd.s32 s2, s7;
	s24 =	smul.u32 $0x640, s20;
	[dreg:$0xa] =	wrdreg s12  }
0x16: {  	s9 =	simm.s32 $0x0;
	[dreg:$0xb] =	wrdreg s15;
	s1 =	sadd.s32 s2, s14  }
0x17: {  	[dreg:$0xd] =	wrdreg s21;
	s8 =	smul.u32 $0x640, s17;
	s23 =	sadd.s32 $0x30700, s7  }
0x18: {  	s7 =	sadd.s32 $0x30D40, s7;
	s25 =	sadd.s32 s6, s22;
	[dreg:$0xc] =	wrdreg s1  }
0x19: {  	s11 =	simm.s32 $0x1;
	s12 =	simm.s32 $0x1A0;
	[dreg:$0xe] =	wrdreg s23  }
0x1a: {  	s17 =	simm.s32 $0x270;
	s22 =	simm.s32 $0x3;
	[dreg:$0x10] =	wrdreg s7  }
0x1b: {  	s1 =	sadd.s32 s6, s19;
	[dreg:$0x11] =	wrdreg s25;
	s7 =	simm.s32 $0x3540  }
0x1c: {  	s19 =	simm.s32 $0x9940;
	s23 =	simm.s32 $0x5;
	s25 =	simm.s32 $0x6  }
0x1d: {  	[dreg:$0xf] =	wrdreg s1;
	s26 =	sadd.s32 s2, s8;
	s1 =	sadd.s32 s2, s24  }
0x1e: {  	s24 =	simm.s32 $0x4;
	s8 =	simm.s32 $0x7;
	[dreg:$0x12] =	wrdreg s26  }
0x1f: {  	[dreg:$0x13] =	wrdreg s1;
	s26 =	sor.u32 $0x5, s4;
	s1 =	simm.s32 $0x8  }
.LBB2_1:
0x20: {  	[dreg:$0x15] =	wrdreg s9  }
0x21: {  	s0 =	rddreg [dreg:$0x3];
	s21 =	simm.s32 $0xCB40  }
0x22: {  	[tilespmem:s21], [sflag:$0x9] =	stream.linear.gather [hbm4b:s0+s3], $0x3200, $0x38;
	[tilespmem:$0xFD40] =	vst v63  }
0x23: {  	_ =	swait.ge [sflag:s29], $0x3200  }
0x24: {  	[sflag:s29] =	ssyncset.done $0x0  }
0x25: {  	s9 =	rddreg [dreg:$0x4];
	[sflag:s29] =	ssyncadd.s32 $0xFFFFCE00  }
0x26: {  	[tilespmem:s3], [sflag:$0x9] =	stream.linear.gather [hbm4b:s9+s3], $0xD0, $0x38;
	[tilespmem:$0xFD40] =	vst v63  }
0x27: {  	_ =	swait.ge [sflag:s29], $0xD0  }
0x28: {  	[sflag:s29] =	ssyncset.done $0x0  }
0x29: {  	[sflag:s29] =	ssyncadd.s32 $0xFFFFFF30  }
0x2a: {  	[tilespmem:s31], [sflag:$0x1] =	stream.indirect.gather [hbm4b:s5+s30], $0x40, s3, s30, $0xb8;
	[tilespmem:$0xFD40] =	vst v63  }
0x2b: {  	s10 =	simm.s32 $0x68;
	s14 =	simm.s32 $0x1C40  }
0x2c: {  	[tilespmem:s14], [sflag:$0x1] =	stream.indirect.gather [hbm4b:s5+s30], $0x40, s10, s30, $0xb8;
	[tilespmem:$0xFD40] =	vst v63  }
0x2d: {  	s15 =	rddreg [dreg:$0x5]  }
0x2e: {  	[tilespmem:s28], [sflag:$0x9] =	stream.linear.gather [hbm4b:s15+s3], $0xD0, $0x38;
	[tilespmem:$0xFD40] =	vst v63  }
0x2f: {  	_ =	swait.ge [sflag:s29], $0xD0  }
0x30: {  	[sflag:s29] =	ssyncset.done $0x0  }
0x31: {  	[sflag:s29] =	ssyncadd.s32 $0xFFFFFF30  }
0x32: {  	[tilespmem:s7], [sflag:$0x2] =	stream.indirect.gather [hbm4b:s5+s30], $0x40, s28, s30, $0xb8;
	[tilespmem:$0xFD40] =	vst v63  }
0x33: {  	s20 =	simm.s32 $0x138;
	s21 =	simm.s32 $0x4E40  }
0x34: {  	[tilespmem:s21], [sflag:$0x2] =	stream.indirect.gather [hbm4b:s5+s30], $0x40, s20, s30, $0xb8;
	[tilespmem:$0xFD40] =	vst v63  }
0x35: {  	_ =	swait.ge [sflag:s11], $0x1900  }
0x36: {  	[sflag:s11] =	ssyncset.done $0x0  }
0x37: {  	[sflag:s11] =	ssyncadd.s32 $0xFFFFE700  }
0x38: {  	_ =	swait.ge [sflag:s11], $0x1900  }
0x39: {  	[sflag:s11] =	ssyncset.done $0x0  }
0x3a: {  	s0 =	simm.s32 $0x0;
	[sflag:s11] =	ssyncadd.s32 $0xFFFFE700  }
0x3b: {  	v0 =	vld [tilespmem:s0+$0xCC30]  }
0x3c: {  	v1 =	vld [tilespmem:s0+$0xCB40]  }
0x3d: {  	v2 =	vld [tilespmem:s0+$0xCB50]  }
0x3e: {  	v3 =	vld [tilespmem:s0+$0xCB60]  }
0x3f: {  	v4 =	vld [tilespmem:s0+$0xCB70]  }
0x40: {  	v5 =	vld [tilespmem:s0+$0xCB80]  }
0x41: {  	v6 =	vld [tilespmem:s0+$0xCB90]  }
0x42: {  	v7 =	vld [tilespmem:s0+$0xCBA0]  }
0x43: {  	v8 =	vld [tilespmem:s0+$0xCBB0]  }
0x44: {  	v9 =	vld [tilespmem:s0+$0xCBC0]  }
0x45: {  	v10 =	vld [tilespmem:s0+$0xCBD0]  }
0x46: {  	v11 =	vld [tilespmem:s0+$0xCBE0]  }
0x47: {  	v12 =	vld [tilespmem:s0+$0xCBF0]  }
0x48: {  	v13 =	vld [tilespmem:s0+$0xCC00]  }
0x49: {  	v14 =	vld [tilespmem:s0+$0xCC10]  }
0x4a: {  	[tilespmem:s0+$0x430] =	vst.add.f32.msk $0xffff, v0  }
0x4b: {  	v0 =	vld [tilespmem:s0+$0xCC20]  }
0x4c: {  	[tilespmem:s0+$0x340] =	vst.add.f32.msk $0xffff, v1  }
0x4d: {  	[tilespmem:s0+$0x350] =	vst.add.f32.msk $0xffff, v2  }
0x4e: {  	[tilespmem:s0+$0x360] =	vst.add.f32.msk $0xffff, v3  }
0x4f: {  	[tilespmem:s0+$0x370] =	vst.add.f32.msk $0xffff, v4  }
0x50: {  	[tilespmem:s0+$0x380] =	vst.add.f32.msk $0xffff, v5  }
0x51: {  	[tilespmem:s0+$0x390] =	vst.add.f32.msk $0xffff, v6  }
0x52: {  	[tilespmem:s0+$0x3A0] =	vst.add.f32.msk $0xffff, v7  }
0x53: {  	[tilespmem:s0+$0x3B0] =	vst.add.f32.msk $0xffff, v8  }
0x54: {  	[tilespmem:s0+$0x3C0] =	vst.add.f32.msk $0xffff, v9  }
0x55: {  	[tilespmem:s0+$0x3D0] =	vst.add.f32.msk $0xffff, v10  }
0x56: {  	[tilespmem:s0+$0x3E0] =	vst.add.f32.msk $0xffff, v11  }
0x57: {  	[tilespmem:s0+$0x3F0] =	vst.add.f32.msk $0xffff, v12  }
0x58: {  	[tilespmem:s0+$0x400] =	vst.add.f32.msk $0xffff, v13  }
0x59: {  	s9 =	simm.s32 $0x0;
	s10 =	simm.s32 $0x400;
	[tilespmem:s0+$0x410] =	vst.add.f32.msk $0xffff, v14  }
.LBB2_2:
0x5a: {  	s9 =	sadd.s32 $0x4, s9;
	[tilespmem:s0+$0x420] =	vst.add.f32.msk $0xffff, v0;
	s0 =	sshra.s32 s10, $0x2  }
0x5b: {  	v0 =	vld [tilespmem:s0+$0xCC30];
	p0 =	slt.u32 s9, $0xC4  }
0x5c: {  	v1 =	vld [tilespmem:s0+$0xCB40]  }
0x5d: {  	v2 =	vld [tilespmem:s0+$0xCB50]  }
0x5e: {  	v3 =	vld [tilespmem:s0+$0xCB60]  }
0x5f: {  	v4 =	vld [tilespmem:s0+$0xCB70]  }
0x60: {  	[tilespmem:s0+$0x430] =	vst.add.f32.msk $0xffff, v0  }
0x61: {  	v5 =	vld [tilespmem:s0+$0xCB80]  }
0x62: {  	v6 =	vld [tilespmem:s0+$0xCB90]  }
0x63: {  	v7 =	vld [tilespmem:s0+$0xCBA0]  }
0x64: {  	v8 =	vld [tilespmem:s0+$0xCBB0]  }
0x65: {  	v9 =	vld [tilespmem:s0+$0xCBC0]  }
0x66: {  	v10 =	vld [tilespmem:s0+$0xCBD0]  }
0x67: {  	v11 =	vld [tilespmem:s0+$0xCBE0]  }
0x68: {  	v12 =	vld [tilespmem:s0+$0xCBF0]  }
0x69: {  	v13 =	vld [tilespmem:s0+$0xCC00]  }
0x6a: {  	v14 =	vld [tilespmem:s0+$0xCC10]  }
0x6b: {  	v0 =	vld [tilespmem:s0+$0xCC20]  }
0x6c: {  	[tilespmem:s0+$0x340] =	vst.add.f32.msk $0xffff, v1  }
0x6d: {  	[tilespmem:s0+$0x350] =	vst.add.f32.msk $0xffff, v2  }
0x6e: {  	[tilespmem:s0+$0x360] =	vst.add.f32.msk $0xffff, v3  }
0x6f: {  	[tilespmem:s0+$0x370] =	vst.add.f32.msk $0xffff, v4  }
0x70: {  	[tilespmem:s0+$0x380] =	vst.add.f32.msk $0xffff, v5  }
0x71: {  	[tilespmem:s0+$0x390] =	vst.add.f32.msk $0xffff, v6  }
0x72: {  	[tilespmem:s0+$0x3A0] =	vst.add.f32.msk $0xffff, v7  }
0x73: {  	[tilespmem:s0+$0x3B0] =	vst.add.f32.msk $0xffff, v8  }
0x74: {  	[tilespmem:s0+$0x3C0] =	vst.add.f32.msk $0xffff, v9  }
.Ltmp0:
0x75: {  	[tilespmem:s0+$0x3D0] =	vst.add.f32.msk $0xffff, v10;
	(pc) =	sbr.rel @p0 .LBB2_2-.Ltmp0, $4  }
0x76: {  	[tilespmem:s0+$0x3E0] =	vst.add.f32.msk $0xffff, v11  }
0x77: {  	[tilespmem:s0+$0x3F0] =	vst.add.f32.msk $0xffff, v12  }
0x78: {  	[tilespmem:s0+$0x400] =	vst.add.f32.msk $0xffff, v13  }
0x79: {  	s10 =	sadd.s32 $0x400, s10;
	[tilespmem:s0+$0x410] =	vst.add.f32.msk $0xffff, v14  }
0x7a: {  	[tilespmem:s0+$0x420] =	vst.add.f32.msk $0xffff, v0  }
0x7b: {  	s14 =	simm.s32 $0x0;
	s9 =	rddreg [dreg:$0x6]  }
0x7c: {  	[hbm4b:s9+s14] =	stream.linear.scatter [tilespmem:s31], [sflag:$0x5], $0x3200, $0x38;
	[tilespmem:$0xFD40] =	vst v63  }
0x7d: {  	s15 =	rddreg [dreg:$0x7]  }
0x7e: {  	[tilespmem:s12], [sflag:$0x9] =	stream.linear.gather [hbm4b:s15+s14], $0xD0, $0x38;
	[tilespmem:$0xFD40] =	vst v63  }
0x7f: {  	_ =	swait.ge [sflag:s29], $0xD0  }
0x80: {  	[sflag:s29] =	ssyncset.done $0x0  }
0x81: {  	[sflag:s29] =	ssyncadd.s32 $0xFFFFFF30  }
0x82: {  	[tilespmem:s13], [sflag:$0x3] =	stream.indirect.gather [hbm4b:s5+s30], $0x40, s12, s30, $0xb8;
	[tilespmem:$0xFD40] =	vst v63  }
0x83: {  	s20 =	simm.s32 $0x208;
	s21 =	simm.s32 $0x8040  }
0x84: {  	[tilespmem:s21], [sflag:$0x3] =	stream.indirect.gather [hbm4b:s5+s30], $0x40, s20, s30, $0xb8;
	[tilespmem:$0xFD40] =	vst v63  }
0x85: {  	_ =	swait.ge [sflag:s16], $0x1900  }
0x86: {  	[sflag:s16] =	ssyncset.done $0x0  }
0x87: {  	[sflag:s16] =	ssyncadd.s32 $0xFFFFE700  }
0x88: {  	_ =	swait.ge [sflag:s16], $0x1900  }
0x89: {  	[sflag:s16] =	ssyncset.done $0x0  }
0x8a: {  	s0 =	simm.s32 $0x0;
	[sflag:s16] =	ssyncadd.s32 $0xFFFFE700  }
0x8b: {  	v0 =	vld [tilespmem:s0+$0xCC30]  }
0x8c: {  	v1 =	vld [tilespmem:s0+$0xCB40]  }
0x8d: {  	v2 =	vld [tilespmem:s0+$0xCB50]  }
0x8e: {  	v3 =	vld [tilespmem:s0+$0xCB60]  }
0x8f: {  	v4 =	vld [tilespmem:s0+$0xCB70]  }
0x90: {  	v5 =	vld [tilespmem:s0+$0xCB80]  }
0x91: {  	v6 =	vld [tilespmem:s0+$0xCB90]  }
0x92: {  	v7 =	vld [tilespmem:s0+$0xCBA0]  }
0x93: {  	v8 =	vld [tilespmem:s0+$0xCBB0]  }
0x94: {  	v9 =	vld [tilespmem:s0+$0xCBC0]  }
0x95: {  	v10 =	vld [tilespmem:s0+$0xCBD0]  }
0x96: {  	v11 =	vld [tilespmem:s0+$0xCBE0]  }
0x97: {  	v12 =	vld [tilespmem:s0+$0xCBF0]  }
0x98: {  	v13 =	vld [tilespmem:s0+$0xCC00]  }
0x99: {  	v14 =	vld [tilespmem:s0+$0xCC10]  }
0x9a: {  	[tilespmem:s0+$0x3630] =	vst.add.f32.msk $0xffff, v0  }
0x9b: {  	v0 =	vld [tilespmem:s0+$0xCC20]  }
0x9c: {  	[tilespmem:s0+$0x3540] =	vst.add.f32.msk $0xffff, v1  }
0x9d: {  	[tilespmem:s0+$0x3550] =	vst.add.f32.msk $0xffff, v2  }
0x9e: {  	[tilespmem:s0+$0x3560] =	vst.add.f32.msk $0xffff, v3  }
0x9f: {  	[tilespmem:s0+$0x3570] =	vst.add.f32.msk $0xffff, v4  }
0xa0: {  	[tilespmem:s0+$0x3580] =	vst.add.f32.msk $0xffff, v5  }
0xa1: {  	[tilespmem:s0+$0x3590] =	vst.add.f32.msk $0xffff, v6  }
0xa2: {  	[tilespmem:s0+$0x35A0] =	vst.add.f32.msk $0xffff, v7  }
0xa3: {  	[tilespmem:s0+$0x35B0] =	vst.add.f32.msk $0xffff, v8  }
0xa4: {  	[tilespmem:s0+$0x35C0] =	vst.add.f32.msk $0xffff, v9  }
0xa5: {  	[tilespmem:s0+$0x35D0] =	vst.add.f32.msk $0xffff, v10  }
0xa6: {  	[tilespmem:s0+$0x35E0] =	vst.add.f32.msk $0xffff, v11  }
0xa7: {  	[tilespmem:s0+$0x35F0] =	vst.add.f32.msk $0xffff, v12  }
0xa8: {  	[tilespmem:s0+$0x3600] =	vst.add.f32.msk $0xffff, v13  }
0xa9: {  	s10 =	simm.s32 $0x400;
	s9 =	simm.s32 $0x0;
	[tilespmem:s0+$0x3610] =	vst.add.f32.msk $0xffff, v14  }
.LBB2_4:
0xaa: {  	s9 =	sadd.s32 $0x4, s9;
	[tilespmem:s0+$0x3620] =	vst.add.f32.msk $0xffff, v0;
	s0 =	sshra.s32 s10, $0x2  }
0xab: {  	v0 =	vld [tilespmem:s0+$0xCC30];
	p0 =	slt.u32 s9, $0xC4  }
0xac: {  	v1 =	vld [tilespmem:s0+$0xCB40]  }
0xad: {  	v2 =	vld [tilespmem:s0+$0xCB50]  }
0xae: {  	v3 =	vld [tilespmem:s0+$0xCB60]  }
0xaf: {  	v4 =	vld [tilespmem:s0+$0xCB70]  }
0xb0: {  	[tilespmem:s0+$0x3630] =	vst.add.f32.msk $0xffff, v0  }
0xb1: {  	v5 =	vld [tilespmem:s0+$0xCB80]  }
0xb2: {  	v6 =	vld [tilespmem:s0+$0xCB90]  }
0xb3: {  	v7 =	vld [tilespmem:s0+$0xCBA0]  }
0xb4: {  	v8 =	vld [tilespmem:s0+$0xCBB0]  }
0xb5: {  	v9 =	vld [tilespmem:s0+$0xCBC0]  }
0xb6: {  	v10 =	vld [tilespmem:s0+$0xCBD0]  }
0xb7: {  	v11 =	vld [tilespmem:s0+$0xCBE0]  }
0xb8: {  	v12 =	vld [tilespmem:s0+$0xCBF0]  }
0xb9: {  	v13 =	vld [tilespmem:s0+$0xCC00]  }
0xba: {  	v14 =	vld [tilespmem:s0+$0xCC10]  }
0xbb: {  	v0 =	vld [tilespmem:s0+$0xCC20]  }
0xbc: {  	[tilespmem:s0+$0x3540] =	vst.add.f32.msk $0xffff, v1  }
0xbd: {  	[tilespmem:s0+$0x3550] =	vst.add.f32.msk $0xffff, v2  }
0xbe: {  	[tilespmem:s0+$0x3560] =	vst.add.f32.msk $0xffff, v3  }
0xbf: {  	[tilespmem:s0+$0x3570] =	vst.add.f32.msk $0xffff, v4  }
0xc0: {  	[tilespmem:s0+$0x3580] =	vst.add.f32.msk $0xffff, v5  }
0xc1: {  	[tilespmem:s0+$0x3590] =	vst.add.f32.msk $0xffff, v6  }
0xc2: {  	[tilespmem:s0+$0x35A0] =	vst.add.f32.msk $0xffff, v7  }
0xc3: {  	[tilespmem:s0+$0x35B0] =	vst.add.f32.msk $0xffff, v8  }
0xc4: {  	[tilespmem:s0+$0x35C0] =	vst.add.f32.msk $0xffff, v9  }
.Ltmp1:
0xc5: {  	[tilespmem:s0+$0x35D0] =	vst.add.f32.msk $0xffff, v10;
	(pc) =	sbr.rel @p0 .LBB2_4-.Ltmp1, $4  }
0xc6: {  	[tilespmem:s0+$0x35E0] =	vst.add.f32.msk $0xffff, v11  }
0xc7: {  	[tilespmem:s0+$0x35F0] =	vst.add.f32.msk $0xffff, v12  }
0xc8: {  	[tilespmem:s0+$0x3600] =	vst.add.f32.msk $0xffff, v13  }
0xc9: {  	s10 =	sadd.s32 $0x400, s10;
	[tilespmem:s0+$0x3610] =	vst.add.f32.msk $0xffff, v14  }
0xca: {  	[tilespmem:s0+$0x3620] =	vst.add.f32.msk $0xffff, v0  }
0xcb: {  	s14 =	simm.s32 $0x0;
	s9 =	rddreg [dreg:$0x8]  }
0xcc: {  	[hbm4b:s9+s14] =	stream.linear.scatter [tilespmem:s7], [sflag:$0x6], $0x3200, $0x38;
	[tilespmem:$0xFD40] =	vst v63  }
0xcd: {  	s15 =	rddreg [dreg:$0x9]  }
0xce: {  	[tilespmem:s17], [sflag:$0x9] =	stream.linear.gather [hbm4b:s15+s14], $0xD0, $0x38;
	[tilespmem:$0xFD40] =	vst v63  }
0xcf: {  	_ =	swait.ge [sflag:s29], $0xD0  }
0xd0: {  	[sflag:s29] =	ssyncset.done $0x0  }
0xd1: {  	[sflag:s29] =	ssyncadd.s32 $0xFFFFFF30  }
0xd2: {  	[tilespmem:s19], [sflag:$0x4] =	stream.indirect.gather [hbm4b:s5+s30], $0x40, s17, s30, $0xb8;
	[tilespmem:$0xFD40] =	vst v63  }
0xd3: {  	s20 =	simm.s32 $0x2D8;
	s21 =	simm.s32 $0xB240  }
0xd4: {  	[tilespmem:s21], [sflag:$0x4] =	stream.indirect.gather [hbm4b:s5+s30], $0x40, s20, s30, $0xb8;
	[tilespmem:$0xFD40] =	vst v63  }
0xd5: {  	_ =	swait.ge [sflag:s22], $0x1900  }
0xd6: {  	[sflag:s22] =	ssyncset.done $0x0  }
0xd7: {  	[sflag:s22] =	ssyncadd.s32 $0xFFFFE700  }
0xd8: {  	_ =	swait.ge [sflag:s22], $0x1900  }
0xd9: {  	[sflag:s22] =	ssyncset.done $0x0  }
0xda: {  	s0 =	simm.s32 $0x0;
	[sflag:s22] =	ssyncadd.s32 $0xFFFFE700  }
0xdb: {  	v0 =	vld [tilespmem:s0+$0xCC30]  }
0xdc: {  	v1 =	vld [tilespmem:s0+$0xCB40]  }
0xdd: {  	v2 =	vld [tilespmem:s0+$0xCB50]  }
0xde: {  	v3 =	vld [tilespmem:s0+$0xCB60]  }
0xdf: {  	v4 =	vld [tilespmem:s0+$0xCB70]  }
0xe0: {  	v5 =	vld [tilespmem:s0+$0xCB80]  }
0xe1: {  	v6 =	vld [tilespmem:s0+$0xCB90]  }
0xe2: {  	v7 =	vld [tilespmem:s0+$0xCBA0]  }
0xe3: {  	v8 =	vld [tilespmem:s0+$0xCBB0]  }
0xe4: {  	v9 =	vld [tilespmem:s0+$0xCBC0]  }
0xe5: {  	v10 =	vld [tilespmem:s0+$0xCBD0]  }
0xe6: {  	v11 =	vld [tilespmem:s0+$0xCBE0]  }
0xe7: {  	v12 =	vld [tilespmem:s0+$0xCBF0]  }
0xe8: {  	v13 =	vld [tilespmem:s0+$0xCC00]  }
0xe9: {  	v14 =	vld [tilespmem:s0+$0xCC10]  }
0xea: {  	[tilespmem:s0+$0x6830] =	vst.add.f32.msk $0xffff, v0  }
0xeb: {  	v0 =	vld [tilespmem:s0+$0xCC20]  }
0xec: {  	[tilespmem:s0+$0x6740] =	vst.add.f32.msk $0xffff, v1  }
0xed: {  	[tilespmem:s0+$0x6750] =	vst.add.f32.msk $0xffff, v2  }
0xee: {  	[tilespmem:s0+$0x6760] =	vst.add.f32.msk $0xffff, v3  }
0xef: {  	[tilespmem:s0+$0x6770] =	vst.add.f32.msk $0xffff, v4  }
0xf0: {  	[tilespmem:s0+$0x6780] =	vst.add.f32.msk $0xffff, v5  }
0xf1: {  	[tilespmem:s0+$0x6790] =	vst.add.f32.msk $0xffff, v6  }
0xf2: {  	[tilespmem:s0+$0x67A0] =	vst.add.f32.msk $0xffff, v7  }
0xf3: {  	[tilespmem:s0+$0x67B0] =	vst.add.f32.msk $0xffff, v8  }
0xf4: {  	[tilespmem:s0+$0x67C0] =	vst.add.f32.msk $0xffff, v9  }
0xf5: {  	[tilespmem:s0+$0x67D0] =	vst.add.f32.msk $0xffff, v10  }
0xf6: {  	[tilespmem:s0+$0x67E0] =	vst.add.f32.msk $0xffff, v11  }
0xf7: {  	[tilespmem:s0+$0x67F0] =	vst.add.f32.msk $0xffff, v12  }
0xf8: {  	[tilespmem:s0+$0x6800] =	vst.add.f32.msk $0xffff, v13  }
0xf9: {  	s10 =	simm.s32 $0x400;
	s9 =	simm.s32 $0x0;
	[tilespmem:s0+$0x6810] =	vst.add.f32.msk $0xffff, v14  }
.LBB2_6:
0xfa: {  	s9 =	sadd.s32 $0x4, s9;
	[tilespmem:s0+$0x6820] =	vst.add.f32.msk $0xffff, v0;
	s0 =	sshra.s32 s10, $0x2  }
0xfb: {  	v0 =	vld [tilespmem:s0+$0xCC30];
	p0 =	slt.u32 s9, $0xC4  }
0xfc: {  	v1 =	vld [tilespmem:s0+$0xCB40]  }
0xfd: {  	v2 =	vld [tilespmem:s0+$0xCB50]  }
0xfe: {  	v3 =	vld [tilespmem:s0+$0xCB60]  }
0xff: {  	v4 =	vld [tilespmem:s0+$0xCB70]  }
0x100: {  	[tilespmem:s0+$0x6830] =	vst.add.f32.msk $0xffff, v0  }
0x101: {  	v5 =	vld [tilespmem:s0+$0xCB80]  }
0x102: {  	v6 =	vld [tilespmem:s0+$0xCB90]  }
0x103: {  	v7 =	vld [tilespmem:s0+$0xCBA0]  }
0x104: {  	v8 =	vld [tilespmem:s0+$0xCBB0]  }
0x105: {  	v9 =	vld [tilespmem:s0+$0xCBC0]  }
0x106: {  	v10 =	vld [tilespmem:s0+$0xCBD0]  }
0x107: {  	v11 =	vld [tilespmem:s0+$0xCBE0]  }
0x108: {  	v12 =	vld [tilespmem:s0+$0xCBF0]  }
0x109: {  	v13 =	vld [tilespmem:s0+$0xCC00]  }
0x10a: {  	v14 =	vld [tilespmem:s0+$0xCC10]  }
0x10b: {  	v0 =	vld [tilespmem:s0+$0xCC20]  }
0x10c: {  	[tilespmem:s0+$0x6740] =	vst.add.f32.msk $0xffff, v1  }
0x10d: {  	[tilespmem:s0+$0x6750] =	vst.add.f32.msk $0xffff, v2  }
0x10e: {  	[tilespmem:s0+$0x6760] =	vst.add.f32.msk $0xffff, v3  }
0x10f: {  	[tilespmem:s0+$0x6770] =	vst.add.f32.msk $0xffff, v4  }
0x110: {  	[tilespmem:s0+$0x6780] =	vst.add.f32.msk $0xffff, v5  }
0x111: {  	[tilespmem:s0+$0x6790] =	vst.add.f32.msk $0xffff, v6  }
0x112: {  	[tilespmem:s0+$0x67A0] =	vst.add.f32.msk $0xffff, v7  }
0x113: {  	[tilespmem:s0+$0x67B0] =	vst.add.f32.msk $0xffff, v8  }
0x114: {  	[tilespmem:s0+$0x67C0] =	vst.add.f32.msk $0xffff, v9  }
.Ltmp2:
0x115: {  	[tilespmem:s0+$0x67D0] =	vst.add.f32.msk $0xffff, v10;
	(pc) =	sbr.rel @p0 .LBB2_6-.Ltmp2, $4  }
0x116: {  	[tilespmem:s0+$0x67E0] =	vst.add.f32.msk $0xffff, v11  }
0x117: {  	[tilespmem:s0+$0x67F0] =	vst.add.f32.msk $0xffff, v12  }
0x118: {  	[tilespmem:s0+$0x6800] =	vst.add.f32.msk $0xffff, v13  }
0x119: {  	s10 =	sadd.s32 $0x400, s10;
	[tilespmem:s0+$0x6810] =	vst.add.f32.msk $0xffff, v14  }
0x11a: {  	[tilespmem:s0+$0x6820] =	vst.add.f32.msk $0xffff, v0  }
0x11b: {  	s14 =	simm.s32 $0x0;
	s9 =	rddreg [dreg:$0xa]  }
0x11c: {  	[hbm4b:s9+s14] =	stream.linear.scatter [tilespmem:s13], [sflag:$0x7], $0x3200, $0x38;
	[tilespmem:$0xFD40] =	vst v63  }
0x11d: {  	_ =	swait.ge [sflag:s23], $0x3200  }
0x11e: {  	[sflag:s23] =	ssyncset.done $0x0  }
0x11f: {  	s15 =	rddreg [dreg:$0xb];
	[sflag:s23] =	ssyncadd.s32 $0xFFFFCE00  }
0x120: {  	[tilespmem:s14], [sflag:$0x9] =	stream.linear.gather [hbm4b:s15+s14], $0xD0, $0x38;
	[tilespmem:$0xFD40] =	vst v63  }
0x121: {  	_ =	swait.ge [sflag:s29], $0xD0  }
0x122: {  	[sflag:s29] =	ssyncset.done $0x0  }
0x123: {  	[sflag:s29] =	ssyncadd.s32 $0xFFFFFF30  }
0x124: {  	[tilespmem:s31], [sflag:$0x1] =	stream.indirect.gather [hbm4b:s5+s30], $0x40, s14, s30, $0xb8;
	[tilespmem:$0xFD40] =	vst v63  }
0x125: {  	s20 =	simm.s32 $0x68;
	s21 =	simm.s32 $0x1C40  }
0x126: {  	[tilespmem:s21], [sflag:$0x1] =	stream.indirect.gather [hbm4b:s5+s30], $0x40, s20, s30, $0xb8;
	[tilespmem:$0xFD40] =	vst v63  }
0x127: {  	_ =	swait.ge [sflag:s24], $0x1900  }
0x128: {  	[sflag:s24] =	ssyncset.done $0x0  }
0x129: {  	[sflag:s24] =	ssyncadd.s32 $0xFFFFE700  }
0x12a: {  	_ =	swait.ge [sflag:s24], $0x1900  }
0x12b: {  	[sflag:s24] =	ssyncset.done $0x0  }
0x12c: {  	s0 =	simm.s32 $0x0;
	[sflag:s24] =	ssyncadd.s32 $0xFFFFE700  }
0x12d: {  	v0 =	vld [tilespmem:s0+$0xCC30]  }
0x12e: {  	v1 =	vld [tilespmem:s0+$0xCB40]  }
0x12f: {  	v2 =	vld [tilespmem:s0+$0xCB50]  }
0x130: {  	v3 =	vld [tilespmem:s0+$0xCB60]  }
0x131: {  	v4 =	vld [tilespmem:s0+$0xCB70]  }
0x132: {  	v5 =	vld [tilespmem:s0+$0xCB80]  }
0x133: {  	v6 =	vld [tilespmem:s0+$0xCB90]  }
0x134: {  	v7 =	vld [tilespmem:s0+$0xCBA0]  }
0x135: {  	v8 =	vld [tilespmem:s0+$0xCBB0]  }
0x136: {  	v9 =	vld [tilespmem:s0+$0xCBC0]  }
0x137: {  	v10 =	vld [tilespmem:s0+$0xCBD0]  }
0x138: {  	v11 =	vld [tilespmem:s0+$0xCBE0]  }
0x139: {  	v12 =	vld [tilespmem:s0+$0xCBF0]  }
0x13a: {  	v13 =	vld [tilespmem:s0+$0xCC00]  }
0x13b: {  	v14 =	vld [tilespmem:s0+$0xCC10]  }
0x13c: {  	[tilespmem:s0+$0x9A30] =	vst.add.f32.msk $0xffff, v0  }
0x13d: {  	v0 =	vld [tilespmem:s0+$0xCC20]  }
0x13e: {  	[tilespmem:s0+$0x9940] =	vst.add.f32.msk $0xffff, v1  }
0x13f: {  	[tilespmem:s0+$0x9950] =	vst.add.f32.msk $0xffff, v2  }
0x140: {  	[tilespmem:s0+$0x9960] =	vst.add.f32.msk $0xffff, v3  }
0x141: {  	[tilespmem:s0+$0x9970] =	vst.add.f32.msk $0xffff, v4  }
0x142: {  	[tilespmem:s0+$0x9980] =	vst.add.f32.msk $0xffff, v5  }
0x143: {  	[tilespmem:s0+$0x9990] =	vst.add.f32.msk $0xffff, v6  }
0x144: {  	[tilespmem:s0+$0x99A0] =	vst.add.f32.msk $0xffff, v7  }
0x145: {  	[tilespmem:s0+$0x99B0] =	vst.add.f32.msk $0xffff, v8  }
0x146: {  	[tilespmem:s0+$0x99C0] =	vst.add.f32.msk $0xffff, v9  }
0x147: {  	[tilespmem:s0+$0x99D0] =	vst.add.f32.msk $0xffff, v10  }
0x148: {  	[tilespmem:s0+$0x99E0] =	vst.add.f32.msk $0xffff, v11  }
0x149: {  	[tilespmem:s0+$0x99F0] =	vst.add.f32.msk $0xffff, v12  }
0x14a: {  	[tilespmem:s0+$0x9A00] =	vst.add.f32.msk $0xffff, v13  }
0x14b: {  	s10 =	simm.s32 $0x400;
	s9 =	simm.s32 $0x0;
	[tilespmem:s0+$0x9A10] =	vst.add.f32.msk $0xffff, v14  }
.LBB2_8:
0x14c: {  	s9 =	sadd.s32 $0x4, s9;
	[tilespmem:s0+$0x9A20] =	vst.add.f32.msk $0xffff, v0;
	s0 =	sshra.s32 s10, $0x2  }
0x14d: {  	v0 =	vld [tilespmem:s0+$0xCC30];
	p0 =	slt.u32 s9, $0xC4  }
0x14e: {  	v1 =	vld [tilespmem:s0+$0xCB40]  }
0x14f: {  	v2 =	vld [tilespmem:s0+$0xCB50]  }
0x150: {  	v3 =	vld [tilespmem:s0+$0xCB60]  }
0x151: {  	v4 =	vld [tilespmem:s0+$0xCB70]  }
0x152: {  	[tilespmem:s0+$0x9A30] =	vst.add.f32.msk $0xffff, v0  }
0x153: {  	v5 =	vld [tilespmem:s0+$0xCB80]  }
0x154: {  	v6 =	vld [tilespmem:s0+$0xCB90]  }
0x155: {  	v7 =	vld [tilespmem:s0+$0xCBA0]  }
0x156: {  	v8 =	vld [tilespmem:s0+$0xCBB0]  }
0x157: {  	v9 =	vld [tilespmem:s0+$0xCBC0]  }
0x158: {  	v10 =	vld [tilespmem:s0+$0xCBD0]  }
0x159: {  	v11 =	vld [tilespmem:s0+$0xCBE0]  }
0x15a: {  	v12 =	vld [tilespmem:s0+$0xCBF0]  }
0x15b: {  	v13 =	vld [tilespmem:s0+$0xCC00]  }
0x15c: {  	v14 =	vld [tilespmem:s0+$0xCC10]  }
0x15d: {  	v0 =	vld [tilespmem:s0+$0xCC20]  }
0x15e: {  	[tilespmem:s0+$0x9940] =	vst.add.f32.msk $0xffff, v1  }
0x15f: {  	[tilespmem:s0+$0x9950] =	vst.add.f32.msk $0xffff, v2  }
0x160: {  	[tilespmem:s0+$0x9960] =	vst.add.f32.msk $0xffff, v3  }
0x161: {  	[tilespmem:s0+$0x9970] =	vst.add.f32.msk $0xffff, v4  }
0x162: {  	[tilespmem:s0+$0x9980] =	vst.add.f32.msk $0xffff, v5  }
0x163: {  	[tilespmem:s0+$0x9990] =	vst.add.f32.msk $0xffff, v6  }
0x164: {  	[tilespmem:s0+$0x99A0] =	vst.add.f32.msk $0xffff, v7  }
0x165: {  	[tilespmem:s0+$0x99B0] =	vst.add.f32.msk $0xffff, v8  }
0x166: {  	[tilespmem:s0+$0x99C0] =	vst.add.f32.msk $0xffff, v9  }
.Ltmp3:
0x167: {  	[tilespmem:s0+$0x99D0] =	vst.add.f32.msk $0xffff, v10;
	(pc) =	sbr.rel @p0 .LBB2_8-.Ltmp3, $4  }
0x168: {  	[tilespmem:s0+$0x99E0] =	vst.add.f32.msk $0xffff, v11  }
0x169: {  	[tilespmem:s0+$0x99F0] =	vst.add.f32.msk $0xffff, v12  }
0x16a: {  	[tilespmem:s0+$0x9A00] =	vst.add.f32.msk $0xffff, v13  }
0x16b: {  	s10 =	sadd.s32 $0x400, s10;
	[tilespmem:s0+$0x9A10] =	vst.add.f32.msk $0xffff, v14  }
0x16c: {  	[tilespmem:s0+$0x9A20] =	vst.add.f32.msk $0xffff, v0  }
0x16d: {  	s0 =	rddreg [dreg:$0xc]  }
0x16e: {  	[hbm4b:s0+s3] =	stream.linear.scatter [tilespmem:s19], [sflag:$0x8], $0x3200, $0x38;
	[tilespmem:$0xFD40] =	vst v63  }
0x16f: {  	_ =	swait.ge [sflag:s25], $0x3200  }
0x170: {  	[sflag:s25] =	ssyncset.done $0x0  }
0x171: {  	s20 =	rddreg [dreg:$0xd];
	[sflag:s25] =	ssyncadd.s32 $0xFFFFCE00  }
0x172: {  	[tilespmem:s28], [sflag:$0x9] =	stream.linear.gather [hbm4b:s20+s3], $0xD0, $0x38;
	[tilespmem:$0xFD40] =	vst v63  }
0x173: {  	_ =	swait.ge [sflag:s29], $0xD0  }
0x174: {  	[sflag:s29] =	ssyncset.done $0x0  }
0x175: {  	[sflag:s29] =	ssyncadd.s32 $0xFFFFFF30  }
0x176: {  	[tilespmem:s7], [sflag:$0x2] =	stream.indirect.gather [hbm4b:s5+s30], $0x40, s28, s30, $0xb8;
	[tilespmem:$0xFD40] =	vst v63  }
0x177: {  	s21 =	simm.s32 $0x138;
	s9 =	simm.s32 $0x4E40;
	s0 =	simm.s32 $0x1  }
0x178: {  	[tilespmem:s9], [sflag:$0x2] =	stream.indirect.gather [hbm4b:s5+s30], $0x40, s21, s30, $0xb8;
	[tilespmem:$0xFD40] =	vst v63  }
.LBB2_10:
0x179: {  	_ =	swait.ge [sflag:s11], $0x1900  }
0x17a: {  	[sflag:s11] =	ssyncset.done $0x0  }
0x17b: {  	[sflag:s11] =	ssyncadd.s32 $0xFFFFE700  }
0x17c: {  	_ =	swait.ge [sflag:s11], $0x1900  }
0x17d: {  	[sflag:s11] =	ssyncset.done $0x0  }
0x17e: {  	s10 =	simm.s32 $0x0;
	[sflag:s11] =	ssyncadd.s32 $0xFFFFE700  }
0x17f: {  	v0 =	vld [tilespmem:s10+$0xCC30]  }
0x180: {  	v1 =	vld [tilespmem:s10+$0xCB40]  }
0x181: {  	v2 =	vld [tilespmem:s10+$0xCB50]  }
0x182: {  	v3 =	vld [tilespmem:s10+$0xCB60]  }
0x183: {  	v4 =	vld [tilespmem:s10+$0xCB70]  }
0x184: {  	v5 =	vld [tilespmem:s10+$0xCB80]  }
0x185: {  	v6 =	vld [tilespmem:s10+$0xCB90]  }
0x186: {  	v7 =	vld [tilespmem:s10+$0xCBA0]  }
0x187: {  	v8 =	vld [tilespmem:s10+$0xCBB0]  }
0x188: {  	v9 =	vld [tilespmem:s10+$0xCBC0]  }
0x189: {  	v10 =	vld [tilespmem:s10+$0xCBD0]  }
0x18a: {  	v11 =	vld [tilespmem:s10+$0xCBE0]  }
0x18b: {  	v12 =	vld [tilespmem:s10+$0xCBF0]  }
0x18c: {  	v13 =	vld [tilespmem:s10+$0xCC00]  }
0x18d: {  	v14 =	vld [tilespmem:s10+$0xCC10]  }
0x18e: {  	[tilespmem:s10+$0x430] =	vst.add.f32.msk $0xffff, v0  }
0x18f: {  	v0 =	vld [tilespmem:s10+$0xCC20]  }
0x190: {  	[tilespmem:s10+$0x340] =	vst.add.f32.msk $0xffff, v1  }
0x191: {  	[tilespmem:s10+$0x350] =	vst.add.f32.msk $0xffff, v2  }
0x192: {  	[tilespmem:s10+$0x360] =	vst.add.f32.msk $0xffff, v3  }
0x193: {  	[tilespmem:s10+$0x370] =	vst.add.f32.msk $0xffff, v4  }
0x194: {  	[tilespmem:s10+$0x380] =	vst.add.f32.msk $0xffff, v5  }
0x195: {  	[tilespmem:s10+$0x390] =	vst.add.f32.msk $0xffff, v6  }
0x196: {  	[tilespmem:s10+$0x3A0] =	vst.add.f32.msk $0xffff, v7  }
0x197: {  	[tilespmem:s10+$0x3B0] =	vst.add.f32.msk $0xffff, v8  }
0x198: {  	[tilespmem:s10+$0x3C0] =	vst.add.f32.msk $0xffff, v9  }
0x199: {  	[tilespmem:s10+$0x3D0] =	vst.add.f32.msk $0xffff, v10  }
0x19a: {  	[tilespmem:s10+$0x3E0] =	vst.add.f32.msk $0xffff, v11  }
0x19b: {  	[tilespmem:s10+$0x3F0] =	vst.add.f32.msk $0xffff, v12  }
0x19c: {  	[tilespmem:s10+$0x400] =	vst.add.f32.msk $0xffff, v13  }
0x19d: {  	s9 =	simm.s32 $0x0;
	s14 =	simm.s32 $0x400;
	[tilespmem:s10+$0x410] =	vst.add.f32.msk $0xffff, v14  }
.LBB2_11:
0x19e: {  	s9 =	sadd.s32 $0x4, s9;
	[tilespmem:s10+$0x420] =	vst.add.f32.msk $0xffff, v0;
	s10 =	sshra.s32 s14, $0x2  }
0x19f: {  	v0 =	vld [tilespmem:s10+$0xCC30];
	p0 =	slt.u32 s9, $0xC4  }
0x1a0: {  	v1 =	vld [tilespmem:s10+$0xCB40]  }
0x1a1: {  	v2 =	vld [tilespmem:s10+$0xCB50]  }
0x1a2: {  	v3 =	vld [tilespmem:s10+$0xCB60]  }
0x1a3: {  	v4 =	vld [tilespmem:s10+$0xCB70]  }
0x1a4: {  	[tilespmem:s10+$0x430] =	vst.add.f32.msk $0xffff, v0  }
0x1a5: {  	v5 =	vld [tilespmem:s10+$0xCB80]  }
0x1a6: {  	v6 =	vld [tilespmem:s10+$0xCB90]  }
0x1a7: {  	v7 =	vld [tilespmem:s10+$0xCBA0]  }
0x1a8: {  	v8 =	vld [tilespmem:s10+$0xCBB0]  }
0x1a9: {  	v9 =	vld [tilespmem:s10+$0xCBC0]  }
0x1aa: {  	v10 =	vld [tilespmem:s10+$0xCBD0]  }
0x1ab: {  	v11 =	vld [tilespmem:s10+$0xCBE0]  }
0x1ac: {  	v12 =	vld [tilespmem:s10+$0xCBF0]  }
0x1ad: {  	v13 =	vld [tilespmem:s10+$0xCC00]  }
0x1ae: {  	v14 =	vld [tilespmem:s10+$0xCC10]  }
0x1af: {  	v0 =	vld [tilespmem:s10+$0xCC20]  }
0x1b0: {  	[tilespmem:s10+$0x340] =	vst.add.f32.msk $0xffff, v1  }
0x1b1: {  	[tilespmem:s10+$0x350] =	vst.add.f32.msk $0xffff, v2  }
0x1b2: {  	[tilespmem:s10+$0x360] =	vst.add.f32.msk $0xffff, v3  }
0x1b3: {  	[tilespmem:s10+$0x370] =	vst.add.f32.msk $0xffff, v4  }
0x1b4: {  	[tilespmem:s10+$0x380] =	vst.add.f32.msk $0xffff, v5  }
0x1b5: {  	[tilespmem:s10+$0x390] =	vst.add.f32.msk $0xffff, v6  }
0x1b6: {  	[tilespmem:s10+$0x3A0] =	vst.add.f32.msk $0xffff, v7  }
0x1b7: {  	[tilespmem:s10+$0x3B0] =	vst.add.f32.msk $0xffff, v8  }
0x1b8: {  	[tilespmem:s10+$0x3C0] =	vst.add.f32.msk $0xffff, v9  }
.Ltmp4:
0x1b9: {  	[tilespmem:s10+$0x3D0] =	vst.add.f32.msk $0xffff, v10;
	(pc) =	sbr.rel @p0 .LBB2_11-.Ltmp4, $4  }
0x1ba: {  	[tilespmem:s10+$0x3E0] =	vst.add.f32.msk $0xffff, v11  }
0x1bb: {  	[tilespmem:s10+$0x3F0] =	vst.add.f32.msk $0xffff, v12  }
0x1bc: {  	[tilespmem:s10+$0x400] =	vst.add.f32.msk $0xffff, v13  }
0x1bd: {  	s14 =	sadd.s32 $0x400, s14;
	[tilespmem:s10+$0x410] =	vst.add.f32.msk $0xffff, v14  }
0x1be: {  	s9 =	sshll.u32 s0, $0x2  }
0x1bf: {  	s14 =	sadd.s32 s4, s9  }
0x1c0: {  	s14 =	smul.u32 $0x640, s14;
	_ =	sdelay $0x1  }
0x1c1: {  	[tilespmem:s10+$0x420] =	vst.add.f32.msk $0xffff, v0;
	s15 =	simm.s32 $0x0;
	s14 =	sadd.s32 s2, s14  }
0x1c2: {  	[hbm4b:s14+s15] =	stream.linear.scatter [tilespmem:s31], [sflag:$0x5], $0x3200, $0x38;
	[tilespmem:$0xFD40] =	vst v63  }
0x1c3: {  	s14 =	sor.u32 s9, s4  }
0x1c4: {  	s10 =	sor.u32 $0x2, s14  }
0x1c5: {  	_ =	swait.ge [sflag:s8], $0x3200;
	s20 =	smul.u32 $0x1A, s10  }
0x1c6: {  	[sflag:s8] =	ssyncset.done $0x0  }
0x1c7: {  	[sflag:s8] =	ssyncadd.s32 $0xFFFFCE00;
	s20 =	sadd.s32 s6, s20  }
0x1c8: {  	[tilespmem:s12], [sflag:$0x9] =	stream.linear.gather [hbm4b:s20+s15], $0xD0, $0x38;
	[tilespmem:$0xFD40] =	vst v63  }
0x1c9: {  	_ =	swait.ge [sflag:s29], $0xD0  }
0x1ca: {  	[sflag:s29] =	ssyncset.done $0x0  }
0x1cb: {  	[sflag:s29] =	ssyncadd.s32 $0xFFFFFF30  }
0x1cc: {  	[tilespmem:s13], [sflag:$0x3] =	stream.indirect.gather [hbm4b:s5+s30], $0x40, s12, s30, $0xb8;
	[tilespmem:$0xFD40] =	vst v63  }
0x1cd: {  	s21 =	simm.s32 $0x8040;
	s20 =	simm.s32 $0x208  }
0x1ce: {  	[tilespmem:s21], [sflag:$0x3] =	stream.indirect.gather [hbm4b:s5+s30], $0x40, s20, s30, $0xb8;
	[tilespmem:$0xFD40] =	vst v63  }
0x1cf: {  	_ =	swait.ge [sflag:s16], $0x1900  }
0x1d0: {  	[sflag:s16] =	ssyncset.done $0x0  }
0x1d1: {  	[sflag:s16] =	ssyncadd.s32 $0xFFFFE700  }
0x1d2: {  	_ =	swait.ge [sflag:s16], $0x1900  }
0x1d3: {  	[sflag:s16] =	ssyncset.done $0x0  }
0x1d4: {  	s15 =	simm.s32 $0x0;
	[sflag:s16] =	ssyncadd.s32 $0xFFFFE700  }
0x1d5: {  	v0 =	vld [tilespmem:s15+$0xCC30]  }
0x1d6: {  	v1 =	vld [tilespmem:s15+$0xCB40]  }
0x1d7: {  	v2 =	vld [tilespmem:s15+$0xCB50]  }
0x1d8: {  	v3 =	vld [tilespmem:s15+$0xCB60]  }
0x1d9: {  	v4 =	vld [tilespmem:s15+$0xCB70]  }
0x1da: {  	v5 =	vld [tilespmem:s15+$0xCB80]  }
0x1db: {  	v6 =	vld [tilespmem:s15+$0xCB90]  }
0x1dc: {  	v7 =	vld [tilespmem:s15+$0xCBA0]  }
0x1dd: {  	v8 =	vld [tilespmem:s15+$0xCBB0]  }
0x1de: {  	v9 =	vld [tilespmem:s15+$0xCBC0]  }
0x1df: {  	v10 =	vld [tilespmem:s15+$0xCBD0]  }
0x1e0: {  	v11 =	vld [tilespmem:s15+$0xCBE0]  }
0x1e1: {  	v12 =	vld [tilespmem:s15+$0xCBF0]  }
0x1e2: {  	v13 =	vld [tilespmem:s15+$0xCC00]  }
0x1e3: {  	v14 =	vld [tilespmem:s15+$0xCC10]  }
0x1e4: {  	[tilespmem:s15+$0x3630] =	vst.add.f32.msk $0xffff, v0  }
0x1e5: {  	v0 =	vld [tilespmem:s15+$0xCC20]  }
0x1e6: {  	[tilespmem:s15+$0x3540] =	vst.add.f32.msk $0xffff, v1  }
0x1e7: {  	[tilespmem:s15+$0x3550] =	vst.add.f32.msk $0xffff, v2  }
0x1e8: {  	[tilespmem:s15+$0x3560] =	vst.add.f32.msk $0xffff, v3  }
0x1e9: {  	[tilespmem:s15+$0x3570] =	vst.add.f32.msk $0xffff, v4  }
0x1ea: {  	[tilespmem:s15+$0x3580] =	vst.add.f32.msk $0xffff, v5  }
0x1eb: {  	[tilespmem:s15+$0x3590] =	vst.add.f32.msk $0xffff, v6  }
0x1ec: {  	[tilespmem:s15+$0x35A0] =	vst.add.f32.msk $0xffff, v7  }
0x1ed: {  	[tilespmem:s15+$0x35B0] =	vst.add.f32.msk $0xffff, v8  }
0x1ee: {  	[tilespmem:s15+$0x35C0] =	vst.add.f32.msk $0xffff, v9  }
0x1ef: {  	[tilespmem:s15+$0x35D0] =	vst.add.f32.msk $0xffff, v10  }
0x1f0: {  	[tilespmem:s15+$0x35E0] =	vst.add.f32.msk $0xffff, v11  }
0x1f1: {  	[tilespmem:s15+$0x35F0] =	vst.add.f32.msk $0xffff, v12  }
0x1f2: {  	[tilespmem:s15+$0x3600] =	vst.add.f32.msk $0xffff, v13  }
0x1f3: {  	s20 =	simm.s32 $0x0;
	s21 =	simm.s32 $0x400;
	[tilespmem:s15+$0x3610] =	vst.add.f32.msk $0xffff, v14  }
.LBB2_13:
0x1f4: {  	s20 =	sadd.s32 $0x4, s20;
	[tilespmem:s15+$0x3620] =	vst.add.f32.msk $0xffff, v0;
	s15 =	sshra.s32 s21, $0x2  }
0x1f5: {  	v0 =	vld [tilespmem:s15+$0xCC30];
	p0 =	slt.u32 s20, $0xC4  }
0x1f6: {  	v1 =	vld [tilespmem:s15+$0xCB40]  }
0x1f7: {  	v2 =	vld [tilespmem:s15+$0xCB50]  }
0x1f8: {  	v3 =	vld [tilespmem:s15+$0xCB60]  }
0x1f9: {  	v4 =	vld [tilespmem:s15+$0xCB70]  }
0x1fa: {  	[tilespmem:s15+$0x3630] =	vst.add.f32.msk $0xffff, v0  }
0x1fb: {  	v5 =	vld [tilespmem:s15+$0xCB80]  }
0x1fc: {  	v6 =	vld [tilespmem:s15+$0xCB90]  }
0x1fd: {  	v7 =	vld [tilespmem:s15+$0xCBA0]  }
0x1fe: {  	v8 =	vld [tilespmem:s15+$0xCBB0]  }
0x1ff: {  	v9 =	vld [tilespmem:s15+$0xCBC0]  }
0x200: {  	v10 =	vld [tilespmem:s15+$0xCBD0]  }
0x201: {  	v11 =	vld [tilespmem:s15+$0xCBE0]  }
0x202: {  	v12 =	vld [tilespmem:s15+$0xCBF0]  }
0x203: {  	v13 =	vld [tilespmem:s15+$0xCC00]  }
0x204: {  	v14 =	vld [tilespmem:s15+$0xCC10]  }
0x205: {  	v0 =	vld [tilespmem:s15+$0xCC20]  }
0x206: {  	[tilespmem:s15+$0x3540] =	vst.add.f32.msk $0xffff, v1  }
0x207: {  	[tilespmem:s15+$0x3550] =	vst.add.f32.msk $0xffff, v2  }
0x208: {  	[tilespmem:s15+$0x3560] =	vst.add.f32.msk $0xffff, v3  }
0x209: {  	[tilespmem:s15+$0x3570] =	vst.add.f32.msk $0xffff, v4  }
0x20a: {  	[tilespmem:s15+$0x3580] =	vst.add.f32.msk $0xffff, v5  }
0x20b: {  	[tilespmem:s15+$0x3590] =	vst.add.f32.msk $0xffff, v6  }
0x20c: {  	[tilespmem:s15+$0x35A0] =	vst.add.f32.msk $0xffff, v7  }
0x20d: {  	[tilespmem:s15+$0x35B0] =	vst.add.f32.msk $0xffff, v8  }
0x20e: {  	[tilespmem:s15+$0x35C0] =	vst.add.f32.msk $0xffff, v9  }
.Ltmp5:
0x20f: {  	[tilespmem:s15+$0x35D0] =	vst.add.f32.msk $0xffff, v10;
	(pc) =	sbr.rel @p0 .LBB2_13-.Ltmp5, $4  }
0x210: {  	[tilespmem:s15+$0x35E0] =	vst.add.f32.msk $0xffff, v11  }
0x211: {  	[tilespmem:s15+$0x35F0] =	vst.add.f32.msk $0xffff, v12  }
0x212: {  	[tilespmem:s15+$0x3600] =	vst.add.f32.msk $0xffff, v13  }
0x213: {  	s21 =	sadd.s32 $0x400, s21;
	[tilespmem:s15+$0x3610] =	vst.add.f32.msk $0xffff, v14  }
0x214: {  	s20 =	sadd.s32 s9, s4  }
0x215: {  	s20 =	smul.u32 $0x640, s20;
	_ =	sdelay $0x1  }
0x216: {  	s20 =	sadd.s32 s2, s20  }
0x217: {  	[tilespmem:s15+$0x3620] =	vst.add.f32.msk $0xffff, v0;
	s14 =	sor.u32 $0x3, s14;
	s21 =	sadd.s32 $0x640, s20;
	s20 =	simm.s32 $0x0  }
0x218: {  	[hbm4b:s21+s20] =	stream.linear.scatter [tilespmem:s7], [sflag:$0x6], $0x3200, $0x38;
	[tilespmem:$0xFD40] =	vst v63  }
0x219: {  	s21 =	smul.u32 $0x1A, s14;
	_ =	swait.ge [sflag:s1], $0x3200  }
0x21a: {  	[sflag:s1] =	ssyncset.done $0x0  }
0x21b: {  	s15 =	sadd.s32 s6, s21;
	[sflag:s1] =	ssyncadd.s32 $0xFFFFCE00  }
0x21c: {  	[tilespmem:s17], [sflag:$0x9] =	stream.linear.gather [hbm4b:s15+s20], $0xD0, $0x38;
	[tilespmem:$0xFD40] =	vst v63  }
0x21d: {  	_ =	swait.ge [sflag:s29], $0xD0  }
0x21e: {  	[sflag:s29] =	ssyncset.done $0x0  }
0x21f: {  	[sflag:s29] =	ssyncadd.s32 $0xFFFFFF30  }
0x220: {  	[tilespmem:s19], [sflag:$0x4] =	stream.indirect.gather [hbm4b:s5+s30], $0x40, s17, s30, $0xb8;
	[tilespmem:$0xFD40] =	vst v63  }
0x221: {  	s21 =	simm.s32 $0xB240;
	s20 =	simm.s32 $0x2D8  }
0x222: {  	[tilespmem:s21], [sflag:$0x4] =	stream.indirect.gather [hbm4b:s5+s30], $0x40, s20, s30, $0xb8;
	[tilespmem:$0xFD40] =	vst v63  }
0x223: {  	_ =	swait.ge [sflag:s22], $0x1900  }
0x224: {  	[sflag:s22] =	ssyncset.done $0x0  }
0x225: {  	[sflag:s22] =	ssyncadd.s32 $0xFFFFE700  }
0x226: {  	_ =	swait.ge [sflag:s22], $0x1900  }
0x227: {  	[sflag:s22] =	ssyncset.done $0x0  }
0x228: {  	s15 =	simm.s32 $0x0;
	[sflag:s22] =	ssyncadd.s32 $0xFFFFE700  }
0x229: {  	v0 =	vld [tilespmem:s15+$0xCC30]  }
0x22a: {  	v1 =	vld [tilespmem:s15+$0xCB40]  }
0x22b: {  	v2 =	vld [tilespmem:s15+$0xCB50]  }
0x22c: {  	v3 =	vld [tilespmem:s15+$0xCB60]  }
0x22d: {  	v4 =	vld [tilespmem:s15+$0xCB70]  }
0x22e: {  	v5 =	vld [tilespmem:s15+$0xCB80]  }
0x22f: {  	v6 =	vld [tilespmem:s15+$0xCB90]  }
0x230: {  	v7 =	vld [tilespmem:s15+$0xCBA0]  }
0x231: {  	v8 =	vld [tilespmem:s15+$0xCBB0]  }
0x232: {  	v9 =	vld [tilespmem:s15+$0xCBC0]  }
0x233: {  	v10 =	vld [tilespmem:s15+$0xCBD0]  }
0x234: {  	v11 =	vld [tilespmem:s15+$0xCBE0]  }
0x235: {  	v12 =	vld [tilespmem:s15+$0xCBF0]  }
0x236: {  	v13 =	vld [tilespmem:s15+$0xCC00]  }
0x237: {  	v14 =	vld [tilespmem:s15+$0xCC10]  }
0x238: {  	[tilespmem:s15+$0x6830] =	vst.add.f32.msk $0xffff, v0  }
0x239: {  	v0 =	vld [tilespmem:s15+$0xCC20]  }
0x23a: {  	[tilespmem:s15+$0x6740] =	vst.add.f32.msk $0xffff, v1  }
0x23b: {  	[tilespmem:s15+$0x6750] =	vst.add.f32.msk $0xffff, v2  }
0x23c: {  	[tilespmem:s15+$0x6760] =	vst.add.f32.msk $0xffff, v3  }
0x23d: {  	[tilespmem:s15+$0x6770] =	vst.add.f32.msk $0xffff, v4  }
0x23e: {  	[tilespmem:s15+$0x6780] =	vst.add.f32.msk $0xffff, v5  }
0x23f: {  	[tilespmem:s15+$0x6790] =	vst.add.f32.msk $0xffff, v6  }
0x240: {  	[tilespmem:s15+$0x67A0] =	vst.add.f32.msk $0xffff, v7  }
0x241: {  	[tilespmem:s15+$0x67B0] =	vst.add.f32.msk $0xffff, v8  }
0x242: {  	[tilespmem:s15+$0x67C0] =	vst.add.f32.msk $0xffff, v9  }
0x243: {  	[tilespmem:s15+$0x67D0] =	vst.add.f32.msk $0xffff, v10  }
0x244: {  	[tilespmem:s15+$0x67E0] =	vst.add.f32.msk $0xffff, v11  }
0x245: {  	[tilespmem:s15+$0x67F0] =	vst.add.f32.msk $0xffff, v12  }
0x246: {  	[tilespmem:s15+$0x6800] =	vst.add.f32.msk $0xffff, v13  }
0x247: {  	s20 =	simm.s32 $0x0;
	s21 =	simm.s32 $0x400;
	[tilespmem:s15+$0x6810] =	vst.add.f32.msk $0xffff, v14  }
.LBB2_15:
0x248: {  	s20 =	sadd.s32 $0x4, s20;
	[tilespmem:s15+$0x6820] =	vst.add.f32.msk $0xffff, v0;
	s15 =	sshra.s32 s21, $0x2  }
0x249: {  	v0 =	vld [tilespmem:s15+$0xCC30];
	p0 =	slt.u32 s20, $0xC4  }
0x24a: {  	v1 =	vld [tilespmem:s15+$0xCB40]  }
0x24b: {  	v2 =	vld [tilespmem:s15+$0xCB50]  }
0x24c: {  	v3 =	vld [tilespmem:s15+$0xCB60]  }
0x24d: {  	v4 =	vld [tilespmem:s15+$0xCB70]  }
0x24e: {  	[tilespmem:s15+$0x6830] =	vst.add.f32.msk $0xffff, v0  }
0x24f: {  	v5 =	vld [tilespmem:s15+$0xCB80]  }
0x250: {  	v6 =	vld [tilespmem:s15+$0xCB90]  }
0x251: {  	v7 =	vld [tilespmem:s15+$0xCBA0]  }
0x252: {  	v8 =	vld [tilespmem:s15+$0xCBB0]  }
0x253: {  	v9 =	vld [tilespmem:s15+$0xCBC0]  }
0x254: {  	v10 =	vld [tilespmem:s15+$0xCBD0]  }
0x255: {  	v11 =	vld [tilespmem:s15+$0xCBE0]  }
0x256: {  	v12 =	vld [tilespmem:s15+$0xCBF0]  }
0x257: {  	v13 =	vld [tilespmem:s15+$0xCC00]  }
0x258: {  	v14 =	vld [tilespmem:s15+$0xCC10]  }
0x259: {  	v0 =	vld [tilespmem:s15+$0xCC20]  }
0x25a: {  	[tilespmem:s15+$0x6740] =	vst.add.f32.msk $0xffff, v1  }
0x25b: {  	[tilespmem:s15+$0x6750] =	vst.add.f32.msk $0xffff, v2  }
0x25c: {  	[tilespmem:s15+$0x6760] =	vst.add.f32.msk $0xffff, v3  }
0x25d: {  	[tilespmem:s15+$0x6770] =	vst.add.f32.msk $0xffff, v4  }
0x25e: {  	[tilespmem:s15+$0x6780] =	vst.add.f32.msk $0xffff, v5  }
0x25f: {  	[tilespmem:s15+$0x6790] =	vst.add.f32.msk $0xffff, v6  }
0x260: {  	[tilespmem:s15+$0x67A0] =	vst.add.f32.msk $0xffff, v7  }
0x261: {  	[tilespmem:s15+$0x67B0] =	vst.add.f32.msk $0xffff, v8  }
0x262: {  	[tilespmem:s15+$0x67C0] =	vst.add.f32.msk $0xffff, v9  }
.Ltmp6:
0x263: {  	[tilespmem:s15+$0x67D0] =	vst.add.f32.msk $0xffff, v10;
	(pc) =	sbr.rel @p0 .LBB2_15-.Ltmp6, $4  }
0x264: {  	[tilespmem:s15+$0x67E0] =	vst.add.f32.msk $0xffff, v11  }
0x265: {  	[tilespmem:s15+$0x67F0] =	vst.add.f32.msk $0xffff, v12  }
0x266: {  	[tilespmem:s15+$0x6800] =	vst.add.f32.msk $0xffff, v13  }
0x267: {  	s21 =	sadd.s32 $0x400, s21;
	[tilespmem:s15+$0x6810] =	vst.add.f32.msk $0xffff, v14  }
0x268: {  	s10 =	smul.u32 $0x640, s10;
	_ =	sdelay $0x1  }
0x269: {  	[tilespmem:s15+$0x6820] =	vst.add.f32.msk $0xffff, v0;
	s20 =	simm.s32 $0x0;
	s21 =	sadd.s32 s9, s18;
	s10 =	sadd.s32 s2, s10  }
0x26a: {  	[hbm4b:s10+s20] =	stream.linear.scatter [tilespmem:s13], [sflag:$0x7], $0x3200, $0x38;
	[tilespmem:$0xFD40] =	vst v63  }
0x26b: {  	s10 =	smul.u32 $0x1A, s21;
	_ =	swait.ge [sflag:s23], $0x3200  }
0x26c: {  	[sflag:s23] =	ssyncset.done $0x0  }
0x26d: {  	s10 =	sadd.s32 s6, s10;
	[sflag:s23] =	ssyncadd.s32 $0xFFFFCE00  }
0x26e: {  	[tilespmem:s20], [sflag:$0x9] =	stream.linear.gather [hbm4b:s10+s20], $0xD0, $0x38;
	[tilespmem:$0xFD40] =	vst v63  }
0x26f: {  	_ =	swait.ge [sflag:s29], $0xD0  }
0x270: {  	[sflag:s29] =	ssyncset.done $0x0  }
0x271: {  	[sflag:s29] =	ssyncadd.s32 $0xFFFFFF30  }
0x272: {  	[tilespmem:s31], [sflag:$0x1] =	stream.indirect.gather [hbm4b:s5+s30], $0x40, s20, s30, $0xb8;
	[tilespmem:$0xFD40] =	vst v63  }
0x273: {  	s21 =	simm.s32 $0x1C40;
	s20 =	simm.s32 $0x68  }
0x274: {  	[tilespmem:s21], [sflag:$0x1] =	stream.indirect.gather [hbm4b:s5+s30], $0x40, s20, s30, $0xb8;
	[tilespmem:$0xFD40] =	vst v63  }
0x275: {  	_ =	swait.ge [sflag:s24], $0x1900  }
0x276: {  	[sflag:s24] =	ssyncset.done $0x0  }
0x277: {  	[sflag:s24] =	ssyncadd.s32 $0xFFFFE700  }
0x278: {  	_ =	swait.ge [sflag:s24], $0x1900  }
0x279: {  	[sflag:s24] =	ssyncset.done $0x0  }
0x27a: {  	s10 =	simm.s32 $0x0;
	[sflag:s24] =	ssyncadd.s32 $0xFFFFE700  }
0x27b: {  	v0 =	vld [tilespmem:s10+$0xCC30]  }
0x27c: {  	v1 =	vld [tilespmem:s10+$0xCB40]  }
0x27d: {  	v2 =	vld [tilespmem:s10+$0xCB50]  }
0x27e: {  	v3 =	vld [tilespmem:s10+$0xCB60]  }
0x27f: {  	v4 =	vld [tilespmem:s10+$0xCB70]  }
0x280: {  	v5 =	vld [tilespmem:s10+$0xCB80]  }
0x281: {  	v6 =	vld [tilespmem:s10+$0xCB90]  }
0x282: {  	v7 =	vld [tilespmem:s10+$0xCBA0]  }
0x283: {  	v8 =	vld [tilespmem:s10+$0xCBB0]  }
0x284: {  	v9 =	vld [tilespmem:s10+$0xCBC0]  }
0x285: {  	v10 =	vld [tilespmem:s10+$0xCBD0]  }
0x286: {  	v11 =	vld [tilespmem:s10+$0xCBE0]  }
0x287: {  	v12 =	vld [tilespmem:s10+$0xCBF0]  }
0x288: {  	v13 =	vld [tilespmem:s10+$0xCC00]  }
0x289: {  	v14 =	vld [tilespmem:s10+$0xCC10]  }
0x28a: {  	[tilespmem:s10+$0x9A30] =	vst.add.f32.msk $0xffff, v0  }
0x28b: {  	v0 =	vld [tilespmem:s10+$0xCC20]  }
0x28c: {  	[tilespmem:s10+$0x9940] =	vst.add.f32.msk $0xffff, v1  }
0x28d: {  	[tilespmem:s10+$0x9950] =	vst.add.f32.msk $0xffff, v2  }
0x28e: {  	[tilespmem:s10+$0x9960] =	vst.add.f32.msk $0xffff, v3  }
0x28f: {  	[tilespmem:s10+$0x9970] =	vst.add.f32.msk $0xffff, v4  }
0x290: {  	[tilespmem:s10+$0x9980] =	vst.add.f32.msk $0xffff, v5  }
0x291: {  	[tilespmem:s10+$0x9990] =	vst.add.f32.msk $0xffff, v6  }
0x292: {  	[tilespmem:s10+$0x99A0] =	vst.add.f32.msk $0xffff, v7  }
0x293: {  	[tilespmem:s10+$0x99B0] =	vst.add.f32.msk $0xffff, v8  }
0x294: {  	[tilespmem:s10+$0x99C0] =	vst.add.f32.msk $0xffff, v9  }
0x295: {  	[tilespmem:s10+$0x99D0] =	vst.add.f32.msk $0xffff, v10  }
0x296: {  	[tilespmem:s10+$0x99E0] =	vst.add.f32.msk $0xffff, v11  }
0x297: {  	[tilespmem:s10+$0x99F0] =	vst.add.f32.msk $0xffff, v12  }
0x298: {  	[tilespmem:s10+$0x9A00] =	vst.add.f32.msk $0xffff, v13  }
0x299: {  	s15 =	simm.s32 $0x0;
	s20 =	simm.s32 $0x400;
	[tilespmem:s10+$0x9A10] =	vst.add.f32.msk $0xffff, v14  }
.LBB2_17:
0x29a: {  	s15 =	sadd.s32 $0x4, s15;
	[tilespmem:s10+$0x9A20] =	vst.add.f32.msk $0xffff, v0;
	s10 =	sshra.s32 s20, $0x2  }
0x29b: {  	v0 =	vld [tilespmem:s10+$0xCC30];
	p0 =	slt.u32 s15, $0xC4  }
0x29c: {  	v1 =	vld [tilespmem:s10+$0xCB40]  }
0x29d: {  	v2 =	vld [tilespmem:s10+$0xCB50]  }
0x29e: {  	v3 =	vld [tilespmem:s10+$0xCB60]  }
0x29f: {  	v4 =	vld [tilespmem:s10+$0xCB70]  }
0x2a0: {  	[tilespmem:s10+$0x9A30] =	vst.add.f32.msk $0xffff, v0  }
0x2a1: {  	v5 =	vld [tilespmem:s10+$0xCB80]  }
0x2a2: {  	v6 =	vld [tilespmem:s10+$0xCB90]  }
0x2a3: {  	v7 =	vld [tilespmem:s10+$0xCBA0]  }
0x2a4: {  	v8 =	vld [tilespmem:s10+$0xCBB0]  }
0x2a5: {  	v9 =	vld [tilespmem:s10+$0xCBC0]  }
0x2a6: {  	v10 =	vld [tilespmem:s10+$0xCBD0]  }
0x2a7: {  	v11 =	vld [tilespmem:s10+$0xCBE0]  }
0x2a8: {  	v12 =	vld [tilespmem:s10+$0xCBF0]  }
0x2a9: {  	v13 =	vld [tilespmem:s10+$0xCC00]  }
0x2aa: {  	v14 =	vld [tilespmem:s10+$0xCC10]  }
0x2ab: {  	v0 =	vld [tilespmem:s10+$0xCC20]  }
0x2ac: {  	[tilespmem:s10+$0x9940] =	vst.add.f32.msk $0xffff, v1  }
0x2ad: {  	[tilespmem:s10+$0x9950] =	vst.add.f32.msk $0xffff, v2  }
0x2ae: {  	[tilespmem:s10+$0x9960] =	vst.add.f32.msk $0xffff, v3  }
0x2af: {  	[tilespmem:s10+$0x9970] =	vst.add.f32.msk $0xffff, v4  }
0x2b0: {  	[tilespmem:s10+$0x9980] =	vst.add.f32.msk $0xffff, v5  }
0x2b1: {  	[tilespmem:s10+$0x9990] =	vst.add.f32.msk $0xffff, v6  }
0x2b2: {  	[tilespmem:s10+$0x99A0] =	vst.add.f32.msk $0xffff, v7  }
0x2b3: {  	[tilespmem:s10+$0x99B0] =	vst.add.f32.msk $0xffff, v8  }
0x2b4: {  	[tilespmem:s10+$0x99C0] =	vst.add.f32.msk $0xffff, v9  }
.Ltmp7:
0x2b5: {  	[tilespmem:s10+$0x99D0] =	vst.add.f32.msk $0xffff, v10;
	(pc) =	sbr.rel @p0 .LBB2_17-.Ltmp7, $4  }
0x2b6: {  	[tilespmem:s10+$0x99E0] =	vst.add.f32.msk $0xffff, v11  }
0x2b7: {  	[tilespmem:s10+$0x99F0] =	vst.add.f32.msk $0xffff, v12  }
0x2b8: {  	[tilespmem:s10+$0x9A00] =	vst.add.f32.msk $0xffff, v13  }
0x2b9: {  	s20 =	sadd.s32 $0x400, s20;
	[tilespmem:s10+$0x9A10] =	vst.add.f32.msk $0xffff, v14  }
0x2ba: {  	s14 =	smul.u32 $0x640, s14;
	_ =	sdelay $0x1  }
0x2bb: {  	[tilespmem:s10+$0x9A20] =	vst.add.f32.msk $0xffff, v0;
	s9 =	sadd.s32 s9, s26;
	s15 =	sadd.s32 s2, s14  }
0x2bc: {  	[hbm4b:s15+s3] =	stream.linear.scatter [tilespmem:s19], [sflag:$0x8], $0x3200, $0x38;
	[tilespmem:$0xFD40] =	vst v63  }
0x2bd: {  	s9 =	smul.u32 $0x1A, s9;
	_ =	swait.ge [sflag:s25], $0x3200  }
0x2be: {  	[sflag:s25] =	ssyncset.done $0x0  }
0x2bf: {  	s0 =	sadd.s32 $0x1, s0;
	s9 =	sadd.s32 s6, s9;
	[sflag:s25] =	ssyncadd.s32 $0xFFFFCE00  }
0x2c0: {  	[tilespmem:s28], [sflag:$0x9] =	stream.linear.gather [hbm4b:s9+s3], $0xD0, $0x38;
	[tilespmem:$0xFD40] =	vst v63  }
0x2c1: {  	p0 =	sne.s32 s0, $0x1F;
	_ =	swait.ge [sflag:s29], $0xD0  }
.Ltmp8:
0x2c2: {  	[sflag:s29] =	ssyncset.done $0x0;
	(pc) =	sbr.rel @p0 .LBB2_10-.Ltmp8, $4  }
0x2c3: {  	[sflag:s29] =	ssyncadd.s32 $0xFFFFFF30  }
0x2c4: {  	[tilespmem:s7], [sflag:$0x2] =	stream.indirect.gather [hbm4b:s5+s30], $0x40, s28, s30, $0xb8;
	[tilespmem:$0xFD40] =	vst v63  }
0x2c5: {  	s20 =	simm.s32 $0x138;
	s21 =	simm.s32 $0x4E40  }
0x2c6: {  	[tilespmem:s21], [sflag:$0x2] =	stream.indirect.gather [hbm4b:s5+s30], $0x40, s20, s30, $0xb8;
	[tilespmem:$0xFD40] =	vst v63  }
0x2c7: {  	_ =	swait.ge [sflag:s11], $0x1900  }
0x2c8: {  	[sflag:s11] =	ssyncset.done $0x0  }
0x2c9: {  	[sflag:s11] =	ssyncadd.s32 $0xFFFFE700  }
0x2ca: {  	_ =	swait.ge [sflag:s11], $0x1900  }
0x2cb: {  	[sflag:s11] =	ssyncset.done $0x0  }
0x2cc: {  	s0 =	simm.s32 $0x0;
	[sflag:s11] =	ssyncadd.s32 $0xFFFFE700  }
0x2cd: {  	v0 =	vld [tilespmem:s0+$0xCC30]  }
0x2ce: {  	v1 =	vld [tilespmem:s0+$0xCB40]  }
0x2cf: {  	v2 =	vld [tilespmem:s0+$0xCB50]  }
0x2d0: {  	v3 =	vld [tilespmem:s0+$0xCB60]  }
0x2d1: {  	v4 =	vld [tilespmem:s0+$0xCB70]  }
0x2d2: {  	v5 =	vld [tilespmem:s0+$0xCB80]  }
0x2d3: {  	v6 =	vld [tilespmem:s0+$0xCB90]  }
0x2d4: {  	v7 =	vld [tilespmem:s0+$0xCBA0]  }
0x2d5: {  	v8 =	vld [tilespmem:s0+$0xCBB0]  }
0x2d6: {  	v9 =	vld [tilespmem:s0+$0xCBC0]  }
0x2d7: {  	v10 =	vld [tilespmem:s0+$0xCBD0]  }
0x2d8: {  	v11 =	vld [tilespmem:s0+$0xCBE0]  }
0x2d9: {  	v12 =	vld [tilespmem:s0+$0xCBF0]  }
0x2da: {  	v13 =	vld [tilespmem:s0+$0xCC00]  }
0x2db: {  	v14 =	vld [tilespmem:s0+$0xCC10]  }
0x2dc: {  	[tilespmem:s0+$0x430] =	vst.add.f32.msk $0xffff, v0  }
0x2dd: {  	v0 =	vld [tilespmem:s0+$0xCC20]  }
0x2de: {  	[tilespmem:s0+$0x340] =	vst.add.f32.msk $0xffff, v1  }
0x2df: {  	[tilespmem:s0+$0x350] =	vst.add.f32.msk $0xffff, v2  }
0x2e0: {  	[tilespmem:s0+$0x360] =	vst.add.f32.msk $0xffff, v3  }
0x2e1: {  	[tilespmem:s0+$0x370] =	vst.add.f32.msk $0xffff, v4  }
0x2e2: {  	[tilespmem:s0+$0x380] =	vst.add.f32.msk $0xffff, v5  }
0x2e3: {  	[tilespmem:s0+$0x390] =	vst.add.f32.msk $0xffff, v6  }
0x2e4: {  	[tilespmem:s0+$0x3A0] =	vst.add.f32.msk $0xffff, v7  }
0x2e5: {  	[tilespmem:s0+$0x3B0] =	vst.add.f32.msk $0xffff, v8  }
0x2e6: {  	[tilespmem:s0+$0x3C0] =	vst.add.f32.msk $0xffff, v9  }
0x2e7: {  	[tilespmem:s0+$0x3D0] =	vst.add.f32.msk $0xffff, v10  }
0x2e8: {  	[tilespmem:s0+$0x3E0] =	vst.add.f32.msk $0xffff, v11  }
0x2e9: {  	[tilespmem:s0+$0x3F0] =	vst.add.f32.msk $0xffff, v12  }
0x2ea: {  	[tilespmem:s0+$0x400] =	vst.add.f32.msk $0xffff, v13  }
0x2eb: {  	s9 =	simm.s32 $0x0;
	s10 =	simm.s32 $0x400;
	[tilespmem:s0+$0x410] =	vst.add.f32.msk $0xffff, v14  }
.LBB2_20:
0x2ec: {  	s9 =	sadd.s32 $0x4, s9;
	[tilespmem:s0+$0x420] =	vst.add.f32.msk $0xffff, v0;
	s0 =	sshra.s32 s10, $0x2  }
0x2ed: {  	v0 =	vld [tilespmem:s0+$0xCC30];
	p0 =	slt.u32 s9, $0xC4  }
0x2ee: {  	v1 =	vld [tilespmem:s0+$0xCB40]  }
0x2ef: {  	v2 =	vld [tilespmem:s0+$0xCB50]  }
0x2f0: {  	v3 =	vld [tilespmem:s0+$0xCB60]  }
0x2f1: {  	v4 =	vld [tilespmem:s0+$0xCB70]  }
0x2f2: {  	[tilespmem:s0+$0x430] =	vst.add.f32.msk $0xffff, v0  }
0x2f3: {  	v5 =	vld [tilespmem:s0+$0xCB80]  }
0x2f4: {  	v6 =	vld [tilespmem:s0+$0xCB90]  }
0x2f5: {  	v7 =	vld [tilespmem:s0+$0xCBA0]  }
0x2f6: {  	v8 =	vld [tilespmem:s0+$0xCBB0]  }
0x2f7: {  	v9 =	vld [tilespmem:s0+$0xCBC0]  }
0x2f8: {  	v10 =	vld [tilespmem:s0+$0xCBD0]  }
0x2f9: {  	v11 =	vld [tilespmem:s0+$0xCBE0]  }
0x2fa: {  	v12 =	vld [tilespmem:s0+$0xCBF0]  }
0x2fb: {  	v13 =	vld [tilespmem:s0+$0xCC00]  }
0x2fc: {  	v14 =	vld [tilespmem:s0+$0xCC10]  }
0x2fd: {  	v0 =	vld [tilespmem:s0+$0xCC20]  }
0x2fe: {  	[tilespmem:s0+$0x340] =	vst.add.f32.msk $0xffff, v1  }
0x2ff: {  	[tilespmem:s0+$0x350] =	vst.add.f32.msk $0xffff, v2  }
0x300: {  	[tilespmem:s0+$0x360] =	vst.add.f32.msk $0xffff, v3  }
0x301: {  	[tilespmem:s0+$0x370] =	vst.add.f32.msk $0xffff, v4  }
0x302: {  	[tilespmem:s0+$0x380] =	vst.add.f32.msk $0xffff, v5  }
0x303: {  	[tilespmem:s0+$0x390] =	vst.add.f32.msk $0xffff, v6  }
0x304: {  	[tilespmem:s0+$0x3A0] =	vst.add.f32.msk $0xffff, v7  }
0x305: {  	[tilespmem:s0+$0x3B0] =	vst.add.f32.msk $0xffff, v8  }
0x306: {  	[tilespmem:s0+$0x3C0] =	vst.add.f32.msk $0xffff, v9  }
.Ltmp9:
0x307: {  	[tilespmem:s0+$0x3D0] =	vst.add.f32.msk $0xffff, v10;
	(pc) =	sbr.rel @p0 .LBB2_20-.Ltmp9, $4  }
0x308: {  	[tilespmem:s0+$0x3E0] =	vst.add.f32.msk $0xffff, v11  }
0x309: {  	[tilespmem:s0+$0x3F0] =	vst.add.f32.msk $0xffff, v12  }
0x30a: {  	[tilespmem:s0+$0x400] =	vst.add.f32.msk $0xffff, v13  }
0x30b: {  	s10 =	sadd.s32 $0x400, s10;
	[tilespmem:s0+$0x410] =	vst.add.f32.msk $0xffff, v14  }
0x30c: {  	[tilespmem:s0+$0x420] =	vst.add.f32.msk $0xffff, v0  }
0x30d: {  	s14 =	simm.s32 $0x0;
	s9 =	rddreg [dreg:$0xe]  }
0x30e: {  	[hbm4b:s9+s14] =	stream.linear.scatter [tilespmem:s31], [sflag:$0x5], $0x3200, $0x38;
	[tilespmem:$0xFD40] =	vst v63  }
0x30f: {  	_ =	swait.ge [sflag:s8], $0x3200  }
0x310: {  	[sflag:s8] =	ssyncset.done $0x0  }
0x311: {  	s15 =	rddreg [dreg:$0xf];
	[sflag:s8] =	ssyncadd.s32 $0xFFFFCE00  }
0x312: {  	[tilespmem:s12], [sflag:$0x9] =	stream.linear.gather [hbm4b:s15+s14], $0xD0, $0x38;
	[tilespmem:$0xFD40] =	vst v63  }
0x313: {  	_ =	swait.ge [sflag:s29], $0xD0  }
0x314: {  	[sflag:s29] =	ssyncset.done $0x0  }
0x315: {  	[sflag:s29] =	ssyncadd.s32 $0xFFFFFF30  }
0x316: {  	[tilespmem:s13], [sflag:$0x3] =	stream.indirect.gather [hbm4b:s5+s30], $0x40, s12, s30, $0xb8;
	[tilespmem:$0xFD40] =	vst v63  }
0x317: {  	s20 =	simm.s32 $0x208;
	s21 =	simm.s32 $0x8040  }
0x318: {  	[tilespmem:s21], [sflag:$0x3] =	stream.indirect.gather [hbm4b:s5+s30], $0x40, s20, s30, $0xb8;
	[tilespmem:$0xFD40] =	vst v63  }
0x319: {  	_ =	swait.ge [sflag:s16], $0x1900  }
0x31a: {  	[sflag:s16] =	ssyncset.done $0x0  }
0x31b: {  	[sflag:s16] =	ssyncadd.s32 $0xFFFFE700  }
0x31c: {  	_ =	swait.ge [sflag:s16], $0x1900  }
0x31d: {  	[sflag:s16] =	ssyncset.done $0x0  }
0x31e: {  	s0 =	simm.s32 $0x0;
	[sflag:s16] =	ssyncadd.s32 $0xFFFFE700  }
0x31f: {  	v0 =	vld [tilespmem:s0+$0xCC30]  }
0x320: {  	v1 =	vld [tilespmem:s0+$0xCB40]  }
0x321: {  	v2 =	vld [tilespmem:s0+$0xCB50]  }
0x322: {  	v3 =	vld [tilespmem:s0+$0xCB60]  }
0x323: {  	v4 =	vld [tilespmem:s0+$0xCB70]  }
0x324: {  	v5 =	vld [tilespmem:s0+$0xCB80]  }
0x325: {  	v6 =	vld [tilespmem:s0+$0xCB90]  }
0x326: {  	v7 =	vld [tilespmem:s0+$0xCBA0]  }
0x327: {  	v8 =	vld [tilespmem:s0+$0xCBB0]  }
0x328: {  	v9 =	vld [tilespmem:s0+$0xCBC0]  }
0x329: {  	v10 =	vld [tilespmem:s0+$0xCBD0]  }
0x32a: {  	v11 =	vld [tilespmem:s0+$0xCBE0]  }
0x32b: {  	v12 =	vld [tilespmem:s0+$0xCBF0]  }
0x32c: {  	v13 =	vld [tilespmem:s0+$0xCC00]  }
0x32d: {  	v14 =	vld [tilespmem:s0+$0xCC10]  }
0x32e: {  	[tilespmem:s0+$0x3630] =	vst.add.f32.msk $0xffff, v0  }
0x32f: {  	v0 =	vld [tilespmem:s0+$0xCC20]  }
0x330: {  	[tilespmem:s0+$0x3540] =	vst.add.f32.msk $0xffff, v1  }
0x331: {  	[tilespmem:s0+$0x3550] =	vst.add.f32.msk $0xffff, v2  }
0x332: {  	[tilespmem:s0+$0x3560] =	vst.add.f32.msk $0xffff, v3  }
0x333: {  	[tilespmem:s0+$0x3570] =	vst.add.f32.msk $0xffff, v4  }
0x334: {  	[tilespmem:s0+$0x3580] =	vst.add.f32.msk $0xffff, v5  }
0x335: {  	[tilespmem:s0+$0x3590] =	vst.add.f32.msk $0xffff, v6  }
0x336: {  	[tilespmem:s0+$0x35A0] =	vst.add.f32.msk $0xffff, v7  }
0x337: {  	[tilespmem:s0+$0x35B0] =	vst.add.f32.msk $0xffff, v8  }
0x338: {  	[tilespmem:s0+$0x35C0] =	vst.add.f32.msk $0xffff, v9  }
0x339: {  	[tilespmem:s0+$0x35D0] =	vst.add.f32.msk $0xffff, v10  }
0x33a: {  	[tilespmem:s0+$0x35E0] =	vst.add.f32.msk $0xffff, v11  }
0x33b: {  	[tilespmem:s0+$0x35F0] =	vst.add.f32.msk $0xffff, v12  }
0x33c: {  	[tilespmem:s0+$0x3600] =	vst.add.f32.msk $0xffff, v13  }
0x33d: {  	s10 =	simm.s32 $0x400;
	s9 =	simm.s32 $0x0;
	[tilespmem:s0+$0x3610] =	vst.add.f32.msk $0xffff, v14  }
.LBB2_22:
0x33e: {  	s9 =	sadd.s32 $0x4, s9;
	[tilespmem:s0+$0x3620] =	vst.add.f32.msk $0xffff, v0;
	s0 =	sshra.s32 s10, $0x2  }
0x33f: {  	v0 =	vld [tilespmem:s0+$0xCC30];
	p0 =	slt.u32 s9, $0xC4  }
0x340: {  	v1 =	vld [tilespmem:s0+$0xCB40]  }
0x341: {  	v2 =	vld [tilespmem:s0+$0xCB50]  }
0x342: {  	v3 =	vld [tilespmem:s0+$0xCB60]  }
0x343: {  	v4 =	vld [tilespmem:s0+$0xCB70]  }
0x344: {  	[tilespmem:s0+$0x3630] =	vst.add.f32.msk $0xffff, v0  }
0x345: {  	v5 =	vld [tilespmem:s0+$0xCB80]  }
0x346: {  	v6 =	vld [tilespmem:s0+$0xCB90]  }
0x347: {  	v7 =	vld [tilespmem:s0+$0xCBA0]  }
0x348: {  	v8 =	vld [tilespmem:s0+$0xCBB0]  }
0x349: {  	v9 =	vld [tilespmem:s0+$0xCBC0]  }
0x34a: {  	v10 =	vld [tilespmem:s0+$0xCBD0]  }
0x34b: {  	v11 =	vld [tilespmem:s0+$0xCBE0]  }
0x34c: {  	v12 =	vld [tilespmem:s0+$0xCBF0]  }
0x34d: {  	v13 =	vld [tilespmem:s0+$0xCC00]  }
0x34e: {  	v14 =	vld [tilespmem:s0+$0xCC10]  }
0x34f: {  	v0 =	vld [tilespmem:s0+$0xCC20]  }
0x350: {  	[tilespmem:s0+$0x3540] =	vst.add.f32.msk $0xffff, v1  }
0x351: {  	[tilespmem:s0+$0x3550] =	vst.add.f32.msk $0xffff, v2  }
0x352: {  	[tilespmem:s0+$0x3560] =	vst.add.f32.msk $0xffff, v3  }
0x353: {  	[tilespmem:s0+$0x3570] =	vst.add.f32.msk $0xffff, v4  }
0x354: {  	[tilespmem:s0+$0x3580] =	vst.add.f32.msk $0xffff, v5  }
0x355: {  	[tilespmem:s0+$0x3590] =	vst.add.f32.msk $0xffff, v6  }
0x356: {  	[tilespmem:s0+$0x35A0] =	vst.add.f32.msk $0xffff, v7  }
0x357: {  	[tilespmem:s0+$0x35B0] =	vst.add.f32.msk $0xffff, v8  }
0x358: {  	[tilespmem:s0+$0x35C0] =	vst.add.f32.msk $0xffff, v9  }
.Ltmp10:
0x359: {  	[tilespmem:s0+$0x35D0] =	vst.add.f32.msk $0xffff, v10;
	(pc) =	sbr.rel @p0 .LBB2_22-.Ltmp10, $4  }
0x35a: {  	[tilespmem:s0+$0x35E0] =	vst.add.f32.msk $0xffff, v11  }
0x35b: {  	[tilespmem:s0+$0x35F0] =	vst.add.f32.msk $0xffff, v12  }
0x35c: {  	[tilespmem:s0+$0x3600] =	vst.add.f32.msk $0xffff, v13  }
0x35d: {  	s10 =	sadd.s32 $0x400, s10;
	[tilespmem:s0+$0x3610] =	vst.add.f32.msk $0xffff, v14  }
0x35e: {  	[tilespmem:s0+$0x3620] =	vst.add.f32.msk $0xffff, v0  }
0x35f: {  	s14 =	simm.s32 $0x0;
	s9 =	rddreg [dreg:$0x10]  }
0x360: {  	[hbm4b:s9+s14] =	stream.linear.scatter [tilespmem:s7], [sflag:$0x6], $0x3200, $0x38;
	[tilespmem:$0xFD40] =	vst v63  }
0x361: {  	_ =	swait.ge [sflag:s1], $0x3200  }
0x362: {  	[sflag:s1] =	ssyncset.done $0x0  }
0x363: {  	s15 =	rddreg [dreg:$0x11];
	[sflag:s1] =	ssyncadd.s32 $0xFFFFCE00  }
0x364: {  	[tilespmem:s17], [sflag:$0x9] =	stream.linear.gather [hbm4b:s15+s14], $0xD0, $0x38;
	[tilespmem:$0xFD40] =	vst v63  }
0x365: {  	_ =	swait.ge [sflag:s29], $0xD0  }
0x366: {  	[sflag:s29] =	ssyncset.done $0x0  }
0x367: {  	[sflag:s29] =	ssyncadd.s32 $0xFFFFFF30  }
0x368: {  	[tilespmem:s19], [sflag:$0x4] =	stream.indirect.gather [hbm4b:s5+s30], $0x40, s17, s30, $0xb8;
	[tilespmem:$0xFD40] =	vst v63  }
0x369: {  	s20 =	simm.s32 $0x2D8;
	s21 =	simm.s32 $0xB240  }
0x36a: {  	[tilespmem:s21], [sflag:$0x4] =	stream.indirect.gather [hbm4b:s5+s30], $0x40, s20, s30, $0xb8;
	[tilespmem:$0xFD40] =	vst v63  }
0x36b: {  	_ =	swait.ge [sflag:s22], $0x1900  }
0x36c: {  	[sflag:s22] =	ssyncset.done $0x0  }
0x36d: {  	[sflag:s22] =	ssyncadd.s32 $0xFFFFE700  }
0x36e: {  	_ =	swait.ge [sflag:s22], $0x1900  }
0x36f: {  	[sflag:s22] =	ssyncset.done $0x0  }
0x370: {  	s0 =	simm.s32 $0x0;
	[sflag:s22] =	ssyncadd.s32 $0xFFFFE700  }
0x371: {  	v0 =	vld [tilespmem:s0+$0xCC30]  }
0x372: {  	v1 =	vld [tilespmem:s0+$0xCB40]  }
0x373: {  	v2 =	vld [tilespmem:s0+$0xCB50]  }
0x374: {  	v3 =	vld [tilespmem:s0+$0xCB60]  }
0x375: {  	v4 =	vld [tilespmem:s0+$0xCB70]  }
0x376: {  	v5 =	vld [tilespmem:s0+$0xCB80]  }
0x377: {  	v6 =	vld [tilespmem:s0+$0xCB90]  }
0x378: {  	v7 =	vld [tilespmem:s0+$0xCBA0]  }
0x379: {  	v8 =	vld [tilespmem:s0+$0xCBB0]  }
0x37a: {  	v9 =	vld [tilespmem:s0+$0xCBC0]  }
0x37b: {  	v10 =	vld [tilespmem:s0+$0xCBD0]  }
0x37c: {  	v11 =	vld [tilespmem:s0+$0xCBE0]  }
0x37d: {  	v12 =	vld [tilespmem:s0+$0xCBF0]  }
0x37e: {  	v13 =	vld [tilespmem:s0+$0xCC00]  }
0x37f: {  	v14 =	vld [tilespmem:s0+$0xCC10]  }
0x380: {  	[tilespmem:s0+$0x6830] =	vst.add.f32.msk $0xffff, v0  }
0x381: {  	v0 =	vld [tilespmem:s0+$0xCC20]  }
0x382: {  	[tilespmem:s0+$0x6740] =	vst.add.f32.msk $0xffff, v1  }
0x383: {  	[tilespmem:s0+$0x6750] =	vst.add.f32.msk $0xffff, v2  }
0x384: {  	[tilespmem:s0+$0x6760] =	vst.add.f32.msk $0xffff, v3  }
0x385: {  	[tilespmem:s0+$0x6770] =	vst.add.f32.msk $0xffff, v4  }
0x386: {  	[tilespmem:s0+$0x6780] =	vst.add.f32.msk $0xffff, v5  }
0x387: {  	[tilespmem:s0+$0x6790] =	vst.add.f32.msk $0xffff, v6  }
0x388: {  	[tilespmem:s0+$0x67A0] =	vst.add.f32.msk $0xffff, v7  }
0x389: {  	[tilespmem:s0+$0x67B0] =	vst.add.f32.msk $0xffff, v8  }
0x38a: {  	[tilespmem:s0+$0x67C0] =	vst.add.f32.msk $0xffff, v9  }
0x38b: {  	[tilespmem:s0+$0x67D0] =	vst.add.f32.msk $0xffff, v10  }
0x38c: {  	[tilespmem:s0+$0x67E0] =	vst.add.f32.msk $0xffff, v11  }
0x38d: {  	[tilespmem:s0+$0x67F0] =	vst.add.f32.msk $0xffff, v12  }
0x38e: {  	[tilespmem:s0+$0x6800] =	vst.add.f32.msk $0xffff, v13  }
0x38f: {  	s10 =	simm.s32 $0x400;
	s9 =	simm.s32 $0x0;
	[tilespmem:s0+$0x6810] =	vst.add.f32.msk $0xffff, v14  }
.LBB2_24:
0x390: {  	s9 =	sadd.s32 $0x4, s9;
	[tilespmem:s0+$0x6820] =	vst.add.f32.msk $0xffff, v0;
	s0 =	sshra.s32 s10, $0x2  }
0x391: {  	v0 =	vld [tilespmem:s0+$0xCC30];
	p0 =	slt.u32 s9, $0xC4  }
0x392: {  	v1 =	vld [tilespmem:s0+$0xCB40]  }
0x393: {  	v2 =	vld [tilespmem:s0+$0xCB50]  }
0x394: {  	v3 =	vld [tilespmem:s0+$0xCB60]  }
0x395: {  	v4 =	vld [tilespmem:s0+$0xCB70]  }
0x396: {  	[tilespmem:s0+$0x6830] =	vst.add.f32.msk $0xffff, v0  }
0x397: {  	v5 =	vld [tilespmem:s0+$0xCB80]  }
0x398: {  	v6 =	vld [tilespmem:s0+$0xCB90]  }
0x399: {  	v7 =	vld [tilespmem:s0+$0xCBA0]  }
0x39a: {  	v8 =	vld [tilespmem:s0+$0xCBB0]  }
0x39b: {  	v9 =	vld [tilespmem:s0+$0xCBC0]  }
0x39c: {  	v10 =	vld [tilespmem:s0+$0xCBD0]  }
0x39d: {  	v11 =	vld [tilespmem:s0+$0xCBE0]  }
0x39e: {  	v12 =	vld [tilespmem:s0+$0xCBF0]  }
0x39f: {  	v13 =	vld [tilespmem:s0+$0xCC00]  }
0x3a0: {  	v14 =	vld [tilespmem:s0+$0xCC10]  }
0x3a1: {  	v0 =	vld [tilespmem:s0+$0xCC20]  }
0x3a2: {  	[tilespmem:s0+$0x6740] =	vst.add.f32.msk $0xffff, v1  }
0x3a3: {  	[tilespmem:s0+$0x6750] =	vst.add.f32.msk $0xffff, v2  }
0x3a4: {  	[tilespmem:s0+$0x6760] =	vst.add.f32.msk $0xffff, v3  }
0x3a5: {  	[tilespmem:s0+$0x6770] =	vst.add.f32.msk $0xffff, v4  }
0x3a6: {  	[tilespmem:s0+$0x6780] =	vst.add.f32.msk $0xffff, v5  }
0x3a7: {  	[tilespmem:s0+$0x6790] =	vst.add.f32.msk $0xffff, v6  }
0x3a8: {  	[tilespmem:s0+$0x67A0] =	vst.add.f32.msk $0xffff, v7  }
0x3a9: {  	[tilespmem:s0+$0x67B0] =	vst.add.f32.msk $0xffff, v8  }
0x3aa: {  	[tilespmem:s0+$0x67C0] =	vst.add.f32.msk $0xffff, v9  }
.Ltmp11:
0x3ab: {  	[tilespmem:s0+$0x67D0] =	vst.add.f32.msk $0xffff, v10;
	(pc) =	sbr.rel @p0 .LBB2_24-.Ltmp11, $4  }
0x3ac: {  	[tilespmem:s0+$0x67E0] =	vst.add.f32.msk $0xffff, v11  }
0x3ad: {  	[tilespmem:s0+$0x67F0] =	vst.add.f32.msk $0xffff, v12  }
0x3ae: {  	[tilespmem:s0+$0x6800] =	vst.add.f32.msk $0xffff, v13  }
0x3af: {  	s10 =	sadd.s32 $0x400, s10;
	[tilespmem:s0+$0x6810] =	vst.add.f32.msk $0xffff, v14  }
0x3b0: {  	[tilespmem:s0+$0x6820] =	vst.add.f32.msk $0xffff, v0  }
0x3b1: {  	s21 =	simm.s32 $0x0;
	s9 =	rddreg [dreg:$0x12]  }
0x3b2: {  	[hbm4b:s9+s21] =	stream.linear.scatter [tilespmem:s13], [sflag:$0x7], $0x3200, $0x38;
	[tilespmem:$0xFD40] =	vst v63  }
0x3b3: {  	_ =	swait.ge [sflag:s24], $0x1900  }
0x3b4: {  	[sflag:s24] =	ssyncset.done $0x0  }
0x3b5: {  	[sflag:s24] =	ssyncadd.s32 $0xFFFFE700  }
0x3b6: {  	_ =	swait.ge [sflag:s24], $0x1900  }
0x3b7: {  	[sflag:s24] =	ssyncset.done $0x0  }
0x3b8: {  	s0 =	simm.s32 $0x0;
	[sflag:s24] =	ssyncadd.s32 $0xFFFFE700  }
0x3b9: {  	v0 =	vld [tilespmem:s0+$0xCC30]  }
0x3ba: {  	v1 =	vld [tilespmem:s0+$0xCB40]  }
0x3bb: {  	v2 =	vld [tilespmem:s0+$0xCB50]  }
0x3bc: {  	v3 =	vld [tilespmem:s0+$0xCB60]  }
0x3bd: {  	v4 =	vld [tilespmem:s0+$0xCB70]  }
0x3be: {  	v5 =	vld [tilespmem:s0+$0xCB80]  }
0x3bf: {  	v6 =	vld [tilespmem:s0+$0xCB90]  }
0x3c0: {  	v7 =	vld [tilespmem:s0+$0xCBA0]  }
0x3c1: {  	v8 =	vld [tilespmem:s0+$0xCBB0]  }
0x3c2: {  	v9 =	vld [tilespmem:s0+$0xCBC0]  }
0x3c3: {  	v10 =	vld [tilespmem:s0+$0xCBD0]  }
0x3c4: {  	v11 =	vld [tilespmem:s0+$0xCBE0]  }
0x3c5: {  	v12 =	vld [tilespmem:s0+$0xCBF0]  }
0x3c6: {  	v13 =	vld [tilespmem:s0+$0xCC00]  }
0x3c7: {  	v14 =	vld [tilespmem:s0+$0xCC10]  }
0x3c8: {  	[tilespmem:s0+$0x9A30] =	vst.add.f32.msk $0xffff, v0  }
0x3c9: {  	v0 =	vld [tilespmem:s0+$0xCC20]  }
0x3ca: {  	[tilespmem:s0+$0x9940] =	vst.add.f32.msk $0xffff, v1  }
0x3cb: {  	[tilespmem:s0+$0x9950] =	vst.add.f32.msk $0xffff, v2  }
0x3cc: {  	[tilespmem:s0+$0x9960] =	vst.add.f32.msk $0xffff, v3  }
0x3cd: {  	[tilespmem:s0+$0x9970] =	vst.add.f32.msk $0xffff, v4  }
0x3ce: {  	[tilespmem:s0+$0x9980] =	vst.add.f32.msk $0xffff, v5  }
0x3cf: {  	[tilespmem:s0+$0x9990] =	vst.add.f32.msk $0xffff, v6  }
0x3d0: {  	[tilespmem:s0+$0x99A0] =	vst.add.f32.msk $0xffff, v7  }
0x3d1: {  	[tilespmem:s0+$0x99B0] =	vst.add.f32.msk $0xffff, v8  }
0x3d2: {  	[tilespmem:s0+$0x99C0] =	vst.add.f32.msk $0xffff, v9  }
0x3d3: {  	[tilespmem:s0+$0x99D0] =	vst.add.f32.msk $0xffff, v10  }
0x3d4: {  	[tilespmem:s0+$0x99E0] =	vst.add.f32.msk $0xffff, v11  }
0x3d5: {  	[tilespmem:s0+$0x99F0] =	vst.add.f32.msk $0xffff, v12  }
0x3d6: {  	[tilespmem:s0+$0x9A00] =	vst.add.f32.msk $0xffff, v13  }
0x3d7: {  	s10 =	simm.s32 $0x400;
	s9 =	simm.s32 $0x0;
	[tilespmem:s0+$0x9A10] =	vst.add.f32.msk $0xffff, v14  }
.LBB2_26:
0x3d8: {  	s9 =	sadd.s32 $0x4, s9;
	[tilespmem:s0+$0x9A20] =	vst.add.f32.msk $0xffff, v0;
	s0 =	sshra.s32 s10, $0x2  }
0x3d9: {  	v0 =	vld [tilespmem:s0+$0xCC30];
	p0 =	slt.u32 s9, $0xC4  }
0x3da: {  	v1 =	vld [tilespmem:s0+$0xCB40]  }
0x3db: {  	v2 =	vld [tilespmem:s0+$0xCB50]  }
0x3dc: {  	v3 =	vld [tilespmem:s0+$0xCB60]  }
0x3dd: {  	v4 =	vld [tilespmem:s0+$0xCB70]  }
0x3de: {  	[tilespmem:s0+$0x9A30] =	vst.add.f32.msk $0xffff, v0  }
0x3df: {  	v5 =	vld [tilespmem:s0+$0xCB80]  }
0x3e0: {  	v6 =	vld [tilespmem:s0+$0xCB90]  }
0x3e1: {  	v7 =	vld [tilespmem:s0+$0xCBA0]  }
0x3e2: {  	v8 =	vld [tilespmem:s0+$0xCBB0]  }
0x3e3: {  	v9 =	vld [tilespmem:s0+$0xCBC0]  }
0x3e4: {  	v10 =	vld [tilespmem:s0+$0xCBD0]  }
0x3e5: {  	v11 =	vld [tilespmem:s0+$0xCBE0]  }
0x3e6: {  	v12 =	vld [tilespmem:s0+$0xCBF0]  }
0x3e7: {  	v13 =	vld [tilespmem:s0+$0xCC00]  }
0x3e8: {  	v14 =	vld [tilespmem:s0+$0xCC10]  }
0x3e9: {  	v0 =	vld [tilespmem:s0+$0xCC20]  }
0x3ea: {  	[tilespmem:s0+$0x9940] =	vst.add.f32.msk $0xffff, v1  }
0x3eb: {  	[tilespmem:s0+$0x9950] =	vst.add.f32.msk $0xffff, v2  }
0x3ec: {  	[tilespmem:s0+$0x9960] =	vst.add.f32.msk $0xffff, v3  }
0x3ed: {  	[tilespmem:s0+$0x9970] =	vst.add.f32.msk $0xffff, v4  }
0x3ee: {  	[tilespmem:s0+$0x9980] =	vst.add.f32.msk $0xffff, v5  }
0x3ef: {  	[tilespmem:s0+$0x9990] =	vst.add.f32.msk $0xffff, v6  }
0x3f0: {  	[tilespmem:s0+$0x99A0] =	vst.add.f32.msk $0xffff, v7  }
0x3f1: {  	[tilespmem:s0+$0x99B0] =	vst.add.f32.msk $0xffff, v8  }
0x3f2: {  	[tilespmem:s0+$0x99C0] =	vst.add.f32.msk $0xffff, v9  }
.Ltmp12:
0x3f3: {  	[tilespmem:s0+$0x99D0] =	vst.add.f32.msk $0xffff, v10;
	(pc) =	sbr.rel @p0 .LBB2_26-.Ltmp12, $4  }
0x3f4: {  	[tilespmem:s0+$0x99E0] =	vst.add.f32.msk $0xffff, v11  }
0x3f5: {  	[tilespmem:s0+$0x99F0] =	vst.add.f32.msk $0xffff, v12  }
0x3f6: {  	[tilespmem:s0+$0x9A00] =	vst.add.f32.msk $0xffff, v13  }
0x3f7: {  	s10 =	sadd.s32 $0x400, s10;
	[tilespmem:s0+$0x9A10] =	vst.add.f32.msk $0xffff, v14  }
0x3f8: {  	[tilespmem:s0+$0x9A20] =	vst.add.f32.msk $0xffff, v0  }
0x3f9: {  	s0 =	rddreg [dreg:$0x13]  }
0x3fa: {  	[hbm4b:s0+s3] =	stream.linear.scatter [tilespmem:s19], [sflag:$0x8], $0x3200, $0x38;
	[tilespmem:$0xFD40] =	vst v63  }
0x3fb: {  	_ =	swait.ge [sflag:s23], $0x3200  }
0x3fc: {  	[sflag:s23] =	ssyncset.done $0x0  }
0x3fd: {  	[sflag:s23] =	ssyncadd.s32 $0xFFFFCE00  }
0x3fe: {  	_ =	swait.ge [sflag:s25], $0x3200  }
0x3ff: {  	[sflag:s25] =	ssyncset.done $0x0  }
0x400: {  	[sflag:s25] =	ssyncadd.s32 $0xFFFFCE00  }
0x401: {  	_ =	swait.ge [sflag:s8], $0x3200  }
0x402: {  	[sflag:s8] =	ssyncset.done $0x0  }
0x403: {  	[sflag:s8] =	ssyncadd.s32 $0xFFFFCE00  }
0x404: {  	_ =	swait.ge [sflag:s1], $0x3200  }
0x405: {  	s9 =	rddreg [dreg:$0x15]  }
0x406: {  	s21 =	rddreg [dreg:$0x14];
	s9 =	sadd.s32 $0x1, s9  }
0x407: {  	p0 =	sne.s32 s9, s21  }
.Ltmp13:
0x408: {  	_ = 	snop;
	(pc) =	sbr.rel @p0 .LBB2_1-.Ltmp13, $3  }
0x409: {  	_ =	sdelay $0x1  }
0x40a: {  	[sflag:s1] =	ssyncset.done $0x0  }
0x40b: {  	[sflag:s1] =	ssyncadd.s32 $0xFFFFCE00  }
0x40c: {  	_ =	sfence.sel $0x180000  }
0x40d: {  	[bflag:$0x0] =	sbarrier.arrive $0xFFFF  }
0x40e: {  	_ =	strace $0x90000047  }
0x40f: {  	s0 =	stileid.u32;
	[bflag:$0x2] =	sbarrier.arrive $0xFFFF  }
0x410: {  	p0 =	sne.s32 s0, $0x0;
	s0 =	rddreg [dreg:$0x2]  }
0x411: {  	s0 =	sadd.s32 @!p0 $0x100000, s0  }
0x412: {  	[sflag:s0] =	ssyncadd.tile.s32 @!p0 $0x1;
	_ =	shalt  }
.Lfunc_end2:
_tile_overlayer_lowered:
.L_overlay_start_2:
0x413: {  	(tag) =	ssettag $0x2  }
0x414: {  	s0 =	rddreg [dreg:$0x0];
	s2 =	stileid.u32  }
0x415: {  	s1 =	rddreg [dreg:$0x1];
	p0 =	sne.s32 s2, $0x0  }
0x416: {  	s3 =	rddreg [dreg:$0x2];
	[bflag:$0x3] =	sbarrier.arrive $0xFFFF;
	s2 =	simm.s32 @!p0 $0x1C09  }
0x417: {  	[timem:s3], [sflag:s2] =	dma.local @!p0 [hbm:s0], s1  }
0x418: {  	s0 =	simm.s32 @!p0 $0x9  }
0x419: {  	_ =	swait.ge @!p0 [sflag:s0], s1  }
0x41a: {  	s1 =	ssub.s32 @!p0 $0x0, s1;
	[sflag:s0] =	ssyncset.done @!p0 $0x0  }
0x41b: {  	[sflag:s0] =	ssyncadd.s32 @!p0 s1  }
0x41c: {  	[bflag:$0x3] =	sbarrier.arrive $0xFFFF  }
0x41d: {  	_ =	shalt  }

// kernel: sparse-core-data-format-call.cloned.1.call-start
scs
called_computation_lowered:
.L_overlay_start_0:
0x0: {  	s2 =	sld [smem:$0x3FD9]  }
0x1: {  	s3 =	sld [smem:$0x3FFE];
	_ =	sdelay $0x1  }
0x2: {  	s1 =	srdreg.scid  }
0x3: {  	s0 =	sand.u32 $0x1, s1  }
0x4: {  	s18 =	sshll.u32 s0, $0xA;
	s2 =	sadd.s32 s3, s2  }
0x5: {  	s2 =	sadd.s32 s2, s18  }
0x6: {  	[smem:$0x3FC6] =	sst s2  }
0x7: {  	_ = 	snop  }
0x8: {  	s2 =	sld [smem:$0x3FD0];
	(tm) =	ssettm $0x1  }
0x9: {  	s19 =	sld [smem:$0x3FFB];
	_ =	sdelay $0x3  }
0xa: {  	_ =	strace s19  }
0xb: {  	s3 =	sld [smem:$0x3FFC];
	_ =	sdelay $0x3  }
0xc: {  	_ =	strace s3  }
0xd: {  	s3 =	sld [smem:$0x3FFD];
	_ =	sdelay $0x3  }
0xe: {  	_ =	strace s3  }
0xf: {  	_ =	strace $0x8FFFFFFF  }
0x10: {  	s20 =	sld [smem:$0x3FDB];
	_ =	sdelay $0x1  }
0x11: {  	s4 =	simm.s32 $_scs_section_size  }
0x12: {  	s5 =	simm.s32 $_size__tile_overlayer_lowered;
	s6 =	simm.s32 $_tile_overlayer_lowered  }
0x13: {  	s23 =	simm.s32 $0x1BFF;
	s22 =	sshll.u32 s6, $0x1;
	s3 =	sadd.s32 s4, s20  }
0x14: {  	s7 =	simm.s32 $0x0;
	s21 =	sshll.u32 s5, $0x1;
	s5 =	sadd.s32 s22, s3  }
0x15: {  	[timem:s7], [sflag:s23] =	dma.local [hbm:s5], s21  }
0x16: {  	_ =	swait.ge [sflag:s23], s21  }
0x17: {  	s4 =	ssub.s32 $0x0, s21;
	[sflag:s23] =	ssyncset.done $0x0  }
0x18: {  	[sflag:s23] =	ssyncadd.s32 s4;
	_ =	sdelay $0x1  }
0x19: {  	s24 =	simm.s32 $0x1B8B  }
0x1a: {  	_ =	swait.ge [sflag:s24], $0x1  }
0x1b: {  	[sflag:s24] =	ssyncset.done $0x0  }
0x1c: {  	s26 =	simm.s32 $0x1B8E;
	s25 =	sld [smem:$0x3FFE];
	[sflag:s24] =	ssyncadd.s32 $0xFFFFFFFF  }
0x1d: {  	s27 =	simm.s32 $execute0_lowered;
	[smem:$0x3FD2] =	sst s26  }
0x1e: {  	s5 =	sshll.u32 s27, $0x1;
	_ =	strace $0x80000049;
	[dreg:$0x1] =	wrdreg $0xFFFFFFFF  }
0x1f: {  	s28 =	simm.s32 $_size_execute0_lowered;
	s3 =	sadd.s32 s3, s5;
	[dreg:$0x0] =	wrdreg $0x0  }
0x20: {  	s5 =	sshll.u32 s28, $0x1;
	[dreg:$0x2] =	wrdreg s3  }
0x21: {  	[dreg:$0x3] =	wrdreg s5  }
0x22: {  	[dreg:$0x4] =	wrdreg $0xC0  }
0x23: {  	_ =	task [dreg:s7], $0x5FFFF  }
0x24: {  	[dreg:$0x1] =	wrdreg $0xFFFFFFFF  }
0x25: {  	[dreg:$0x0] =	wrdreg $0x60  }
0x26: {  	[dreg:$0x2] =	wrdreg s25  }
0x27: {  	[dreg:$0x3] =	wrdreg s2  }
0x28: {  	[dreg:$0x4] =	wrdreg $0x9  }
0x29: {  	_ =	task.clear_ibuf [dreg:s7], $0x5FFFF;
	_ =	strace $0x90000049  }
0x2a: {  	s29 =	simm.s32 $0x9;
	_ =	strace $0x8000004B  }
0x2b: {  	_ =	swait.ge [sflag:s29], $0x1  }
0x2c: {  	[sflag:s29] =	ssyncadd.s32 $0xFFFFFFFF  }
0x2d: {  	_ =	strace $0x9000004B  }
0x2e: {  	_ =	sfence  }
0x2f: {  	s30 =	sld [smem:$0x0];
	_ =	sdelay $0x2  }
0x30: {  	s31 =	sshll.u32 s1, $0xD;
	s1 =	sshrl.u32 s1, $0x2  }
0x31: {  	s3 =	sand.u32 $0x4000, s31;
	s1 =	sadd.s32 s1, s30  }
0x32: {  	s0 =	sor.u32 s3, s0;
	s1 =	sshll.u32 s1, $0x11  }
0x33: {  	s0 =	sor.u32 s1, s0  }
0x34: {  	s0 =	sadd.s32 $0x8F2B, s0  }
0x35: {  	[sflag:s0] =	ssyncadd.remote.s32 $0x1  }
0x36: {  	_ =	sfence.sel $0xFFFF  }
0x37: {  	[dreg:$0x0] =	wrdreg $0xFFFFFFFF;
	(pc) =	sbr.abs _section_cstart, $3  }
0x38: {  	[dreg:$0x1] =	wrdreg $0xFFFFFFFF  }
0x39: {  	_ =	task.clear_ibuf [dreg:s7], $0x2FFFF;
	_ =	strace $0x9FFFFFFF  }
0x3a: {  	(tm) =	ssettm $0x7FFFFFFF  }
0x3b: {  	_ =	shalt  }
tec
execute0_lowered:
.L_overlay_start_1:
0x0: {  	(tag) =	ssettag $0x1  }
0x1: {  	s0 =	srdreg.scid  }
0x2: {  	s1 =	sshll.u32 s0, $0x4  }
0x3: {  	s0 =	stileid.u32;
	s1 =	sand.u32 $0x10, s1  }
0x4: {  	s1 =	sor.u32 s0, s1  }
0x5: {  	s6 =	rddreg [dreg:$0x0];
	s4 =	simm.s32 $0x1;
	s2 =	sshll.u32 s1, $0x7  }
0x6: {  	s7 =	simm.s32 $0x2;
	s12 =	simm.s32 $0x0;
	s1 =	ssub.s32 $0x1000, s2  }
0x7: {  	s8 =	simm.s32 $0x8000;
	s13 =	simm.s32 $0x0;
	s3 =	sand.u32 $0xF80, s1  }
0x8: {  	s9 =	simm.s32 $0x0;
	s5 =	sshrl.u32 s1, $0xC;
	p0 =	sne.s32 s3, $0x0  }
.Ltmp0:
0x9: {  	s1 =	rddreg [dreg:$0x2];
	s4 =	simm.s32 @!p0 $0x0;
	(pc) =	sbr.rel .LBB1_1-.Ltmp0, $4  }
0xa: {  	s11 =	simm.s32 $0x0;
	s3 =	rddreg [dreg:$0x1];
	s5 =	sadd.s32 s4, s5  }
0xb: {  	_ =	strace $0x8000004A;
	s4 =	simm.s32 $0x1;
	s5 =	smul.u32 $0xC8, s5  }
0xc: {  	s6 =	sadd.s32 $0x600, s6;
	s10 =	smov.u32 s2;
	[sflag:s4] =	ssyncpa.u1 $0x0  }
0xd: {  	p0 =	por $0x0, $0x0;
	[sflag:s7] =	ssyncpa.u1 $0x0;
	s7 =	sor.u32 $0x1, s5  }
.LBB1_4:
0xe: {  	s16 =	sshll.u32 s13, $0x3;
	s17 =	sand.u32 $0x78, s13  }
0xf: {  	s30 =	sand.u32 $0x7E00, s13;
	s12 =	sshll.u32 s12, $0xF;
	s16 =	sand.u32 $0xC00, s16  }
0x10: {  	[tilespmem:s15+$0x810 ss:$0x81] =	vst.msk $0xffff, v2;
	s31 =	sand.u32 $0x7, s13;
	s16 =	sor.u32 s17, s16;
	s17 =	sadd.s32 s3, s30  }
0x11: {  	[tilespmem:s15+$0x1020 ss:$0x81] =	vst.msk $0xffff, v0;
	s13 =	sshll.u32 s31, $0x12;
	s12 =	sadd.s32 s12, s17;
	s16 =	sshrl.u32 s16, $0x3  }
0x12: {  	[tilespmem:s15+$0x0 ss:$0x81] =	vst.msk $0xffff, v1;
	s13 =	sor.u32 $0x400, s13;
	s12 =	sadd.s32 s16, s12  }
0x13: {  	[hbm4b:s12+s13] =	stream.strided.scatter [tilespmem:s14], [sflag:$0x2], $0x2000, s8, s13, $0x20;
	[tilespmem:$0x8080] =	vst v63  }
.LBB1_5:
0x14: {  	s14 =	sadd.s32 $0x1, s9  }
0x15: {  	s12 =	sadd.s32 $0x1000, s10;
	s16 =	smov.u32 s10;
	p2 =	sgt.s32 s14, $0xC7  }
0x16: {  	s16 =	smov.u32 @p2 s12  }
0x17: {  	s14 =	simm.s32 @p2 $0x0;
	p2 =	sgt.s32 s16, $0xFFF  }
0x18: {  	s16 =	smov.u32 @p2 s2;
	p2 =	sne.s32 s11, s7  }
.Ltmp1:
0x19: {  	p1 =	slt.u32 s11, $0x2;
	(pc) =	sbr.rel @!p2 .LBB1_6-.Ltmp1, $4  }
0x1a: {  	s15 =	simm.s32 @!p1 $0x2  }
0x1b: {  	s13 =	smov.u32 s10;
	p0 =	por !p0, !p0;
	_ =	swait.ge @!p1 [sflag:s15], $0x2000  }
0x1c: {  	s12 =	smov.u32 s9;
	[sflag:s15] =	ssyncset.done @!p1 $0x0;
	s9 =	smov.u32 s14  }
0x1d: {  	s11 =	sadd.s32 $0x1, s11;
	[sflag:s15] =	ssyncadd.s32 @!p1 $0xFFFFE000;
	s10 =	smov.u32 s16  }
.LBB1_1:
0x1e: {  	p1 =	sge.u32 s11, s5  }
0x1f: {  	s14 =	sand.u32 @!p1 $0x1FFFFFF, s9  }
0x20: {  	s15 =	smulhi.u32 @!p1 $0x147AE15, s14;
	_ =	sdelay $0x1  }
0x21: {  	s15 =	smul.u32 @!p1 $0xC8, s15  }
0x22: {  	s16 =	sxor.u32 @!p1 $0xFFFFFFFF, s11;
	s17 =	smul.u32 @!p1 $0xC80, s10  }
0x23: {  	s31 =	sadd.s32 $0xFFFFFFFF, s11;
	s16 =	sshll.u32 @!p1 s16, $0xD;
	s14 =	ssub.s32 @!p1 s14, s15  }
0x24: {  	s15 =	sand.u32 @!p1 $0x2000, s16;
	s16 =	sadd.s32 @!p1 s6, s17;
	s14 =	sshll.u32 @!p1 s14, $0x4  }
0x25: {  	s17 =	simm.s32 @!p1 $0x6400;
	s14 =	sadd.s32 @!p1 s14, s16;
	s16 =	simm.s32 @!p1 $0x40  }
0x26: {  	[tilespmem:s15], [sflag:$0x1] =	stream.strided.gather @!p1 [hbm4b:s14+s16], $0x2000, s17, s16, $0x38;
	[tilespmem:$0x8080] =	vst v63  }
0x27: {  	p1 =	sge.u32 s31, s5  }
.Ltmp2:
0x28: {  	_ = 	snop;
	(pc) =	sbr.rel @p1 .LBB1_5-.Ltmp2, $1  }
0x29: {  	_ =	sdelay $0x3  }
0x2a: {  	s14 =	simm.s32 $0x1  }
0x2b: {  	_ =	swait.ge [sflag:s4], $0x2000;
	s14 =	simm.s32 @!p0 $0x0  }
0x2c: {  	[sflag:s4] =	ssyncset.done $0x0;
	s15 =	sshll.u32 s14, $0xD  }
0x2d: {  	[sflag:s4] =	ssyncadd.s32 $0xFFFFE000;
	s18 =	sor.u32 $0x20, s15  }
0x2e: {  	s14 =	smul.u32 $0x8100, s14;
	v3 =	vld [tilespmem:s18+$0x10]  }
0x2f: {  	s30 =	sand.u32 $0x1, s11;
	v2 =	vld [tilespmem:s18+$0xFFFFFFF0]  }
0x30: {  	s15 =	smul.u32 $0x8100, s30;
	s14 =	sshrl.u32 s14, $0x2;
	v0 =	vld [tilespmem:s18+$0x0]  }
0x31: {  	v1 =	vld [tilespmem:s18+$0xFFFFFFE0];
	s16 =	sor.u32 $0x4000, s14  }
0x32: {  	s31 =	sshrl.u32 s15, $0x2;
	s15 =	sadd.s32 $0x0, s16  }
0x33: {  	s17 =	simm.s32 $0x4;
	s18 =	sadd.s32 $0x40, s18;
	s14 =	sor.u32 $0x4000, s31;
	[tilespmem:s15+$0x1830 ss:$0x81] =	vst.msk $0xffff, v3  }
.LBB1_3:
0x34: {  	v3 =	vld [tilespmem:s18+$0x10];
	p1 =	sne.s32 s17, $0x1FC;
	[tilespmem:s15+$0x810 ss:$0x81] =	vst.msk $0xffff, v2;
	s19 =	smov.u32 s17;
	s17 =	sadd.s32 $0x4, s17  }
.Ltmp3:
0x35: {  	v2 =	vld [tilespmem:s18+$0xFFFFFFF0];
	[tilespmem:s15+$0x1020 ss:$0x81] =	vst.msk $0xffff, v0;
	(pc) =	sbr.rel @p1 .LBB1_3-.Ltmp3, $4  }
0x36: {  	v0 =	vld [tilespmem:s18+$0x0];
	[tilespmem:s15+$0x0 ss:$0x81] =	vst.msk $0xffff, v1  }
0x37: {  	s15 =	sshra.s32 s19, $0x2;
	v1 =	vld [tilespmem:s18+$0xFFFFFFE0]  }
0x38: {  	s15 =	sadd.s32 s15, s16  }
0x39: {  	s18 =	sadd.s32 $0x40, s18;
	[tilespmem:s15+$0x1830 ss:$0x81] =	vst.msk $0xffff, v3  }
.Ltmp4:
0x3a: {  	_ = 	snop;
	(pc) =	sbr.rel .LBB1_4-.Ltmp4, $1  }
0x3b: {  	_ =	sdelay $0x3  }
.LBB1_6:
0x3c: {  	_ =	sfence.sel $0x180000  }
0x3d: {  	s2 =	simm.s32 $0x1;
	[bflag:$0x0] =	sbarrier.arrive $0xFFFF  }
0x3e: {  	s31 =	simm.s32 $0x2;
	[sflag:s2] =	ssyncpa.u1 $0x1  }
0x3f: {  	[sflag:s31] =	ssyncpa.u1 $0x1  }
0x40: {  	p0 =	sne.s32 s0, $0x0;
	_ =	strace $0x9000004A  }
0x41: {  	s0 =	sadd.s32 @!p0 $0x100000, s1;
	[bflag:$0x2] =	sbarrier.arrive $0xFFFF  }
0x42: {  	[sflag:s0] =	ssyncadd.tile.s32 @!p0 $0x1;
	_ =	shalt  }
.Lfunc_end1:
_tile_overlayer_lowered:
.L_overlay_start_2:
0x43: {  	(tag) =	ssettag $0x2  }
0x44: {  	s0 =	rddreg [dreg:$0x0];
	s2 =	stileid.u32  }
0x45: {  	s1 =	rddreg [dreg:$0x1];
	p0 =	sne.s32 s2, $0x0  }
0x46: {  	s3 =	rddreg [dreg:$0x2];
	[bflag:$0x3] =	sbarrier.arrive $0xFFFF;
	s2 =	simm.s32 @!p0 $0x1C01  }
0x47: {  	[timem:s3], [sflag:s2] =	dma.local @!p0 [hbm:s0], s1  }
0x48: {  	s0 =	simm.s32 @!p0 $0x1  }
0x49: {  	_ =	swait.ge @!p0 [sflag:s0], s1  }
0x4a: {  	s1 =	ssub.s32 @!p0 $0x0, s1;
	[sflag:s0] =	ssyncset.done @!p0 $0x0  }
0x4b: {  	[sflag:s0] =	ssyncadd.s32 @!p0 s1  }
0x4c: {  	[bflag:$0x3] =	sbarrier.arrive $0xFFFF  }
0x4d: {  	_ =	shalt  }

</sc_bundles>
